<compile_context>
chip_gen: v7x
topology: tpu7x:2x2x1
jax: 0.10.2.dev20260603
libtpu: 0.0.44.dev20260713+nightly
codegen_flags: <defaults>
</compile_context>

<pallas_src>
import functools

import jax
import jax.numpy as jnp
from jax import lax
from jax.experimental import pallas as pl
from jax.experimental.pallas import tpu as pltpu
from jax.experimental.pallas import tpu_sc as plsc

N = 10000
NP = 10240
NINC = 320000
NT = 16
RPT = NP // NT
ZR = 128
NCHUNK = 160
NCB = 40
CH = 128
NINC_P = NT * NCHUNK * CH

_mesh = lambda: plsc.VectorSubcoreMesh(core_axis_name="c", subcore_axis_name="s")
_SC_PARAMS = pltpu.CompilerParams(use_tc_tiling_on_sc=False)


def _fill(ref, rows, value):
    ncol = ref.shape[1] // 16
    v = jnp.full((16,), value, jnp.float32)

    def body(r, _):
        for j in range(ncol):
            ref[r, pl.ds(j * 16, 16)] = v
        return 0

    lax.fori_loop(0, rows, body, 0)


def _degrees(nidx, eidx):

    @functools.partial(
        pl.kernel,
        out_type=(jax.ShapeDtypeStruct((NP, 16), jnp.float32),
                  jax.ShapeDtypeStruct((NP, 16), jnp.float32)),
        mesh=_mesh(),
        compiler_params=_SC_PARAMS,
        scratch_types=[
            pltpu.VMEM_SHARED((NP, 16), jnp.float32),
            pltpu.VMEM((NCHUNK, CH), jnp.int32),
            pltpu.VMEM((CH, 16), jnp.float32),
            pltpu.VMEM((ZR, 16), jnp.float32),
            pltpu.VMEM((RPT, 16), jnp.float32),
            pltpu.SemaphoreType.DMA,
            pltpu.SemaphoreType.DMA,
            pltpu.SemaphoreType.DMA,
            pltpu.SemaphoreType.DMA,
        ],
    )
    def deg_kernel(nidx_h, eidx_h, de_o, dv_o, cnt, idxb, ones, zb, dbuf,
                   d0, d1, d2, d3):
        c = lax.axis_index("c")
        s = lax.axis_index("s")
        r0 = s * RPT
        _fill(ones, CH, 1.0)
        _fill(zb, ZR, 0.0)

        @pl.when(c == 0)
        def _():
            pltpu.sync_copy(eidx_h.at[s], idxb)

        @pl.when(c != 0)
        def _():
            pltpu.sync_copy(nidx_h.at[s], idxb)

        for k in range(RPT // ZR):
            pltpu.sync_copy(zb, cnt.at[pl.ds(r0 + ZR * k, ZR)])
        plsc.subcore_barrier()

        dsem = (d0, d1, d2, d3)

        def body(t, _):
            for u in range(4):
                j = 4 * t + u

                @pl.when(j >= 4)
                def _():
                    pltpu.make_async_copy(ones, cnt.at[idxb.at[0]],
                                          dsem[u]).wait()

                pltpu.async_copy(ones, cnt.at[idxb.at[j]], dsem[u], add=True)
            return 0

        lax.fori_loop(0, NCHUNK // 4, body, 0)
        for u in range(4):
            pltpu.make_async_copy(ones, cnt.at[idxb.at[0]], dsem[u]).wait()
        plsc.subcore_barrier()

        pltpu.sync_copy(cnt.at[pl.ds(r0, RPT)], dbuf)

        def inv(r, _):
            dbuf[r, :] = 1.0 / jnp.maximum(dbuf[r, :], 1.0)
            return 0

        lax.fori_loop(0, RPT, inv, 0)

        @pl.when(c == 0)
        def _():
            pltpu.sync_copy(dbuf, de_o.at[pl.ds(r0, RPT)])

        @pl.when(c != 0)
        def _():
            pltpu.sync_copy(dbuf, dv_o.at[pl.ds(r0, RPT)])

    return deg_kernel(nidx, eidx)


def _make_layer(w, relu):

    @functools.partial(
        pl.kernel,
        out_type=(jax.ShapeDtypeStruct((2, NP, w), jnp.float32),
                  jax.ShapeDtypeStruct((2 * NP, w), jnp.float32)),
        mesh=_mesh(),
        compiler_params=_SC_PARAMS,
        scratch_types=[
            pltpu.VMEM_SHARED((NP, w), jnp.float32),
            pltpu.VMEM_SHARED((NP, w), jnp.float32),
            pltpu.VMEM((NCB, CH), jnp.int32),
            pltpu.VMEM((NCB, CH), jnp.int32),
            pltpu.VMEM((CH, w), jnp.float32),
            pltpu.VMEM((CH, w), jnp.float32),
            pltpu.VMEM((CH, w), jnp.float32),
            pltpu.VMEM((CH, w), jnp.float32),
            pltpu.VMEM((CH, 16), jnp.float32),
            pltpu.SemaphoreType.DMA,
            pltpu.SemaphoreType.DMA,
            pltpu.SemaphoreType.DMA,
            pltpu.SemaphoreType.DMA,
            pltpu.SemaphoreType.DMA,
            pltpu.SemaphoreType.DMA,
            pltpu.SemaphoreType.DMA,
            pltpu.SemaphoreType.DMA,
        ],
    )
    def layer_kernel(x2h, nidx_h, eidx_h, de16, dv16, out, ydump,
                     yacc, zacc, gidx, sidx, g0, g1, g2, g3, dbuf,
                     sg0, sg1, sg2, sg3, ss0, ss1, ss2, ss3):
        c = lax.axis_index("c")
        s = lax.axis_index("s")
        r0 = s * RPT
        offv = jnp.broadcast_to(c * NP, (16,)).astype(jnp.int32)

        _fill(g0, CH, 0.0)
        for k in range(RPT // CH):
            pltpu.sync_copy(g0, yacc.at[pl.ds(r0 + CH * k, CH)])
            pltpu.sync_copy(g0, zacc.at[pl.ds(r0 + CH * k, CH)])
        plsc.subcore_barrier()

        def load_block(b, idx_h, dst, offset):
            pltpu.sync_copy(idx_h.at[s].at[pl.ds(b * NCB, NCB)], dst)
            if offset:
                def add_off(r, _):
                    for k in range(CH // 16):
                        dst[r, pl.ds(k * 16, 16)] = (
                            dst[r, pl.ds(k * 16, 16)] + offv)
                    return 0
                lax.fori_loop(0, NCB, add_off, 0)

        def stage(src_tbl, acc, gather_h, scatter_h, offset):
            bufs = (g0, g1, g2, g3)
            gsem = (sg0, sg1, sg2, sg3)
            ssem = (ss0, ss1, ss2, ss3)

            def blk(b, _):
                load_block(b, gather_h, gidx, offset)
                load_block(b, scatter_h, sidx, False)
                for u in range(3):
                    pltpu.async_copy(src_tbl.at[gidx.at[u]], bufs[u], gsem[u])

                def quad(t, _):
                    for u in range(4):
                        j = 4 * t + u
                        pltpu.make_async_copy(
                            src_tbl.at[gidx.at[j]], bufs[u], gsem[u]).wait()
                        pltpu.async_copy(bufs[u], acc.at[sidx.at[j]],
                                         ssem[u], add=True)

                        @pl.when(j >= 1)
                        def _():
                            pltpu.make_async_copy(
                                bufs[(u + 3) % 4], acc.at[sidx.at[0]],
                                ssem[(u + 3) % 4]).wait()

                        @pl.when(j + 3 < NCB)
                        def _():
                            pltpu.async_copy(src_tbl.at[gidx.at[j + 3]],
                                             bufs[(u + 3) % 4],
                                             gsem[(u + 3) % 4])
                    return 0

                lax.fori_loop(0, NCB // 4, quad, 0)
                pltpu.make_async_copy(bufs[3], acc.at[sidx.at[0]],
                                      ssem[3]).wait()
                return 0

            lax.fori_loop(0, NCHUNK // NCB, blk, 0)

        with jax.named_scope("p1_scatter"):
            stage(x2h, yacc, nidx_h, eidx_h, True)
        plsc.subcore_barrier()

        def norm_slabs(dsrc, acc, dst, do_relu):
            def slab(k, _):
                q0 = r0 + CH * k
                pltpu.sync_copy(dsrc.at[pl.ds(q0, CH)], dbuf)
                pltpu.sync_copy(acc.at[pl.ds(q0, CH)], g0)

                def row(r, _):
                    sv = dbuf[r, :]
                    for j in range(w // 16):
                        v = g0[r, pl.ds(j * 16, 16)] * sv
                        if do_relu:
                            v = jnp.maximum(v, 0.0)
                        g0[r, pl.ds(j * 16, 16)] = v
                    return 0

                lax.fori_loop(0, CH, row, 0)
                pltpu.sync_copy(g0, dst.at[pl.ds(q0, CH)])
                return 0

            lax.fori_loop(0, RPT // CH, slab, 0)

        with jax.named_scope("p2_norm"):
            norm_slabs(de16, yacc, ydump.at[pl.ds(c * NP, NP)], False)
        plsc.subcore_barrier()

        with jax.named_scope("p3_scatter"):
            stage(ydump, zacc, eidx_h, nidx_h, True)
        plsc.subcore_barrier()

        with jax.named_scope("p4_norm"):
            norm_slabs(dv16, zacc, out.at[c], relu)

    return layer_kernel


def _mm1(x, W1, b1):
    def body(x_ref, w_ref, b_ref, o_ref):
        acc = jnp.dot(x_ref[...], w_ref[...],
                      preferred_element_type=jnp.float32) + b_ref[...]
        o_ref[0] = acc[:, :64]
        o_ref[1] = acc[:, 64:]

    return pl.pallas_call(
        body,
        grid=(10,),
        in_specs=[pl.BlockSpec((1000, 128), lambda i: (i, 0)),
                  pl.BlockSpec((128, 128), lambda i: (0, 0)),
                  pl.BlockSpec((1, 128), lambda i: (0, 0))],
        out_specs=pl.BlockSpec((2, 1000, 64), lambda i: (0, i, 0)),
        out_shape=jax.ShapeDtypeStruct((2, NP, 64), jnp.float32),
    )(x, W1, b1.reshape(1, 128))


def _mm2(z, W2, b2):
    def body(z_ref, w_ref, b_ref, o_ref):
        acc = (jnp.dot(z_ref[0], w_ref[0], preferred_element_type=jnp.float32)
               + jnp.dot(z_ref[1], w_ref[1], preferred_element_type=jnp.float32)
               + b_ref[...])
        o_ref[0] = acc[:, :32]
        o_ref[1] = acc[:, 32:]

    return pl.pallas_call(
        body,
        grid=(10,),
        in_specs=[pl.BlockSpec((2, 1000, 64), lambda i: (0, i, 0)),
                  pl.BlockSpec((2, 64, 64), lambda i: (0, 0, 0)),
                  pl.BlockSpec((1, 64), lambda i: (0, 0))],
        out_specs=pl.BlockSpec((2, 1000, 32), lambda i: (0, i, 0)),
        out_shape=jax.ShapeDtypeStruct((2, NP, 32), jnp.float32),
    )(z, W2.reshape(2, 64, 64), b2.reshape(1, 64))


_layer64 = _make_layer(64, relu=True)
_layer32 = _make_layer(32, relu=False)


def kernel(x, hyperedge_index, W1, b1, W2, b2):
    pad = NINC_P - NINC
    trash = N + (jnp.arange(pad, dtype=jnp.int32) % (NP - N))
    nidx = jnp.concatenate([hyperedge_index[0], trash]).reshape(NT, NCHUNK, CH)
    eidx = jnp.concatenate([hyperedge_index[1], trash]).reshape(NT, NCHUNK, CH)
    de16, dv16 = _degrees(nidx, eidx)
    x1 = _mm1(x, W1, b1)
    z1, _ = _layer64(x1.reshape(2 * NP, 64), nidx, eidx, de16, dv16)
    x2 = _mm2(z1, W2, b2)
    z2, _ = _layer32(x2.reshape(2 * NP, 32), nidx, eidx, de16, dv16)
    return jnp.concatenate([z2[0, :N], z2[1, :N]], axis=1)

# --- scband reference (transcript-rebuilt; emitter-appended) ---
"""Pipeline reference for scband-hgnnp-51573967290639 (READ-ONLY COPY).

The authoritative reference and input builder live on the scoring server;
editing this copy changes nothing except your own understanding.
"""

import jax, jax.numpy as jnp
import numpy as np

N_NODES = 10000
N_EDGES = 10000  # number of hyperedges
N_INC = 320000   # number of incidences
D_IN, D_HID, D_OUT = 128, 128, 64


def _v2v_mean(X, node_idx, edge_idx, num_v, num_e):
    # stage 1: nodes -> hyperedges (mean)
    ones = jnp.ones((node_idx.shape[0],), X.dtype)
    de = jax.ops.segment_sum(ones, edge_idx, num_segments=num_e)
    Y = jax.ops.segment_sum(X[node_idx], edge_idx, num_segments=num_e)
    Y = Y / jnp.maximum(de, 1.0)[:, None]
    # stage 2: hyperedges -> nodes (mean)
    dv = jax.ops.segment_sum(ones, node_idx, num_segments=num_v)
    Z = jax.ops.segment_sum(Y[edge_idx], node_idx, num_segments=num_v)
    return Z / jnp.maximum(dv, 1.0)[:, None]


def setup_inputs(seed: int = 0) -> dict:
    key = jax.random.key(seed)
    k1, k2, k3, k4, k5, k6 = jax.random.split(key, 6)
    x = jax.random.normal(k1, (N_NODES, D_IN), dtype=jnp.float32)
    hyperedge_index = jax.random.randint(k2, (2, N_INC), 0, N_NODES, dtype=jnp.int32)
    W1 = jax.random.normal(k3, (D_IN, D_HID), dtype=jnp.float32) * 0.05
    b1 = jax.random.normal(k4, (D_HID,), dtype=jnp.float32) * 0.05
    W2 = jax.random.normal(k5, (D_HID, D_OUT), dtype=jnp.float32) * 0.05
    b2 = jax.random.normal(k6, (D_OUT,), dtype=jnp.float32) * 0.05
    return {"x": x, "hyperedge_index": hyperedge_index, "W1": W1, "b1": b1, "W2": W2, "b2": b2}


def reference(x, hyperedge_index, W1, b1, W2, b2):
    node_idx = hyperedge_index[0]
    edge_idx = hyperedge_index[1]
    # layer 1: theta -> v2v mean -> relu (dropout is identity in eval)
    X = x @ W1 + b1
    X = _v2v_mean(X, node_idx, edge_idx, N_NODES, N_EDGES)
    X = jax.nn.relu(X)
    # layer 2 (is_last=True): theta -> v2v mean
    X = X @ W2 + b2
    X = _v2v_mean(X, node_idx, edge_idx, N_NODES, N_EDGES)
    return X

if __name__ == "__main__":
    import jax
    _d = setup_inputs()
    print(jax.jit(kernel)(*tuple(_d.values())))

</pallas_src>

<mosaic_0001>
#map = affine_map<(d0, d1) -> (0, 0, 0)>
#map1 = affine_map<(d0, d1) -> (0, 0)>
module attributes {stable_mosaic.version = 14 : i64} {
  func.func @deg_kernel(%arg0: i32, %arg1: i32, %arg2: memref<16x160x128xi32, #tpu.memory_space<hbm>>, %arg3: memref<16x160x128xi32, #tpu.memory_space<hbm>>, %arg4: memref<10240x16xf32, #tpu.memory_space<hbm>>, %arg5: memref<10240x16xf32, #tpu.memory_space<hbm>>, %arg6: memref<10240x16xf32, #tpu.memory_space<vmem_shared>>, %arg7: memref<160x128xi32, #tpu.memory_space<vmem>>, %arg8: memref<128x16xf32, #tpu.memory_space<vmem>>, %arg9: memref<128x16xf32, #tpu.memory_space<vmem>>, %arg10: memref<640x16xf32, #tpu.memory_space<vmem>>, %arg11: memref<!tpu.dma_semaphore, #tpu.memory_space<semaphore_mem>>, %arg12: memref<!tpu.dma_semaphore, #tpu.memory_space<semaphore_mem>>, %arg13: memref<!tpu.dma_semaphore, #tpu.memory_space<semaphore_mem>>, %arg14: memref<!tpu.dma_semaphore, #tpu.memory_space<semaphore_mem>>) attributes {dimension_semantics = [#tpu.dimension_semantics<core_parallel>, #tpu.dimension_semantics<subcore_parallel>], iteration_bounds = array<i64: 2, 16>, scalar_prefetch = 0 : i64, scratch_operands = 9 : i64, tpu.core_type = #tpu.core_type<sc_vector_subcore>, window_params = [{transform_indices = #map}, {transform_indices = #map}, {transform_indices = #map1}, {transform_indices = #map1}]} {
    %mul3A = arith.constant 640 : i32
    %mul3A_0 = arith.muli %arg1, %mul3A : i32
    %broadcast_in_dim3A = arith.constant 1.000000e+00 : f32
    %broadcast_in_dim3A_1 = vector.broadcast %broadcast_in_dim3A : f32 to vector<16xf32>
    %scan3A = arith.constant 0 : i32
    %scan3A_2 = arith.constant 0 : i32
    %scan3A_3 = arith.constant 128 : i32
    %scan3A_4 = arith.addi %scan3A_2, %scan3A_3 : i32
    %scan3A_5 = arith.constant 1 : i32
    %scan3A_6 = scf.for %scan3A_84 = %scan3A_2 to %scan3A_4 step %scan3A_5 iter_args(%scan3A_85 = %scan3A) -> (i32)  : i32 {
      %swap3A = arith.index_cast %scan3A_84 : i32 to index
      %swap3A_86 = arith.constant 0 : index
      %swap3A_87 = tpu.vector_load %arg8[%swap3A, %swap3A_86] {strides = array<i32>} : memref<128x16xf32, #tpu.memory_space<vmem>>, vector<1x16xf32>,
      %swap3A_88 = vector.shape_cast %swap3A_87 : vector<1x16xf32> to vector<16xf32>
      %swap3A_89 = vector.shape_cast %broadcast_in_dim3A_1 : vector<16xf32> to vector<1x16xf32>
      tpu.vector_store %arg8[%swap3A, %swap3A_86], %swap3A_89 {strides = array<i32>} : memref<128x16xf32, #tpu.memory_space<vmem>>, vector<1x16xf32>,
      %scan3A_90 = arith.constant 0 : i32
      scf.yield %scan3A_90 : i32
    }
    %scan3A_7 = arith.constant 128 : i32
    %broadcast_in_dim3A_8 = arith.constant 0.000000e+00 : f32
    %broadcast_in_dim3A_9 = vector.broadcast %broadcast_in_dim3A_8 : f32 to vector<16xf32>
    %scan3A_10 = arith.constant 0 : i32
    %scan3A_11 = arith.constant 0 : i32
    %scan3A_12 = arith.constant 128 : i32
    %scan3A_13 = arith.addi %scan3A_11, %scan3A_12 : i32
    %scan3A_14 = arith.constant 1 : i32
    %scan3A_15 = scf.for %scan3A_84 = %scan3A_11 to %scan3A_13 step %scan3A_14 iter_args(%scan3A_85 = %scan3A_10) -> (i32)  : i32 {
      %swap3A = arith.index_cast %scan3A_84 : i32 to index
      %swap3A_86 = arith.constant 0 : index
      %swap3A_87 = tpu.vector_load %arg9[%swap3A, %swap3A_86] {strides = array<i32>} : memref<128x16xf32, #tpu.memory_space<vmem>>, vector<1x16xf32>,
      %swap3A_88 = vector.shape_cast %swap3A_87 : vector<1x16xf32> to vector<16xf32>
      %swap3A_89 = vector.shape_cast %broadcast_in_dim3A_9 : vector<16xf32> to vector<1x16xf32>
      tpu.vector_store %arg9[%swap3A, %swap3A_86], %swap3A_89 {strides = array<i32>} : memref<128x16xf32, #tpu.memory_space<vmem>>, vector<1x16xf32>,
      %scan3A_90 = arith.constant 0 : i32
      scf.yield %scan3A_90 : i32
    }
    %scan3A_16 = arith.constant 128 : i32
    %eq3A = arith.constant 0 : i32
    %eq3A_17 = arith.cmpi eq, %arg0, %eq3A : i32
    %convert_element_type3A = arith.extui %eq3A_17 : i1 to i32
    %cond3A = arith.constant 0 : i32
    %cond3A_18 = arith.cmpi ne, %convert_element_type3A, %cond3A : i32
    scf.if %cond3A_18 {
      "tpu.region"() ({
        %run_scoped3A = tpu.sem_alloc : memref<!tpu.dma_semaphore, #tpu.memory_space<semaphore_mem>>
        %dma_start3A = arith.constant 0 : i32
        %dma_start3A_84 = arith.constant 0 : i32
        %dma_start3A_85 = tpu.memref_slice %arg3[%arg1, %dma_start3A, %dma_start3A_84] : memref<16x160x128xi32, #tpu.memory_space<hbm>> -> memref<1x160x128xi32, #tpu.memory_space<hbm>>
        %dma_start3A_86 = tpu.memref_squeeze %dma_start3A_85 : memref<1x160x128xi32, #tpu.memory_space<hbm>> -> memref<160x128xi32, #tpu.memory_space<hbm>>
        %dma_start3A_87 = arith.constant 0 : i32
        %dma_start3A_88 = arith.constant 0 : i32
        %dma_start3A_89 = tpu.memref_slice %arg3[%arg1, %dma_start3A_87, %dma_start3A_88] : memref<16x160x128xi32, #tpu.memory_space<hbm>> -> memref<1x160x128xi32, #tpu.memory_space<hbm>>
        %dma_start3A_90 = tpu.memref_squeeze %dma_start3A_89 : memref<1x160x128xi32, #tpu.memory_space<hbm>> -> memref<160x128xi32, #tpu.memory_space<hbm>>
        tpu.enqueue_dma source(%dma_start3A_90 : memref<160x128xi32, #tpu.memory_space<hbm>>) target(%arg7 : memref<160x128xi32, #tpu.memory_space<vmem>>) target_semaphore(%run_scoped3A : memref<!tpu.dma_semaphore, #tpu.memory_space<semaphore_mem>>)
        %dma_wait3A_91 = arith.constant 0 : i32
        %dma_wait3A_92 = arith.constant 0 : i32
        %dma_wait3A_93 = tpu.memref_slice %arg3[%arg1, %dma_wait3A_91, %dma_wait3A_92] : memref<16x160x128xi32, #tpu.memory_space<hbm>> -> memref<1x160x128xi32, #tpu.memory_space<hbm>>
        %dma_wait3A_94 = tpu.memref_squeeze %dma_wait3A_93 : memref<1x160x128xi32, #tpu.memory_space<hbm>> -> memref<160x128xi32, #tpu.memory_space<hbm>>
        %dma_wait3A_95 = arith.constant 0 : i32
        %dma_wait3A_96 = arith.constant 0 : i32
        %dma_wait3A_97 = tpu.memref_slice %arg3[%arg1, %dma_wait3A_95, %dma_wait3A_96] : memref<16x160x128xi32, #tpu.memory_space<hbm>> -> memref<1x160x128xi32, #tpu.memory_space<hbm>>
        %dma_wait3A_98 = tpu.memref_squeeze %dma_wait3A_97 : memref<1x160x128xi32, #tpu.memory_space<hbm>> -> memref<160x128xi32, #tpu.memory_space<hbm>>
        tpu.wait_dma2 semaphore(%run_scoped3A : memref<!tpu.dma_semaphore, #tpu.memory_space<semaphore_mem>>) src(%dma_wait3A_98 : memref<160x128xi32, #tpu.memory_space<hbm>>) dst(%arg7 : memref<160x128xi32, #tpu.memory_space<vmem>>)
        tpu.yield
      }) : () -> ()
    } else {
    }
    %ne3A = arith.constant 0 : i32
    %ne3A_19 = arith.cmpi ne, %arg0, %ne3A : i32
    %convert_element_type3A_20 = arith.extui %ne3A_19 : i1 to i32
    %cond3A_21 = arith.constant 0 : i32
    %cond3A_22 = arith.cmpi ne, %convert_element_type3A_20, %cond3A_21 : i32
    scf.if %cond3A_22 {
      "tpu.region"() ({
        %run_scoped3A = tpu.sem_alloc : memref<!tpu.dma_semaphore, #tpu.memory_space<semaphore_mem>>
        %dma_start3A = arith.constant 0 : i32
        %dma_start3A_84 = arith.constant 0 : i32
        %dma_start3A_85 = tpu.memref_slice %arg2[%arg1, %dma_start3A, %dma_start3A_84] : memref<16x160x128xi32, #tpu.memory_space<hbm>> -> memref<1x160x128xi32, #tpu.memory_space<hbm>>
        %dma_start3A_86 = tpu.memref_squeeze %dma_start3A_85 : memref<1x160x128xi32, #tpu.memory_space<hbm>> -> memref<160x128xi32, #tpu.memory_space<hbm>>
        %dma_start3A_87 = arith.constant 0 : i32
        %dma_start3A_88 = arith.constant 0 : i32
        %dma_start3A_89 = tpu.memref_slice %arg2[%arg1, %dma_start3A_87, %dma_start3A_88] : memref<16x160x128xi32, #tpu.memory_space<hbm>> -> memref<1x160x128xi32, #tpu.memory_space<hbm>>
        %dma_start3A_90 = tpu.memref_squeeze %dma_start3A_89 : memref<1x160x128xi32, #tpu.memory_space<hbm>> -> memref<160x128xi32, #tpu.memory_space<hbm>>
        tpu.enqueue_dma source(%dma_start3A_90 : memref<160x128xi32, #tpu.memory_space<hbm>>) target(%arg7 : memref<160x128xi32, #tpu.memory_space<vmem>>) target_semaphore(%run_scoped3A : memref<!tpu.dma_semaphore, #tpu.memory_space<semaphore_mem>>)
        %dma_wait3A_91 = arith.constant 0 : i32
        %dma_wait3A_92 = arith.constant 0 : i32
        %dma_wait3A_93 = tpu.memref_slice %arg2[%arg1, %dma_wait3A_91, %dma_wait3A_92] : memref<16x160x128xi32, #tpu.memory_space<hbm>> -> memref<1x160x128xi32, #tpu.memory_space<hbm>>
        %dma_wait3A_94 = tpu.memref_squeeze %dma_wait3A_93 : memref<1x160x128xi32, #tpu.memory_space<hbm>> -> memref<160x128xi32, #tpu.memory_space<hbm>>
        %dma_wait3A_95 = arith.constant 0 : i32
        %dma_wait3A_96 = arith.constant 0 : i32
        %dma_wait3A_97 = tpu.memref_slice %arg2[%arg1, %dma_wait3A_95, %dma_wait3A_96] : memref<16x160x128xi32, #tpu.memory_space<hbm>> -> memref<1x160x128xi32, #tpu.memory_space<hbm>>
        %dma_wait3A_98 = tpu.memref_squeeze %dma_wait3A_97 : memref<1x160x128xi32, #tpu.memory_space<hbm>> -> memref<160x128xi32, #tpu.memory_space<hbm>>
        tpu.wait_dma2 semaphore(%run_scoped3A : memref<!tpu.dma_semaphore, #tpu.memory_space<semaphore_mem>>) src(%dma_wait3A_98 : memref<160x128xi32, #tpu.memory_space<hbm>>) dst(%arg7 : memref<160x128xi32, #tpu.memory_space<vmem>>)
        tpu.yield
      }) : () -> ()
    } else {
    }
    %add3A = arith.constant 0 : i32
    %add3A_23 = arith.addi %mul3A_0, %add3A : i32
    "tpu.region"() ({
      %run_scoped3A = tpu.sem_alloc : memref<!tpu.dma_semaphore, #tpu.memory_space<semaphore_mem>>
      %dma_start3A = arith.constant 0 : i32
      %dma_start3A_84 = tpu.memref_slice %arg6[%add3A_23, %dma_start3A] : memref<10240x16xf32, #tpu.memory_space<vmem_shared>> -> memref<128x16xf32, #tpu.memory_space<vmem_shared>>
      %dma_start3A_85 = arith.constant 0 : i32
      %dma_start3A_86 = tpu.memref_slice %arg6[%add3A_23, %dma_start3A_85] : memref<10240x16xf32, #tpu.memory_space<vmem_shared>> -> memref<128x16xf32, #tpu.memory_space<vmem_shared>>
      tpu.enqueue_dma source(%arg9 : memref<128x16xf32, #tpu.memory_space<vmem>>) target(%dma_start3A_86 : memref<128x16xf32, #tpu.memory_space<vmem_shared>>) target_semaphore(%run_scoped3A : memref<!tpu.dma_semaphore, #tpu.memory_space<semaphore_mem>>)
      %dma_wait3A_87 = arith.constant 0 : i32
      %dma_wait3A_88 = tpu.memref_slice %arg6[%add3A_23, %dma_wait3A_87] : memref<10240x16xf32, #tpu.memory_space<vmem_shared>> -> memref<128x16xf32, #tpu.memory_space<vmem_shared>>
      %dma_wait3A_89 = arith.constant 0 : i32
      %dma_wait3A_90 = tpu.memref_slice %arg6[%add3A_23, %dma_wait3A_89] : memref<10240x16xf32, #tpu.memory_space<vmem_shared>> -> memref<128x16xf32, #tpu.memory_space<vmem_shared>>
      tpu.wait_dma2 semaphore(%run_scoped3A : memref<!tpu.dma_semaphore, #tpu.memory_space<semaphore_mem>>) src(%arg9 : memref<128x16xf32, #tpu.memory_space<vmem>>) dst(%dma_wait3A_90 : memref<128x16xf32, #tpu.memory_space<vmem_shared>>)
      tpu.yield
    }) : () -> ()
    %add3A_24 = arith.constant 128 : i32
    %add3A_25 = arith.addi %mul3A_0, %add3A_24 : i32
    "tpu.region"() ({
      %run_scoped3A = tpu.sem_alloc : memref<!tpu.dma_semaphore, #tpu.memory_space<semaphore_mem>>
      %dma_start3A = arith.constant 0 : i32
      %dma_start3A_84 = tpu.memref_slice %arg6[%add3A_25, %dma_start3A] : memref<10240x16xf32, #tpu.memory_space<vmem_shared>> -> memref<128x16xf32, #tpu.memory_space<vmem_shared>>
      %dma_start3A_85 = arith.constant 0 : i32
      %dma_start3A_86 = tpu.memref_slice %arg6[%add3A_25, %dma_start3A_85] : memref<10240x16xf32, #tpu.memory_space<vmem_shared>> -> memref<128x16xf32, #tpu.memory_space<vmem_shared>>
      tpu.enqueue_dma source(%arg9 : memref<128x16xf32, #tpu.memory_space<vmem>>) target(%dma_start3A_86 : memref<128x16xf32, #tpu.memory_space<vmem_shared>>) target_semaphore(%run_scoped3A : memref<!tpu.dma_semaphore, #tpu.memory_space<semaphore_mem>>)
      %dma_wait3A_87 = arith.constant 0 : i32
      %dma_wait3A_88 = tpu.memref_slice %arg6[%add3A_25, %dma_wait3A_87] : memref<10240x16xf32, #tpu.memory_space<vmem_shared>> -> memref<128x16xf32, #tpu.memory_space<vmem_shared>>
      %dma_wait3A_89 = arith.constant 0 : i32
      %dma_wait3A_90 = tpu.memref_slice %arg6[%add3A_25, %dma_wait3A_89] : memref<10240x16xf32, #tpu.memory_space<vmem_shared>> -> memref<128x16xf32, #tpu.memory_space<vmem_shared>>
      tpu.wait_dma2 semaphore(%run_scoped3A : memref<!tpu.dma_semaphore, #tpu.memory_space<semaphore_mem>>) src(%arg9 : memref<128x16xf32, #tpu.memory_space<vmem>>) dst(%dma_wait3A_90 : memref<128x16xf32, #tpu.memory_space<vmem_shared>>)
      tpu.yield
    }) : () -> ()
    %add3A_26 = arith.constant 256 : i32
    %add3A_27 = arith.addi %mul3A_0, %add3A_26 : i32
    "tpu.region"() ({
      %run_scoped3A = tpu.sem_alloc : memref<!tpu.dma_semaphore, #tpu.memory_space<semaphore_mem>>
      %dma_start3A = arith.constant 0 : i32
      %dma_start3A_84 = tpu.memref_slice %arg6[%add3A_27, %dma_start3A] : memref<10240x16xf32, #tpu.memory_space<vmem_shared>> -> memref<128x16xf32, #tpu.memory_space<vmem_shared>>
      %dma_start3A_85 = arith.constant 0 : i32
      %dma_start3A_86 = tpu.memref_slice %arg6[%add3A_27, %dma_start3A_85] : memref<10240x16xf32, #tpu.memory_space<vmem_shared>> -> memref<128x16xf32, #tpu.memory_space<vmem_shared>>
      tpu.enqueue_dma source(%arg9 : memref<128x16xf32, #tpu.memory_space<vmem>>) target(%dma_start3A_86 : memref<128x16xf32, #tpu.memory_space<vmem_shared>>) target_semaphore(%run_scoped3A : memref<!tpu.dma_semaphore, #tpu.memory_space<semaphore_mem>>)
      %dma_wait3A_87 = arith.constant 0 : i32
      %dma_wait3A_88 = tpu.memref_slice %arg6[%add3A_27, %dma_wait3A_87] : memref<10240x16xf32, #tpu.memory_space<vmem_shared>> -> memref<128x16xf32, #tpu.memory_space<vmem_shared>>
      %dma_wait3A_89 = arith.constant 0 : i32
      %dma_wait3A_90 = tpu.memref_slice %arg6[%add3A_27, %dma_wait3A_89] : memref<10240x16xf32, #tpu.memory_space<vmem_shared>> -> memref<128x16xf32, #tpu.memory_space<vmem_shared>>
      tpu.wait_dma2 semaphore(%run_scoped3A : memref<!tpu.dma_semaphore, #tpu.memory_space<semaphore_mem>>) src(%arg9 : memref<128x16xf32, #tpu.memory_space<vmem>>) dst(%dma_wait3A_90 : memref<128x16xf32, #tpu.memory_space<vmem_shared>>)
      tpu.yield
    }) : () -> ()
    %add3A_28 = arith.constant 384 : i32
    %add3A_29 = arith.addi %mul3A_0, %add3A_28 : i32
    "tpu.region"() ({
      %run_scoped3A = tpu.sem_alloc : memref<!tpu.dma_semaphore, #tpu.memory_space<semaphore_mem>>
      %dma_start3A = arith.constant 0 : i32
      %dma_start3A_84 = tpu.memref_slice %arg6[%add3A_29, %dma_start3A] : memref<10240x16xf32, #tpu.memory_space<vmem_shared>> -> memref<128x16xf32, #tpu.memory_space<vmem_shared>>
      %dma_start3A_85 = arith.constant 0 : i32
      %dma_start3A_86 = tpu.memref_slice %arg6[%add3A_29, %dma_start3A_85] : memref<10240x16xf32, #tpu.memory_space<vmem_shared>> -> memref<128x16xf32, #tpu.memory_space<vmem_shared>>
      tpu.enqueue_dma source(%arg9 : memref<128x16xf32, #tpu.memory_space<vmem>>) target(%dma_start3A_86 : memref<128x16xf32, #tpu.memory_space<vmem_shared>>) target_semaphore(%run_scoped3A : memref<!tpu.dma_semaphore, #tpu.memory_space<semaphore_mem>>)
      %dma_wait3A_87 = arith.constant 0 : i32
      %dma_wait3A_88 = tpu.memref_slice %arg6[%add3A_29, %dma_wait3A_87] : memref<10240x16xf32, #tpu.memory_space<vmem_shared>> -> memref<128x16xf32, #tpu.memory_space<vmem_shared>>
      %dma_wait3A_89 = arith.constant 0 : i32
      %dma_wait3A_90 = tpu.memref_slice %arg6[%add3A_29, %dma_wait3A_89] : memref<10240x16xf32, #tpu.memory_space<vmem_shared>> -> memref<128x16xf32, #tpu.memory_space<vmem_shared>>
      tpu.wait_dma2 semaphore(%run_scoped3A : memref<!tpu.dma_semaphore, #tpu.memory_space<semaphore_mem>>) src(%arg9 : memref<128x16xf32, #tpu.memory_space<vmem>>) dst(%dma_wait3A_90 : memref<128x16xf32, #tpu.memory_space<vmem_shared>>)
      tpu.yield
    }) : () -> ()
    %add3A_30 = arith.constant 512 : i32
    %add3A_31 = arith.addi %mul3A_0, %add3A_30 : i32
    "tpu.region"() ({
      %run_scoped3A = tpu.sem_alloc : memref<!tpu.dma_semaphore, #tpu.memory_space<semaphore_mem>>
      %dma_start3A = arith.constant 0 : i32
      %dma_start3A_84 = tpu.memref_slice %arg6[%add3A_31, %dma_start3A] : memref<10240x16xf32, #tpu.memory_space<vmem_shared>> -> memref<128x16xf32, #tpu.memory_space<vmem_shared>>
      %dma_start3A_85 = arith.constant 0 : i32
      %dma_start3A_86 = tpu.memref_slice %arg6[%add3A_31, %dma_start3A_85] : memref<10240x16xf32, #tpu.memory_space<vmem_shared>> -> memref<128x16xf32, #tpu.memory_space<vmem_shared>>
      tpu.enqueue_dma source(%arg9 : memref<128x16xf32, #tpu.memory_space<vmem>>) target(%dma_start3A_86 : memref<128x16xf32, #tpu.memory_space<vmem_shared>>) target_semaphore(%run_scoped3A : memref<!tpu.dma_semaphore, #tpu.memory_space<semaphore_mem>>)
      %dma_wait3A_87 = arith.constant 0 : i32
      %dma_wait3A_88 = tpu.memref_slice %arg6[%add3A_31, %dma_wait3A_87] : memref<10240x16xf32, #tpu.memory_space<vmem_shared>> -> memref<128x16xf32, #tpu.memory_space<vmem_shared>>
      %dma_wait3A_89 = arith.constant 0 : i32
      %dma_wait3A_90 = tpu.memref_slice %arg6[%add3A_31, %dma_wait3A_89] : memref<10240x16xf32, #tpu.memory_space<vmem_shared>> -> memref<128x16xf32, #tpu.memory_space<vmem_shared>>
      tpu.wait_dma2 semaphore(%run_scoped3A : memref<!tpu.dma_semaphore, #tpu.memory_space<semaphore_mem>>) src(%arg9 : memref<128x16xf32, #tpu.memory_space<vmem>>) dst(%dma_wait3A_90 : memref<128x16xf32, #tpu.memory_space<vmem_shared>>)
      tpu.yield
    }) : () -> ()
    %barrier3A = arith.constant 0 : index
    tpu.barrier barrier_id(%barrier3A)
    %scan3A_32 = arith.constant 0 : i32
    %scan3A_33 = arith.constant 0 : i32
    %scan3A_34 = arith.constant 40 : i32
    %scan3A_35 = arith.addi %scan3A_33, %scan3A_34 : i32
    %scan3A_36 = arith.constant 1 : i32
    %scan3A_37 = scf.for %scan3A_84 = %scan3A_33 to %scan3A_35 step %scan3A_36 iter_args(%scan3A_85 = %scan3A_32) -> (i32)  : i32 {
      %mul3A_86 = arith.constant 4 : i32
      %mul3A_87 = arith.muli %mul3A_86, %scan3A_84 : i32
      %add3A_88 = arith.constant 0 : i32
      %add3A_89 = arith.addi %mul3A_87, %add3A_88 : i32
      %ge3A = arith.constant 4 : i32
      %ge3A_90 = arith.cmpi sge, %add3A_89, %ge3A : i32
      %convert_element_type3A_91 = arith.extui %ge3A_90 : i1 to i32
      %cond3A_92 = arith.constant 0 : i32
      %cond3A_93 = arith.cmpi ne, %convert_element_type3A_91, %cond3A_92 : i32
      scf.if %cond3A_93 {
        %dma_wait3A_145 = arith.constant 0 : i32
        %dma_wait3A_146 = arith.constant 0 : i32
        %dma_wait3A_147 = tpu.memref_slice %arg7[%dma_wait3A_145, %dma_wait3A_146] : memref<160x128xi32, #tpu.memory_space<vmem>> -> memref<1x128xi32, #tpu.memory_space<vmem>>
        %dma_wait3A_148 = tpu.memref_squeeze %dma_wait3A_147 : memref<1x128xi32, #tpu.memory_space<vmem>> -> memref<128xi32, #tpu.memory_space<vmem>>
        %dma_wait3A_149 = arith.constant 0 : i32
        %dma_wait3A_150 = arith.constant 0 : i32
        %dma_wait3A_151 = tpu.memref_slice %arg6[%dma_wait3A_149, %dma_wait3A_150] : memref<10240x16xf32, #tpu.memory_space<vmem_shared>> -> memref<10240x16xf32, #tpu.memory_space<vmem_shared>>
        tpu.wait_indirect_dma semaphore(%arg11 : memref<!tpu.dma_semaphore, #tpu.memory_space<semaphore_mem>>) src(%arg8 : memref<128x16xf32, #tpu.memory_space<vmem>>) dst(%dma_wait3A_151 : memref<10240x16xf32, #tpu.memory_space<vmem_shared>>)
      } else {
      }
      %dma_start3A = arith.constant 0 : i32
      %dma_start3A_94 = tpu.memref_slice %arg7[%add3A_89, %dma_start3A] : memref<160x128xi32, #tpu.memory_space<vmem>> -> memref<1x128xi32, #tpu.memory_space<vmem>>
      %dma_start3A_95 = tpu.memref_squeeze %dma_start3A_94 : memref<1x128xi32, #tpu.memory_space<vmem>> -> memref<128xi32, #tpu.memory_space<vmem>>
      %dma_start3A_96 = arith.constant 0 : i32
      %dma_start3A_97 = arith.constant 0 : i32
      %dma_start3A_98 = tpu.memref_slice %arg6[%dma_start3A_96, %dma_start3A_97] : memref<10240x16xf32, #tpu.memory_space<vmem_shared>> -> memref<10240x16xf32, #tpu.memory_space<vmem_shared>>
      tpu.enqueue_indirect_dma source(%arg8 : memref<128x16xf32, #tpu.memory_space<vmem>>) target(%dma_start3A_98 : memref<10240x16xf32, #tpu.memory_space<vmem_shared>>) offsets(%dma_start3A_95 : memref<128xi32, #tpu.memory_space<vmem>>) semaphore(%arg11 : memref<!tpu.dma_semaphore, #tpu.memory_space<semaphore_mem>>) {add = true}
      %mul3A_99 = arith.constant 4 : i32
      %mul3A_100 = arith.muli %mul3A_99, %scan3A_84 : i32
      %add3A_101 = arith.constant 1 : i32
      %add3A_102 = arith.addi %mul3A_100, %add3A_101 : i32
      %ge3A_103 = arith.constant 4 : i32
      %ge3A_104 = arith.cmpi sge, %add3A_102, %ge3A_103 : i32
      %convert_element_type3A_105 = arith.extui %ge3A_104 : i1 to i32
      %cond3A_106 = arith.constant 0 : i32
      %cond3A_107 = arith.cmpi ne, %convert_element_type3A_105, %cond3A_106 : i32
      scf.if %cond3A_107 {
        %dma_wait3A_145 = arith.constant 0 : i32
        %dma_wait3A_146 = arith.constant 0 : i32
        %dma_wait3A_147 = tpu.memref_slice %arg7[%dma_wait3A_145, %dma_wait3A_146] : memref<160x128xi32, #tpu.memory_space<vmem>> -> memref<1x128xi32, #tpu.memory_space<vmem>>
        %dma_wait3A_148 = tpu.memref_squeeze %dma_wait3A_147 : memref<1x128xi32, #tpu.memory_space<vmem>> -> memref<128xi32, #tpu.memory_space<vmem>>
        %dma_wait3A_149 = arith.constant 0 : i32
        %dma_wait3A_150 = arith.constant 0 : i32
        %dma_wait3A_151 = tpu.memref_slice %arg6[%dma_wait3A_149, %dma_wait3A_150] : memref<10240x16xf32, #tpu.memory_space<vmem_shared>> -> memref<10240x16xf32, #tpu.memory_space<vmem_shared>>
        tpu.wait_indirect_dma semaphore(%arg12 : memref<!tpu.dma_semaphore, #tpu.memory_space<semaphore_mem>>) src(%arg8 : memref<128x16xf32, #tpu.memory_space<vmem>>) dst(%dma_wait3A_151 : memref<10240x16xf32, #tpu.memory_space<vmem_shared>>)
      } else {
      }
      %dma_start3A_108 = arith.constant 0 : i32
      %dma_start3A_109 = tpu.memref_slice %arg7[%add3A_102, %dma_start3A_108] : memref<160x128xi32, #tpu.memory_space<vmem>> -> memref<1x128xi32, #tpu.memory_space<vmem>>
      %dma_start3A_110 = tpu.memref_squeeze %dma_start3A_109 : memref<1x128xi32, #tpu.memory_space<vmem>> -> memref<128xi32, #tpu.memory_space<vmem>>
      %dma_start3A_111 = arith.constant 0 : i32
      %dma_start3A_112 = arith.constant 0 : i32
      %dma_start3A_113 = tpu.memref_slice %arg6[%dma_start3A_111, %dma_start3A_112] : memref<10240x16xf32, #tpu.memory_space<vmem_shared>> -> memref<10240x16xf32, #tpu.memory_space<vmem_shared>>
      tpu.enqueue_indirect_dma source(%arg8 : memref<128x16xf32, #tpu.memory_space<vmem>>) target(%dma_start3A_113 : memref<10240x16xf32, #tpu.memory_space<vmem_shared>>) offsets(%dma_start3A_110 : memref<128xi32, #tpu.memory_space<vmem>>) semaphore(%arg12 : memref<!tpu.dma_semaphore, #tpu.memory_space<semaphore_mem>>) {add = true}
      %mul3A_114 = arith.constant 4 : i32
      %mul3A_115 = arith.muli %mul3A_114, %scan3A_84 : i32
      %add3A_116 = arith.constant 2 : i32
      %add3A_117 = arith.addi %mul3A_115, %add3A_116 : i32
      %ge3A_118 = arith.constant 4 : i32
      %ge3A_119 = arith.cmpi sge, %add3A_117, %ge3A_118 : i32
      %convert_element_type3A_120 = arith.extui %ge3A_119 : i1 to i32
      %cond3A_121 = arith.constant 0 : i32
      %cond3A_122 = arith.cmpi ne, %convert_element_type3A_120, %cond3A_121 : i32
      scf.if %cond3A_122 {
        %dma_wait3A_145 = arith.constant 0 : i32
        %dma_wait3A_146 = arith.constant 0 : i32
        %dma_wait3A_147 = tpu.memref_slice %arg7[%dma_wait3A_145, %dma_wait3A_146] : memref<160x128xi32, #tpu.memory_space<vmem>> -> memref<1x128xi32, #tpu.memory_space<vmem>>
        %dma_wait3A_148 = tpu.memref_squeeze %dma_wait3A_147 : memref<1x128xi32, #tpu.memory_space<vmem>> -> memref<128xi32, #tpu.memory_space<vmem>>
        %dma_wait3A_149 = arith.constant 0 : i32
        %dma_wait3A_150 = arith.constant 0 : i32
        %dma_wait3A_151 = tpu.memref_slice %arg6[%dma_wait3A_149, %dma_wait3A_150] : memref<10240x16xf32, #tpu.memory_space<vmem_shared>> -> memref<10240x16xf32, #tpu.memory_space<vmem_shared>>
        tpu.wait_indirect_dma semaphore(%arg13 : memref<!tpu.dma_semaphore, #tpu.memory_space<semaphore_mem>>) src(%arg8 : memref<128x16xf32, #tpu.memory_space<vmem>>) dst(%dma_wait3A_151 : memref<10240x16xf32, #tpu.memory_space<vmem_shared>>)
      } else {
      }
      %dma_start3A_123 = arith.constant 0 : i32
      %dma_start3A_124 = tpu.memref_slice %arg7[%add3A_117, %dma_start3A_123] : memref<160x128xi32, #tpu.memory_space<vmem>> -> memref<1x128xi32, #tpu.memory_space<vmem>>
      %dma_start3A_125 = tpu.memref_squeeze %dma_start3A_124 : memref<1x128xi32, #tpu.memory_space<vmem>> -> memref<128xi32, #tpu.memory_space<vmem>>
      %dma_start3A_126 = arith.constant 0 : i32
      %dma_start3A_127 = arith.constant 0 : i32
      %dma_start3A_128 = tpu.memref_slice %arg6[%dma_start3A_126, %dma_start3A_127] : memref<10240x16xf32, #tpu.memory_space<vmem_shared>> -> memref<10240x16xf32, #tpu.memory_space<vmem_shared>>
      tpu.enqueue_indirect_dma source(%arg8 : memref<128x16xf32, #tpu.memory_space<vmem>>) target(%dma_start3A_128 : memref<10240x16xf32, #tpu.memory_space<vmem_shared>>) offsets(%dma_start3A_125 : memref<128xi32, #tpu.memory_space<vmem>>) semaphore(%arg13 : memref<!tpu.dma_semaphore, #tpu.memory_space<semaphore_mem>>) {add = true}
      %mul3A_129 = arith.constant 4 : i32
      %mul3A_130 = arith.muli %mul3A_129, %scan3A_84 : i32
      %add3A_131 = arith.constant 3 : i32
      %add3A_132 = arith.addi %mul3A_130, %add3A_131 : i32
      %ge3A_133 = arith.constant 4 : i32
      %ge3A_134 = arith.cmpi sge, %add3A_132, %ge3A_133 : i32
      %convert_element_type3A_135 = arith.extui %ge3A_134 : i1 to i32
      %cond3A_136 = arith.constant 0 : i32
      %cond3A_137 = arith.cmpi ne, %convert_element_type3A_135, %cond3A_136 : i32
      scf.if %cond3A_137 {
        %dma_wait3A_145 = arith.constant 0 : i32
        %dma_wait3A_146 = arith.constant 0 : i32
        %dma_wait3A_147 = tpu.memref_slice %arg7[%dma_wait3A_145, %dma_wait3A_146] : memref<160x128xi32, #tpu.memory_space<vmem>> -> memref<1x128xi32, #tpu.memory_space<vmem>>
        %dma_wait3A_148 = tpu.memref_squeeze %dma_wait3A_147 : memref<1x128xi32, #tpu.memory_space<vmem>> -> memref<128xi32, #tpu.memory_space<vmem>>
        %dma_wait3A_149 = arith.constant 0 : i32
        %dma_wait3A_150 = arith.constant 0 : i32
        %dma_wait3A_151 = tpu.memref_slice %arg6[%dma_wait3A_149, %dma_wait3A_150] : memref<10240x16xf32, #tpu.memory_space<vmem_shared>> -> memref<10240x16xf32, #tpu.memory_space<vmem_shared>>
        tpu.wait_indirect_dma semaphore(%arg14 : memref<!tpu.dma_semaphore, #tpu.memory_space<semaphore_mem>>) src(%arg8 : memref<128x16xf32, #tpu.memory_space<vmem>>) dst(%dma_wait3A_151 : memref<10240x16xf32, #tpu.memory_space<vmem_shared>>)
      } else {
      }
      %dma_start3A_138 = arith.constant 0 : i32
      %dma_start3A_139 = tpu.memref_slice %arg7[%add3A_132, %dma_start3A_138] : memref<160x128xi32, #tpu.memory_space<vmem>> -> memref<1x128xi32, #tpu.memory_space<vmem>>
      %dma_start3A_140 = tpu.memref_squeeze %dma_start3A_139 : memref<1x128xi32, #tpu.memory_space<vmem>> -> memref<128xi32, #tpu.memory_space<vmem>>
      %dma_start3A_141 = arith.constant 0 : i32
      %dma_start3A_142 = arith.constant 0 : i32
      %dma_start3A_143 = tpu.memref_slice %arg6[%dma_start3A_141, %dma_start3A_142] : memref<10240x16xf32, #tpu.memory_space<vmem_shared>> -> memref<10240x16xf32, #tpu.memory_space<vmem_shared>>
      tpu.enqueue_indirect_dma source(%arg8 : memref<128x16xf32, #tpu.memory_space<vmem>>) target(%dma_start3A_143 : memref<10240x16xf32, #tpu.memory_space<vmem_shared>>) offsets(%dma_start3A_140 : memref<128xi32, #tpu.memory_space<vmem>>) semaphore(%arg14 : memref<!tpu.dma_semaphore, #tpu.memory_space<semaphore_mem>>) {add = true}
      %scan3A_144 = arith.constant 0 : i32
      scf.yield %scan3A_144 : i32
    }
    %scan3A_38 = arith.constant 40 : i32
    %dma_wait3A = arith.constant 0 : i32
    %dma_wait3A_39 = arith.constant 0 : i32
    %dma_wait3A_40 = tpu.memref_slice %arg7[%dma_wait3A, %dma_wait3A_39] : memref<160x128xi32, #tpu.memory_space<vmem>> -> memref<1x128xi32, #tpu.memory_space<vmem>>
    %dma_wait3A_41 = tpu.memref_squeeze %dma_wait3A_40 : memref<1x128xi32, #tpu.memory_space<vmem>> -> memref<128xi32, #tpu.memory_space<vmem>>
    %dma_wait3A_42 = arith.constant 0 : i32
    %dma_wait3A_43 = arith.constant 0 : i32
    %dma_wait3A_44 = tpu.memref_slice %arg6[%dma_wait3A_42, %dma_wait3A_43] : memref<10240x16xf32, #tpu.memory_space<vmem_shared>> -> memref<10240x16xf32, #tpu.memory_space<vmem_shared>>
    tpu.wait_indirect_dma semaphore(%arg11 : memref<!tpu.dma_semaphore, #tpu.memory_space<semaphore_mem>>) src(%arg8 : memref<128x16xf32, #tpu.memory_space<vmem>>) dst(%dma_wait3A_44 : memref<10240x16xf32, #tpu.memory_space<vmem_shared>>)
    %dma_wait3A_45 = arith.constant 0 : i32
    %dma_wait3A_46 = arith.constant 0 : i32
    %dma_wait3A_47 = tpu.memref_slice %arg7[%dma_wait3A_45, %dma_wait3A_46] : memref<160x128xi32, #tpu.memory_space<vmem>> -> memref<1x128xi32, #tpu.memory_space<vmem>>
    %dma_wait3A_48 = tpu.memref_squeeze %dma_wait3A_47 : memref<1x128xi32, #tpu.memory_space<vmem>> -> memref<128xi32, #tpu.memory_space<vmem>>
    %dma_wait3A_49 = arith.constant 0 : i32
    %dma_wait3A_50 = arith.constant 0 : i32
    %dma_wait3A_51 = tpu.memref_slice %arg6[%dma_wait3A_49, %dma_wait3A_50] : memref<10240x16xf32, #tpu.memory_space<vmem_shared>> -> memref<10240x16xf32, #tpu.memory_space<vmem_shared>>
    tpu.wait_indirect_dma semaphore(%arg12 : memref<!tpu.dma_semaphore, #tpu.memory_space<semaphore_mem>>) src(%arg8 : memref<128x16xf32, #tpu.memory_space<vmem>>) dst(%dma_wait3A_51 : memref<10240x16xf32, #tpu.memory_space<vmem_shared>>)
    %dma_wait3A_52 = arith.constant 0 : i32
    %dma_wait3A_53 = arith.constant 0 : i32
    %dma_wait3A_54 = tpu.memref_slice %arg7[%dma_wait3A_52, %dma_wait3A_53] : memref<160x128xi32, #tpu.memory_space<vmem>> -> memref<1x128xi32, #tpu.memory_space<vmem>>
    %dma_wait3A_55 = tpu.memref_squeeze %dma_wait3A_54 : memref<1x128xi32, #tpu.memory_space<vmem>> -> memref<128xi32, #tpu.memory_space<vmem>>
    %dma_wait3A_56 = arith.constant 0 : i32
    %dma_wait3A_57 = arith.constant 0 : i32
    %dma_wait3A_58 = tpu.memref_slice %arg6[%dma_wait3A_56, %dma_wait3A_57] : memref<10240x16xf32, #tpu.memory_space<vmem_shared>> -> memref<10240x16xf32, #tpu.memory_space<vmem_shared>>
    tpu.wait_indirect_dma semaphore(%arg13 : memref<!tpu.dma_semaphore, #tpu.memory_space<semaphore_mem>>) src(%arg8 : memref<128x16xf32, #tpu.memory_space<vmem>>) dst(%dma_wait3A_58 : memref<10240x16xf32, #tpu.memory_space<vmem_shared>>)
    %dma_wait3A_59 = arith.constant 0 : i32
    %dma_wait3A_60 = arith.constant 0 : i32
    %dma_wait3A_61 = tpu.memref_slice %arg7[%dma_wait3A_59, %dma_wait3A_60] : memref<160x128xi32, #tpu.memory_space<vmem>> -> memref<1x128xi32, #tpu.memory_space<vmem>>
    %dma_wait3A_62 = tpu.memref_squeeze %dma_wait3A_61 : memref<1x128xi32, #tpu.memory_space<vmem>> -> memref<128xi32, #tpu.memory_space<vmem>>
    %dma_wait3A_63 = arith.constant 0 : i32
    %dma_wait3A_64 = arith.constant 0 : i32
    %dma_wait3A_65 = tpu.memref_slice %arg6[%dma_wait3A_63, %dma_wait3A_64] : memref<10240x16xf32, #tpu.memory_space<vmem_shared>> -> memref<10240x16xf32, #tpu.memory_space<vmem_shared>>
    tpu.wait_indirect_dma semaphore(%arg14 : memref<!tpu.dma_semaphore, #tpu.memory_space<semaphore_mem>>) src(%arg8 : memref<128x16xf32, #tpu.memory_space<vmem>>) dst(%dma_wait3A_65 : memref<10240x16xf32, #tpu.memory_space<vmem_shared>>)
    %barrier3A_66 = arith.constant 0 : index
    tpu.barrier barrier_id(%barrier3A_66)
    "tpu.region"() ({
      %run_scoped3A = tpu.sem_alloc : memref<!tpu.dma_semaphore, #tpu.memory_space<semaphore_mem>>
      %dma_start3A = arith.constant 0 : i32
      %dma_start3A_84 = tpu.memref_slice %arg6[%mul3A_0, %dma_start3A] : memref<10240x16xf32, #tpu.memory_space<vmem_shared>> -> memref<640x16xf32, #tpu.memory_space<vmem_shared>>
      %dma_start3A_85 = arith.constant 0 : i32
      %dma_start3A_86 = tpu.memref_slice %arg6[%mul3A_0, %dma_start3A_85] : memref<10240x16xf32, #tpu.memory_space<vmem_shared>> -> memref<640x16xf32, #tpu.memory_space<vmem_shared>>
      tpu.enqueue_dma source(%dma_start3A_86 : memref<640x16xf32, #tpu.memory_space<vmem_shared>>) target(%arg10 : memref<640x16xf32, #tpu.memory_space<vmem>>) target_semaphore(%run_scoped3A : memref<!tpu.dma_semaphore, #tpu.memory_space<semaphore_mem>>)
      %dma_wait3A_87 = arith.constant 0 : i32
      %dma_wait3A_88 = tpu.memref_slice %arg6[%mul3A_0, %dma_wait3A_87] : memref<10240x16xf32, #tpu.memory_space<vmem_shared>> -> memref<640x16xf32, #tpu.memory_space<vmem_shared>>
      %dma_wait3A_89 = arith.constant 0 : i32
      %dma_wait3A_90 = tpu.memref_slice %arg6[%mul3A_0, %dma_wait3A_89] : memref<10240x16xf32, #tpu.memory_space<vmem_shared>> -> memref<640x16xf32, #tpu.memory_space<vmem_shared>>
      tpu.wait_dma2 semaphore(%run_scoped3A : memref<!tpu.dma_semaphore, #tpu.memory_space<semaphore_mem>>) src(%dma_wait3A_90 : memref<640x16xf32, #tpu.memory_space<vmem_shared>>) dst(%arg10 : memref<640x16xf32, #tpu.memory_space<vmem>>)
      tpu.yield
    }) : () -> ()
    %scan3A_67 = arith.constant 0 : i32
    %scan3A_68 = arith.constant 0 : i32
    %scan3A_69 = arith.constant 640 : i32
    %scan3A_70 = arith.addi %scan3A_68, %scan3A_69 : i32
    %scan3A_71 = arith.constant 1 : i32
    %scan3A_72 = scf.for %scan3A_84 = %scan3A_68 to %scan3A_70 step %scan3A_71 iter_args(%scan3A_85 = %scan3A_67) -> (i32)  : i32 {
      %get3A = arith.index_cast %scan3A_84 : i32 to index
      %get3A_86 = arith.constant 0 : index
      %get3A_87 = tpu.vector_load %arg10[%get3A, %get3A_86] {strides = array<i32>} : memref<640x16xf32, #tpu.memory_space<vmem>>, vector<1x16xf32>,
      %get3A_88 = vector.shape_cast %get3A_87 : vector<1x16xf32> to vector<16xf32>
      %max3A = arith.constant 1.000000e+00 : f32
      %max3A_89 = vector.broadcast %max3A : f32 to vector<16xf32>
      %max3A_90 = arith.maximumf %get3A_88, %max3A_89 : vector<16xf32>
      %div3A = arith.constant 1.000000e+00 : f32
      %div3A_91 = vector.broadcast %div3A : f32 to vector<16xf32>
      %div3A_92 = arith.divf %div3A_91, %max3A_90 : vector<16xf32>
      %swap3A = arith.index_cast %scan3A_84 : i32 to index
      %swap3A_93 = arith.constant 0 : index
      %swap3A_94 = tpu.vector_load %arg10[%swap3A, %swap3A_93] {strides = array<i32>} : memref<640x16xf32, #tpu.memory_space<vmem>>, vector<1x16xf32>,
      %swap3A_95 = vector.shape_cast %swap3A_94 : vector<1x16xf32> to vector<16xf32>
      %swap3A_96 = vector.shape_cast %div3A_92 : vector<16xf32> to vector<1x16xf32>
      tpu.vector_store %arg10[%swap3A, %swap3A_93], %swap3A_96 {strides = array<i32>} : memref<640x16xf32, #tpu.memory_space<vmem>>, vector<1x16xf32>,
      %scan3A_97 = arith.constant 0 : i32
      scf.yield %scan3A_97 : i32
    }
    %scan3A_73 = arith.constant 640 : i32
    %eq3A_74 = arith.constant 0 : i32
    %eq3A_75 = arith.cmpi eq, %arg0, %eq3A_74 : i32
    %convert_element_type3A_76 = arith.extui %eq3A_75 : i1 to i32
    %cond3A_77 = arith.constant 0 : i32
    %cond3A_78 = arith.cmpi ne, %convert_element_type3A_76, %cond3A_77 : i32
    scf.if %cond3A_78 {
      "tpu.region"() ({
        %run_scoped3A = tpu.sem_alloc : memref<!tpu.dma_semaphore, #tpu.memory_space<semaphore_mem>>
        %dma_start3A = arith.constant 0 : i32
        %dma_start3A_84 = tpu.memref_slice %arg4[%mul3A_0, %dma_start3A] : memref<10240x16xf32, #tpu.memory_space<hbm>> -> memref<640x16xf32, #tpu.memory_space<hbm>>
        %dma_start3A_85 = arith.constant 0 : i32
        %dma_start3A_86 = tpu.memref_slice %arg4[%mul3A_0, %dma_start3A_85] : memref<10240x16xf32, #tpu.memory_space<hbm>> -> memref<640x16xf32, #tpu.memory_space<hbm>>
        tpu.enqueue_dma source(%arg10 : memref<640x16xf32, #tpu.memory_space<vmem>>) target(%dma_start3A_86 : memref<640x16xf32, #tpu.memory_space<hbm>>) target_semaphore(%run_scoped3A : memref<!tpu.dma_semaphore, #tpu.memory_space<semaphore_mem>>)
        %dma_wait3A_87 = arith.constant 0 : i32
        %dma_wait3A_88 = tpu.memref_slice %arg4[%mul3A_0, %dma_wait3A_87] : memref<10240x16xf32, #tpu.memory_space<hbm>> -> memref<640x16xf32, #tpu.memory_space<hbm>>
        %dma_wait3A_89 = arith.constant 0 : i32
        %dma_wait3A_90 = tpu.memref_slice %arg4[%mul3A_0, %dma_wait3A_89] : memref<10240x16xf32, #tpu.memory_space<hbm>> -> memref<640x16xf32, #tpu.memory_space<hbm>>
        tpu.wait_dma2 semaphore(%run_scoped3A : memref<!tpu.dma_semaphore, #tpu.memory_space<semaphore_mem>>) src(%arg10 : memref<640x16xf32, #tpu.memory_space<vmem>>) dst(%dma_wait3A_90 : memref<640x16xf32, #tpu.memory_space<hbm>>)
        tpu.yield
      }) : () -> ()
    } else {
    }
    %ne3A_79 = arith.constant 0 : i32
    %ne3A_80 = arith.cmpi ne, %arg0, %ne3A_79 : i32
    %convert_element_type3A_81 = arith.extui %ne3A_80 : i1 to i32
    %cond3A_82 = arith.constant 0 : i32
    %cond3A_83 = arith.cmpi ne, %convert_element_type3A_81, %cond3A_82 : i32
    scf.if %cond3A_83 {
      "tpu.region"() ({
        %run_scoped3A = tpu.sem_alloc : memref<!tpu.dma_semaphore, #tpu.memory_space<semaphore_mem>>
        %dma_start3A = arith.constant 0 : i32
        %dma_start3A_84 = tpu.memref_slice %arg5[%mul3A_0, %dma_start3A] : memref<10240x16xf32, #tpu.memory_space<hbm>> -> memref<640x16xf32, #tpu.memory_space<hbm>>
        %dma_start3A_85 = arith.constant 0 : i32
        %dma_start3A_86 = tpu.memref_slice %arg5[%mul3A_0, %dma_start3A_85] : memref<10240x16xf32, #tpu.memory_space<hbm>> -> memref<640x16xf32, #tpu.memory_space<hbm>>
        tpu.enqueue_dma source(%arg10 : memref<640x16xf32, #tpu.memory_space<vmem>>) target(%dma_start3A_86 : memref<640x16xf32, #tpu.memory_space<hbm>>) target_semaphore(%run_scoped3A : memref<!tpu.dma_semaphore, #tpu.memory_space<semaphore_mem>>)
        %dma_wait3A_87 = arith.constant 0 : i32
        %dma_wait3A_88 = tpu.memref_slice %arg5[%mul3A_0, %dma_wait3A_87] : memref<10240x16xf32, #tpu.memory_space<hbm>> -> memref<640x16xf32, #tpu.memory_space<hbm>>
        %dma_wait3A_89 = arith.constant 0 : i32
        %dma_wait3A_90 = tpu.memref_slice %arg5[%mul3A_0, %dma_wait3A_89] : memref<10240x16xf32, #tpu.memory_space<hbm>> -> memref<640x16xf32, #tpu.memory_space<hbm>>
        tpu.wait_dma2 semaphore(%run_scoped3A : memref<!tpu.dma_semaphore, #tpu.memory_space<semaphore_mem>>) src(%arg10 : memref<640x16xf32, #tpu.memory_space<vmem>>) dst(%dma_wait3A_90 : memref<640x16xf32, #tpu.memory_space<hbm>>)
        tpu.yield
      }) : () -> ()
    } else {
    }
    return
  }
}

#map = affine_map<(d0, d1) -> (0, 0)>
#map1 = affine_map<(d0, d1) -> (0, 0, 0)>
module attributes {stable_mosaic.version = 14 : i64} {
  func.func @layer_kernel(%arg0: i32, %arg1: i32, %arg2: memref<20480x64xf32, #tpu.memory_space<hbm>>, %arg3: memref<16x160x128xi32, #tpu.memory_space<hbm>>, %arg4: memref<16x160x128xi32, #tpu.memory_space<hbm>>, %arg5: memref<10240x16xf32, #tpu.memory_space<hbm>>, %arg6: memref<10240x16xf32, #tpu.memory_space<hbm>>, %arg7: memref<2x10240x64xf32, #tpu.memory_space<hbm>>, %arg8: memref<20480x64xf32, #tpu.memory_space<hbm>>, %arg9: memref<10240x64xf32, #tpu.memory_space<vmem_shared>>, %arg10: memref<10240x64xf32, #tpu.memory_space<vmem_shared>>, %arg11: memref<40x128xi32, #tpu.memory_space<vmem>>, %arg12: memref<40x128xi32, #tpu.memory_space<vmem>>, %arg13: memref<128x64xf32, #tpu.memory_space<vmem>>, %arg14: memref<128x64xf32, #tpu.memory_space<vmem>>, %arg15: memref<128x64xf32, #tpu.memory_space<vmem>>, %arg16: memref<128x64xf32, #tpu.memory_space<vmem>>, %arg17: memref<128x16xf32, #tpu.memory_space<vmem>>, %arg18: memref<!tpu.dma_semaphore, #tpu.memory_space<semaphore_mem>>, %arg19: memref<!tpu.dma_semaphore, #tpu.memory_space<semaphore_mem>>, %arg20: memref<!tpu.dma_semaphore, #tpu.memory_space<semaphore_mem>>, %arg21: memref<!tpu.dma_semaphore, #tpu.memory_space<semaphore_mem>>, %arg22: memref<!tpu.dma_semaphore, #tpu.memory_space<semaphore_mem>>, %arg23: memref<!tpu.dma_semaphore, #tpu.memory_space<semaphore_mem>>, %arg24: memref<!tpu.dma_semaphore, #tpu.memory_space<semaphore_mem>>, %arg25: memref<!tpu.dma_semaphore, #tpu.memory_space<semaphore_mem>>) attributes {dimension_semantics = [#tpu.dimension_semantics<core_parallel>, #tpu.dimension_semantics<subcore_parallel>], iteration_bounds = array<i64: 2, 16>, scalar_prefetch = 0 : i64, scratch_operands = 17 : i64, tpu.core_type = #tpu.core_type<sc_vector_subcore>, window_params = [{transform_indices = #map}, {transform_indices = #map1}, {transform_indices = #map1}, {transform_indices = #map}, {transform_indices = #map}, {transform_indices = #map1}, {transform_indices = #map}]} {
    %mul3A = arith.constant 640 : i32
    %mul3A_0 = arith.muli %arg1, %mul3A : i32
    %mul3A_1 = arith.constant 10240 : i32
    %mul3A_2 = arith.muli %arg0, %mul3A_1 : i32
    %broadcast_in_dim3A = vector.broadcast %mul3A_2 : i32 to vector<16xi32>
    %broadcast_in_dim3A_3 = arith.constant 0.000000e+00 : f32
    %broadcast_in_dim3A_4 = vector.broadcast %broadcast_in_dim3A_3 : f32 to vector<16xf32>
    %scan3A = arith.constant 0 : i32
    %scan3A_5 = arith.constant 0 : i32
    %scan3A_6 = arith.constant 128 : i32
    %scan3A_7 = arith.addi %scan3A_5, %scan3A_6 : i32
    %scan3A_8 = arith.constant 1 : i32
    %scan3A_9 = scf.for %scan3A_63 = %scan3A_5 to %scan3A_7 step %scan3A_8 iter_args(%scan3A_64 = %scan3A) -> (i32)  : i32 {
      %swap3A = arith.index_cast %scan3A_63 : i32 to index
      %swap3A_65 = arith.constant 0 : index
      %swap3A_66 = tpu.vector_load %arg13[%swap3A, %swap3A_65] {strides = array<i32>} : memref<128x64xf32, #tpu.memory_space<vmem>>, vector<1x16xf32>,
      %swap3A_67 = vector.shape_cast %swap3A_66 : vector<1x16xf32> to vector<16xf32>
      %swap3A_68 = vector.shape_cast %broadcast_in_dim3A_4 : vector<16xf32> to vector<1x16xf32>
      tpu.vector_store %arg13[%swap3A, %swap3A_65], %swap3A_68 {strides = array<i32>} : memref<128x64xf32, #tpu.memory_space<vmem>>, vector<1x16xf32>,
      %swap3A_69 = arith.index_cast %scan3A_63 : i32 to index
      %swap3A_70 = arith.constant 16 : index
      %swap3A_71 = tpu.vector_load %arg13[%swap3A_69, %swap3A_70] {strides = array<i32>} : memref<128x64xf32, #tpu.memory_space<vmem>>, vector<1x16xf32>,
      %swap3A_72 = vector.shape_cast %swap3A_71 : vector<1x16xf32> to vector<16xf32>
      %swap3A_73 = vector.shape_cast %broadcast_in_dim3A_4 : vector<16xf32> to vector<1x16xf32>
      tpu.vector_store %arg13[%swap3A_69, %swap3A_70], %swap3A_73 {strides = array<i32>} : memref<128x64xf32, #tpu.memory_space<vmem>>, vector<1x16xf32>,
      %swap3A_74 = arith.index_cast %scan3A_63 : i32 to index
      %swap3A_75 = arith.constant 32 : index
      %swap3A_76 = tpu.vector_load %arg13[%swap3A_74, %swap3A_75] {strides = array<i32>} : memref<128x64xf32, #tpu.memory_space<vmem>>, vector<1x16xf32>,
      %swap3A_77 = vector.shape_cast %swap3A_76 : vector<1x16xf32> to vector<16xf32>
      %swap3A_78 = vector.shape_cast %broadcast_in_dim3A_4 : vector<16xf32> to vector<1x16xf32>
      tpu.vector_store %arg13[%swap3A_74, %swap3A_75], %swap3A_78 {strides = array<i32>} : memref<128x64xf32, #tpu.memory_space<vmem>>, vector<1x16xf32>,
      %swap3A_79 = arith.index_cast %scan3A_63 : i32 to index
      %swap3A_80 = arith.constant 48 : index
      %swap3A_81 = tpu.vector_load %arg13[%swap3A_79, %swap3A_80] {strides = array<i32>} : memref<128x64xf32, #tpu.memory_space<vmem>>, vector<1x16xf32>,
      %swap3A_82 = vector.shape_cast %swap3A_81 : vector<1x16xf32> to vector<16xf32>
      %swap3A_83 = vector.shape_cast %broadcast_in_dim3A_4 : vector<16xf32> to vector<1x16xf32>
      tpu.vector_store %arg13[%swap3A_79, %swap3A_80], %swap3A_83 {strides = array<i32>} : memref<128x64xf32, #tpu.memory_space<vmem>>, vector<1x16xf32>,
      %scan3A_84 = arith.constant 0 : i32
      scf.yield %scan3A_84 : i32
    }
    %scan3A_10 = arith.constant 128 : i32
    %add3A = arith.constant 0 : i32
    %add3A_11 = arith.addi %mul3A_0, %add3A : i32
    "tpu.region"() ({
      %run_scoped3A = tpu.sem_alloc : memref<!tpu.dma_semaphore, #tpu.memory_space<semaphore_mem>>
      %dma_start3A = arith.constant 0 : i32
      %dma_start3A_63 = tpu.memref_slice %arg9[%add3A_11, %dma_start3A] : memref<10240x64xf32, #tpu.memory_space<vmem_shared>> -> memref<128x64xf32, #tpu.memory_space<vmem_shared>>
      %dma_start3A_64 = arith.constant 0 : i32
      %dma_start3A_65 = tpu.memref_slice %arg9[%add3A_11, %dma_start3A_64] : memref<10240x64xf32, #tpu.memory_space<vmem_shared>> -> memref<128x64xf32, #tpu.memory_space<vmem_shared>>
      tpu.enqueue_dma source(%arg13 : memref<128x64xf32, #tpu.memory_space<vmem>>) target(%dma_start3A_65 : memref<128x64xf32, #tpu.memory_space<vmem_shared>>) target_semaphore(%run_scoped3A : memref<!tpu.dma_semaphore, #tpu.memory_space<semaphore_mem>>)
      %dma_wait3A = arith.constant 0 : i32
      %dma_wait3A_66 = tpu.memref_slice %arg9[%add3A_11, %dma_wait3A] : memref<10240x64xf32, #tpu.memory_space<vmem_shared>> -> memref<128x64xf32, #tpu.memory_space<vmem_shared>>
      %dma_wait3A_67 = arith.constant 0 : i32
      %dma_wait3A_68 = tpu.memref_slice %arg9[%add3A_11, %dma_wait3A_67] : memref<10240x64xf32, #tpu.memory_space<vmem_shared>> -> memref<128x64xf32, #tpu.memory_space<vmem_shared>>
      tpu.wait_dma2 semaphore(%run_scoped3A : memref<!tpu.dma_semaphore, #tpu.memory_space<semaphore_mem>>) src(%arg13 : memref<128x64xf32, #tpu.memory_space<vmem>>) dst(%dma_wait3A_68 : memref<128x64xf32, #tpu.memory_space<vmem_shared>>)
      tpu.yield
    }) : () -> ()
    %add3A_12 = arith.constant 0 : i32
    %add3A_13 = arith.addi %mul3A_0, %add3A_12 : i32
    "tpu.region"() ({
      %run_scoped3A = tpu.sem_alloc : memref<!tpu.dma_semaphore, #tpu.memory_space<semaphore_mem>>
      %dma_start3A = arith.constant 0 : i32
      %dma_start3A_63 = tpu.memref_slice %arg10[%add3A_13, %dma_start3A] : memref<10240x64xf32, #tpu.memory_space<vmem_shared>> -> memref<128x64xf32, #tpu.memory_space<vmem_shared>>
      %dma_start3A_64 = arith.constant 0 : i32
      %dma_start3A_65 = tpu.memref_slice %arg10[%add3A_13, %dma_start3A_64] : memref<10240x64xf32, #tpu.memory_space<vmem_shared>> -> memref<128x64xf32, #tpu.memory_space<vmem_shared>>
      tpu.enqueue_dma source(%arg13 : memref<128x64xf32, #tpu.memory_space<vmem>>) target(%dma_start3A_65 : memref<128x64xf32, #tpu.memory_space<vmem_shared>>) target_semaphore(%run_scoped3A : memref<!tpu.dma_semaphore, #tpu.memory_space<semaphore_mem>>)
      %dma_wait3A = arith.constant 0 : i32
      %dma_wait3A_66 = tpu.memref_slice %arg10[%add3A_13, %dma_wait3A] : memref<10240x64xf32, #tpu.memory_space<vmem_shared>> -> memref<128x64xf32, #tpu.memory_space<vmem_shared>>
      %dma_wait3A_67 = arith.constant 0 : i32
      %dma_wait3A_68 = tpu.memref_slice %arg10[%add3A_13, %dma_wait3A_67] : memref<10240x64xf32, #tpu.memory_space<vmem_shared>> -> memref<128x64xf32, #tpu.memory_space<vmem_shared>>
      tpu.wait_dma2 semaphore(%run_scoped3A : memref<!tpu.dma_semaphore, #tpu.memory_space<semaphore_mem>>) src(%arg13 : memref<128x64xf32, #tpu.memory_space<vmem>>) dst(%dma_wait3A_68 : memref<128x64xf32, #tpu.memory_space<vmem_shared>>)
      tpu.yield
    }) : () -> ()
    %add3A_14 = arith.constant 128 : i32
    %add3A_15 = arith.addi %mul3A_0, %add3A_14 : i32
    "tpu.region"() ({
      %run_scoped3A = tpu.sem_alloc : memref<!tpu.dma_semaphore, #tpu.memory_space<semaphore_mem>>
      %dma_start3A = arith.constant 0 : i32
      %dma_start3A_63 = tpu.memref_slice %arg9[%add3A_15, %dma_start3A] : memref<10240x64xf32, #tpu.memory_space<vmem_shared>> -> memref<128x64xf32, #tpu.memory_space<vmem_shared>>
      %dma_start3A_64 = arith.constant 0 : i32
      %dma_start3A_65 = tpu.memref_slice %arg9[%add3A_15, %dma_start3A_64] : memref<10240x64xf32, #tpu.memory_space<vmem_shared>> -> memref<128x64xf32, #tpu.memory_space<vmem_shared>>
      tpu.enqueue_dma source(%arg13 : memref<128x64xf32, #tpu.memory_space<vmem>>) target(%dma_start3A_65 : memref<128x64xf32, #tpu.memory_space<vmem_shared>>) target_semaphore(%run_scoped3A : memref<!tpu.dma_semaphore, #tpu.memory_space<semaphore_mem>>)
      %dma_wait3A = arith.constant 0 : i32
      %dma_wait3A_66 = tpu.memref_slice %arg9[%add3A_15, %dma_wait3A] : memref<10240x64xf32, #tpu.memory_space<vmem_shared>> -> memref<128x64xf32, #tpu.memory_space<vmem_shared>>
      %dma_wait3A_67 = arith.constant 0 : i32
      %dma_wait3A_68 = tpu.memref_slice %arg9[%add3A_15, %dma_wait3A_67] : memref<10240x64xf32, #tpu.memory_space<vmem_shared>> -> memref<128x64xf32, #tpu.memory_space<vmem_shared>>
      tpu.wait_dma2 semaphore(%run_scoped3A : memref<!tpu.dma_semaphore, #tpu.memory_space<semaphore_mem>>) src(%arg13 : memref<128x64xf32, #tpu.memory_space<vmem>>) dst(%dma_wait3A_68 : memref<128x64xf32, #tpu.memory_space<vmem_shared>>)
      tpu.yield
    }) : () -> ()
    %add3A_16 = arith.constant 128 : i32
    %add3A_17 = arith.addi %mul3A_0, %add3A_16 : i32
    "tpu.region"() ({
      %run_scoped3A = tpu.sem_alloc : memref<!tpu.dma_semaphore, #tpu.memory_space<semaphore_mem>>
      %dma_start3A = arith.constant 0 : i32
      %dma_start3A_63 = tpu.memref_slice %arg10[%add3A_17, %dma_start3A] : memref<10240x64xf32, #tpu.memory_space<vmem_shared>> -> memref<128x64xf32, #tpu.memory_space<vmem_shared>>
      %dma_start3A_64 = arith.constant 0 : i32
      %dma_start3A_65 = tpu.memref_slice %arg10[%add3A_17, %dma_start3A_64] : memref<10240x64xf32, #tpu.memory_space<vmem_shared>> -> memref<128x64xf32, #tpu.memory_space<vmem_shared>>
      tpu.enqueue_dma source(%arg13 : memref<128x64xf32, #tpu.memory_space<vmem>>) target(%dma_start3A_65 : memref<128x64xf32, #tpu.memory_space<vmem_shared>>) target_semaphore(%run_scoped3A : memref<!tpu.dma_semaphore, #tpu.memory_space<semaphore_mem>>)
      %dma_wait3A = arith.constant 0 : i32
      %dma_wait3A_66 = tpu.memref_slice %arg10[%add3A_17, %dma_wait3A] : memref<10240x64xf32, #tpu.memory_space<vmem_shared>> -> memref<128x64xf32, #tpu.memory_space<vmem_shared>>
      %dma_wait3A_67 = arith.constant 0 : i32
      %dma_wait3A_68 = tpu.memref_slice %arg10[%add3A_17, %dma_wait3A_67] : memref<10240x64xf32, #tpu.memory_space<vmem_shared>> -> memref<128x64xf32, #tpu.memory_space<vmem_shared>>
      tpu.wait_dma2 semaphore(%run_scoped3A : memref<!tpu.dma_semaphore, #tpu.memory_space<semaphore_mem>>) src(%arg13 : memref<128x64xf32, #tpu.memory_space<vmem>>) dst(%dma_wait3A_68 : memref<128x64xf32, #tpu.memory_space<vmem_shared>>)
      tpu.yield
    }) : () -> ()
    %add3A_18 = arith.constant 256 : i32
    %add3A_19 = arith.addi %mul3A_0, %add3A_18 : i32
    "tpu.region"() ({
      %run_scoped3A = tpu.sem_alloc : memref<!tpu.dma_semaphore, #tpu.memory_space<semaphore_mem>>
      %dma_start3A = arith.constant 0 : i32
      %dma_start3A_63 = tpu.memref_slice %arg9[%add3A_19, %dma_start3A] : memref<10240x64xf32, #tpu.memory_space<vmem_shared>> -> memref<128x64xf32, #tpu.memory_space<vmem_shared>>
      %dma_start3A_64 = arith.constant 0 : i32
      %dma_start3A_65 = tpu.memref_slice %arg9[%add3A_19, %dma_start3A_64] : memref<10240x64xf32, #tpu.memory_space<vmem_shared>> -> memref<128x64xf32, #tpu.memory_space<vmem_shared>>
      tpu.enqueue_dma source(%arg13 : memref<128x64xf32, #tpu.memory_space<vmem>>) target(%dma_start3A_65 : memref<128x64xf32, #tpu.memory_space<vmem_shared>>) target_semaphore(%run_scoped3A : memref<!tpu.dma_semaphore, #tpu.memory_space<semaphore_mem>>)
      %dma_wait3A = arith.constant 0 : i32
      %dma_wait3A_66 = tpu.memref_slice %arg9[%add3A_19, %dma_wait3A] : memref<10240x64xf32, #tpu.memory_space<vmem_shared>> -> memref<128x64xf32, #tpu.memory_space<vmem_shared>>
      %dma_wait3A_67 = arith.constant 0 : i32
      %dma_wait3A_68 = tpu.memref_slice %arg9[%add3A_19, %dma_wait3A_67] : memref<10240x64xf32, #tpu.memory_space<vmem_shared>> -> memref<128x64xf32, #tpu.memory_space<vmem_shared>>
      tpu.wait_dma2 semaphore(%run_scoped3A : memref<!tpu.dma_semaphore, #tpu.memory_space<semaphore_mem>>) src(%arg13 : memref<128x64xf32, #tpu.memory_space<vmem>>) dst(%dma_wait3A_68 : memref<128x64xf32, #tpu.memory_space<vmem_shared>>)
      tpu.yield
    }) : () -> ()
    %add3A_20 = arith.constant 256 : i32
    %add3A_21 = arith.addi %mul3A_0, %add3A_20 : i32
    "tpu.region"() ({
      %run_scoped3A = tpu.sem_alloc : memref<!tpu.dma_semaphore, #tpu.memory_space<semaphore_mem>>
      %dma_start3A = arith.constant 0 : i32
      %dma_start3A_63 = tpu.memref_slice %arg10[%add3A_21, %dma_start3A] : memref<10240x64xf32, #tpu.memory_space<vmem_shared>> -> memref<128x64xf32, #tpu.memory_space<vmem_shared>>
      %dma_start3A_64 = arith.constant 0 : i32
      %dma_start3A_65 = tpu.memref_slice %arg10[%add3A_21, %dma_start3A_64] : memref<10240x64xf32, #tpu.memory_space<vmem_shared>> -> memref<128x64xf32, #tpu.memory_space<vmem_shared>>
      tpu.enqueue_dma source(%arg13 : memref<128x64xf32, #tpu.memory_space<vmem>>) target(%dma_start3A_65 : memref<128x64xf32, #tpu.memory_space<vmem_shared>>) target_semaphore(%run_scoped3A : memref<!tpu.dma_semaphore, #tpu.memory_space<semaphore_mem>>)
      %dma_wait3A = arith.constant 0 : i32
      %dma_wait3A_66 = tpu.memref_slice %arg10[%add3A_21, %dma_wait3A] : memref<10240x64xf32, #tpu.memory_space<vmem_shared>> -> memref<128x64xf32, #tpu.memory_space<vmem_shared>>
      %dma_wait3A_67 = arith.constant 0 : i32
      %dma_wait3A_68 = tpu.memref_slice %arg10[%add3A_21, %dma_wait3A_67] : memref<10240x64xf32, #tpu.memory_space<vmem_shared>> -> memref<128x64xf32, #tpu.memory_space<vmem_shared>>
      tpu.wait_dma2 semaphore(%run_scoped3A : memref<!tpu.dma_semaphore, #tpu.memory_space<semaphore_mem>>) src(%arg13 : memref<128x64xf32, #tpu.memory_space<vmem>>) dst(%dma_wait3A_68 : memref<128x64xf32, #tpu.memory_space<vmem_shared>>)
      tpu.yield
    }) : () -> ()
    %add3A_22 = arith.constant 384 : i32
    %add3A_23 = arith.addi %mul3A_0, %add3A_22 : i32
    "tpu.region"() ({
      %run_scoped3A = tpu.sem_alloc : memref<!tpu.dma_semaphore, #tpu.memory_space<semaphore_mem>>
      %dma_start3A = arith.constant 0 : i32
      %dma_start3A_63 = tpu.memref_slice %arg9[%add3A_23, %dma_start3A] : memref<10240x64xf32, #tpu.memory_space<vmem_shared>> -> memref<128x64xf32, #tpu.memory_space<vmem_shared>>
      %dma_start3A_64 = arith.constant 0 : i32
      %dma_start3A_65 = tpu.memref_slice %arg9[%add3A_23, %dma_start3A_64] : memref<10240x64xf32, #tpu.memory_space<vmem_shared>> -> memref<128x64xf32, #tpu.memory_space<vmem_shared>>
      tpu.enqueue_dma source(%arg13 : memref<128x64xf32, #tpu.memory_space<vmem>>) target(%dma_start3A_65 : memref<128x64xf32, #tpu.memory_space<vmem_shared>>) target_semaphore(%run_scoped3A : memref<!tpu.dma_semaphore, #tpu.memory_space<semaphore_mem>>)
      %dma_wait3A = arith.constant 0 : i32
      %dma_wait3A_66 = tpu.memref_slice %arg9[%add3A_23, %dma_wait3A] : memref<10240x64xf32, #tpu.memory_space<vmem_shared>> -> memref<128x64xf32, #tpu.memory_space<vmem_shared>>
      %dma_wait3A_67 = arith.constant 0 : i32
      %dma_wait3A_68 = tpu.memref_slice %arg9[%add3A_23, %dma_wait3A_67] : memref<10240x64xf32, #tpu.memory_space<vmem_shared>> -> memref<128x64xf32, #tpu.memory_space<vmem_shared>>
      tpu.wait_dma2 semaphore(%run_scoped3A : memref<!tpu.dma_semaphore, #tpu.memory_space<semaphore_mem>>) src(%arg13 : memref<128x64xf32, #tpu.memory_space<vmem>>) dst(%dma_wait3A_68 : memref<128x64xf32, #tpu.memory_space<vmem_shared>>)
      tpu.yield
    }) : () -> ()
    %add3A_24 = arith.constant 384 : i32
    %add3A_25 = arith.addi %mul3A_0, %add3A_24 : i32
    "tpu.region"() ({
      %run_scoped3A = tpu.sem_alloc : memref<!tpu.dma_semaphore, #tpu.memory_space<semaphore_mem>>
      %dma_start3A = arith.constant 0 : i32
      %dma_start3A_63 = tpu.memref_slice %arg10[%add3A_25, %dma_start3A] : memref<10240x64xf32, #tpu.memory_space<vmem_shared>> -> memref<128x64xf32, #tpu.memory_space<vmem_shared>>
      %dma_start3A_64 = arith.constant 0 : i32
      %dma_start3A_65 = tpu.memref_slice %arg10[%add3A_25, %dma_start3A_64] : memref<10240x64xf32, #tpu.memory_space<vmem_shared>> -> memref<128x64xf32, #tpu.memory_space<vmem_shared>>
      tpu.enqueue_dma source(%arg13 : memref<128x64xf32, #tpu.memory_space<vmem>>) target(%dma_start3A_65 : memref<128x64xf32, #tpu.memory_space<vmem_shared>>) target_semaphore(%run_scoped3A : memref<!tpu.dma_semaphore, #tpu.memory_space<semaphore_mem>>)
      %dma_wait3A = arith.constant 0 : i32
      %dma_wait3A_66 = tpu.memref_slice %arg10[%add3A_25, %dma_wait3A] : memref<10240x64xf32, #tpu.memory_space<vmem_shared>> -> memref<128x64xf32, #tpu.memory_space<vmem_shared>>
      %dma_wait3A_67 = arith.constant 0 : i32
      %dma_wait3A_68 = tpu.memref_slice %arg10[%add3A_25, %dma_wait3A_67] : memref<10240x64xf32, #tpu.memory_space<vmem_shared>> -> memref<128x64xf32, #tpu.memory_space<vmem_shared>>
      tpu.wait_dma2 semaphore(%run_scoped3A : memref<!tpu.dma_semaphore, #tpu.memory_space<semaphore_mem>>) src(%arg13 : memref<128x64xf32, #tpu.memory_space<vmem>>) dst(%dma_wait3A_68 : memref<128x64xf32, #tpu.memory_space<vmem_shared>>)
      tpu.yield
    }) : () -> ()
    %add3A_26 = arith.constant 512 : i32
    %add3A_27 = arith.addi %mul3A_0, %add3A_26 : i32
    "tpu.region"() ({
      %run_scoped3A = tpu.sem_alloc : memref<!tpu.dma_semaphore, #tpu.memory_space<semaphore_mem>>
      %dma_start3A = arith.constant 0 : i32
      %dma_start3A_63 = tpu.memref_slice %arg9[%add3A_27, %dma_start3A] : memref<10240x64xf32, #tpu.memory_space<vmem_shared>> -> memref<128x64xf32, #tpu.memory_space<vmem_shared>>
      %dma_start3A_64 = arith.constant 0 : i32
      %dma_start3A_65 = tpu.memref_slice %arg9[%add3A_27, %dma_start3A_64] : memref<10240x64xf32, #tpu.memory_space<vmem_shared>> -> memref<128x64xf32, #tpu.memory_space<vmem_shared>>
      tpu.enqueue_dma source(%arg13 : memref<128x64xf32, #tpu.memory_space<vmem>>) target(%dma_start3A_65 : memref<128x64xf32, #tpu.memory_space<vmem_shared>>) target_semaphore(%run_scoped3A : memref<!tpu.dma_semaphore, #tpu.memory_space<semaphore_mem>>)
      %dma_wait3A = arith.constant 0 : i32
      %dma_wait3A_66 = tpu.memref_slice %arg9[%add3A_27, %dma_wait3A] : memref<10240x64xf32, #tpu.memory_space<vmem_shared>> -> memref<128x64xf32, #tpu.memory_space<vmem_shared>>
      %dma_wait3A_67 = arith.constant 0 : i32
      %dma_wait3A_68 = tpu.memref_slice %arg9[%add3A_27, %dma_wait3A_67] : memref<10240x64xf32, #tpu.memory_space<vmem_shared>> -> memref<128x64xf32, #tpu.memory_space<vmem_shared>>
      tpu.wait_dma2 semaphore(%run_scoped3A : memref<!tpu.dma_semaphore, #tpu.memory_space<semaphore_mem>>) src(%arg13 : memref<128x64xf32, #tpu.memory_space<vmem>>) dst(%dma_wait3A_68 : memref<128x64xf32, #tpu.memory_space<vmem_shared>>)
      tpu.yield
    }) : () -> ()
    %add3A_28 = arith.constant 512 : i32
    %add3A_29 = arith.addi %mul3A_0, %add3A_28 : i32
    "tpu.region"() ({
      %run_scoped3A = tpu.sem_alloc : memref<!tpu.dma_semaphore, #tpu.memory_space<semaphore_mem>>
      %dma_start3A = arith.constant 0 : i32
      %dma_start3A_63 = tpu.memref_slice %arg10[%add3A_29, %dma_start3A] : memref<10240x64xf32, #tpu.memory_space<vmem_shared>> -> memref<128x64xf32, #tpu.memory_space<vmem_shared>>
      %dma_start3A_64 = arith.constant 0 : i32
      %dma_start3A_65 = tpu.memref_slice %arg10[%add3A_29, %dma_start3A_64] : memref<10240x64xf32, #tpu.memory_space<vmem_shared>> -> memref<128x64xf32, #tpu.memory_space<vmem_shared>>
      tpu.enqueue_dma source(%arg13 : memref<128x64xf32, #tpu.memory_space<vmem>>) target(%dma_start3A_65 : memref<128x64xf32, #tpu.memory_space<vmem_shared>>) target_semaphore(%run_scoped3A : memref<!tpu.dma_semaphore, #tpu.memory_space<semaphore_mem>>)
      %dma_wait3A = arith.constant 0 : i32
      %dma_wait3A_66 = tpu.memref_slice %arg10[%add3A_29, %dma_wait3A] : memref<10240x64xf32, #tpu.memory_space<vmem_shared>> -> memref<128x64xf32, #tpu.memory_space<vmem_shared>>
      %dma_wait3A_67 = arith.constant 0 : i32
      %dma_wait3A_68 = tpu.memref_slice %arg10[%add3A_29, %dma_wait3A_67] : memref<10240x64xf32, #tpu.memory_space<vmem_shared>> -> memref<128x64xf32, #tpu.memory_space<vmem_shared>>
      tpu.wait_dma2 semaphore(%run_scoped3A : memref<!tpu.dma_semaphore, #tpu.memory_space<semaphore_mem>>) src(%arg13 : memref<128x64xf32, #tpu.memory_space<vmem>>) dst(%dma_wait3A_68 : memref<128x64xf32, #tpu.memory_space<vmem_shared>>)
      tpu.yield
    }) : () -> ()
    %barrier3A = arith.constant 0 : index
    tpu.barrier barrier_id(%barrier3A)
    "tpu.trace_start"() <{level = 10 : i32, message = "p1_scatter"}> : () -> ()
    %scan3A_30 = arith.constant 0 : i32
    %scan3A_31 = arith.constant 0 : i32
    %scan3A_32 = arith.constant 4 : i32
    %scan3A_33 = arith.addi %scan3A_31, %scan3A_32 : i32
    %scan3A_34 = arith.constant 1 : i32
    %scan3A_35 = scf.for %scan3A_63 = %scan3A_31 to %scan3A_33 step %scan3A_34 iter_args(%scan3A_64 = %scan3A_30) -> (i32)  : i32 {
      %mul3A_65 = arith.constant 40 : i32
      %mul3A_66 = arith.muli %scan3A_63, %mul3A_65 : i32
      "tpu.region"() ({
        %run_scoped3A = tpu.sem_alloc : memref<!tpu.dma_semaphore, #tpu.memory_space<semaphore_mem>>
        %dma_start3A_110 = arith.constant 0 : i32
        %dma_start3A_111 = arith.constant 0 : i32
        %dma_start3A_112 = tpu.memref_slice %arg3[%arg1, %dma_start3A_110, %dma_start3A_111] : memref<16x160x128xi32, #tpu.memory_space<hbm>> -> memref<1x160x128xi32, #tpu.memory_space<hbm>>
        %dma_start3A_113 = tpu.memref_squeeze %dma_start3A_112 : memref<1x160x128xi32, #tpu.memory_space<hbm>> -> memref<160x128xi32, #tpu.memory_space<hbm>>
        %dma_start3A_114 = arith.constant 0 : i32
        %dma_start3A_115 = tpu.memref_slice %dma_start3A_113[%mul3A_66, %dma_start3A_114] : memref<160x128xi32, #tpu.memory_space<hbm>> -> memref<40x128xi32, #tpu.memory_space<hbm>>
        %dma_start3A_116 = arith.constant 0 : i32
        %dma_start3A_117 = arith.constant 0 : i32
        %dma_start3A_118 = tpu.memref_slice %arg3[%arg1, %dma_start3A_116, %dma_start3A_117] : memref<16x160x128xi32, #tpu.memory_space<hbm>> -> memref<1x160x128xi32, #tpu.memory_space<hbm>>
        %dma_start3A_119 = tpu.memref_squeeze %dma_start3A_118 : memref<1x160x128xi32, #tpu.memory_space<hbm>> -> memref<160x128xi32, #tpu.memory_space<hbm>>
        %dma_start3A_120 = arith.constant 0 : i32
        %dma_start3A_121 = tpu.memref_slice %dma_start3A_119[%mul3A_66, %dma_start3A_120] : memref<160x128xi32, #tpu.memory_space<hbm>> -> memref<40x128xi32, #tpu.memory_space<hbm>>
        tpu.enqueue_dma source(%dma_start3A_121 : memref<40x128xi32, #tpu.memory_space<hbm>>) target(%arg11 : memref<40x128xi32, #tpu.memory_space<vmem>>) target_semaphore(%run_scoped3A : memref<!tpu.dma_semaphore, #tpu.memory_space<semaphore_mem>>)
        %dma_wait3A_122 = arith.constant 0 : i32
        %dma_wait3A_123 = arith.constant 0 : i32
        %dma_wait3A_124 = tpu.memref_slice %arg3[%arg1, %dma_wait3A_122, %dma_wait3A_123] : memref<16x160x128xi32, #tpu.memory_space<hbm>> -> memref<1x160x128xi32, #tpu.memory_space<hbm>>
        %dma_wait3A_125 = tpu.memref_squeeze %dma_wait3A_124 : memref<1x160x128xi32, #tpu.memory_space<hbm>> -> memref<160x128xi32, #tpu.memory_space<hbm>>
        %dma_wait3A_126 = arith.constant 0 : i32
        %dma_wait3A_127 = tpu.memref_slice %dma_wait3A_125[%mul3A_66, %dma_wait3A_126] : memref<160x128xi32, #tpu.memory_space<hbm>> -> memref<40x128xi32, #tpu.memory_space<hbm>>
        %dma_wait3A_128 = arith.constant 0 : i32
        %dma_wait3A_129 = arith.constant 0 : i32
        %dma_wait3A_130 = tpu.memref_slice %arg3[%arg1, %dma_wait3A_128, %dma_wait3A_129] : memref<16x160x128xi32, #tpu.memory_space<hbm>> -> memref<1x160x128xi32, #tpu.memory_space<hbm>>
        %dma_wait3A_131 = tpu.memref_squeeze %dma_wait3A_130 : memref<1x160x128xi32, #tpu.memory_space<hbm>> -> memref<160x128xi32, #tpu.memory_space<hbm>>
        %dma_wait3A_132 = arith.constant 0 : i32
        %dma_wait3A_133 = tpu.memref_slice %dma_wait3A_131[%mul3A_66, %dma_wait3A_132] : memref<160x128xi32, #tpu.memory_space<hbm>> -> memref<40x128xi32, #tpu.memory_space<hbm>>
        tpu.wait_dma2 semaphore(%run_scoped3A : memref<!tpu.dma_semaphore, #tpu.memory_space<semaphore_mem>>) src(%dma_wait3A_133 : memref<40x128xi32, #tpu.memory_space<hbm>>) dst(%arg11 : memref<40x128xi32, #tpu.memory_space<vmem>>)
        tpu.yield
      }) : () -> ()
      %scan3A_67 = arith.constant 0 : i32
      %scan3A_68 = arith.constant 0 : i32
      %scan3A_69 = arith.constant 40 : i32
      %scan3A_70 = arith.addi %scan3A_68, %scan3A_69 : i32
      %scan3A_71 = arith.constant 1 : i32
      %scan3A_72 = scf.for %scan3A_110 = %scan3A_68 to %scan3A_70 step %scan3A_71 iter_args(%scan3A_111 = %scan3A_67) -> (i32)  : i32 {
        %get3A = arith.index_cast %scan3A_110 : i32 to index
        %get3A_112 = arith.constant 0 : index
        %get3A_113 = tpu.vector_load %arg11[%get3A, %get3A_112] {strides = array<i32>} : memref<40x128xi32, #tpu.memory_space<vmem>>, vector<1x16xi32>,
        %get3A_114 = vector.shape_cast %get3A_113 : vector<1x16xi32> to vector<16xi32>
        %add3A_115 = arith.addi %get3A_114, %broadcast_in_dim3A : vector<16xi32>
        %swap3A = arith.index_cast %scan3A_110 : i32 to index
        %swap3A_116 = arith.constant 0 : index
        %swap3A_117 = tpu.vector_load %arg11[%swap3A, %swap3A_116] {strides = array<i32>} : memref<40x128xi32, #tpu.memory_space<vmem>>, vector<1x16xi32>,
        %swap3A_118 = vector.shape_cast %swap3A_117 : vector<1x16xi32> to vector<16xi32>
        %swap3A_119 = vector.shape_cast %add3A_115 : vector<16xi32> to vector<1x16xi32>
        tpu.vector_store %arg11[%swap3A, %swap3A_116], %swap3A_119 {strides = array<i32>} : memref<40x128xi32, #tpu.memory_space<vmem>>, vector<1x16xi32>,
        %get3A_120 = arith.index_cast %scan3A_110 : i32 to index
        %get3A_121 = arith.constant 16 : index
        %get3A_122 = tpu.vector_load %arg11[%get3A_120, %get3A_121] {strides = array<i32>} : memref<40x128xi32, #tpu.memory_space<vmem>>, vector<1x16xi32>,
        %get3A_123 = vector.shape_cast %get3A_122 : vector<1x16xi32> to vector<16xi32>
        %add3A_124 = arith.addi %get3A_123, %broadcast_in_dim3A : vector<16xi32>
        %swap3A_125 = arith.index_cast %scan3A_110 : i32 to index
        %swap3A_126 = arith.constant 16 : index
        %swap3A_127 = tpu.vector_load %arg11[%swap3A_125, %swap3A_126] {strides = array<i32>} : memref<40x128xi32, #tpu.memory_space<vmem>>, vector<1x16xi32>,
        %swap3A_128 = vector.shape_cast %swap3A_127 : vector<1x16xi32> to vector<16xi32>
        %swap3A_129 = vector.shape_cast %add3A_124 : vector<16xi32> to vector<1x16xi32>
        tpu.vector_store %arg11[%swap3A_125, %swap3A_126], %swap3A_129 {strides = array<i32>} : memref<40x128xi32, #tpu.memory_space<vmem>>, vector<1x16xi32>,
        %get3A_130 = arith.index_cast %scan3A_110 : i32 to index
        %get3A_131 = arith.constant 32 : index
        %get3A_132 = tpu.vector_load %arg11[%get3A_130, %get3A_131] {strides = array<i32>} : memref<40x128xi32, #tpu.memory_space<vmem>>, vector<1x16xi32>,
        %get3A_133 = vector.shape_cast %get3A_132 : vector<1x16xi32> to vector<16xi32>
        %add3A_134 = arith.addi %get3A_133, %broadcast_in_dim3A : vector<16xi32>
        %swap3A_135 = arith.index_cast %scan3A_110 : i32 to index
        %swap3A_136 = arith.constant 32 : index
        %swap3A_137 = tpu.vector_load %arg11[%swap3A_135, %swap3A_136] {strides = array<i32>} : memref<40x128xi32, #tpu.memory_space<vmem>>, vector<1x16xi32>,
        %swap3A_138 = vector.shape_cast %swap3A_137 : vector<1x16xi32> to vector<16xi32>
        %swap3A_139 = vector.shape_cast %add3A_134 : vector<16xi32> to vector<1x16xi32>
        tpu.vector_store %arg11[%swap3A_135, %swap3A_136], %swap3A_139 {strides = array<i32>} : memref<40x128xi32, #tpu.memory_space<vmem>>, vector<1x16xi32>,
        %get3A_140 = arith.index_cast %scan3A_110 : i32 to index
        %get3A_141 = arith.constant 48 : index
        %get3A_142 = tpu.vector_load %arg11[%get3A_140, %get3A_141] {strides = array<i32>} : memref<40x128xi32, #tpu.memory_space<vmem>>, vector<1x16xi32>,
        %get3A_143 = vector.shape_cast %get3A_142 : vector<1x16xi32> to vector<16xi32>
        %add3A_144 = arith.addi %get3A_143, %broadcast_in_dim3A : vector<16xi32>
        %swap3A_145 = arith.index_cast %scan3A_110 : i32 to index
        %swap3A_146 = arith.constant 48 : index
        %swap3A_147 = tpu.vector_load %arg11[%swap3A_145, %swap3A_146] {strides = array<i32>} : memref<40x128xi32, #tpu.memory_space<vmem>>, vector<1x16xi32>,
        %swap3A_148 = vector.shape_cast %swap3A_147 : vector<1x16xi32> to vector<16xi32>
        %swap3A_149 = vector.shape_cast %add3A_144 : vector<16xi32> to vector<1x16xi32>
        tpu.vector_store %arg11[%swap3A_145, %swap3A_146], %swap3A_149 {strides = array<i32>} : memref<40x128xi32, #tpu.memory_space<vmem>>, vector<1x16xi32>,
        %get3A_150 = arith.index_cast %scan3A_110 : i32 to index
        %get3A_151 = arith.constant 64 : index
        %get3A_152 = tpu.vector_load %arg11[%get3A_150, %get3A_151] {strides = array<i32>} : memref<40x128xi32, #tpu.memory_space<vmem>>, vector<1x16xi32>,
        %get3A_153 = vector.shape_cast %get3A_152 : vector<1x16xi32> to vector<16xi32>
        %add3A_154 = arith.addi %get3A_153, %broadcast_in_dim3A : vector<16xi32>
        %swap3A_155 = arith.index_cast %scan3A_110 : i32 to index
        %swap3A_156 = arith.constant 64 : index
        %swap3A_157 = tpu.vector_load %arg11[%swap3A_155, %swap3A_156] {strides = array<i32>} : memref<40x128xi32, #tpu.memory_space<vmem>>, vector<1x16xi32>,
        %swap3A_158 = vector.shape_cast %swap3A_157 : vector<1x16xi32> to vector<16xi32>
        %swap3A_159 = vector.shape_cast %add3A_154 : vector<16xi32> to vector<1x16xi32>
        tpu.vector_store %arg11[%swap3A_155, %swap3A_156], %swap3A_159 {strides = array<i32>} : memref<40x128xi32, #tpu.memory_space<vmem>>, vector<1x16xi32>,
        %get3A_160 = arith.index_cast %scan3A_110 : i32 to index
        %get3A_161 = arith.constant 80 : index
        %get3A_162 = tpu.vector_load %arg11[%get3A_160, %get3A_161] {strides = array<i32>} : memref<40x128xi32, #tpu.memory_space<vmem>>, vector<1x16xi32>,
        %get3A_163 = vector.shape_cast %get3A_162 : vector<1x16xi32> to vector<16xi32>
        %add3A_164 = arith.addi %get3A_163, %broadcast_in_dim3A : vector<16xi32>
        %swap3A_165 = arith.index_cast %scan3A_110 : i32 to index
        %swap3A_166 = arith.constant 80 : index
        %swap3A_167 = tpu.vector_load %arg11[%swap3A_165, %swap3A_166] {strides = array<i32>} : memref<40x128xi32, #tpu.memory_space<vmem>>, vector<1x16xi32>,
        %swap3A_168 = vector.shape_cast %swap3A_167 : vector<1x16xi32> to vector<16xi32>
        %swap3A_169 = vector.shape_cast %add3A_164 : vector<16xi32> to vector<1x16xi32>
        tpu.vector_store %arg11[%swap3A_165, %swap3A_166], %swap3A_169 {strides = array<i32>} : memref<40x128xi32, #tpu.memory_space<vmem>>, vector<1x16xi32>,
        %get3A_170 = arith.index_cast %scan3A_110 : i32 to index
        %get3A_171 = arith.constant 96 : index
        %get3A_172 = tpu.vector_load %arg11[%get3A_170, %get3A_171] {strides = array<i32>} : memref<40x128xi32, #tpu.memory_space<vmem>>, vector<1x16xi32>,
        %get3A_173 = vector.shape_cast %get3A_172 : vector<1x16xi32> to vector<16xi32>
        %add3A_174 = arith.addi %get3A_173, %broadcast_in_dim3A : vector<16xi32>
        %swap3A_175 = arith.index_cast %scan3A_110 : i32 to index
        %swap3A_176 = arith.constant 96 : index
        %swap3A_177 = tpu.vector_load %arg11[%swap3A_175, %swap3A_176] {strides = array<i32>} : memref<40x128xi32, #tpu.memory_space<vmem>>, vector<1x16xi32>,
        %swap3A_178 = vector.shape_cast %swap3A_177 : vector<1x16xi32> to vector<16xi32>
        %swap3A_179 = vector.shape_cast %add3A_174 : vector<16xi32> to vector<1x16xi32>
        tpu.vector_store %arg11[%swap3A_175, %swap3A_176], %swap3A_179 {strides = array<i32>} : memref<40x128xi32, #tpu.memory_space<vmem>>, vector<1x16xi32>,
        %get3A_180 = arith.index_cast %scan3A_110 : i32 to index
        %get3A_181 = arith.constant 112 : index
        %get3A_182 = tpu.vector_load %arg11[%get3A_180, %get3A_181] {strides = array<i32>} : memref<40x128xi32, #tpu.memory_space<vmem>>, vector<1x16xi32>,
        %get3A_183 = vector.shape_cast %get3A_182 : vector<1x16xi32> to vector<16xi32>
        %add3A_184 = arith.addi %get3A_183, %broadcast_in_dim3A : vector<16xi32>
        %swap3A_185 = arith.index_cast %scan3A_110 : i32 to index
        %swap3A_186 = arith.constant 112 : index
        %swap3A_187 = tpu.vector_load %arg11[%swap3A_185, %swap3A_186] {strides = array<i32>} : memref<40x128xi32, #tpu.memory_space<vmem>>, vector<1x16xi32>,
        %swap3A_188 = vector.shape_cast %swap3A_187 : vector<1x16xi32> to vector<16xi32>
        %swap3A_189 = vector.shape_cast %add3A_184 : vector<16xi32> to vector<1x16xi32>
        tpu.vector_store %arg11[%swap3A_185, %swap3A_186], %swap3A_189 {strides = array<i32>} : memref<40x128xi32, #tpu.memory_space<vmem>>, vector<1x16xi32>,
        %scan3A_190 = arith.constant 0 : i32
        scf.yield %scan3A_190 : i32
      }
      %scan3A_73 = arith.constant 40 : i32
      %mul3A_74 = arith.constant 40 : i32
      %mul3A_75 = arith.muli %scan3A_63, %mul3A_74 : i32
      "tpu.region"() ({
        %run_scoped3A = tpu.sem_alloc : memref<!tpu.dma_semaphore, #tpu.memory_space<semaphore_mem>>
        %dma_start3A_110 = arith.constant 0 : i32
        %dma_start3A_111 = arith.constant 0 : i32
        %dma_start3A_112 = tpu.memref_slice %arg4[%arg1, %dma_start3A_110, %dma_start3A_111] : memref<16x160x128xi32, #tpu.memory_space<hbm>> -> memref<1x160x128xi32, #tpu.memory_space<hbm>>
        %dma_start3A_113 = tpu.memref_squeeze %dma_start3A_112 : memref<1x160x128xi32, #tpu.memory_space<hbm>> -> memref<160x128xi32, #tpu.memory_space<hbm>>
        %dma_start3A_114 = arith.constant 0 : i32
        %dma_start3A_115 = tpu.memref_slice %dma_start3A_113[%mul3A_75, %dma_start3A_114] : memref<160x128xi32, #tpu.memory_space<hbm>> -> memref<40x128xi32, #tpu.memory_space<hbm>>
        %dma_start3A_116 = arith.constant 0 : i32
        %dma_start3A_117 = arith.constant 0 : i32
        %dma_start3A_118 = tpu.memref_slice %arg4[%arg1, %dma_start3A_116, %dma_start3A_117] : memref<16x160x128xi32, #tpu.memory_space<hbm>> -> memref<1x160x128xi32, #tpu.memory_space<hbm>>
        %dma_start3A_119 = tpu.memref_squeeze %dma_start3A_118 : memref<1x160x128xi32, #tpu.memory_space<hbm>> -> memref<160x128xi32, #tpu.memory_space<hbm>>
        %dma_start3A_120 = arith.constant 0 : i32
        %dma_start3A_121 = tpu.memref_slice %dma_start3A_119[%mul3A_75, %dma_start3A_120] : memref<160x128xi32, #tpu.memory_space<hbm>> -> memref<40x128xi32, #tpu.memory_space<hbm>>
        tpu.enqueue_dma source(%dma_start3A_121 : memref<40x128xi32, #tpu.memory_space<hbm>>) target(%arg12 : memref<40x128xi32, #tpu.memory_space<vmem>>) target_semaphore(%run_scoped3A : memref<!tpu.dma_semaphore, #tpu.memory_space<semaphore_mem>>)
        %dma_wait3A_122 = arith.constant 0 : i32
        %dma_wait3A_123 = arith.constant 0 : i32
        %dma_wait3A_124 = tpu.memref_slice %arg4[%arg1, %dma_wait3A_122, %dma_wait3A_123] : memref<16x160x128xi32, #tpu.memory_space<hbm>> -> memref<1x160x128xi32, #tpu.memory_space<hbm>>
        %dma_wait3A_125 = tpu.memref_squeeze %dma_wait3A_124 : memref<1x160x128xi32, #tpu.memory_space<hbm>> -> memref<160x128xi32, #tpu.memory_space<hbm>>
        %dma_wait3A_126 = arith.constant 0 : i32
        %dma_wait3A_127 = tpu.memref_slice %dma_wait3A_125[%mul3A_75, %dma_wait3A_126] : memref<160x128xi32, #tpu.memory_space<hbm>> -> memref<40x128xi32, #tpu.memory_space<hbm>>
        %dma_wait3A_128 = arith.constant 0 : i32
        %dma_wait3A_129 = arith.constant 0 : i32
        %dma_wait3A_130 = tpu.memref_slice %arg4[%arg1, %dma_wait3A_128, %dma_wait3A_129] : memref<16x160x128xi32, #tpu.memory_space<hbm>> -> memref<1x160x128xi32, #tpu.memory_space<hbm>>
        %dma_wait3A_131 = tpu.memref_squeeze %dma_wait3A_130 : memref<1x160x128xi32, #tpu.memory_space<hbm>> -> memref<160x128xi32, #tpu.memory_space<hbm>>
        %dma_wait3A_132 = arith.constant 0 : i32
        %dma_wait3A_133 = tpu.memref_slice %dma_wait3A_131[%mul3A_75, %dma_wait3A_132] : memref<160x128xi32, #tpu.memory_space<hbm>> -> memref<40x128xi32, #tpu.memory_space<hbm>>
        tpu.wait_dma2 semaphore(%run_scoped3A : memref<!tpu.dma_semaphore, #tpu.memory_space<semaphore_mem>>) src(%dma_wait3A_133 : memref<40x128xi32, #tpu.memory_space<hbm>>) dst(%arg12 : memref<40x128xi32, #tpu.memory_space<vmem>>)
        tpu.yield
      }) : () -> ()
      %dma_start3A = arith.constant 0 : i32
      %dma_start3A_76 = arith.constant 0 : i32
      %dma_start3A_77 = tpu.memref_slice %arg11[%dma_start3A, %dma_start3A_76] : memref<40x128xi32, #tpu.memory_space<vmem>> -> memref<1x128xi32, #tpu.memory_space<vmem>>
      %dma_start3A_78 = tpu.memref_squeeze %dma_start3A_77 : memref<1x128xi32, #tpu.memory_space<vmem>> -> memref<128xi32, #tpu.memory_space<vmem>>
      %dma_start3A_79 = arith.constant 0 : i32
      %dma_start3A_80 = arith.constant 0 : i32
      %dma_start3A_81 = tpu.memref_slice %arg2[%dma_start3A_79, %dma_start3A_80] : memref<20480x64xf32, #tpu.memory_space<hbm>> -> memref<20480x64xf32, #tpu.memory_space<hbm>>
      tpu.enqueue_indirect_dma source(%dma_start3A_81 : memref<20480x64xf32, #tpu.memory_space<hbm>>) target(%arg13 : memref<128x64xf32, #tpu.memory_space<vmem>>) offsets(%dma_start3A_78 : memref<128xi32, #tpu.memory_space<vmem>>) semaphore(%arg18 : memref<!tpu.dma_semaphore, #tpu.memory_space<semaphore_mem>>)
      %dma_start3A_82 = arith.constant 1 : i32
      %dma_start3A_83 = arith.constant 0 : i32
      %dma_start3A_84 = tpu.memref_slice %arg11[%dma_start3A_82, %dma_start3A_83] : memref<40x128xi32, #tpu.memory_space<vmem>> -> memref<1x128xi32, #tpu.memory_space<vmem>>
      %dma_start3A_85 = tpu.memref_squeeze %dma_start3A_84 : memref<1x128xi32, #tpu.memory_space<vmem>> -> memref<128xi32, #tpu.memory_space<vmem>>
      %dma_start3A_86 = arith.constant 0 : i32
      %dma_start3A_87 = arith.constant 0 : i32
      %dma_start3A_88 = tpu.memref_slice %arg2[%dma_start3A_86, %dma_start3A_87] : memref<20480x64xf32, #tpu.memory_space<hbm>> -> memref<20480x64xf32, #tpu.memory_space<hbm>>
      tpu.enqueue_indirect_dma source(%dma_start3A_88 : memref<20480x64xf32, #tpu.memory_space<hbm>>) target(%arg14 : memref<128x64xf32, #tpu.memory_space<vmem>>) offsets(%dma_start3A_85 : memref<128xi32, #tpu.memory_space<vmem>>) semaphore(%arg19 : memref<!tpu.dma_semaphore, #tpu.memory_space<semaphore_mem>>)
      %dma_start3A_89 = arith.constant 2 : i32
      %dma_start3A_90 = arith.constant 0 : i32
      %dma_start3A_91 = tpu.memref_slice %arg11[%dma_start3A_89, %dma_start3A_90] : memref<40x128xi32, #tpu.memory_space<vmem>> -> memref<1x128xi32, #tpu.memory_space<vmem>>
      %dma_start3A_92 = tpu.memref_squeeze %dma_start3A_91 : memref<1x128xi32, #tpu.memory_space<vmem>> -> memref<128xi32, #tpu.memory_space<vmem>>
      %dma_start3A_93 = arith.constant 0 : i32
      %dma_start3A_94 = arith.constant 0 : i32
      %dma_start3A_95 = tpu.memref_slice %arg2[%dma_start3A_93, %dma_start3A_94] : memref<20480x64xf32, #tpu.memory_space<hbm>> -> memref<20480x64xf32, #tpu.memory_space<hbm>>
      tpu.enqueue_indirect_dma source(%dma_start3A_95 : memref<20480x64xf32, #tpu.memory_space<hbm>>) target(%arg15 : memref<128x64xf32, #tpu.memory_space<vmem>>) offsets(%dma_start3A_92 : memref<128xi32, #tpu.memory_space<vmem>>) semaphore(%arg20 : memref<!tpu.dma_semaphore, #tpu.memory_space<semaphore_mem>>)
      %scan3A_96 = arith.constant 0 : i32
      %scan3A_97 = arith.constant 0 : i32
      %scan3A_98 = arith.constant 10 : i32
      %scan3A_99 = arith.addi %scan3A_97, %scan3A_98 : i32
      %scan3A_100 = arith.constant 1 : i32
      %scan3A_101 = scf.for %scan3A_110 = %scan3A_97 to %scan3A_99 step %scan3A_100 iter_args(%scan3A_111 = %scan3A_96) -> (i32)  : i32 {
        %mul3A_112 = arith.constant 4 : i32
        %mul3A_113 = arith.muli %mul3A_112, %scan3A_110 : i32
        %add3A_114 = arith.constant 0 : i32
        %add3A_115 = arith.addi %mul3A_113, %add3A_114 : i32
        %dma_wait3A_116 = arith.constant 0 : i32
        %dma_wait3A_117 = tpu.memref_slice %arg11[%add3A_115, %dma_wait3A_116] : memref<40x128xi32, #tpu.memory_space<vmem>> -> memref<1x128xi32, #tpu.memory_space<vmem>>
        %dma_wait3A_118 = tpu.memref_squeeze %dma_wait3A_117 : memref<1x128xi32, #tpu.memory_space<vmem>> -> memref<128xi32, #tpu.memory_space<vmem>>
        %dma_wait3A_119 = arith.constant 0 : i32
        %dma_wait3A_120 = arith.constant 0 : i32
        %dma_wait3A_121 = tpu.memref_slice %arg2[%dma_wait3A_119, %dma_wait3A_120] : memref<20480x64xf32, #tpu.memory_space<hbm>> -> memref<20480x64xf32, #tpu.memory_space<hbm>>
        tpu.wait_indirect_dma semaphore(%arg18 : memref<!tpu.dma_semaphore, #tpu.memory_space<semaphore_mem>>) src(%dma_wait3A_121 : memref<20480x64xf32, #tpu.memory_space<hbm>>) dst(%arg13 : memref<128x64xf32, #tpu.memory_space<vmem>>)
        %dma_start3A_122 = arith.constant 0 : i32
        %dma_start3A_123 = tpu.memref_slice %arg12[%add3A_115, %dma_start3A_122] : memref<40x128xi32, #tpu.memory_space<vmem>> -> memref<1x128xi32, #tpu.memory_space<vmem>>
        %dma_start3A_124 = tpu.memref_squeeze %dma_start3A_123 : memref<1x128xi32, #tpu.memory_space<vmem>> -> memref<128xi32, #tpu.memory_space<vmem>>
        %dma_start3A_125 = arith.constant 0 : i32
        %dma_start3A_126 = arith.constant 0 : i32
        %dma_start3A_127 = tpu.memref_slice %arg9[%dma_start3A_125, %dma_start3A_126] : memref<10240x64xf32, #tpu.memory_space<vmem_shared>> -> memref<10240x64xf32, #tpu.memory_space<vmem_shared>>
        tpu.enqueue_indirect_dma source(%arg13 : memref<128x64xf32, #tpu.memory_space<vmem>>) target(%dma_start3A_127 : memref<10240x64xf32, #tpu.memory_space<vmem_shared>>) offsets(%dma_start3A_124 : memref<128xi32, #tpu.memory_space<vmem>>) semaphore(%arg22 : memref<!tpu.dma_semaphore, #tpu.memory_space<semaphore_mem>>) {add = true}
        %ge3A = arith.constant 1 : i32
        %ge3A_128 = arith.cmpi sge, %add3A_115, %ge3A : i32
        %convert_element_type3A = arith.extui %ge3A_128 : i1 to i32
        %cond3A = arith.constant 0 : i32
        %cond3A_129 = arith.cmpi ne, %convert_element_type3A, %cond3A : i32
        scf.if %cond3A_129 {
          %dma_wait3A_221 = arith.constant 0 : i32
          %dma_wait3A_222 = arith.constant 0 : i32
          %dma_wait3A_223 = tpu.memref_slice %arg12[%dma_wait3A_221, %dma_wait3A_222] : memref<40x128xi32, #tpu.memory_space<vmem>> -> memref<1x128xi32, #tpu.memory_space<vmem>>
          %dma_wait3A_224 = tpu.memref_squeeze %dma_wait3A_223 : memref<1x128xi32, #tpu.memory_space<vmem>> -> memref<128xi32, #tpu.memory_space<vmem>>
          %dma_wait3A_225 = arith.constant 0 : i32
          %dma_wait3A_226 = arith.constant 0 : i32
          %dma_wait3A_227 = tpu.memref_slice %arg9[%dma_wait3A_225, %dma_wait3A_226] : memref<10240x64xf32, #tpu.memory_space<vmem_shared>> -> memref<10240x64xf32, #tpu.memory_space<vmem_shared>>
          tpu.wait_indirect_dma semaphore(%arg25 : memref<!tpu.dma_semaphore, #tpu.memory_space<semaphore_mem>>) src(%arg16 : memref<128x64xf32, #tpu.memory_space<vmem>>) dst(%dma_wait3A_227 : memref<10240x64xf32, #tpu.memory_space<vmem_shared>>)
        } else {
        }
        %add3A_130 = arith.constant 3 : i32
        %add3A_131 = arith.addi %add3A_115, %add3A_130 : i32
        %lt3A = arith.constant 40 : i32
        %lt3A_132 = arith.cmpi slt, %add3A_131, %lt3A : i32
        %convert_element_type3A_133 = arith.extui %lt3A_132 : i1 to i32
        %cond3A_134 = arith.constant 0 : i32
        %cond3A_135 = arith.cmpi ne, %convert_element_type3A_133, %cond3A_134 : i32
        scf.if %cond3A_135 {
          %add3A_221 = arith.constant 3 : i32
          %add3A_222 = arith.addi %add3A_115, %add3A_221 : i32
          %dma_start3A_223 = arith.constant 0 : i32
          %dma_start3A_224 = tpu.memref_slice %arg11[%add3A_222, %dma_start3A_223] : memref<40x128xi32, #tpu.memory_space<vmem>> -> memref<1x128xi32, #tpu.memory_space<vmem>>
          %dma_start3A_225 = tpu.memref_squeeze %dma_start3A_224 : memref<1x128xi32, #tpu.memory_space<vmem>> -> memref<128xi32, #tpu.memory_space<vmem>>
          %dma_start3A_226 = arith.constant 0 : i32
          %dma_start3A_227 = arith.constant 0 : i32
          %dma_start3A_228 = tpu.memref_slice %arg2[%dma_start3A_226, %dma_start3A_227] : memref<20480x64xf32, #tpu.memory_space<hbm>> -> memref<20480x64xf32, #tpu.memory_space<hbm>>
          tpu.enqueue_indirect_dma source(%dma_start3A_228 : memref<20480x64xf32, #tpu.memory_space<hbm>>) target(%arg16 : memref<128x64xf32, #tpu.memory_space<vmem>>) offsets(%dma_start3A_225 : memref<128xi32, #tpu.memory_space<vmem>>) semaphore(%arg21 : memref<!tpu.dma_semaphore, #tpu.memory_space<semaphore_mem>>)
        } else {
        }
        %mul3A_136 = arith.constant 4 : i32
        %mul3A_137 = arith.muli %mul3A_136, %scan3A_110 : i32
        %add3A_138 = arith.constant 1 : i32
        %add3A_139 = arith.addi %mul3A_137, %add3A_138 : i32
        %dma_wait3A_140 = arith.constant 0 : i32
        %dma_wait3A_141 = tpu.memref_slice %arg11[%add3A_139, %dma_wait3A_140] : memref<40x128xi32, #tpu.memory_space<vmem>> -> memref<1x128xi32, #tpu.memory_space<vmem>>
        %dma_wait3A_142 = tpu.memref_squeeze %dma_wait3A_141 : memref<1x128xi32, #tpu.memory_space<vmem>> -> memref<128xi32, #tpu.memory_space<vmem>>
        %dma_wait3A_143 = arith.constant 0 : i32
        %dma_wait3A_144 = arith.constant 0 : i32
        %dma_wait3A_145 = tpu.memref_slice %arg2[%dma_wait3A_143, %dma_wait3A_144] : memref<20480x64xf32, #tpu.memory_space<hbm>> -> memref<20480x64xf32, #tpu.memory_space<hbm>>
        tpu.wait_indirect_dma semaphore(%arg19 : memref<!tpu.dma_semaphore, #tpu.memory_space<semaphore_mem>>) src(%dma_wait3A_145 : memref<20480x64xf32, #tpu.memory_space<hbm>>) dst(%arg14 : memref<128x64xf32, #tpu.memory_space<vmem>>)
        %dma_start3A_146 = arith.constant 0 : i32
        %dma_start3A_147 = tpu.memref_slice %arg12[%add3A_139, %dma_start3A_146] : memref<40x128xi32, #tpu.memory_space<vmem>> -> memref<1x128xi32, #tpu.memory_space<vmem>>
        %dma_start3A_148 = tpu.memref_squeeze %dma_start3A_147 : memref<1x128xi32, #tpu.memory_space<vmem>> -> memref<128xi32, #tpu.memory_space<vmem>>
        %dma_start3A_149 = arith.constant 0 : i32
        %dma_start3A_150 = arith.constant 0 : i32
        %dma_start3A_151 = tpu.memref_slice %arg9[%dma_start3A_149, %dma_start3A_150] : memref<10240x64xf32, #tpu.memory_space<vmem_shared>> -> memref<10240x64xf32, #tpu.memory_space<vmem_shared>>
        tpu.enqueue_indirect_dma source(%arg14 : memref<128x64xf32, #tpu.memory_space<vmem>>) target(%dma_start3A_151 : memref<10240x64xf32, #tpu.memory_space<vmem_shared>>) offsets(%dma_start3A_148 : memref<128xi32, #tpu.memory_space<vmem>>) semaphore(%arg23 : memref<!tpu.dma_semaphore, #tpu.memory_space<semaphore_mem>>) {add = true}
        %ge3A_152 = arith.constant 1 : i32
        %ge3A_153 = arith.cmpi sge, %add3A_139, %ge3A_152 : i32
        %convert_element_type3A_154 = arith.extui %ge3A_153 : i1 to i32
        %cond3A_155 = arith.constant 0 : i32
        %cond3A_156 = arith.cmpi ne, %convert_element_type3A_154, %cond3A_155 : i32
        scf.if %cond3A_156 {
          %dma_wait3A_221 = arith.constant 0 : i32
          %dma_wait3A_222 = arith.constant 0 : i32
          %dma_wait3A_223 = tpu.memref_slice %arg12[%dma_wait3A_221, %dma_wait3A_222] : memref<40x128xi32, #tpu.memory_space<vmem>> -> memref<1x128xi32, #tpu.memory_space<vmem>>
          %dma_wait3A_224 = tpu.memref_squeeze %dma_wait3A_223 : memref<1x128xi32, #tpu.memory_space<vmem>> -> memref<128xi32, #tpu.memory_space<vmem>>
          %dma_wait3A_225 = arith.constant 0 : i32
          %dma_wait3A_226 = arith.constant 0 : i32
          %dma_wait3A_227 = tpu.memref_slice %arg9[%dma_wait3A_225, %dma_wait3A_226] : memref<10240x64xf32, #tpu.memory_space<vmem_shared>> -> memref<10240x64xf32, #tpu.memory_space<vmem_shared>>
          tpu.wait_indirect_dma semaphore(%arg22 : memref<!tpu.dma_semaphore, #tpu.memory_space<semaphore_mem>>) src(%arg13 : memref<128x64xf32, #tpu.memory_space<vmem>>) dst(%dma_wait3A_227 : memref<10240x64xf32, #tpu.memory_space<vmem_shared>>)
        } else {
        }
        %add3A_157 = arith.constant 3 : i32
        %add3A_158 = arith.addi %add3A_139, %add3A_157 : i32
        %lt3A_159 = arith.constant 40 : i32
        %lt3A_160 = arith.cmpi slt, %add3A_158, %lt3A_159 : i32
        %convert_element_type3A_161 = arith.extui %lt3A_160 : i1 to i32
        %cond3A_162 = arith.constant 0 : i32
        %cond3A_163 = arith.cmpi ne, %convert_element_type3A_161, %cond3A_162 : i32
        scf.if %cond3A_163 {
          %add3A_221 = arith.constant 3 : i32
          %add3A_222 = arith.addi %add3A_139, %add3A_221 : i32
          %dma_start3A_223 = arith.constant 0 : i32
          %dma_start3A_224 = tpu.memref_slice %arg11[%add3A_222, %dma_start3A_223] : memref<40x128xi32, #tpu.memory_space<vmem>> -> memref<1x128xi32, #tpu.memory_space<vmem>>
          %dma_start3A_225 = tpu.memref_squeeze %dma_start3A_224 : memref<1x128xi32, #tpu.memory_space<vmem>> -> memref<128xi32, #tpu.memory_space<vmem>>
          %dma_start3A_226 = arith.constant 0 : i32
          %dma_start3A_227 = arith.constant 0 : i32
          %dma_start3A_228 = tpu.memref_slice %arg2[%dma_start3A_226, %dma_start3A_227] : memref<20480x64xf32, #tpu.memory_space<hbm>> -> memref<20480x64xf32, #tpu.memory_space<hbm>>
          tpu.enqueue_indirect_dma source(%dma_start3A_228 : memref<20480x64xf32, #tpu.memory_space<hbm>>) target(%arg13 : memref<128x64xf32, #tpu.memory_space<vmem>>) offsets(%dma_start3A_225 : memref<128xi32, #tpu.memory_space<vmem>>) semaphore(%arg18 : memref<!tpu.dma_semaphore, #tpu.memory_space<semaphore_mem>>)
        } else {
        }
        %mul3A_164 = arith.constant 4 : i32
        %mul3A_165 = arith.muli %mul3A_164, %scan3A_110 : i32
        %add3A_166 = arith.constant 2 : i32
        %add3A_167 = arith.addi %mul3A_165, %add3A_166 : i32
        %dma_wait3A_168 = arith.constant 0 : i32
        %dma_wait3A_169 = tpu.memref_slice %arg11[%add3A_167, %dma_wait3A_168] : memref<40x128xi32, #tpu.memory_space<vmem>> -> memref<1x128xi32, #tpu.memory_space<vmem>>
        %dma_wait3A_170 = tpu.memref_squeeze %dma_wait3A_169 : memref<1x128xi32, #tpu.memory_space<vmem>> -> memref<128xi32, #tpu.memory_space<vmem>>
        %dma_wait3A_171 = arith.constant 0 : i32
        %dma_wait3A_172 = arith.constant 0 : i32
        %dma_wait3A_173 = tpu.memref_slice %arg2[%dma_wait3A_171, %dma_wait3A_172] : memref<20480x64xf32, #tpu.memory_space<hbm>> -> memref<20480x64xf32, #tpu.memory_space<hbm>>
        tpu.wait_indirect_dma semaphore(%arg20 : memref<!tpu.dma_semaphore, #tpu.memory_space<semaphore_mem>>) src(%dma_wait3A_173 : memref<20480x64xf32, #tpu.memory_space<hbm>>) dst(%arg15 : memref<128x64xf32, #tpu.memory_space<vmem>>)
        %dma_start3A_174 = arith.constant 0 : i32
        %dma_start3A_175 = tpu.memref_slice %arg12[%add3A_167, %dma_start3A_174] : memref<40x128xi32, #tpu.memory_space<vmem>> -> memref<1x128xi32, #tpu.memory_space<vmem>>
        %dma_start3A_176 = tpu.memref_squeeze %dma_start3A_175 : memref<1x128xi32, #tpu.memory_space<vmem>> -> memref<128xi32, #tpu.memory_space<vmem>>
        %dma_start3A_177 = arith.constant 0 : i32
        %dma_start3A_178 = arith.constant 0 : i32
        %dma_start3A_179 = tpu.memref_slice %arg9[%dma_start3A_177, %dma_start3A_178] : memref<10240x64xf32, #tpu.memory_space<vmem_shared>> -> memref<10240x64xf32, #tpu.memory_space<vmem_shared>>
        tpu.enqueue_indirect_dma source(%arg15 : memref<128x64xf32, #tpu.memory_space<vmem>>) target(%dma_start3A_179 : memref<10240x64xf32, #tpu.memory_space<vmem_shared>>) offsets(%dma_start3A_176 : memref<128xi32, #tpu.memory_space<vmem>>) semaphore(%arg24 : memref<!tpu.dma_semaphore, #tpu.memory_space<semaphore_mem>>) {add = true}
        %ge3A_180 = arith.constant 1 : i32
        %ge3A_181 = arith.cmpi sge, %add3A_167, %ge3A_180 : i32
        %convert_element_type3A_182 = arith.extui %ge3A_181 : i1 to i32
        %cond3A_183 = arith.constant 0 : i32
        %cond3A_184 = arith.cmpi ne, %convert_element_type3A_182, %cond3A_183 : i32
        scf.if %cond3A_184 {
          %dma_wait3A_221 = arith.constant 0 : i32
          %dma_wait3A_222 = arith.constant 0 : i32
          %dma_wait3A_223 = tpu.memref_slice %arg12[%dma_wait3A_221, %dma_wait3A_222] : memref<40x128xi32, #tpu.memory_space<vmem>> -> memref<1x128xi32, #tpu.memory_space<vmem>>
          %dma_wait3A_224 = tpu.memref_squeeze %dma_wait3A_223 : memref<1x128xi32, #tpu.memory_space<vmem>> -> memref<128xi32, #tpu.memory_space<vmem>>
          %dma_wait3A_225 = arith.constant 0 : i32
          %dma_wait3A_226 = arith.constant 0 : i32
          %dma_wait3A_227 = tpu.memref_slice %arg9[%dma_wait3A_225, %dma_wait3A_226] : memref<10240x64xf32, #tpu.memory_space<vmem_shared>> -> memref<10240x64xf32, #tpu.memory_space<vmem_shared>>
          tpu.wait_indirect_dma semaphore(%arg23 : memref<!tpu.dma_semaphore, #tpu.memory_space<semaphore_mem>>) src(%arg14 : memref<128x64xf32, #tpu.memory_space<vmem>>) dst(%dma_wait3A_227 : memref<10240x64xf32, #tpu.memory_space<vmem_shared>>)
        } else {
        }
        %add3A_185 = arith.constant 3 : i32
        %add3A_186 = arith.addi %add3A_167, %add3A_185 : i32
        %lt3A_187 = arith.constant 40 : i32
        %lt3A_188 = arith.cmpi slt, %add3A_186, %lt3A_187 : i32
        %convert_element_type3A_189 = arith.extui %lt3A_188 : i1 to i32
        %cond3A_190 = arith.constant 0 : i32
        %cond3A_191 = arith.cmpi ne, %convert_element_type3A_189, %cond3A_190 : i32
        scf.if %cond3A_191 {
          %add3A_221 = arith.constant 3 : i32
          %add3A_222 = arith.addi %add3A_167, %add3A_221 : i32
          %dma_start3A_223 = arith.constant 0 : i32
          %dma_start3A_224 = tpu.memref_slice %arg11[%add3A_222, %dma_start3A_223] : memref<40x128xi32, #tpu.memory_space<vmem>> -> memref<1x128xi32, #tpu.memory_space<vmem>>
          %dma_start3A_225 = tpu.memref_squeeze %dma_start3A_224 : memref<1x128xi32, #tpu.memory_space<vmem>> -> memref<128xi32, #tpu.memory_space<vmem>>
          %dma_start3A_226 = arith.constant 0 : i32
          %dma_start3A_227 = arith.constant 0 : i32
          %dma_start3A_228 = tpu.memref_slice %arg2[%dma_start3A_226, %dma_start3A_227] : memref<20480x64xf32, #tpu.memory_space<hbm>> -> memref<20480x64xf32, #tpu.memory_space<hbm>>
          tpu.enqueue_indirect_dma source(%dma_start3A_228 : memref<20480x64xf32, #tpu.memory_space<hbm>>) target(%arg14 : memref<128x64xf32, #tpu.memory_space<vmem>>) offsets(%dma_start3A_225 : memref<128xi32, #tpu.memory_space<vmem>>) semaphore(%arg19 : memref<!tpu.dma_semaphore, #tpu.memory_space<semaphore_mem>>)
        } else {
        }
        %mul3A_192 = arith.constant 4 : i32
        %mul3A_193 = arith.muli %mul3A_192, %scan3A_110 : i32
        %add3A_194 = arith.constant 3 : i32
        %add3A_195 = arith.addi %mul3A_193, %add3A_194 : i32
        %dma_wait3A_196 = arith.constant 0 : i32
        %dma_wait3A_197 = tpu.memref_slice %arg11[%add3A_195, %dma_wait3A_196] : memref<40x128xi32, #tpu.memory_space<vmem>> -> memref<1x128xi32, #tpu.memory_space<vmem>>
        %dma_wait3A_198 = tpu.memref_squeeze %dma_wait3A_197 : memref<1x128xi32, #tpu.memory_space<vmem>> -> memref<128xi32, #tpu.memory_space<vmem>>
        %dma_wait3A_199 = arith.constant 0 : i32
        %dma_wait3A_200 = arith.constant 0 : i32
        %dma_wait3A_201 = tpu.memref_slice %arg2[%dma_wait3A_199, %dma_wait3A_200] : memref<20480x64xf32, #tpu.memory_space<hbm>> -> memref<20480x64xf32, #tpu.memory_space<hbm>>
        tpu.wait_indirect_dma semaphore(%arg21 : memref<!tpu.dma_semaphore, #tpu.memory_space<semaphore_mem>>) src(%dma_wait3A_201 : memref<20480x64xf32, #tpu.memory_space<hbm>>) dst(%arg16 : memref<128x64xf32, #tpu.memory_space<vmem>>)
        %dma_start3A_202 = arith.constant 0 : i32
        %dma_start3A_203 = tpu.memref_slice %arg12[%add3A_195, %dma_start3A_202] : memref<40x128xi32, #tpu.memory_space<vmem>> -> memref<1x128xi32, #tpu.memory_space<vmem>>
        %dma_start3A_204 = tpu.memref_squeeze %dma_start3A_203 : memref<1x128xi32, #tpu.memory_space<vmem>> -> memref<128xi32, #tpu.memory_space<vmem>>
        %dma_start3A_205 = arith.constant 0 : i32
        %dma_start3A_206 = arith.constant 0 : i32
        %dma_start3A_207 = tpu.memref_slice %arg9[%dma_start3A_205, %dma_start3A_206] : memref<10240x64xf32, #tpu.memory_space<vmem_shared>> -> memref<10240x64xf32, #tpu.memory_space<vmem_shared>>
        tpu.enqueue_indirect_dma source(%arg16 : memref<128x64xf32, #tpu.memory_space<vmem>>) target(%dma_start3A_207 : memref<10240x64xf32, #tpu.memory_space<vmem_shared>>) offsets(%dma_start3A_204 : memref<128xi32, #tpu.memory_space<vmem>>) semaphore(%arg25 : memref<!tpu.dma_semaphore, #tpu.memory_space<semaphore_mem>>) {add = true}
        %ge3A_208 = arith.constant 1 : i32
        %ge3A_209 = arith.cmpi sge, %add3A_195, %ge3A_208 : i32
        %convert_element_type3A_210 = arith.extui %ge3A_209 : i1 to i32
        %cond3A_211 = arith.constant 0 : i32
        %cond3A_212 = arith.cmpi ne, %convert_element_type3A_210, %cond3A_211 : i32
        scf.if %cond3A_212 {
          %dma_wait3A_221 = arith.constant 0 : i32
          %dma_wait3A_222 = arith.constant 0 : i32
          %dma_wait3A_223 = tpu.memref_slice %arg12[%dma_wait3A_221, %dma_wait3A_222] : memref<40x128xi32, #tpu.memory_space<vmem>> -> memref<1x128xi32, #tpu.memory_space<vmem>>
          %dma_wait3A_224 = tpu.memref_squeeze %dma_wait3A_223 : memref<1x128xi32, #tpu.memory_space<vmem>> -> memref<128xi32, #tpu.memory_space<vmem>>
          %dma_wait3A_225 = arith.constant 0 : i32
          %dma_wait3A_226 = arith.constant 0 : i32
          %dma_wait3A_227 = tpu.memref_slice %arg9[%dma_wait3A_225, %dma_wait3A_226] : memref<10240x64xf32, #tpu.memory_space<vmem_shared>> -> memref<10240x64xf32, #tpu.memory_space<vmem_shared>>
          tpu.wait_indirect_dma semaphore(%arg24 : memref<!tpu.dma_semaphore, #tpu.memory_space<semaphore_mem>>) src(%arg15 : memref<128x64xf32, #tpu.memory_space<vmem>>) dst(%dma_wait3A_227 : memref<10240x64xf32, #tpu.memory_space<vmem_shared>>)
        } else {
        }
        %add3A_213 = arith.constant 3 : i32
        %add3A_214 = arith.addi %add3A_195, %add3A_213 : i32
        %lt3A_215 = arith.constant 40 : i32
        %lt3A_216 = arith.cmpi slt, %add3A_214, %lt3A_215 : i32
        %convert_element_type3A_217 = arith.extui %lt3A_216 : i1 to i32
        %cond3A_218 = arith.constant 0 : i32
        %cond3A_219 = arith.cmpi ne, %convert_element_type3A_217, %cond3A_218 : i32
        scf.if %cond3A_219 {
          %add3A_221 = arith.constant 3 : i32
          %add3A_222 = arith.addi %add3A_195, %add3A_221 : i32
          %dma_start3A_223 = arith.constant 0 : i32
          %dma_start3A_224 = tpu.memref_slice %arg11[%add3A_222, %dma_start3A_223] : memref<40x128xi32, #tpu.memory_space<vmem>> -> memref<1x128xi32, #tpu.memory_space<vmem>>
          %dma_start3A_225 = tpu.memref_squeeze %dma_start3A_224 : memref<1x128xi32, #tpu.memory_space<vmem>> -> memref<128xi32, #tpu.memory_space<vmem>>
          %dma_start3A_226 = arith.constant 0 : i32
          %dma_start3A_227 = arith.constant 0 : i32
          %dma_start3A_228 = tpu.memref_slice %arg2[%dma_start3A_226, %dma_start3A_227] : memref<20480x64xf32, #tpu.memory_space<hbm>> -> memref<20480x64xf32, #tpu.memory_space<hbm>>
          tpu.enqueue_indirect_dma source(%dma_start3A_228 : memref<20480x64xf32, #tpu.memory_space<hbm>>) target(%arg15 : memref<128x64xf32, #tpu.memory_space<vmem>>) offsets(%dma_start3A_225 : memref<128xi32, #tpu.memory_space<vmem>>) semaphore(%arg20 : memref<!tpu.dma_semaphore, #tpu.memory_space<semaphore_mem>>)
        } else {
        }
        %scan3A_220 = arith.constant 0 : i32
        scf.yield %scan3A_220 : i32
      }
      %scan3A_102 = arith.constant 10 : i32
      %dma_wait3A = arith.constant 0 : i32
      %dma_wait3A_103 = arith.constant 0 : i32
      %dma_wait3A_104 = tpu.memref_slice %arg12[%dma_wait3A, %dma_wait3A_103] : memref<40x128xi32, #tpu.memory_space<vmem>> -> memref<1x128xi32, #tpu.memory_space<vmem>>
      %dma_wait3A_105 = tpu.memref_squeeze %dma_wait3A_104 : memref<1x128xi32, #tpu.memory_space<vmem>> -> memref<128xi32, #tpu.memory_space<vmem>>
      %dma_wait3A_106 = arith.constant 0 : i32
      %dma_wait3A_107 = arith.constant 0 : i32
      %dma_wait3A_108 = tpu.memref_slice %arg9[%dma_wait3A_106, %dma_wait3A_107] : memref<10240x64xf32, #tpu.memory_space<vmem_shared>> -> memref<10240x64xf32, #tpu.memory_space<vmem_shared>>
      tpu.wait_indirect_dma semaphore(%arg25 : memref<!tpu.dma_semaphore, #tpu.memory_space<semaphore_mem>>) src(%arg16 : memref<128x64xf32, #tpu.memory_space<vmem>>) dst(%dma_wait3A_108 : memref<10240x64xf32, #tpu.memory_space<vmem_shared>>)
      %scan3A_109 = arith.constant 0 : i32
      scf.yield %scan3A_109 : i32
    }
    %scan3A_36 = arith.constant 4 : i32
    "tpu.trace_stop"() : () -> ()
    %barrier3A_37 = arith.constant 0 : index
    tpu.barrier barrier_id(%barrier3A_37)
    "tpu.trace_start"() <{level = 10 : i32, message = "p2_norm"}> : () -> ()
    %mul3A_38 = arith.constant 10240 : i32
    %mul3A_39 = arith.muli %arg0, %mul3A_38 : i32
    %scan3A_40 = arith.constant 0 : i32
    %scan3A_41 = arith.constant 0 : i32
    %scan3A_42 = arith.constant 5 : i32
    %scan3A_43 = arith.addi %scan3A_41, %scan3A_42 : i32
    %scan3A_44 = arith.constant 1 : i32
    %scan3A_45 = scf.for %scan3A_63 = %scan3A_41 to %scan3A_43 step %scan3A_44 iter_args(%scan3A_64 = %scan3A_40) -> (i32)  : i32 {
      %mul3A_65 = arith.constant 128 : i32
      %mul3A_66 = arith.muli %mul3A_65, %scan3A_63 : i32
      %add3A_67 = arith.addi %mul3A_0, %mul3A_66 : i32
      "tpu.region"() ({
        %run_scoped3A = tpu.sem_alloc : memref<!tpu.dma_semaphore, #tpu.memory_space<semaphore_mem>>
        %dma_start3A = arith.constant 0 : i32
        %dma_start3A_76 = tpu.memref_slice %arg5[%add3A_67, %dma_start3A] : memref<10240x16xf32, #tpu.memory_space<hbm>> -> memref<128x16xf32, #tpu.memory_space<hbm>>
        %dma_start3A_77 = arith.constant 0 : i32
        %dma_start3A_78 = tpu.memref_slice %arg5[%add3A_67, %dma_start3A_77] : memref<10240x16xf32, #tpu.memory_space<hbm>> -> memref<128x16xf32, #tpu.memory_space<hbm>>
        tpu.enqueue_dma source(%dma_start3A_78 : memref<128x16xf32, #tpu.memory_space<hbm>>) target(%arg17 : memref<128x16xf32, #tpu.memory_space<vmem>>) target_semaphore(%run_scoped3A : memref<!tpu.dma_semaphore, #tpu.memory_space<semaphore_mem>>)
        %dma_wait3A = arith.constant 0 : i32
        %dma_wait3A_79 = tpu.memref_slice %arg5[%add3A_67, %dma_wait3A] : memref<10240x16xf32, #tpu.memory_space<hbm>> -> memref<128x16xf32, #tpu.memory_space<hbm>>
        %dma_wait3A_80 = arith.constant 0 : i32
        %dma_wait3A_81 = tpu.memref_slice %arg5[%add3A_67, %dma_wait3A_80] : memref<10240x16xf32, #tpu.memory_space<hbm>> -> memref<128x16xf32, #tpu.memory_space<hbm>>
        tpu.wait_dma2 semaphore(%run_scoped3A : memref<!tpu.dma_semaphore, #tpu.memory_space<semaphore_mem>>) src(%dma_wait3A_81 : memref<128x16xf32, #tpu.memory_space<hbm>>) dst(%arg17 : memref<128x16xf32, #tpu.memory_space<vmem>>)
        tpu.yield
      }) : () -> ()
      "tpu.region"() ({
        %run_scoped3A = tpu.sem_alloc : memref<!tpu.dma_semaphore, #tpu.memory_space<semaphore_mem>>
        %dma_start3A = arith.constant 0 : i32
        %dma_start3A_76 = tpu.memref_slice %arg9[%add3A_67, %dma_start3A] : memref<10240x64xf32, #tpu.memory_space<vmem_shared>> -> memref<128x64xf32, #tpu.memory_space<vmem_shared>>
        %dma_start3A_77 = arith.constant 0 : i32
        %dma_start3A_78 = tpu.memref_slice %arg9[%add3A_67, %dma_start3A_77] : memref<10240x64xf32, #tpu.memory_space<vmem_shared>> -> memref<128x64xf32, #tpu.memory_space<vmem_shared>>
        tpu.enqueue_dma source(%dma_start3A_78 : memref<128x64xf32, #tpu.memory_space<vmem_shared>>) target(%arg13 : memref<128x64xf32, #tpu.memory_space<vmem>>) target_semaphore(%run_scoped3A : memref<!tpu.dma_semaphore, #tpu.memory_space<semaphore_mem>>)
        %dma_wait3A = arith.constant 0 : i32
        %dma_wait3A_79 = tpu.memref_slice %arg9[%add3A_67, %dma_wait3A] : memref<10240x64xf32, #tpu.memory_space<vmem_shared>> -> memref<128x64xf32, #tpu.memory_space<vmem_shared>>
        %dma_wait3A_80 = arith.constant 0 : i32
        %dma_wait3A_81 = tpu.memref_slice %arg9[%add3A_67, %dma_wait3A_80] : memref<10240x64xf32, #tpu.memory_space<vmem_shared>> -> memref<128x64xf32, #tpu.memory_space<vmem_shared>>
        tpu.wait_dma2 semaphore(%run_scoped3A : memref<!tpu.dma_semaphore, #tpu.memory_space<semaphore_mem>>) src(%dma_wait3A_81 : memref<128x64xf32, #tpu.memory_space<vmem_shared>>) dst(%arg13 : memref<128x64xf32, #tpu.memory_space<vmem>>)
        tpu.yield
      }) : () -> ()
      %scan3A_68 = arith.constant 0 : i32
      %scan3A_69 = arith.constant 0 : i32
      %scan3A_70 = arith.constant 128 : i32
      %scan3A_71 = arith.addi %scan3A_69, %scan3A_70 : i32
      %scan3A_72 = arith.constant 1 : i32
      %scan3A_73 = scf.for %scan3A_76 = %scan3A_69 to %scan3A_71 step %scan3A_72 iter_args(%scan3A_77 = %scan3A_68) -> (i32)  : i32 {
        %get3A = arith.index_cast %scan3A_76 : i32 to index
        %get3A_78 = arith.constant 0 : index
        %get3A_79 = tpu.vector_load %arg17[%get3A, %get3A_78] {strides = array<i32>} : memref<128x16xf32, #tpu.memory_space<vmem>>, vector<1x16xf32>,
        %get3A_80 = vector.shape_cast %get3A_79 : vector<1x16xf32> to vector<16xf32>
        %get3A_81 = arith.index_cast %scan3A_76 : i32 to index
        %get3A_82 = arith.constant 0 : index
        %get3A_83 = tpu.vector_load %arg13[%get3A_81, %get3A_82] {strides = array<i32>} : memref<128x64xf32, #tpu.memory_space<vmem>>, vector<1x16xf32>,
        %get3A_84 = vector.shape_cast %get3A_83 : vector<1x16xf32> to vector<16xf32>
        %mul3A_85 = arith.mulf %get3A_84, %get3A_80 : vector<16xf32>
        %swap3A = arith.index_cast %scan3A_76 : i32 to index
        %swap3A_86 = arith.constant 0 : index
        %swap3A_87 = tpu.vector_load %arg13[%swap3A, %swap3A_86] {strides = array<i32>} : memref<128x64xf32, #tpu.memory_space<vmem>>, vector<1x16xf32>,
        %swap3A_88 = vector.shape_cast %swap3A_87 : vector<1x16xf32> to vector<16xf32>
        %swap3A_89 = vector.shape_cast %mul3A_85 : vector<16xf32> to vector<1x16xf32>
        tpu.vector_store %arg13[%swap3A, %swap3A_86], %swap3A_89 {strides = array<i32>} : memref<128x64xf32, #tpu.memory_space<vmem>>, vector<1x16xf32>,
        %get3A_90 = arith.index_cast %scan3A_76 : i32 to index
        %get3A_91 = arith.constant 16 : index
        %get3A_92 = tpu.vector_load %arg13[%get3A_90, %get3A_91] {strides = array<i32>} : memref<128x64xf32, #tpu.memory_space<vmem>>, vector<1x16xf32>,
        %get3A_93 = vector.shape_cast %get3A_92 : vector<1x16xf32> to vector<16xf32>
        %mul3A_94 = arith.mulf %get3A_93, %get3A_80 : vector<16xf32>
        %swap3A_95 = arith.index_cast %scan3A_76 : i32 to index
        %swap3A_96 = arith.constant 16 : index
        %swap3A_97 = tpu.vector_load %arg13[%swap3A_95, %swap3A_96] {strides = array<i32>} : memref<128x64xf32, #tpu.memory_space<vmem>>, vector<1x16xf32>,
        %swap3A_98 = vector.shape_cast %swap3A_97 : vector<1x16xf32> to vector<16xf32>
        %swap3A_99 = vector.shape_cast %mul3A_94 : vector<16xf32> to vector<1x16xf32>
        tpu.vector_store %arg13[%swap3A_95, %swap3A_96], %swap3A_99 {strides = array<i32>} : memref<128x64xf32, #tpu.memory_space<vmem>>, vector<1x16xf32>,
        %get3A_100 = arith.index_cast %scan3A_76 : i32 to index
        %get3A_101 = arith.constant 32 : index
        %get3A_102 = tpu.vector_load %arg13[%get3A_100, %get3A_101] {strides = array<i32>} : memref<128x64xf32, #tpu.memory_space<vmem>>, vector<1x16xf32>,
        %get3A_103 = vector.shape_cast %get3A_102 : vector<1x16xf32> to vector<16xf32>
        %mul3A_104 = arith.mulf %get3A_103, %get3A_80 : vector<16xf32>
        %swap3A_105 = arith.index_cast %scan3A_76 : i32 to index
        %swap3A_106 = arith.constant 32 : index
        %swap3A_107 = tpu.vector_load %arg13[%swap3A_105, %swap3A_106] {strides = array<i32>} : memref<128x64xf32, #tpu.memory_space<vmem>>, vector<1x16xf32>,
        %swap3A_108 = vector.shape_cast %swap3A_107 : vector<1x16xf32> to vector<16xf32>
        %swap3A_109 = vector.shape_cast %mul3A_104 : vector<16xf32> to vector<1x16xf32>
        tpu.vector_store %arg13[%swap3A_105, %swap3A_106], %swap3A_109 {strides = array<i32>} : memref<128x64xf32, #tpu.memory_space<vmem>>, vector<1x16xf32>,
        %get3A_110 = arith.index_cast %scan3A_76 : i32 to index
        %get3A_111 = arith.constant 48 : index
        %get3A_112 = tpu.vector_load %arg13[%get3A_110, %get3A_111] {strides = array<i32>} : memref<128x64xf32, #tpu.memory_space<vmem>>, vector<1x16xf32>,
        %get3A_113 = vector.shape_cast %get3A_112 : vector<1x16xf32> to vector<16xf32>
        %mul3A_114 = arith.mulf %get3A_113, %get3A_80 : vector<16xf32>
        %swap3A_115 = arith.index_cast %scan3A_76 : i32 to index
        %swap3A_116 = arith.constant 48 : index
        %swap3A_117 = tpu.vector_load %arg13[%swap3A_115, %swap3A_116] {strides = array<i32>} : memref<128x64xf32, #tpu.memory_space<vmem>>, vector<1x16xf32>,
        %swap3A_118 = vector.shape_cast %swap3A_117 : vector<1x16xf32> to vector<16xf32>
        %swap3A_119 = vector.shape_cast %mul3A_114 : vector<16xf32> to vector<1x16xf32>
        tpu.vector_store %arg13[%swap3A_115, %swap3A_116], %swap3A_119 {strides = array<i32>} : memref<128x64xf32, #tpu.memory_space<vmem>>, vector<1x16xf32>,
        %scan3A_120 = arith.constant 0 : i32
        scf.yield %scan3A_120 : i32
      }
      %scan3A_74 = arith.constant 128 : i32
      "tpu.region"() ({
        %run_scoped3A = tpu.sem_alloc : memref<!tpu.dma_semaphore, #tpu.memory_space<semaphore_mem>>
        %dma_start3A = arith.constant 0 : i32
        %dma_start3A_76 = tpu.memref_slice %arg8[%mul3A_39, %dma_start3A] : memref<20480x64xf32, #tpu.memory_space<hbm>> -> memref<10240x64xf32, #tpu.memory_space<hbm>>
        %dma_start3A_77 = arith.constant 0 : i32
        %dma_start3A_78 = tpu.memref_slice %dma_start3A_76[%add3A_67, %dma_start3A_77] : memref<10240x64xf32, #tpu.memory_space<hbm>> -> memref<128x64xf32, #tpu.memory_space<hbm>>
        %dma_start3A_79 = arith.constant 0 : i32
        %dma_start3A_80 = tpu.memref_slice %arg8[%mul3A_39, %dma_start3A_79] : memref<20480x64xf32, #tpu.memory_space<hbm>> -> memref<10240x64xf32, #tpu.memory_space<hbm>>
        %dma_start3A_81 = arith.constant 0 : i32
        %dma_start3A_82 = tpu.memref_slice %dma_start3A_80[%add3A_67, %dma_start3A_81] : memref<10240x64xf32, #tpu.memory_space<hbm>> -> memref<128x64xf32, #tpu.memory_space<hbm>>
        tpu.enqueue_dma source(%arg13 : memref<128x64xf32, #tpu.memory_space<vmem>>) target(%dma_start3A_82 : memref<128x64xf32, #tpu.memory_space<hbm>>) target_semaphore(%run_scoped3A : memref<!tpu.dma_semaphore, #tpu.memory_space<semaphore_mem>>)
        %dma_wait3A = arith.constant 0 : i32
        %dma_wait3A_83 = tpu.memref_slice %arg8[%mul3A_39, %dma_wait3A] : memref<20480x64xf32, #tpu.memory_space<hbm>> -> memref<10240x64xf32, #tpu.memory_space<hbm>>
        %dma_wait3A_84 = arith.constant 0 : i32
        %dma_wait3A_85 = tpu.memref_slice %dma_wait3A_83[%add3A_67, %dma_wait3A_84] : memref<10240x64xf32, #tpu.memory_space<hbm>> -> memref<128x64xf32, #tpu.memory_space<hbm>>
        %dma_wait3A_86 = arith.constant 0 : i32
        %dma_wait3A_87 = tpu.memref_slice %arg8[%mul3A_39, %dma_wait3A_86] : memref<20480x64xf32, #tpu.memory_space<hbm>> -> memref<10240x64xf32, #tpu.memory_space<hbm>>
        %dma_wait3A_88 = arith.constant 0 : i32
        %dma_wait3A_89 = tpu.memref_slice %dma_wait3A_87[%add3A_67, %dma_wait3A_88] : memref<10240x64xf32, #tpu.memory_space<hbm>> -> memref<128x64xf32, #tpu.memory_space<hbm>>
        tpu.wait_dma2 semaphore(%run_scoped3A : memref<!tpu.dma_semaphore, #tpu.memory_space<semaphore_mem>>) src(%arg13 : memref<128x64xf32, #tpu.memory_space<vmem>>) dst(%dma_wait3A_89 : memref<128x64xf32, #tpu.memory_space<hbm>>)
        tpu.yield
      }) : () -> ()
      %scan3A_75 = arith.constant 0 : i32
      scf.yield %scan3A_75 : i32
    }
    %scan3A_46 = arith.constant 5 : i32
    "tpu.trace_stop"() : () -> ()
    %barrier3A_47 = arith.constant 0 : index
    tpu.barrier barrier_id(%barrier3A_47)
    "tpu.trace_start"() <{level = 10 : i32, message = "p3_scatter"}> : () -> ()
    %scan3A_48 = arith.constant 0 : i32
    %scan3A_49 = arith.constant 0 : i32
    %scan3A_50 = arith.constant 4 : i32
    %scan3A_51 = arith.addi %scan3A_49, %scan3A_50 : i32
    %scan3A_52 = arith.constant 1 : i32
    %scan3A_53 = scf.for %scan3A_63 = %scan3A_49 to %scan3A_51 step %scan3A_52 iter_args(%scan3A_64 = %scan3A_48) -> (i32)  : i32 {
      %mul3A_65 = arith.constant 40 : i32
      %mul3A_66 = arith.muli %scan3A_63, %mul3A_65 : i32
      "tpu.region"() ({
        %run_scoped3A = tpu.sem_alloc : memref<!tpu.dma_semaphore, #tpu.memory_space<semaphore_mem>>
        %dma_start3A_110 = arith.constant 0 : i32
        %dma_start3A_111 = arith.constant 0 : i32
        %dma_start3A_112 = tpu.memref_slice %arg4[%arg1, %dma_start3A_110, %dma_start3A_111] : memref<16x160x128xi32, #tpu.memory_space<hbm>> -> memref<1x160x128xi32, #tpu.memory_space<hbm>>
        %dma_start3A_113 = tpu.memref_squeeze %dma_start3A_112 : memref<1x160x128xi32, #tpu.memory_space<hbm>> -> memref<160x128xi32, #tpu.memory_space<hbm>>
        %dma_start3A_114 = arith.constant 0 : i32
        %dma_start3A_115 = tpu.memref_slice %dma_start3A_113[%mul3A_66, %dma_start3A_114] : memref<160x128xi32, #tpu.memory_space<hbm>> -> memref<40x128xi32, #tpu.memory_space<hbm>>
        %dma_start3A_116 = arith.constant 0 : i32
        %dma_start3A_117 = arith.constant 0 : i32
        %dma_start3A_118 = tpu.memref_slice %arg4[%arg1, %dma_start3A_116, %dma_start3A_117] : memref<16x160x128xi32, #tpu.memory_space<hbm>> -> memref<1x160x128xi32, #tpu.memory_space<hbm>>
        %dma_start3A_119 = tpu.memref_squeeze %dma_start3A_118 : memref<1x160x128xi32, #tpu.memory_space<hbm>> -> memref<160x128xi32, #tpu.memory_space<hbm>>
        %dma_start3A_120 = arith.constant 0 : i32
        %dma_start3A_121 = tpu.memref_slice %dma_start3A_119[%mul3A_66, %dma_start3A_120] : memref<160x128xi32, #tpu.memory_space<hbm>> -> memref<40x128xi32, #tpu.memory_space<hbm>>
        tpu.enqueue_dma source(%dma_start3A_121 : memref<40x128xi32, #tpu.memory_space<hbm>>) target(%arg11 : memref<40x128xi32, #tpu.memory_space<vmem>>) target_semaphore(%run_scoped3A : memref<!tpu.dma_semaphore, #tpu.memory_space<semaphore_mem>>)
        %dma_wait3A_122 = arith.constant 0 : i32
        %dma_wait3A_123 = arith.constant 0 : i32
        %dma_wait3A_124 = tpu.memref_slice %arg4[%arg1, %dma_wait3A_122, %dma_wait3A_123] : memref<16x160x128xi32, #tpu.memory_space<hbm>> -> memref<1x160x128xi32, #tpu.memory_space<hbm>>
        %dma_wait3A_125 = tpu.memref_squeeze %dma_wait3A_124 : memref<1x160x128xi32, #tpu.memory_space<hbm>> -> memref<160x128xi32, #tpu.memory_space<hbm>>
        %dma_wait3A_126 = arith.constant 0 : i32
        %dma_wait3A_127 = tpu.memref_slice %dma_wait3A_125[%mul3A_66, %dma_wait3A_126] : memref<160x128xi32, #tpu.memory_space<hbm>> -> memref<40x128xi32, #tpu.memory_space<hbm>>
        %dma_wait3A_128 = arith.constant 0 : i32
        %dma_wait3A_129 = arith.constant 0 : i32
        %dma_wait3A_130 = tpu.memref_slice %arg4[%arg1, %dma_wait3A_128, %dma_wait3A_129] : memref<16x160x128xi32, #tpu.memory_space<hbm>> -> memref<1x160x128xi32, #tpu.memory_space<hbm>>
        %dma_wait3A_131 = tpu.memref_squeeze %dma_wait3A_130 : memref<1x160x128xi32, #tpu.memory_space<hbm>> -> memref<160x128xi32, #tpu.memory_space<hbm>>
        %dma_wait3A_132 = arith.constant 0 : i32
        %dma_wait3A_133 = tpu.memref_slice %dma_wait3A_131[%mul3A_66, %dma_wait3A_132] : memref<160x128xi32, #tpu.memory_space<hbm>> -> memref<40x128xi32, #tpu.memory_space<hbm>>
        tpu.wait_dma2 semaphore(%run_scoped3A : memref<!tpu.dma_semaphore, #tpu.memory_space<semaphore_mem>>) src(%dma_wait3A_133 : memref<40x128xi32, #tpu.memory_space<hbm>>) dst(%arg11 : memref<40x128xi32, #tpu.memory_space<vmem>>)
        tpu.yield
      }) : () -> ()
      %scan3A_67 = arith.constant 0 : i32
      %scan3A_68 = arith.constant 0 : i32
      %scan3A_69 = arith.constant 40 : i32
      %scan3A_70 = arith.addi %scan3A_68, %scan3A_69 : i32
      %scan3A_71 = arith.constant 1 : i32
      %scan3A_72 = scf.for %scan3A_110 = %scan3A_68 to %scan3A_70 step %scan3A_71 iter_args(%scan3A_111 = %scan3A_67) -> (i32)  : i32 {
        %get3A = arith.index_cast %scan3A_110 : i32 to index
        %get3A_112 = arith.constant 0 : index
        %get3A_113 = tpu.vector_load %arg11[%get3A, %get3A_112] {strides = array<i32>} : memref<40x128xi32, #tpu.memory_space<vmem>>, vector<1x16xi32>,
        %get3A_114 = vector.shape_cast %get3A_113 : vector<1x16xi32> to vector<16xi32>
        %add3A_115 = arith.addi %get3A_114, %broadcast_in_dim3A : vector<16xi32>
        %swap3A = arith.index_cast %scan3A_110 : i32 to index
        %swap3A_116 = arith.constant 0 : index
        %swap3A_117 = tpu.vector_load %arg11[%swap3A, %swap3A_116] {strides = array<i32>} : memref<40x128xi32, #tpu.memory_space<vmem>>, vector<1x16xi32>,
        %swap3A_118 = vector.shape_cast %swap3A_117 : vector<1x16xi32> to vector<16xi32>
        %swap3A_119 = vector.shape_cast %add3A_115 : vector<16xi32> to vector<1x16xi32>
        tpu.vector_store %arg11[%swap3A, %swap3A_116], %swap3A_119 {strides = array<i32>} : memref<40x128xi32, #tpu.memory_space<vmem>>, vector<1x16xi32>,
        %get3A_120 = arith.index_cast %scan3A_110 : i32 to index
        %get3A_121 = arith.constant 16 : index
        %get3A_122 = tpu.vector_load %arg11[%get3A_120, %get3A_121] {strides = array<i32>} : memref<40x128xi32, #tpu.memory_space<vmem>>, vector<1x16xi32>,
        %get3A_123 = vector.shape_cast %get3A_122 : vector<1x16xi32> to vector<16xi32>
        %add3A_124 = arith.addi %get3A_123, %broadcast_in_dim3A : vector<16xi32>
        %swap3A_125 = arith.index_cast %scan3A_110 : i32 to index
        %swap3A_126 = arith.constant 16 : index
        %swap3A_127 = tpu.vector_load %arg11[%swap3A_125, %swap3A_126] {strides = array<i32>} : memref<40x128xi32, #tpu.memory_space<vmem>>, vector<1x16xi32>,
        %swap3A_128 = vector.shape_cast %swap3A_127 : vector<1x16xi32> to vector<16xi32>
        %swap3A_129 = vector.shape_cast %add3A_124 : vector<16xi32> to vector<1x16xi32>
        tpu.vector_store %arg11[%swap3A_125, %swap3A_126], %swap3A_129 {strides = array<i32>} : memref<40x128xi32, #tpu.memory_space<vmem>>, vector<1x16xi32>,
        %get3A_130 = arith.index_cast %scan3A_110 : i32 to index
        %get3A_131 = arith.constant 32 : index
        %get3A_132 = tpu.vector_load %arg11[%get3A_130, %get3A_131] {strides = array<i32>} : memref<40x128xi32, #tpu.memory_space<vmem>>, vector<1x16xi32>,
        %get3A_133 = vector.shape_cast %get3A_132 : vector<1x16xi32> to vector<16xi32>
        %add3A_134 = arith.addi %get3A_133, %broadcast_in_dim3A : vector<16xi32>
        %swap3A_135 = arith.index_cast %scan3A_110 : i32 to index
        %swap3A_136 = arith.constant 32 : index
        %swap3A_137 = tpu.vector_load %arg11[%swap3A_135, %swap3A_136] {strides = array<i32>} : memref<40x128xi32, #tpu.memory_space<vmem>>, vector<1x16xi32>,
        %swap3A_138 = vector.shape_cast %swap3A_137 : vector<1x16xi32> to vector<16xi32>
        %swap3A_139 = vector.shape_cast %add3A_134 : vector<16xi32> to vector<1x16xi32>
        tpu.vector_store %arg11[%swap3A_135, %swap3A_136], %swap3A_139 {strides = array<i32>} : memref<40x128xi32, #tpu.memory_space<vmem>>, vector<1x16xi32>,
        %get3A_140 = arith.index_cast %scan3A_110 : i32 to index
        %get3A_141 = arith.constant 48 : index
        %get3A_142 = tpu.vector_load %arg11[%get3A_140, %get3A_141] {strides = array<i32>} : memref<40x128xi32, #tpu.memory_space<vmem>>, vector<1x16xi32>,
        %get3A_143 = vector.shape_cast %get3A_142 : vector<1x16xi32> to vector<16xi32>
        %add3A_144 = arith.addi %get3A_143, %broadcast_in_dim3A : vector<16xi32>
        %swap3A_145 = arith.index_cast %scan3A_110 : i32 to index
        %swap3A_146 = arith.constant 48 : index
        %swap3A_147 = tpu.vector_load %arg11[%swap3A_145, %swap3A_146] {strides = array<i32>} : memref<40x128xi32, #tpu.memory_space<vmem>>, vector<1x16xi32>,
        %swap3A_148 = vector.shape_cast %swap3A_147 : vector<1x16xi32> to vector<16xi32>
        %swap3A_149 = vector.shape_cast %add3A_144 : vector<16xi32> to vector<1x16xi32>
        tpu.vector_store %arg11[%swap3A_145, %swap3A_146], %swap3A_149 {strides = array<i32>} : memref<40x128xi32, #tpu.memory_space<vmem>>, vector<1x16xi32>,
        %get3A_150 = arith.index_cast %scan3A_110 : i32 to index
        %get3A_151 = arith.constant 64 : index
        %get3A_152 = tpu.vector_load %arg11[%get3A_150, %get3A_151] {strides = array<i32>} : memref<40x128xi32, #tpu.memory_space<vmem>>, vector<1x16xi32>,
        %get3A_153 = vector.shape_cast %get3A_152 : vector<1x16xi32> to vector<16xi32>
        %add3A_154 = arith.addi %get3A_153, %broadcast_in_dim3A : vector<16xi32>
        %swap3A_155 = arith.index_cast %scan3A_110 : i32 to index
        %swap3A_156 = arith.constant 64 : index
        %swap3A_157 = tpu.vector_load %arg11[%swap3A_155, %swap3A_156] {strides = array<i32>} : memref<40x128xi32, #tpu.memory_space<vmem>>, vector<1x16xi32>,
        %swap3A_158 = vector.shape_cast %swap3A_157 : vector<1x16xi32> to vector<16xi32>
        %swap3A_159 = vector.shape_cast %add3A_154 : vector<16xi32> to vector<1x16xi32>
        tpu.vector_store %arg11[%swap3A_155, %swap3A_156], %swap3A_159 {strides = array<i32>} : memref<40x128xi32, #tpu.memory_space<vmem>>, vector<1x16xi32>,
        %get3A_160 = arith.index_cast %scan3A_110 : i32 to index
        %get3A_161 = arith.constant 80 : index
        %get3A_162 = tpu.vector_load %arg11[%get3A_160, %get3A_161] {strides = array<i32>} : memref<40x128xi32, #tpu.memory_space<vmem>>, vector<1x16xi32>,
        %get3A_163 = vector.shape_cast %get3A_162 : vector<1x16xi32> to vector<16xi32>
        %add3A_164 = arith.addi %get3A_163, %broadcast_in_dim3A : vector<16xi32>
        %swap3A_165 = arith.index_cast %scan3A_110 : i32 to index
        %swap3A_166 = arith.constant 80 : index
        %swap3A_167 = tpu.vector_load %arg11[%swap3A_165, %swap3A_166] {strides = array<i32>} : memref<40x128xi32, #tpu.memory_space<vmem>>, vector<1x16xi32>,
        %swap3A_168 = vector.shape_cast %swap3A_167 : vector<1x16xi32> to vector<16xi32>
        %swap3A_169 = vector.shape_cast %add3A_164 : vector<16xi32> to vector<1x16xi32>
        tpu.vector_store %arg11[%swap3A_165, %swap3A_166], %swap3A_169 {strides = array<i32>} : memref<40x128xi32, #tpu.memory_space<vmem>>, vector<1x16xi32>,
        %get3A_170 = arith.index_cast %scan3A_110 : i32 to index
        %get3A_171 = arith.constant 96 : index
        %get3A_172 = tpu.vector_load %arg11[%get3A_170, %get3A_171] {strides = array<i32>} : memref<40x128xi32, #tpu.memory_space<vmem>>, vector<1x16xi32>,
        %get3A_173 = vector.shape_cast %get3A_172 : vector<1x16xi32> to vector<16xi32>
        %add3A_174 = arith.addi %get3A_173, %broadcast_in_dim3A : vector<16xi32>
        %swap3A_175 = arith.index_cast %scan3A_110 : i32 to index
        %swap3A_176 = arith.constant 96 : index
        %swap3A_177 = tpu.vector_load %arg11[%swap3A_175, %swap3A_176] {strides = array<i32>} : memref<40x128xi32, #tpu.memory_space<vmem>>, vector<1x16xi32>,
        %swap3A_178 = vector.shape_cast %swap3A_177 : vector<1x16xi32> to vector<16xi32>
        %swap3A_179 = vector.shape_cast %add3A_174 : vector<16xi32> to vector<1x16xi32>
        tpu.vector_store %arg11[%swap3A_175, %swap3A_176], %swap3A_179 {strides = array<i32>} : memref<40x128xi32, #tpu.memory_space<vmem>>, vector<1x16xi32>,
        %get3A_180 = arith.index_cast %scan3A_110 : i32 to index
        %get3A_181 = arith.constant 112 : index
        %get3A_182 = tpu.vector_load %arg11[%get3A_180, %get3A_181] {strides = array<i32>} : memref<40x128xi32, #tpu.memory_space<vmem>>, vector<1x16xi32>,
        %get3A_183 = vector.shape_cast %get3A_182 : vector<1x16xi32> to vector<16xi32>
        %add3A_184 = arith.addi %get3A_183, %broadcast_in_dim3A : vector<16xi32>
        %swap3A_185 = arith.index_cast %scan3A_110 : i32 to index
        %swap3A_186 = arith.constant 112 : index
        %swap3A_187 = tpu.vector_load %arg11[%swap3A_185, %swap3A_186] {strides = array<i32>} : memref<40x128xi32, #tpu.memory_space<vmem>>, vector<1x16xi32>,
        %swap3A_188 = vector.shape_cast %swap3A_187 : vector<1x16xi32> to vector<16xi32>
        %swap3A_189 = vector.shape_cast %add3A_184 : vector<16xi32> to vector<1x16xi32>
        tpu.vector_store %arg11[%swap3A_185, %swap3A_186], %swap3A_189 {strides = array<i32>} : memref<40x128xi32, #tpu.memory_space<vmem>>, vector<1x16xi32>,
        %scan3A_190 = arith.constant 0 : i32
        scf.yield %scan3A_190 : i32
      }
      %scan3A_73 = arith.constant 40 : i32
      %mul3A_74 = arith.constant 40 : i32
      %mul3A_75 = arith.muli %scan3A_63, %mul3A_74 : i32
      "tpu.region"() ({
        %run_scoped3A = tpu.sem_alloc : memref<!tpu.dma_semaphore, #tpu.memory_space<semaphore_mem>>
        %dma_start3A_110 = arith.constant 0 : i32
        %dma_start3A_111 = arith.constant 0 : i32
        %dma_start3A_112 = tpu.memref_slice %arg3[%arg1, %dma_start3A_110, %dma_start3A_111] : memref<16x160x128xi32, #tpu.memory_space<hbm>> -> memref<1x160x128xi32, #tpu.memory_space<hbm>>
        %dma_start3A_113 = tpu.memref_squeeze %dma_start3A_112 : memref<1x160x128xi32, #tpu.memory_space<hbm>> -> memref<160x128xi32, #tpu.memory_space<hbm>>
        %dma_start3A_114 = arith.constant 0 : i32
        %dma_start3A_115 = tpu.memref_slice %dma_start3A_113[%mul3A_75, %dma_start3A_114] : memref<160x128xi32, #tpu.memory_space<hbm>> -> memref<40x128xi32, #tpu.memory_space<hbm>>
        %dma_start3A_116 = arith.constant 0 : i32
        %dma_start3A_117 = arith.constant 0 : i32
        %dma_start3A_118 = tpu.memref_slice %arg3[%arg1, %dma_start3A_116, %dma_start3A_117] : memref<16x160x128xi32, #tpu.memory_space<hbm>> -> memref<1x160x128xi32, #tpu.memory_space<hbm>>
        %dma_start3A_119 = tpu.memref_squeeze %dma_start3A_118 : memref<1x160x128xi32, #tpu.memory_space<hbm>> -> memref<160x128xi32, #tpu.memory_space<hbm>>
        %dma_start3A_120 = arith.constant 0 : i32
        %dma_start3A_121 = tpu.memref_slice %dma_start3A_119[%mul3A_75, %dma_start3A_120] : memref<160x128xi32, #tpu.memory_space<hbm>> -> memref<40x128xi32, #tpu.memory_space<hbm>>
        tpu.enqueue_dma source(%dma_start3A_121 : memref<40x128xi32, #tpu.memory_space<hbm>>) target(%arg12 : memref<40x128xi32, #tpu.memory_space<vmem>>) target_semaphore(%run_scoped3A : memref<!tpu.dma_semaphore, #tpu.memory_space<semaphore_mem>>)
        %dma_wait3A_122 = arith.constant 0 : i32
        %dma_wait3A_123 = arith.constant 0 : i32
        %dma_wait3A_124 = tpu.memref_slice %arg3[%arg1, %dma_wait3A_122, %dma_wait3A_123] : memref<16x160x128xi32, #tpu.memory_space<hbm>> -> memref<1x160x128xi32, #tpu.memory_space<hbm>>
        %dma_wait3A_125 = tpu.memref_squeeze %dma_wait3A_124 : memref<1x160x128xi32, #tpu.memory_space<hbm>> -> memref<160x128xi32, #tpu.memory_space<hbm>>
        %dma_wait3A_126 = arith.constant 0 : i32
        %dma_wait3A_127 = tpu.memref_slice %dma_wait3A_125[%mul3A_75, %dma_wait3A_126] : memref<160x128xi32, #tpu.memory_space<hbm>> -> memref<40x128xi32, #tpu.memory_space<hbm>>
        %dma_wait3A_128 = arith.constant 0 : i32
        %dma_wait3A_129 = arith.constant 0 : i32
        %dma_wait3A_130 = tpu.memref_slice %arg3[%arg1, %dma_wait3A_128, %dma_wait3A_129] : memref<16x160x128xi32, #tpu.memory_space<hbm>> -> memref<1x160x128xi32, #tpu.memory_space<hbm>>
        %dma_wait3A_131 = tpu.memref_squeeze %dma_wait3A_130 : memref<1x160x128xi32, #tpu.memory_space<hbm>> -> memref<160x128xi32, #tpu.memory_space<hbm>>
        %dma_wait3A_132 = arith.constant 0 : i32
        %dma_wait3A_133 = tpu.memref_slice %dma_wait3A_131[%mul3A_75, %dma_wait3A_132] : memref<160x128xi32, #tpu.memory_space<hbm>> -> memref<40x128xi32, #tpu.memory_space<hbm>>
        tpu.wait_dma2 semaphore(%run_scoped3A : memref<!tpu.dma_semaphore, #tpu.memory_space<semaphore_mem>>) src(%dma_wait3A_133 : memref<40x128xi32, #tpu.memory_space<hbm>>) dst(%arg12 : memref<40x128xi32, #tpu.memory_space<vmem>>)
        tpu.yield
      }) : () -> ()
      %dma_start3A = arith.constant 0 : i32
      %dma_start3A_76 = arith.constant 0 : i32
      %dma_start3A_77 = tpu.memref_slice %arg11[%dma_start3A, %dma_start3A_76] : memref<40x128xi32, #tpu.memory_space<vmem>> -> memref<1x128xi32, #tpu.memory_space<vmem>>
      %dma_start3A_78 = tpu.memref_squeeze %dma_start3A_77 : memref<1x128xi32, #tpu.memory_space<vmem>> -> memref<128xi32, #tpu.memory_space<vmem>>
      %dma_start3A_79 = arith.constant 0 : i32
      %dma_start3A_80 = arith.constant 0 : i32
      %dma_start3A_81 = tpu.memref_slice %arg8[%dma_start3A_79, %dma_start3A_80] : memref<20480x64xf32, #tpu.memory_space<hbm>> -> memref<20480x64xf32, #tpu.memory_space<hbm>>
      tpu.enqueue_indirect_dma source(%dma_start3A_81 : memref<20480x64xf32, #tpu.memory_space<hbm>>) target(%arg13 : memref<128x64xf32, #tpu.memory_space<vmem>>) offsets(%dma_start3A_78 : memref<128xi32, #tpu.memory_space<vmem>>) semaphore(%arg18 : memref<!tpu.dma_semaphore, #tpu.memory_space<semaphore_mem>>)
      %dma_start3A_82 = arith.constant 1 : i32
      %dma_start3A_83 = arith.constant 0 : i32
      %dma_start3A_84 = tpu.memref_slice %arg11[%dma_start3A_82, %dma_start3A_83] : memref<40x128xi32, #tpu.memory_space<vmem>> -> memref<1x128xi32, #tpu.memory_space<vmem>>
      %dma_start3A_85 = tpu.memref_squeeze %dma_start3A_84 : memref<1x128xi32, #tpu.memory_space<vmem>> -> memref<128xi32, #tpu.memory_space<vmem>>
      %dma_start3A_86 = arith.constant 0 : i32
      %dma_start3A_87 = arith.constant 0 : i32
      %dma_start3A_88 = tpu.memref_slice %arg8[%dma_start3A_86, %dma_start3A_87] : memref<20480x64xf32, #tpu.memory_space<hbm>> -> memref<20480x64xf32, #tpu.memory_space<hbm>>
      tpu.enqueue_indirect_dma source(%dma_start3A_88 : memref<20480x64xf32, #tpu.memory_space<hbm>>) target(%arg14 : memref<128x64xf32, #tpu.memory_space<vmem>>) offsets(%dma_start3A_85 : memref<128xi32, #tpu.memory_space<vmem>>) semaphore(%arg19 : memref<!tpu.dma_semaphore, #tpu.memory_space<semaphore_mem>>)
      %dma_start3A_89 = arith.constant 2 : i32
      %dma_start3A_90 = arith.constant 0 : i32
      %dma_start3A_91 = tpu.memref_slice %arg11[%dma_start3A_89, %dma_start3A_90] : memref<40x128xi32, #tpu.memory_space<vmem>> -> memref<1x128xi32, #tpu.memory_space<vmem>>
      %dma_start3A_92 = tpu.memref_squeeze %dma_start3A_91 : memref<1x128xi32, #tpu.memory_space<vmem>> -> memref<128xi32, #tpu.memory_space<vmem>>
      %dma_start3A_93 = arith.constant 0 : i32
      %dma_start3A_94 = arith.constant 0 : i32
      %dma_start3A_95 = tpu.memref_slice %arg8[%dma_start3A_93, %dma_start3A_94] : memref<20480x64xf32, #tpu.memory_space<hbm>> -> memref<20480x64xf32, #tpu.memory_space<hbm>>
      tpu.enqueue_indirect_dma source(%dma_start3A_95 : memref<20480x64xf32, #tpu.memory_space<hbm>>) target(%arg15 : memref<128x64xf32, #tpu.memory_space<vmem>>) offsets(%dma_start3A_92 : memref<128xi32, #tpu.memory_space<vmem>>) semaphore(%arg20 : memref<!tpu.dma_semaphore, #tpu.memory_space<semaphore_mem>>)
      %scan3A_96 = arith.constant 0 : i32
      %scan3A_97 = arith.constant 0 : i32
      %scan3A_98 = arith.constant 10 : i32
      %scan3A_99 = arith.addi %scan3A_97, %scan3A_98 : i32
      %scan3A_100 = arith.constant 1 : i32
      %scan3A_101 = scf.for %scan3A_110 = %scan3A_97 to %scan3A_99 step %scan3A_100 iter_args(%scan3A_111 = %scan3A_96) -> (i32)  : i32 {
        %mul3A_112 = arith.constant 4 : i32
        %mul3A_113 = arith.muli %mul3A_112, %scan3A_110 : i32
        %add3A_114 = arith.constant 0 : i32
        %add3A_115 = arith.addi %mul3A_113, %add3A_114 : i32
        %dma_wait3A_116 = arith.constant 0 : i32
        %dma_wait3A_117 = tpu.memref_slice %arg11[%add3A_115, %dma_wait3A_116] : memref<40x128xi32, #tpu.memory_space<vmem>> -> memref<1x128xi32, #tpu.memory_space<vmem>>
        %dma_wait3A_118 = tpu.memref_squeeze %dma_wait3A_117 : memref<1x128xi32, #tpu.memory_space<vmem>> -> memref<128xi32, #tpu.memory_space<vmem>>
        %dma_wait3A_119 = arith.constant 0 : i32
        %dma_wait3A_120 = arith.constant 0 : i32
        %dma_wait3A_121 = tpu.memref_slice %arg8[%dma_wait3A_119, %dma_wait3A_120] : memref<20480x64xf32, #tpu.memory_space<hbm>> -> memref<20480x64xf32, #tpu.memory_space<hbm>>
        tpu.wait_indirect_dma semaphore(%arg18 : memref<!tpu.dma_semaphore, #tpu.memory_space<semaphore_mem>>) src(%dma_wait3A_121 : memref<20480x64xf32, #tpu.memory_space<hbm>>) dst(%arg13 : memref<128x64xf32, #tpu.memory_space<vmem>>)
        %dma_start3A_122 = arith.constant 0 : i32
        %dma_start3A_123 = tpu.memref_slice %arg12[%add3A_115, %dma_start3A_122] : memref<40x128xi32, #tpu.memory_space<vmem>> -> memref<1x128xi32, #tpu.memory_space<vmem>>
        %dma_start3A_124 = tpu.memref_squeeze %dma_start3A_123 : memref<1x128xi32, #tpu.memory_space<vmem>> -> memref<128xi32, #tpu.memory_space<vmem>>
        %dma_start3A_125 = arith.constant 0 : i32
        %dma_start3A_126 = arith.constant 0 : i32
        %dma_start3A_127 = tpu.memref_slice %arg10[%dma_start3A_125, %dma_start3A_126] : memref<10240x64xf32, #tpu.memory_space<vmem_shared>> -> memref<10240x64xf32, #tpu.memory_space<vmem_shared>>
        tpu.enqueue_indirect_dma source(%arg13 : memref<128x64xf32, #tpu.memory_space<vmem>>) target(%dma_start3A_127 : memref<10240x64xf32, #tpu.memory_space<vmem_shared>>) offsets(%dma_start3A_124 : memref<128xi32, #tpu.memory_space<vmem>>) semaphore(%arg22 : memref<!tpu.dma_semaphore, #tpu.memory_space<semaphore_mem>>) {add = true}
        %ge3A = arith.constant 1 : i32
        %ge3A_128 = arith.cmpi sge, %add3A_115, %ge3A : i32
        %convert_element_type3A = arith.extui %ge3A_128 : i1 to i32
        %cond3A = arith.constant 0 : i32
        %cond3A_129 = arith.cmpi ne, %convert_element_type3A, %cond3A : i32
        scf.if %cond3A_129 {
          %dma_wait3A_221 = arith.constant 0 : i32
          %dma_wait3A_222 = arith.constant 0 : i32
          %dma_wait3A_223 = tpu.memref_slice %arg12[%dma_wait3A_221, %dma_wait3A_222] : memref<40x128xi32, #tpu.memory_space<vmem>> -> memref<1x128xi32, #tpu.memory_space<vmem>>
          %dma_wait3A_224 = tpu.memref_squeeze %dma_wait3A_223 : memref<1x128xi32, #tpu.memory_space<vmem>> -> memref<128xi32, #tpu.memory_space<vmem>>
          %dma_wait3A_225 = arith.constant 0 : i32
          %dma_wait3A_226 = arith.constant 0 : i32
          %dma_wait3A_227 = tpu.memref_slice %arg10[%dma_wait3A_225, %dma_wait3A_226] : memref<10240x64xf32, #tpu.memory_space<vmem_shared>> -> memref<10240x64xf32, #tpu.memory_space<vmem_shared>>
          tpu.wait_indirect_dma semaphore(%arg25 : memref<!tpu.dma_semaphore, #tpu.memory_space<semaphore_mem>>) src(%arg16 : memref<128x64xf32, #tpu.memory_space<vmem>>) dst(%dma_wait3A_227 : memref<10240x64xf32, #tpu.memory_space<vmem_shared>>)
        } else {
        }
        %add3A_130 = arith.constant 3 : i32
        %add3A_131 = arith.addi %add3A_115, %add3A_130 : i32
        %lt3A = arith.constant 40 : i32
        %lt3A_132 = arith.cmpi slt, %add3A_131, %lt3A : i32
        %convert_element_type3A_133 = arith.extui %lt3A_132 : i1 to i32
        %cond3A_134 = arith.constant 0 : i32
        %cond3A_135 = arith.cmpi ne, %convert_element_type3A_133, %cond3A_134 : i32
        scf.if %cond3A_135 {
          %add3A_221 = arith.constant 3 : i32
          %add3A_222 = arith.addi %add3A_115, %add3A_221 : i32
          %dma_start3A_223 = arith.constant 0 : i32
          %dma_start3A_224 = tpu.memref_slice %arg11[%add3A_222, %dma_start3A_223] : memref<40x128xi32, #tpu.memory_space<vmem>> -> memref<1x128xi32, #tpu.memory_space<vmem>>
          %dma_start3A_225 = tpu.memref_squeeze %dma_start3A_224 : memref<1x128xi32, #tpu.memory_space<vmem>> -> memref<128xi32, #tpu.memory_space<vmem>>
          %dma_start3A_226 = arith.constant 0 : i32
          %dma_start3A_227 = arith.constant 0 : i32
          %dma_start3A_228 = tpu.memref_slice %arg8[%dma_start3A_226, %dma_start3A_227] : memref<20480x64xf32, #tpu.memory_space<hbm>> -> memref<20480x64xf32, #tpu.memory_space<hbm>>
          tpu.enqueue_indirect_dma source(%dma_start3A_228 : memref<20480x64xf32, #tpu.memory_space<hbm>>) target(%arg16 : memref<128x64xf32, #tpu.memory_space<vmem>>) offsets(%dma_start3A_225 : memref<128xi32, #tpu.memory_space<vmem>>) semaphore(%arg21 : memref<!tpu.dma_semaphore, #tpu.memory_space<semaphore_mem>>)
        } else {
        }
        %mul3A_136 = arith.constant 4 : i32
        %mul3A_137 = arith.muli %mul3A_136, %scan3A_110 : i32
        %add3A_138 = arith.constant 1 : i32
        %add3A_139 = arith.addi %mul3A_137, %add3A_138 : i32
        %dma_wait3A_140 = arith.constant 0 : i32
        %dma_wait3A_141 = tpu.memref_slice %arg11[%add3A_139, %dma_wait3A_140] : memref<40x128xi32, #tpu.memory_space<vmem>> -> memref<1x128xi32, #tpu.memory_space<vmem>>
        %dma_wait3A_142 = tpu.memref_squeeze %dma_wait3A_141 : memref<1x128xi32, #tpu.memory_space<vmem>> -> memref<128xi32, #tpu.memory_space<vmem>>
        %dma_wait3A_143 = arith.constant 0 : i32
        %dma_wait3A_144 = arith.constant 0 : i32
        %dma_wait3A_145 = tpu.memref_slice %arg8[%dma_wait3A_143, %dma_wait3A_144] : memref<20480x64xf32, #tpu.memory_space<hbm>> -> memref<20480x64xf32, #tpu.memory_space<hbm>>
        tpu.wait_indirect_dma semaphore(%arg19 : memref<!tpu.dma_semaphore, #tpu.memory_space<semaphore_mem>>) src(%dma_wait3A_145 : memref<20480x64xf32, #tpu.memory_space<hbm>>) dst(%arg14 : memref<128x64xf32, #tpu.memory_space<vmem>>)
        %dma_start3A_146 = arith.constant 0 : i32
        %dma_start3A_147 = tpu.memref_slice %arg12[%add3A_139, %dma_start3A_146] : memref<40x128xi32, #tpu.memory_space<vmem>> -> memref<1x128xi32, #tpu.memory_space<vmem>>
        %dma_start3A_148 = tpu.memref_squeeze %dma_start3A_147 : memref<1x128xi32, #tpu.memory_space<vmem>> -> memref<128xi32, #tpu.memory_space<vmem>>
        %dma_start3A_149 = arith.constant 0 : i32
        %dma_start3A_150 = arith.constant 0 : i32
        %dma_start3A_151 = tpu.memref_slice %arg10[%dma_start3A_149, %dma_start3A_150] : memref<10240x64xf32, #tpu.memory_space<vmem_shared>> -> memref<10240x64xf32, #tpu.memory_space<vmem_shared>>
        tpu.enqueue_indirect_dma source(%arg14 : memref<128x64xf32, #tpu.memory_space<vmem>>) target(%dma_start3A_151 : memref<10240x64xf32, #tpu.memory_space<vmem_shared>>) offsets(%dma_start3A_148 : memref<128xi32, #tpu.memory_space<vmem>>) semaphore(%arg23 : memref<!tpu.dma_semaphore, #tpu.memory_space<semaphore_mem>>) {add = true}
        %ge3A_152 = arith.constant 1 : i32
        %ge3A_153 = arith.cmpi sge, %add3A_139, %ge3A_152 : i32
        %convert_element_type3A_154 = arith.extui %ge3A_153 : i1 to i32
        %cond3A_155 = arith.constant 0 : i32
        %cond3A_156 = arith.cmpi ne, %convert_element_type3A_154, %cond3A_155 : i32
        scf.if %cond3A_156 {
          %dma_wait3A_221 = arith.constant 0 : i32
          %dma_wait3A_222 = arith.constant 0 : i32
          %dma_wait3A_223 = tpu.memref_slice %arg12[%dma_wait3A_221, %dma_wait3A_222] : memref<40x128xi32, #tpu.memory_space<vmem>> -> memref<1x128xi32, #tpu.memory_space<vmem>>
          %dma_wait3A_224 = tpu.memref_squeeze %dma_wait3A_223 : memref<1x128xi32, #tpu.memory_space<vmem>> -> memref<128xi32, #tpu.memory_space<vmem>>
          %dma_wait3A_225 = arith.constant 0 : i32
          %dma_wait3A_226 = arith.constant 0 : i32
          %dma_wait3A_227 = tpu.memref_slice %arg10[%dma_wait3A_225, %dma_wait3A_226] : memref<10240x64xf32, #tpu.memory_space<vmem_shared>> -> memref<10240x64xf32, #tpu.memory_space<vmem_shared>>
          tpu.wait_indirect_dma semaphore(%arg22 : memref<!tpu.dma_semaphore, #tpu.memory_space<semaphore_mem>>) src(%arg13 : memref<128x64xf32, #tpu.memory_space<vmem>>) dst(%dma_wait3A_227 : memref<10240x64xf32, #tpu.memory_space<vmem_shared>>)
        } else {
        }
        %add3A_157 = arith.constant 3 : i32
        %add3A_158 = arith.addi %add3A_139, %add3A_157 : i32
        %lt3A_159 = arith.constant 40 : i32
        %lt3A_160 = arith.cmpi slt, %add3A_158, %lt3A_159 : i32
        %convert_element_type3A_161 = arith.extui %lt3A_160 : i1 to i32
        %cond3A_162 = arith.constant 0 : i32
        %cond3A_163 = arith.cmpi ne, %convert_element_type3A_161, %cond3A_162 : i32
        scf.if %cond3A_163 {
          %add3A_221 = arith.constant 3 : i32
          %add3A_222 = arith.addi %add3A_139, %add3A_221 : i32
          %dma_start3A_223 = arith.constant 0 : i32
          %dma_start3A_224 = tpu.memref_slice %arg11[%add3A_222, %dma_start3A_223] : memref<40x128xi32, #tpu.memory_space<vmem>> -> memref<1x128xi32, #tpu.memory_space<vmem>>
          %dma_start3A_225 = tpu.memref_squeeze %dma_start3A_224 : memref<1x128xi32, #tpu.memory_space<vmem>> -> memref<128xi32, #tpu.memory_space<vmem>>
          %dma_start3A_226 = arith.constant 0 : i32
          %dma_start3A_227 = arith.constant 0 : i32
          %dma_start3A_228 = tpu.memref_slice %arg8[%dma_start3A_226, %dma_start3A_227] : memref<20480x64xf32, #tpu.memory_space<hbm>> -> memref<20480x64xf32, #tpu.memory_space<hbm>>
          tpu.enqueue_indirect_dma source(%dma_start3A_228 : memref<20480x64xf32, #tpu.memory_space<hbm>>) target(%arg13 : memref<128x64xf32, #tpu.memory_space<vmem>>) offsets(%dma_start3A_225 : memref<128xi32, #tpu.memory_space<vmem>>) semaphore(%arg18 : memref<!tpu.dma_semaphore, #tpu.memory_space<semaphore_mem>>)
        } else {
        }
        %mul3A_164 = arith.constant 4 : i32
        %mul3A_165 = arith.muli %mul3A_164, %scan3A_110 : i32
        %add3A_166 = arith.constant 2 : i32
        %add3A_167 = arith.addi %mul3A_165, %add3A_166 : i32
        %dma_wait3A_168 = arith.constant 0 : i32
        %dma_wait3A_169 = tpu.memref_slice %arg11[%add3A_167, %dma_wait3A_168] : memref<40x128xi32, #tpu.memory_space<vmem>> -> memref<1x128xi32, #tpu.memory_space<vmem>>
        %dma_wait3A_170 = tpu.memref_squeeze %dma_wait3A_169 : memref<1x128xi32, #tpu.memory_space<vmem>> -> memref<128xi32, #tpu.memory_space<vmem>>
        %dma_wait3A_171 = arith.constant 0 : i32
        %dma_wait3A_172 = arith.constant 0 : i32
        %dma_wait3A_173 = tpu.memref_slice %arg8[%dma_wait3A_171, %dma_wait3A_172] : memref<20480x64xf32, #tpu.memory_space<hbm>> -> memref<20480x64xf32, #tpu.memory_space<hbm>>
        tpu.wait_indirect_dma semaphore(%arg20 : memref<!tpu.dma_semaphore, #tpu.memory_space<semaphore_mem>>) src(%dma_wait3A_173 : memref<20480x64xf32, #tpu.memory_space<hbm>>) dst(%arg15 : memref<128x64xf32, #tpu.memory_space<vmem>>)
        %dma_start3A_174 = arith.constant 0 : i32
        %dma_start3A_175 = tpu.memref_slice %arg12[%add3A_167, %dma_start3A_174] : memref<40x128xi32, #tpu.memory_space<vmem>> -> memref<1x128xi32, #tpu.memory_space<vmem>>
        %dma_start3A_176 = tpu.memref_squeeze %dma_start3A_175 : memref<1x128xi32, #tpu.memory_space<vmem>> -> memref<128xi32, #tpu.memory_space<vmem>>
        %dma_start3A_177 = arith.constant 0 : i32
        %dma_start3A_178 = arith.constant 0 : i32
        %dma_start3A_179 = tpu.memref_slice %arg10[%dma_start3A_177, %dma_start3A_178] : memref<10240x64xf32, #tpu.memory_space<vmem_shared>> -> memref<10240x64xf32, #tpu.memory_space<vmem_shared>>
        tpu.enqueue_indirect_dma source(%arg15 : memref<128x64xf32, #tpu.memory_space<vmem>>) target(%dma_start3A_179 : memref<10240x64xf32, #tpu.memory_space<vmem_shared>>) offsets(%dma_start3A_176 : memref<128xi32, #tpu.memory_space<vmem>>) semaphore(%arg24 : memref<!tpu.dma_semaphore, #tpu.memory_space<semaphore_mem>>) {add = true}
        %ge3A_180 = arith.constant 1 : i32
        %ge3A_181 = arith.cmpi sge, %add3A_167, %ge3A_180 : i32
        %convert_element_type3A_182 = arith.extui %ge3A_181 : i1 to i32
        %cond3A_183 = arith.constant 0 : i32
        %cond3A_184 = arith.cmpi ne, %convert_element_type3A_182, %cond3A_183 : i32
        scf.if %cond3A_184 {
          %dma_wait3A_221 = arith.constant 0 : i32
          %dma_wait3A_222 = arith.constant 0 : i32
          %dma_wait3A_223 = tpu.memref_slice %arg12[%dma_wait3A_221, %dma_wait3A_222] : memref<40x128xi32, #tpu.memory_space<vmem>> -> memref<1x128xi32, #tpu.memory_space<vmem>>
          %dma_wait3A_224 = tpu.memref_squeeze %dma_wait3A_223 : memref<1x128xi32, #tpu.memory_space<vmem>> -> memref<128xi32, #tpu.memory_space<vmem>>
          %dma_wait3A_225 = arith.constant 0 : i32
          %dma_wait3A_226 = arith.constant 0 : i32
          %dma_wait3A_227 = tpu.memref_slice %arg10[%dma_wait3A_225, %dma_wait3A_226] : memref<10240x64xf32, #tpu.memory_space<vmem_shared>> -> memref<10240x64xf32, #tpu.memory_space<vmem_shared>>
          tpu.wait_indirect_dma semaphore(%arg23 : memref<!tpu.dma_semaphore, #tpu.memory_space<semaphore_mem>>) src(%arg14 : memref<128x64xf32, #tpu.memory_space<vmem>>) dst(%dma_wait3A_227 : memref<10240x64xf32, #tpu.memory_space<vmem_shared>>)
        } else {
        }
        %add3A_185 = arith.constant 3 : i32
        %add3A_186 = arith.addi %add3A_167, %add3A_185 : i32
        %lt3A_187 = arith.constant 40 : i32
        %lt3A_188 = arith.cmpi slt, %add3A_186, %lt3A_187 : i32
        %convert_element_type3A_189 = arith.extui %lt3A_188 : i1 to i32
        %cond3A_190 = arith.constant 0 : i32
        %cond3A_191 = arith.cmpi ne, %convert_element_type3A_189, %cond3A_190 : i32
        scf.if %cond3A_191 {
          %add3A_221 = arith.constant 3 : i32
          %add3A_222 = arith.addi %add3A_167, %add3A_221 : i32
          %dma_start3A_223 = arith.constant 0 : i32
          %dma_start3A_224 = tpu.memref_slice %arg11[%add3A_222, %dma_start3A_223] : memref<40x128xi32, #tpu.memory_space<vmem>> -> memref<1x128xi32, #tpu.memory_space<vmem>>
          %dma_start3A_225 = tpu.memref_squeeze %dma_start3A_224 : memref<1x128xi32, #tpu.memory_space<vmem>> -> memref<128xi32, #tpu.memory_space<vmem>>
          %dma_start3A_226 = arith.constant 0 : i32
          %dma_start3A_227 = arith.constant 0 : i32
          %dma_start3A_228 = tpu.memref_slice %arg8[%dma_start3A_226, %dma_start3A_227] : memref<20480x64xf32, #tpu.memory_space<hbm>> -> memref<20480x64xf32, #tpu.memory_space<hbm>>
          tpu.enqueue_indirect_dma source(%dma_start3A_228 : memref<20480x64xf32, #tpu.memory_space<hbm>>) target(%arg14 : memref<128x64xf32, #tpu.memory_space<vmem>>) offsets(%dma_start3A_225 : memref<128xi32, #tpu.memory_space<vmem>>) semaphore(%arg19 : memref<!tpu.dma_semaphore, #tpu.memory_space<semaphore_mem>>)
        } else {
        }
        %mul3A_192 = arith.constant 4 : i32
        %mul3A_193 = arith.muli %mul3A_192, %scan3A_110 : i32
        %add3A_194 = arith.constant 3 : i32
        %add3A_195 = arith.addi %mul3A_193, %add3A_194 : i32
        %dma_wait3A_196 = arith.constant 0 : i32
        %dma_wait3A_197 = tpu.memref_slice %arg11[%add3A_195, %dma_wait3A_196] : memref<40x128xi32, #tpu.memory_space<vmem>> -> memref<1x128xi32, #tpu.memory_space<vmem>>
        %dma_wait3A_198 = tpu.memref_squeeze %dma_wait3A_197 : memref<1x128xi32, #tpu.memory_space<vmem>> -> memref<128xi32, #tpu.memory_space<vmem>>
        %dma_wait3A_199 = arith.constant 0 : i32
        %dma_wait3A_200 = arith.constant 0 : i32
        %dma_wait3A_201 = tpu.memref_slice %arg8[%dma_wait3A_199, %dma_wait3A_200] : memref<20480x64xf32, #tpu.memory_space<hbm>> -> memref<20480x64xf32, #tpu.memory_space<hbm>>
        tpu.wait_indirect_dma semaphore(%arg21 : memref<!tpu.dma_semaphore, #tpu.memory_space<semaphore_mem>>) src(%dma_wait3A_201 : memref<20480x64xf32, #tpu.memory_space<hbm>>) dst(%arg16 : memref<128x64xf32, #tpu.memory_space<vmem>>)
        %dma_start3A_202 = arith.constant 0 : i32
        %dma_start3A_203 = tpu.memref_slice %arg12[%add3A_195, %dma_start3A_202] : memref<40x128xi32, #tpu.memory_space<vmem>> -> memref<1x128xi32, #tpu.memory_space<vmem>>
        %dma_start3A_204 = tpu.memref_squeeze %dma_start3A_203 : memref<1x128xi32, #tpu.memory_space<vmem>> -> memref<128xi32, #tpu.memory_space<vmem>>
        %dma_start3A_205 = arith.constant 0 : i32
        %dma_start3A_206 = arith.constant 0 : i32
        %dma_start3A_207 = tpu.memref_slice %arg10[%dma_start3A_205, %dma_start3A_206] : memref<10240x64xf32, #tpu.memory_space<vmem_shared>> -> memref<10240x64xf32, #tpu.memory_space<vmem_shared>>
        tpu.enqueue_indirect_dma source(%arg16 : memref<128x64xf32, #tpu.memory_space<vmem>>) target(%dma_start3A_207 : memref<10240x64xf32, #tpu.memory_space<vmem_shared>>) offsets(%dma_start3A_204 : memref<128xi32, #tpu.memory_space<vmem>>) semaphore(%arg25 : memref<!tpu.dma_semaphore, #tpu.memory_space<semaphore_mem>>) {add = true}
        %ge3A_208 = arith.constant 1 : i32
        %ge3A_209 = arith.cmpi sge, %add3A_195, %ge3A_208 : i32
        %convert_element_type3A_210 = arith.extui %ge3A_209 : i1 to i32
        %cond3A_211 = arith.constant 0 : i32
        %cond3A_212 = arith.cmpi ne, %convert_element_type3A_210, %cond3A_211 : i32
        scf.if %cond3A_212 {
          %dma_wait3A_221 = arith.constant 0 : i32
          %dma_wait3A_222 = arith.constant 0 : i32
          %dma_wait3A_223 = tpu.memref_slice %arg12[%dma_wait3A_221, %dma_wait3A_222] : memref<40x128xi32, #tpu.memory_space<vmem>> -> memref<1x128xi32, #tpu.memory_space<vmem>>
          %dma_wait3A_224 = tpu.memref_squeeze %dma_wait3A_223 : memref<1x128xi32, #tpu.memory_space<vmem>> -> memref<128xi32, #tpu.memory_space<vmem>>
          %dma_wait3A_225 = arith.constant 0 : i32
          %dma_wait3A_226 = arith.constant 0 : i32
          %dma_wait3A_227 = tpu.memref_slice %arg10[%dma_wait3A_225, %dma_wait3A_226] : memref<10240x64xf32, #tpu.memory_space<vmem_shared>> -> memref<10240x64xf32, #tpu.memory_space<vmem_shared>>
          tpu.wait_indirect_dma semaphore(%arg24 : memref<!tpu.dma_semaphore, #tpu.memory_space<semaphore_mem>>) src(%arg15 : memref<128x64xf32, #tpu.memory_space<vmem>>) dst(%dma_wait3A_227 : memref<10240x64xf32, #tpu.memory_space<vmem_shared>>)
        } else {
        }
        %add3A_213 = arith.constant 3 : i32
        %add3A_214 = arith.addi %add3A_195, %add3A_213 : i32
        %lt3A_215 = arith.constant 40 : i32
        %lt3A_216 = arith.cmpi slt, %add3A_214, %lt3A_215 : i32
        %convert_element_type3A_217 = arith.extui %lt3A_216 : i1 to i32
        %cond3A_218 = arith.constant 0 : i32
        %cond3A_219 = arith.cmpi ne, %convert_element_type3A_217, %cond3A_218 : i32
        scf.if %cond3A_219 {
          %add3A_221 = arith.constant 3 : i32
          %add3A_222 = arith.addi %add3A_195, %add3A_221 : i32
          %dma_start3A_223 = arith.constant 0 : i32
          %dma_start3A_224 = tpu.memref_slice %arg11[%add3A_222, %dma_start3A_223] : memref<40x128xi32, #tpu.memory_space<vmem>> -> memref<1x128xi32, #tpu.memory_space<vmem>>
          %dma_start3A_225 = tpu.memref_squeeze %dma_start3A_224 : memref<1x128xi32, #tpu.memory_space<vmem>> -> memref<128xi32, #tpu.memory_space<vmem>>
          %dma_start3A_226 = arith.constant 0 : i32
          %dma_start3A_227 = arith.constant 0 : i32
          %dma_start3A_228 = tpu.memref_slice %arg8[%dma_start3A_226, %dma_start3A_227] : memref<20480x64xf32, #tpu.memory_space<hbm>> -> memref<20480x64xf32, #tpu.memory_space<hbm>>
          tpu.enqueue_indirect_dma source(%dma_start3A_228 : memref<20480x64xf32, #tpu.memory_space<hbm>>) target(%arg15 : memref<128x64xf32, #tpu.memory_space<vmem>>) offsets(%dma_start3A_225 : memref<128xi32, #tpu.memory_space<vmem>>) semaphore(%arg20 : memref<!tpu.dma_semaphore, #tpu.memory_space<semaphore_mem>>)
        } else {
        }
        %scan3A_220 = arith.constant 0 : i32
        scf.yield %scan3A_220 : i32
      }
      %scan3A_102 = arith.constant 10 : i32
      %dma_wait3A = arith.constant 0 : i32
      %dma_wait3A_103 = arith.constant 0 : i32
      %dma_wait3A_104 = tpu.memref_slice %arg12[%dma_wait3A, %dma_wait3A_103] : memref<40x128xi32, #tpu.memory_space<vmem>> -> memref<1x128xi32, #tpu.memory_space<vmem>>
      %dma_wait3A_105 = tpu.memref_squeeze %dma_wait3A_104 : memref<1x128xi32, #tpu.memory_space<vmem>> -> memref<128xi32, #tpu.memory_space<vmem>>
      %dma_wait3A_106 = arith.constant 0 : i32
      %dma_wait3A_107 = arith.constant 0 : i32
      %dma_wait3A_108 = tpu.memref_slice %arg10[%dma_wait3A_106, %dma_wait3A_107] : memref<10240x64xf32, #tpu.memory_space<vmem_shared>> -> memref<10240x64xf32, #tpu.memory_space<vmem_shared>>
      tpu.wait_indirect_dma semaphore(%arg25 : memref<!tpu.dma_semaphore, #tpu.memory_space<semaphore_mem>>) src(%arg16 : memref<128x64xf32, #tpu.memory_space<vmem>>) dst(%dma_wait3A_108 : memref<10240x64xf32, #tpu.memory_space<vmem_shared>>)
      %scan3A_109 = arith.constant 0 : i32
      scf.yield %scan3A_109 : i32
    }
    %scan3A_54 = arith.constant 4 : i32
    "tpu.trace_stop"() : () -> ()
    %barrier3A_55 = arith.constant 0 : index
    tpu.barrier barrier_id(%barrier3A_55)
    "tpu.trace_start"() <{level = 10 : i32, message = "p4_norm"}> : () -> ()
    %scan3A_56 = arith.constant 0 : i32
    %scan3A_57 = arith.constant 0 : i32
    %scan3A_58 = arith.constant 5 : i32
    %scan3A_59 = arith.addi %scan3A_57, %scan3A_58 : i32
    %scan3A_60 = arith.constant 1 : i32
    %scan3A_61 = scf.for %scan3A_63 = %scan3A_57 to %scan3A_59 step %scan3A_60 iter_args(%scan3A_64 = %scan3A_56) -> (i32)  : i32 {
      %mul3A_65 = arith.constant 128 : i32
      %mul3A_66 = arith.muli %mul3A_65, %scan3A_63 : i32
      %add3A_67 = arith.addi %mul3A_0, %mul3A_66 : i32
      "tpu.region"() ({
        %run_scoped3A = tpu.sem_alloc : memref<!tpu.dma_semaphore, #tpu.memory_space<semaphore_mem>>
        %dma_start3A = arith.constant 0 : i32
        %dma_start3A_76 = tpu.memref_slice %arg6[%add3A_67, %dma_start3A] : memref<10240x16xf32, #tpu.memory_space<hbm>> -> memref<128x16xf32, #tpu.memory_space<hbm>>
        %dma_start3A_77 = arith.constant 0 : i32
        %dma_start3A_78 = tpu.memref_slice %arg6[%add3A_67, %dma_start3A_77] : memref<10240x16xf32, #tpu.memory_space<hbm>> -> memref<128x16xf32, #tpu.memory_space<hbm>>
        tpu.enqueue_dma source(%dma_start3A_78 : memref<128x16xf32, #tpu.memory_space<hbm>>) target(%arg17 : memref<128x16xf32, #tpu.memory_space<vmem>>) target_semaphore(%run_scoped3A : memref<!tpu.dma_semaphore, #tpu.memory_space<semaphore_mem>>)
        %dma_wait3A = arith.constant 0 : i32
        %dma_wait3A_79 = tpu.memref_slice %arg6[%add3A_67, %dma_wait3A] : memref<10240x16xf32, #tpu.memory_space<hbm>> -> memref<128x16xf32, #tpu.memory_space<hbm>>
        %dma_wait3A_80 = arith.constant 0 : i32
        %dma_wait3A_81 = tpu.memref_slice %arg6[%add3A_67, %dma_wait3A_80] : memref<10240x16xf32, #tpu.memory_space<hbm>> -> memref<128x16xf32, #tpu.memory_space<hbm>>
        tpu.wait_dma2 semaphore(%run_scoped3A : memref<!tpu.dma_semaphore, #tpu.memory_space<semaphore_mem>>) src(%dma_wait3A_81 : memref<128x16xf32, #tpu.memory_space<hbm>>) dst(%arg17 : memref<128x16xf32, #tpu.memory_space<vmem>>)
        tpu.yield
      }) : () -> ()
      "tpu.region"() ({
        %run_scoped3A = tpu.sem_alloc : memref<!tpu.dma_semaphore, #tpu.memory_space<semaphore_mem>>
        %dma_start3A = arith.constant 0 : i32
        %dma_start3A_76 = tpu.memref_slice %arg10[%add3A_67, %dma_start3A] : memref<10240x64xf32, #tpu.memory_space<vmem_shared>> -> memref<128x64xf32, #tpu.memory_space<vmem_shared>>
        %dma_start3A_77 = arith.constant 0 : i32
        %dma_start3A_78 = tpu.memref_slice %arg10[%add3A_67, %dma_start3A_77] : memref<10240x64xf32, #tpu.memory_space<vmem_shared>> -> memref<128x64xf32, #tpu.memory_space<vmem_shared>>
        tpu.enqueue_dma source(%dma_start3A_78 : memref<128x64xf32, #tpu.memory_space<vmem_shared>>) target(%arg13 : memref<128x64xf32, #tpu.memory_space<vmem>>) target_semaphore(%run_scoped3A : memref<!tpu.dma_semaphore, #tpu.memory_space<semaphore_mem>>)
        %dma_wait3A = arith.constant 0 : i32
        %dma_wait3A_79 = tpu.memref_slice %arg10[%add3A_67, %dma_wait3A] : memref<10240x64xf32, #tpu.memory_space<vmem_shared>> -> memref<128x64xf32, #tpu.memory_space<vmem_shared>>
        %dma_wait3A_80 = arith.constant 0 : i32
        %dma_wait3A_81 = tpu.memref_slice %arg10[%add3A_67, %dma_wait3A_80] : memref<10240x64xf32, #tpu.memory_space<vmem_shared>> -> memref<128x64xf32, #tpu.memory_space<vmem_shared>>
        tpu.wait_dma2 semaphore(%run_scoped3A : memref<!tpu.dma_semaphore, #tpu.memory_space<semaphore_mem>>) src(%dma_wait3A_81 : memref<128x64xf32, #tpu.memory_space<vmem_shared>>) dst(%arg13 : memref<128x64xf32, #tpu.memory_space<vmem>>)
        tpu.yield
      }) : () -> ()
      %scan3A_68 = arith.constant 0 : i32
      %scan3A_69 = arith.constant 0 : i32
      %scan3A_70 = arith.constant 128 : i32
      %scan3A_71 = arith.addi %scan3A_69, %scan3A_70 : i32
      %scan3A_72 = arith.constant 1 : i32
      %scan3A_73 = scf.for %scan3A_76 = %scan3A_69 to %scan3A_71 step %scan3A_72 iter_args(%scan3A_77 = %scan3A_68) -> (i32)  : i32 {
        %get3A = arith.index_cast %scan3A_76 : i32 to index
        %get3A_78 = arith.constant 0 : index
        %get3A_79 = tpu.vector_load %arg17[%get3A, %get3A_78] {strides = array<i32>} : memref<128x16xf32, #tpu.memory_space<vmem>>, vector<1x16xf32>,
        %get3A_80 = vector.shape_cast %get3A_79 : vector<1x16xf32> to vector<16xf32>
        %get3A_81 = arith.index_cast %scan3A_76 : i32 to index
        %get3A_82 = arith.constant 0 : index
        %get3A_83 = tpu.vector_load %arg13[%get3A_81, %get3A_82] {strides = array<i32>} : memref<128x64xf32, #tpu.memory_space<vmem>>, vector<1x16xf32>,
        %get3A_84 = vector.shape_cast %get3A_83 : vector<1x16xf32> to vector<16xf32>
        %mul3A_85 = arith.mulf %get3A_84, %get3A_80 : vector<16xf32>
        %max3A = arith.constant 0.000000e+00 : f32
        %max3A_86 = vector.broadcast %max3A : f32 to vector<16xf32>
        %max3A_87 = arith.maximumf %mul3A_85, %max3A_86 : vector<16xf32>
        %swap3A = arith.index_cast %scan3A_76 : i32 to index
        %swap3A_88 = arith.constant 0 : index
        %swap3A_89 = tpu.vector_load %arg13[%swap3A, %swap3A_88] {strides = array<i32>} : memref<128x64xf32, #tpu.memory_space<vmem>>, vector<1x16xf32>,
        %swap3A_90 = vector.shape_cast %swap3A_89 : vector<1x16xf32> to vector<16xf32>
        %swap3A_91 = vector.shape_cast %max3A_87 : vector<16xf32> to vector<1x16xf32>
        tpu.vector_store %arg13[%swap3A, %swap3A_88], %swap3A_91 {strides = array<i32>} : memref<128x64xf32, #tpu.memory_space<vmem>>, vector<1x16xf32>,
        %get3A_92 = arith.index_cast %scan3A_76 : i32 to index
        %get3A_93 = arith.constant 16 : index
        %get3A_94 = tpu.vector_load %arg13[%get3A_92, %get3A_93] {strides = array<i32>} : memref<128x64xf32, #tpu.memory_space<vmem>>, vector<1x16xf32>,
        %get3A_95 = vector.shape_cast %get3A_94 : vector<1x16xf32> to vector<16xf32>
        %mul3A_96 = arith.mulf %get3A_95, %get3A_80 : vector<16xf32>
        %max3A_97 = arith.constant 0.000000e+00 : f32
        %max3A_98 = vector.broadcast %max3A_97 : f32 to vector<16xf32>
        %max3A_99 = arith.maximumf %mul3A_96, %max3A_98 : vector<16xf32>
        %swap3A_100 = arith.index_cast %scan3A_76 : i32 to index
        %swap3A_101 = arith.constant 16 : index
        %swap3A_102 = tpu.vector_load %arg13[%swap3A_100, %swap3A_101] {strides = array<i32>} : memref<128x64xf32, #tpu.memory_space<vmem>>, vector<1x16xf32>,
        %swap3A_103 = vector.shape_cast %swap3A_102 : vector<1x16xf32> to vector<16xf32>
        %swap3A_104 = vector.shape_cast %max3A_99 : vector<16xf32> to vector<1x16xf32>
        tpu.vector_store %arg13[%swap3A_100, %swap3A_101], %swap3A_104 {strides = array<i32>} : memref<128x64xf32, #tpu.memory_space<vmem>>, vector<1x16xf32>,
        %get3A_105 = arith.index_cast %scan3A_76 : i32 to index
        %get3A_106 = arith.constant 32 : index
        %get3A_107 = tpu.vector_load %arg13[%get3A_105, %get3A_106] {strides = array<i32>} : memref<128x64xf32, #tpu.memory_space<vmem>>, vector<1x16xf32>,
        %get3A_108 = vector.shape_cast %get3A_107 : vector<1x16xf32> to vector<16xf32>
        %mul3A_109 = arith.mulf %get3A_108, %get3A_80 : vector<16xf32>
        %max3A_110 = arith.constant 0.000000e+00 : f32
        %max3A_111 = vector.broadcast %max3A_110 : f32 to vector<16xf32>
        %max3A_112 = arith.maximumf %mul3A_109, %max3A_111 : vector<16xf32>
        %swap3A_113 = arith.index_cast %scan3A_76 : i32 to index
        %swap3A_114 = arith.constant 32 : index
        %swap3A_115 = tpu.vector_load %arg13[%swap3A_113, %swap3A_114] {strides = array<i32>} : memref<128x64xf32, #tpu.memory_space<vmem>>, vector<1x16xf32>,
        %swap3A_116 = vector.shape_cast %swap3A_115 : vector<1x16xf32> to vector<16xf32>
        %swap3A_117 = vector.shape_cast %max3A_112 : vector<16xf32> to vector<1x16xf32>
        tpu.vector_store %arg13[%swap3A_113, %swap3A_114], %swap3A_117 {strides = array<i32>} : memref<128x64xf32, #tpu.memory_space<vmem>>, vector<1x16xf32>,
        %get3A_118 = arith.index_cast %scan3A_76 : i32 to index
        %get3A_119 = arith.constant 48 : index
        %get3A_120 = tpu.vector_load %arg13[%get3A_118, %get3A_119] {strides = array<i32>} : memref<128x64xf32, #tpu.memory_space<vmem>>, vector<1x16xf32>,
        %get3A_121 = vector.shape_cast %get3A_120 : vector<1x16xf32> to vector<16xf32>
        %mul3A_122 = arith.mulf %get3A_121, %get3A_80 : vector<16xf32>
        %max3A_123 = arith.constant 0.000000e+00 : f32
        %max3A_124 = vector.broadcast %max3A_123 : f32 to vector<16xf32>
        %max3A_125 = arith.maximumf %mul3A_122, %max3A_124 : vector<16xf32>
        %swap3A_126 = arith.index_cast %scan3A_76 : i32 to index
        %swap3A_127 = arith.constant 48 : index
        %swap3A_128 = tpu.vector_load %arg13[%swap3A_126, %swap3A_127] {strides = array<i32>} : memref<128x64xf32, #tpu.memory_space<vmem>>, vector<1x16xf32>,
        %swap3A_129 = vector.shape_cast %swap3A_128 : vector<1x16xf32> to vector<16xf32>
        %swap3A_130 = vector.shape_cast %max3A_125 : vector<16xf32> to vector<1x16xf32>
        tpu.vector_store %arg13[%swap3A_126, %swap3A_127], %swap3A_130 {strides = array<i32>} : memref<128x64xf32, #tpu.memory_space<vmem>>, vector<1x16xf32>,
        %scan3A_131 = arith.constant 0 : i32
        scf.yield %scan3A_131 : i32
      }
      %scan3A_74 = arith.constant 128 : i32
      "tpu.region"() ({
        %run_scoped3A = tpu.sem_alloc : memref<!tpu.dma_semaphore, #tpu.memory_space<semaphore_mem>>
        %dma_start3A = arith.constant 0 : i32
        %dma_start3A_76 = arith.constant 0 : i32
        %dma_start3A_77 = tpu.memref_slice %arg7[%arg0, %dma_start3A, %dma_start3A_76] : memref<2x10240x64xf32, #tpu.memory_space<hbm>> -> memref<1x10240x64xf32, #tpu.memory_space<hbm>>
        %dma_start3A_78 = tpu.memref_squeeze %dma_start3A_77 : memref<1x10240x64xf32, #tpu.memory_space<hbm>> -> memref<10240x64xf32, #tpu.memory_space<hbm>>
        %dma_start3A_79 = arith.constant 0 : i32
        %dma_start3A_80 = tpu.memref_slice %dma_start3A_78[%add3A_67, %dma_start3A_79] : memref<10240x64xf32, #tpu.memory_space<hbm>> -> memref<128x64xf32, #tpu.memory_space<hbm>>
        %dma_start3A_81 = arith.constant 0 : i32
        %dma_start3A_82 = arith.constant 0 : i32
        %dma_start3A_83 = tpu.memref_slice %arg7[%arg0, %dma_start3A_81, %dma_start3A_82] : memref<2x10240x64xf32, #tpu.memory_space<hbm>> -> memref<1x10240x64xf32, #tpu.memory_space<hbm>>
        %dma_start3A_84 = tpu.memref_squeeze %dma_start3A_83 : memref<1x10240x64xf32, #tpu.memory_space<hbm>> -> memref<10240x64xf32, #tpu.memory_space<hbm>>
        %dma_start3A_85 = arith.constant 0 : i32
        %dma_start3A_86 = tpu.memref_slice %dma_start3A_84[%add3A_67, %dma_start3A_85] : memref<10240x64xf32, #tpu.memory_space<hbm>> -> memref<128x64xf32, #tpu.memory_space<hbm>>
        tpu.enqueue_dma source(%arg13 : memref<128x64xf32, #tpu.memory_space<vmem>>) target(%dma_start3A_86 : memref<128x64xf32, #tpu.memory_space<hbm>>) target_semaphore(%run_scoped3A : memref<!tpu.dma_semaphore, #tpu.memory_space<semaphore_mem>>)
        %dma_wait3A = arith.constant 0 : i32
        %dma_wait3A_87 = arith.constant 0 : i32
        %dma_wait3A_88 = tpu.memref_slice %arg7[%arg0, %dma_wait3A, %dma_wait3A_87] : memref<2x10240x64xf32, #tpu.memory_space<hbm>> -> memref<1x10240x64xf32, #tpu.memory_space<hbm>>
        %dma_wait3A_89 = tpu.memref_squeeze %dma_wait3A_88 : memref<1x10240x64xf32, #tpu.memory_space<hbm>> -> memref<10240x64xf32, #tpu.memory_space<hbm>>
        %dma_wait3A_90 = arith.constant 0 : i32
        %dma_wait3A_91 = tpu.memref_slice %dma_wait3A_89[%add3A_67, %dma_wait3A_90] : memref<10240x64xf32, #tpu.memory_space<hbm>> -> memref<128x64xf32, #tpu.memory_space<hbm>>
        %dma_wait3A_92 = arith.constant 0 : i32
        %dma_wait3A_93 = arith.constant 0 : i32
        %dma_wait3A_94 = tpu.memref_slice %arg7[%arg0, %dma_wait3A_92, %dma_wait3A_93] : memref<2x10240x64xf32, #tpu.memory_space<hbm>> -> memref<1x10240x64xf32, #tpu.memory_space<hbm>>
        %dma_wait3A_95 = tpu.memref_squeeze %dma_wait3A_94 : memref<1x10240x64xf32, #tpu.memory_space<hbm>> -> memref<10240x64xf32, #tpu.memory_space<hbm>>
        %dma_wait3A_96 = arith.constant 0 : i32
        %dma_wait3A_97 = tpu.memref_slice %dma_wait3A_95[%add3A_67, %dma_wait3A_96] : memref<10240x64xf32, #tpu.memory_space<hbm>> -> memref<128x64xf32, #tpu.memory_space<hbm>>
        tpu.wait_dma2 semaphore(%run_scoped3A : memref<!tpu.dma_semaphore, #tpu.memory_space<semaphore_mem>>) src(%arg13 : memref<128x64xf32, #tpu.memory_space<vmem>>) dst(%dma_wait3A_97 : memref<128x64xf32, #tpu.memory_space<hbm>>)
        tpu.yield
      }) : () -> ()
      %scan3A_75 = arith.constant 0 : i32
      scf.yield %scan3A_75 : i32
    }
    %scan3A_62 = arith.constant 5 : i32
    "tpu.trace_stop"() : () -> ()
    return
  }
}

#map = affine_map<(d0, d1) -> (0, 0)>
#map1 = affine_map<(d0, d1) -> (0, 0, 0)>
module attributes {stable_mosaic.version = 14 : i64} {
  func.func @layer_kernel(%arg0: i32, %arg1: i32, %arg2: memref<20480x32xf32, #tpu.memory_space<hbm>>, %arg3: memref<16x160x128xi32, #tpu.memory_space<hbm>>, %arg4: memref<16x160x128xi32, #tpu.memory_space<hbm>>, %arg5: memref<10240x16xf32, #tpu.memory_space<hbm>>, %arg6: memref<10240x16xf32, #tpu.memory_space<hbm>>, %arg7: memref<2x10240x32xf32, #tpu.memory_space<hbm>>, %arg8: memref<20480x32xf32, #tpu.memory_space<hbm>>, %arg9: memref<10240x32xf32, #tpu.memory_space<vmem_shared>>, %arg10: memref<10240x32xf32, #tpu.memory_space<vmem_shared>>, %arg11: memref<40x128xi32, #tpu.memory_space<vmem>>, %arg12: memref<40x128xi32, #tpu.memory_space<vmem>>, %arg13: memref<128x32xf32, #tpu.memory_space<vmem>>, %arg14: memref<128x32xf32, #tpu.memory_space<vmem>>, %arg15: memref<128x32xf32, #tpu.memory_space<vmem>>, %arg16: memref<128x32xf32, #tpu.memory_space<vmem>>, %arg17: memref<128x16xf32, #tpu.memory_space<vmem>>, %arg18: memref<!tpu.dma_semaphore, #tpu.memory_space<semaphore_mem>>, %arg19: memref<!tpu.dma_semaphore, #tpu.memory_space<semaphore_mem>>, %arg20: memref<!tpu.dma_semaphore, #tpu.memory_space<semaphore_mem>>, %arg21: memref<!tpu.dma_semaphore, #tpu.memory_space<semaphore_mem>>, %arg22: memref<!tpu.dma_semaphore, #tpu.memory_space<semaphore_mem>>, %arg23: memref<!tpu.dma_semaphore, #tpu.memory_space<semaphore_mem>>, %arg24: memref<!tpu.dma_semaphore, #tpu.memory_space<semaphore_mem>>, %arg25: memref<!tpu.dma_semaphore, #tpu.memory_space<semaphore_mem>>) attributes {dimension_semantics = [#tpu.dimension_semantics<core_parallel>, #tpu.dimension_semantics<subcore_parallel>], iteration_bounds = array<i64: 2, 16>, scalar_prefetch = 0 : i64, scratch_operands = 17 : i64, tpu.core_type = #tpu.core_type<sc_vector_subcore>, window_params = [{transform_indices = #map}, {transform_indices = #map1}, {transform_indices = #map1}, {transform_indices = #map}, {transform_indices = #map}, {transform_indices = #map1}, {transform_indices = #map}]} {
    %mul3A = arith.constant 640 : i32
    %mul3A_0 = arith.muli %arg1, %mul3A : i32
    %mul3A_1 = arith.constant 10240 : i32
    %mul3A_2 = arith.muli %arg0, %mul3A_1 : i32
    %broadcast_in_dim3A = vector.broadcast %mul3A_2 : i32 to vector<16xi32>
    %broadcast_in_dim3A_3 = arith.constant 0.000000e+00 : f32
    %broadcast_in_dim3A_4 = vector.broadcast %broadcast_in_dim3A_3 : f32 to vector<16xf32>
    %scan3A = arith.constant 0 : i32
    %scan3A_5 = arith.constant 0 : i32
    %scan3A_6 = arith.constant 128 : i32
    %scan3A_7 = arith.addi %scan3A_5, %scan3A_6 : i32
    %scan3A_8 = arith.constant 1 : i32
    %scan3A_9 = scf.for %scan3A_63 = %scan3A_5 to %scan3A_7 step %scan3A_8 iter_args(%scan3A_64 = %scan3A) -> (i32)  : i32 {
      %swap3A = arith.index_cast %scan3A_63 : i32 to index
      %swap3A_65 = arith.constant 0 : index
      %swap3A_66 = tpu.vector_load %arg13[%swap3A, %swap3A_65] {strides = array<i32>} : memref<128x32xf32, #tpu.memory_space<vmem>>, vector<1x16xf32>,
      %swap3A_67 = vector.shape_cast %swap3A_66 : vector<1x16xf32> to vector<16xf32>
      %swap3A_68 = vector.shape_cast %broadcast_in_dim3A_4 : vector<16xf32> to vector<1x16xf32>
      tpu.vector_store %arg13[%swap3A, %swap3A_65], %swap3A_68 {strides = array<i32>} : memref<128x32xf32, #tpu.memory_space<vmem>>, vector<1x16xf32>,
      %swap3A_69 = arith.index_cast %scan3A_63 : i32 to index
      %swap3A_70 = arith.constant 16 : index
      %swap3A_71 = tpu.vector_load %arg13[%swap3A_69, %swap3A_70] {strides = array<i32>} : memref<128x32xf32, #tpu.memory_space<vmem>>, vector<1x16xf32>,
      %swap3A_72 = vector.shape_cast %swap3A_71 : vector<1x16xf32> to vector<16xf32>
      %swap3A_73 = vector.shape_cast %broadcast_in_dim3A_4 : vector<16xf32> to vector<1x16xf32>
      tpu.vector_store %arg13[%swap3A_69, %swap3A_70], %swap3A_73 {strides = array<i32>} : memref<128x32xf32, #tpu.memory_space<vmem>>, vector<1x16xf32>,
      %scan3A_74 = arith.constant 0 : i32
      scf.yield %scan3A_74 : i32
    }
    %scan3A_10 = arith.constant 128 : i32
    %add3A = arith.constant 0 : i32
    %add3A_11 = arith.addi %mul3A_0, %add3A : i32
    "tpu.region"() ({
      %run_scoped3A = tpu.sem_alloc : memref<!tpu.dma_semaphore, #tpu.memory_space<semaphore_mem>>
      %dma_start3A = arith.constant 0 : i32
      %dma_start3A_63 = tpu.memref_slice %arg9[%add3A_11, %dma_start3A] : memref<10240x32xf32, #tpu.memory_space<vmem_shared>> -> memref<128x32xf32, #tpu.memory_space<vmem_shared>>
      %dma_start3A_64 = arith.constant 0 : i32
      %dma_start3A_65 = tpu.memref_slice %arg9[%add3A_11, %dma_start3A_64] : memref<10240x32xf32, #tpu.memory_space<vmem_shared>> -> memref<128x32xf32, #tpu.memory_space<vmem_shared>>
      tpu.enqueue_dma source(%arg13 : memref<128x32xf32, #tpu.memory_space<vmem>>) target(%dma_start3A_65 : memref<128x32xf32, #tpu.memory_space<vmem_shared>>) target_semaphore(%run_scoped3A : memref<!tpu.dma_semaphore, #tpu.memory_space<semaphore_mem>>)
      %dma_wait3A = arith.constant 0 : i32
      %dma_wait3A_66 = tpu.memref_slice %arg9[%add3A_11, %dma_wait3A] : memref<10240x32xf32, #tpu.memory_space<vmem_shared>> -> memref<128x32xf32, #tpu.memory_space<vmem_shared>>
      %dma_wait3A_67 = arith.constant 0 : i32
      %dma_wait3A_68 = tpu.memref_slice %arg9[%add3A_11, %dma_wait3A_67] : memref<10240x32xf32, #tpu.memory_space<vmem_shared>> -> memref<128x32xf32, #tpu.memory_space<vmem_shared>>
      tpu.wait_dma2 semaphore(%run_scoped3A : memref<!tpu.dma_semaphore, #tpu.memory_space<semaphore_mem>>) src(%arg13 : memref<128x32xf32, #tpu.memory_space<vmem>>) dst(%dma_wait3A_68 : memref<128x32xf32, #tpu.memory_space<vmem_shared>>)
      tpu.yield
    }) : () -> ()
    %add3A_12 = arith.constant 0 : i32
    %add3A_13 = arith.addi %mul3A_0, %add3A_12 : i32
    "tpu.region"() ({
      %run_scoped3A = tpu.sem_alloc : memref<!tpu.dma_semaphore, #tpu.memory_space<semaphore_mem>>
      %dma_start3A = arith.constant 0 : i32
      %dma_start3A_63 = tpu.memref_slice %arg10[%add3A_13, %dma_start3A] : memref<10240x32xf32, #tpu.memory_space<vmem_shared>> -> memref<128x32xf32, #tpu.memory_space<vmem_shared>>
      %dma_start3A_64 = arith.constant 0 : i32
      %dma_start3A_65 = tpu.memref_slice %arg10[%add3A_13, %dma_start3A_64] : memref<10240x32xf32, #tpu.memory_space<vmem_shared>> -> memref<128x32xf32, #tpu.memory_space<vmem_shared>>
      tpu.enqueue_dma source(%arg13 : memref<128x32xf32, #tpu.memory_space<vmem>>) target(%dma_start3A_65 : memref<128x32xf32, #tpu.memory_space<vmem_shared>>) target_semaphore(%run_scoped3A : memref<!tpu.dma_semaphore, #tpu.memory_space<semaphore_mem>>)
      %dma_wait3A = arith.constant 0 : i32
      %dma_wait3A_66 = tpu.memref_slice %arg10[%add3A_13, %dma_wait3A] : memref<10240x32xf32, #tpu.memory_space<vmem_shared>> -> memref<128x32xf32, #tpu.memory_space<vmem_shared>>
      %dma_wait3A_67 = arith.constant 0 : i32
      %dma_wait3A_68 = tpu.memref_slice %arg10[%add3A_13, %dma_wait3A_67] : memref<10240x32xf32, #tpu.memory_space<vmem_shared>> -> memref<128x32xf32, #tpu.memory_space<vmem_shared>>
      tpu.wait_dma2 semaphore(%run_scoped3A : memref<!tpu.dma_semaphore, #tpu.memory_space<semaphore_mem>>) src(%arg13 : memref<128x32xf32, #tpu.memory_space<vmem>>) dst(%dma_wait3A_68 : memref<128x32xf32, #tpu.memory_space<vmem_shared>>)
      tpu.yield
    }) : () -> ()
    %add3A_14 = arith.constant 128 : i32
    %add3A_15 = arith.addi %mul3A_0, %add3A_14 : i32
    "tpu.region"() ({
      %run_scoped3A = tpu.sem_alloc : memref<!tpu.dma_semaphore, #tpu.memory_space<semaphore_mem>>
      %dma_start3A = arith.constant 0 : i32
      %dma_start3A_63 = tpu.memref_slice %arg9[%add3A_15, %dma_start3A] : memref<10240x32xf32, #tpu.memory_space<vmem_shared>> -> memref<128x32xf32, #tpu.memory_space<vmem_shared>>
      %dma_start3A_64 = arith.constant 0 : i32
      %dma_start3A_65 = tpu.memref_slice %arg9[%add3A_15, %dma_start3A_64] : memref<10240x32xf32, #tpu.memory_space<vmem_shared>> -> memref<128x32xf32, #tpu.memory_space<vmem_shared>>
      tpu.enqueue_dma source(%arg13 : memref<128x32xf32, #tpu.memory_space<vmem>>) target(%dma_start3A_65 : memref<128x32xf32, #tpu.memory_space<vmem_shared>>) target_semaphore(%run_scoped3A : memref<!tpu.dma_semaphore, #tpu.memory_space<semaphore_mem>>)
      %dma_wait3A = arith.constant 0 : i32
      %dma_wait3A_66 = tpu.memref_slice %arg9[%add3A_15, %dma_wait3A] : memref<10240x32xf32, #tpu.memory_space<vmem_shared>> -> memref<128x32xf32, #tpu.memory_space<vmem_shared>>
      %dma_wait3A_67 = arith.constant 0 : i32
      %dma_wait3A_68 = tpu.memref_slice %arg9[%add3A_15, %dma_wait3A_67] : memref<10240x32xf32, #tpu.memory_space<vmem_shared>> -> memref<128x32xf32, #tpu.memory_space<vmem_shared>>
      tpu.wait_dma2 semaphore(%run_scoped3A : memref<!tpu.dma_semaphore, #tpu.memory_space<semaphore_mem>>) src(%arg13 : memref<128x32xf32, #tpu.memory_space<vmem>>) dst(%dma_wait3A_68 : memref<128x32xf32, #tpu.memory_space<vmem_shared>>)
      tpu.yield
    }) : () -> ()
    %add3A_16 = arith.constant 128 : i32
    %add3A_17 = arith.addi %mul3A_0, %add3A_16 : i32
    "tpu.region"() ({
      %run_scoped3A = tpu.sem_alloc : memref<!tpu.dma_semaphore, #tpu.memory_space<semaphore_mem>>
      %dma_start3A = arith.constant 0 : i32
      %dma_start3A_63 = tpu.memref_slice %arg10[%add3A_17, %dma_start3A] : memref<10240x32xf32, #tpu.memory_space<vmem_shared>> -> memref<128x32xf32, #tpu.memory_space<vmem_shared>>
      %dma_start3A_64 = arith.constant 0 : i32
      %dma_start3A_65 = tpu.memref_slice %arg10[%add3A_17, %dma_start3A_64] : memref<10240x32xf32, #tpu.memory_space<vmem_shared>> -> memref<128x32xf32, #tpu.memory_space<vmem_shared>>
      tpu.enqueue_dma source(%arg13 : memref<128x32xf32, #tpu.memory_space<vmem>>) target(%dma_start3A_65 : memref<128x32xf32, #tpu.memory_space<vmem_shared>>) target_semaphore(%run_scoped3A : memref<!tpu.dma_semaphore, #tpu.memory_space<semaphore_mem>>)
      %dma_wait3A = arith.constant 0 : i32
      %dma_wait3A_66 = tpu.memref_slice %arg10[%add3A_17, %dma_wait3A] : memref<10240x32xf32, #tpu.memory_space<vmem_shared>> -> memref<128x32xf32, #tpu.memory_space<vmem_shared>>
      %dma_wait3A_67 = arith.constant 0 : i32
      %dma_wait3A_68 = tpu.memref_slice %arg10[%add3A_17, %dma_wait3A_67] : memref<10240x32xf32, #tpu.memory_space<vmem_shared>> -> memref<128x32xf32, #tpu.memory_space<vmem_shared>>
      tpu.wait_dma2 semaphore(%run_scoped3A : memref<!tpu.dma_semaphore, #tpu.memory_space<semaphore_mem>>) src(%arg13 : memref<128x32xf32, #tpu.memory_space<vmem>>) dst(%dma_wait3A_68 : memref<128x32xf32, #tpu.memory_space<vmem_shared>>)
      tpu.yield
    }) : () -> ()
    %add3A_18 = arith.constant 256 : i32
    %add3A_19 = arith.addi %mul3A_0, %add3A_18 : i32
    "tpu.region"() ({
      %run_scoped3A = tpu.sem_alloc : memref<!tpu.dma_semaphore, #tpu.memory_space<semaphore_mem>>
      %dma_start3A = arith.constant 0 : i32
      %dma_start3A_63 = tpu.memref_slice %arg9[%add3A_19, %dma_start3A] : memref<10240x32xf32, #tpu.memory_space<vmem_shared>> -> memref<128x32xf32, #tpu.memory_space<vmem_shared>>
      %dma_start3A_64 = arith.constant 0 : i32
      %dma_start3A_65 = tpu.memref_slice %arg9[%add3A_19, %dma_start3A_64] : memref<10240x32xf32, #tpu.memory_space<vmem_shared>> -> memref<128x32xf32, #tpu.memory_space<vmem_shared>>
      tpu.enqueue_dma source(%arg13 : memref<128x32xf32, #tpu.memory_space<vmem>>) target(%dma_start3A_65 : memref<128x32xf32, #tpu.memory_space<vmem_shared>>) target_semaphore(%run_scoped3A : memref<!tpu.dma_semaphore, #tpu.memory_space<semaphore_mem>>)
      %dma_wait3A = arith.constant 0 : i32
      %dma_wait3A_66 = tpu.memref_slice %arg9[%add3A_19, %dma_wait3A] : memref<10240x32xf32, #tpu.memory_space<vmem_shared>> -> memref<128x32xf32, #tpu.memory_space<vmem_shared>>
      %dma_wait3A_67 = arith.constant 0 : i32
      %dma_wait3A_68 = tpu.memref_slice %arg9[%add3A_19, %dma_wait3A_67] : memref<10240x32xf32, #tpu.memory_space<vmem_shared>> -> memref<128x32xf32, #tpu.memory_space<vmem_shared>>
      tpu.wait_dma2 semaphore(%run_scoped3A : memref<!tpu.dma_semaphore, #tpu.memory_space<semaphore_mem>>) src(%arg13 : memref<128x32xf32, #tpu.memory_space<vmem>>) dst(%dma_wait3A_68 : memref<128x32xf32, #tpu.memory_space<vmem_shared>>)
      tpu.yield
    }) : () -> ()
    %add3A_20 = arith.constant 256 : i32
    %add3A_21 = arith.addi %mul3A_0, %add3A_20 : i32
    "tpu.region"() ({
      %run_scoped3A = tpu.sem_alloc : memref<!tpu.dma_semaphore, #tpu.memory_space<semaphore_mem>>
      %dma_start3A = arith.constant 0 : i32
      %dma_start3A_63 = tpu.memref_slice %arg10[%add3A_21, %dma_start3A] : memref<10240x32xf32, #tpu.memory_space<vmem_shared>> -> memref<128x32xf32, #tpu.memory_space<vmem_shared>>
      %dma_start3A_64 = arith.constant 0 : i32
      %dma_start3A_65 = tpu.memref_slice %arg10[%add3A_21, %dma_start3A_64] : memref<10240x32xf32, #tpu.memory_space<vmem_shared>> -> memref<128x32xf32, #tpu.memory_space<vmem_shared>>
      tpu.enqueue_dma source(%arg13 : memref<128x32xf32, #tpu.memory_space<vmem>>) target(%dma_start3A_65 : memref<128x32xf32, #tpu.memory_space<vmem_shared>>) target_semaphore(%run_scoped3A : memref<!tpu.dma_semaphore, #tpu.memory_space<semaphore_mem>>)
      %dma_wait3A = arith.constant 0 : i32
      %dma_wait3A_66 = tpu.memref_slice %arg10[%add3A_21, %dma_wait3A] : memref<10240x32xf32, #tpu.memory_space<vmem_shared>> -> memref<128x32xf32, #tpu.memory_space<vmem_shared>>
      %dma_wait3A_67 = arith.constant 0 : i32
      %dma_wait3A_68 = tpu.memref_slice %arg10[%add3A_21, %dma_wait3A_67] : memref<10240x32xf32, #tpu.memory_space<vmem_shared>> -> memref<128x32xf32, #tpu.memory_space<vmem_shared>>
      tpu.wait_dma2 semaphore(%run_scoped3A : memref<!tpu.dma_semaphore, #tpu.memory_space<semaphore_mem>>) src(%arg13 : memref<128x32xf32, #tpu.memory_space<vmem>>) dst(%dma_wait3A_68 : memref<128x32xf32, #tpu.memory_space<vmem_shared>>)
      tpu.yield
    }) : () -> ()
    %add3A_22 = arith.constant 384 : i32
    %add3A_23 = arith.addi %mul3A_0, %add3A_22 : i32
    "tpu.region"() ({
      %run_scoped3A = tpu.sem_alloc : memref<!tpu.dma_semaphore, #tpu.memory_space<semaphore_mem>>
      %dma_start3A = arith.constant 0 : i32
      %dma_start3A_63 = tpu.memref_slice %arg9[%add3A_23, %dma_start3A] : memref<10240x32xf32, #tpu.memory_space<vmem_shared>> -> memref<128x32xf32, #tpu.memory_space<vmem_shared>>
      %dma_start3A_64 = arith.constant 0 : i32
      %dma_start3A_65 = tpu.memref_slice %arg9[%add3A_23, %dma_start3A_64] : memref<10240x32xf32, #tpu.memory_space<vmem_shared>> -> memref<128x32xf32, #tpu.memory_space<vmem_shared>>
      tpu.enqueue_dma source(%arg13 : memref<128x32xf32, #tpu.memory_space<vmem>>) target(%dma_start3A_65 : memref<128x32xf32, #tpu.memory_space<vmem_shared>>) target_semaphore(%run_scoped3A : memref<!tpu.dma_semaphore, #tpu.memory_space<semaphore_mem>>)
      %dma_wait3A = arith.constant 0 : i32
      %dma_wait3A_66 = tpu.memref_slice %arg9[%add3A_23, %dma_wait3A] : memref<10240x32xf32, #tpu.memory_space<vmem_shared>> -> memref<128x32xf32, #tpu.memory_space<vmem_shared>>
      %dma_wait3A_67 = arith.constant 0 : i32
      %dma_wait3A_68 = tpu.memref_slice %arg9[%add3A_23, %dma_wait3A_67] : memref<10240x32xf32, #tpu.memory_space<vmem_shared>> -> memref<128x32xf32, #tpu.memory_space<vmem_shared>>
      tpu.wait_dma2 semaphore(%run_scoped3A : memref<!tpu.dma_semaphore, #tpu.memory_space<semaphore_mem>>) src(%arg13 : memref<128x32xf32, #tpu.memory_space<vmem>>) dst(%dma_wait3A_68 : memref<128x32xf32, #tpu.memory_space<vmem_shared>>)
      tpu.yield
    }) : () -> ()
    %add3A_24 = arith.constant 384 : i32
    %add3A_25 = arith.addi %mul3A_0, %add3A_24 : i32
    "tpu.region"() ({
      %run_scoped3A = tpu.sem_alloc : memref<!tpu.dma_semaphore, #tpu.memory_space<semaphore_mem>>
      %dma_start3A = arith.constant 0 : i32
      %dma_start3A_63 = tpu.memref_slice %arg10[%add3A_25, %dma_start3A] : memref<10240x32xf32, #tpu.memory_space<vmem_shared>> -> memref<128x32xf32, #tpu.memory_space<vmem_shared>>
      %dma_start3A_64 = arith.constant 0 : i32
      %dma_start3A_65 = tpu.memref_slice %arg10[%add3A_25, %dma_start3A_64] : memref<10240x32xf32, #tpu.memory_space<vmem_shared>> -> memref<128x32xf32, #tpu.memory_space<vmem_shared>>
      tpu.enqueue_dma source(%arg13 : memref<128x32xf32, #tpu.memory_space<vmem>>) target(%dma_start3A_65 : memref<128x32xf32, #tpu.memory_space<vmem_shared>>) target_semaphore(%run_scoped3A : memref<!tpu.dma_semaphore, #tpu.memory_space<semaphore_mem>>)
      %dma_wait3A = arith.constant 0 : i32
      %dma_wait3A_66 = tpu.memref_slice %arg10[%add3A_25, %dma_wait3A] : memref<10240x32xf32, #tpu.memory_space<vmem_shared>> -> memref<128x32xf32, #tpu.memory_space<vmem_shared>>
      %dma_wait3A_67 = arith.constant 0 : i32
      %dma_wait3A_68 = tpu.memref_slice %arg10[%add3A_25, %dma_wait3A_67] : memref<10240x32xf32, #tpu.memory_space<vmem_shared>> -> memref<128x32xf32, #tpu.memory_space<vmem_shared>>
      tpu.wait_dma2 semaphore(%run_scoped3A : memref<!tpu.dma_semaphore, #tpu.memory_space<semaphore_mem>>) src(%arg13 : memref<128x32xf32, #tpu.memory_space<vmem>>) dst(%dma_wait3A_68 : memref<128x32xf32, #tpu.memory_space<vmem_shared>>)
      tpu.yield
    }) : () -> ()
    %add3A_26 = arith.constant 512 : i32
    %add3A_27 = arith.addi %mul3A_0, %add3A_26 : i32
    "tpu.region"() ({
      %run_scoped3A = tpu.sem_alloc : memref<!tpu.dma_semaphore, #tpu.memory_space<semaphore_mem>>
      %dma_start3A = arith.constant 0 : i32
      %dma_start3A_63 = tpu.memref_slice %arg9[%add3A_27, %dma_start3A] : memref<10240x32xf32, #tpu.memory_space<vmem_shared>> -> memref<128x32xf32, #tpu.memory_space<vmem_shared>>
      %dma_start3A_64 = arith.constant 0 : i32
      %dma_start3A_65 = tpu.memref_slice %arg9[%add3A_27, %dma_start3A_64] : memref<10240x32xf32, #tpu.memory_space<vmem_shared>> -> memref<128x32xf32, #tpu.memory_space<vmem_shared>>
      tpu.enqueue_dma source(%arg13 : memref<128x32xf32, #tpu.memory_space<vmem>>) target(%dma_start3A_65 : memref<128x32xf32, #tpu.memory_space<vmem_shared>>) target_semaphore(%run_scoped3A : memref<!tpu.dma_semaphore, #tpu.memory_space<semaphore_mem>>)
      %dma_wait3A = arith.constant 0 : i32
      %dma_wait3A_66 = tpu.memref_slice %arg9[%add3A_27, %dma_wait3A] : memref<10240x32xf32, #tpu.memory_space<vmem_shared>> -> memref<128x32xf32, #tpu.memory_space<vmem_shared>>
      %dma_wait3A_67 = arith.constant 0 : i32
      %dma_wait3A_68 = tpu.memref_slice %arg9[%add3A_27, %dma_wait3A_67] : memref<10240x32xf32, #tpu.memory_space<vmem_shared>> -> memref<128x32xf32, #tpu.memory_space<vmem_shared>>
      tpu.wait_dma2 semaphore(%run_scoped3A : memref<!tpu.dma_semaphore, #tpu.memory_space<semaphore_mem>>) src(%arg13 : memref<128x32xf32, #tpu.memory_space<vmem>>) dst(%dma_wait3A_68 : memref<128x32xf32, #tpu.memory_space<vmem_shared>>)
      tpu.yield
    }) : () -> ()
    %add3A_28 = arith.constant 512 : i32
    %add3A_29 = arith.addi %mul3A_0, %add3A_28 : i32
    "tpu.region"() ({
      %run_scoped3A = tpu.sem_alloc : memref<!tpu.dma_semaphore, #tpu.memory_space<semaphore_mem>>
      %dma_start3A = arith.constant 0 : i32
      %dma_start3A_63 = tpu.memref_slice %arg10[%add3A_29, %dma_start3A] : memref<10240x32xf32, #tpu.memory_space<vmem_shared>> -> memref<128x32xf32, #tpu.memory_space<vmem_shared>>
      %dma_start3A_64 = arith.constant 0 : i32
      %dma_start3A_65 = tpu.memref_slice %arg10[%add3A_29, %dma_start3A_64] : memref<10240x32xf32, #tpu.memory_space<vmem_shared>> -> memref<128x32xf32, #tpu.memory_space<vmem_shared>>
      tpu.enqueue_dma source(%arg13 : memref<128x32xf32, #tpu.memory_space<vmem>>) target(%dma_start3A_65 : memref<128x32xf32, #tpu.memory_space<vmem_shared>>) target_semaphore(%run_scoped3A : memref<!tpu.dma_semaphore, #tpu.memory_space<semaphore_mem>>)
      %dma_wait3A = arith.constant 0 : i32
      %dma_wait3A_66 = tpu.memref_slice %arg10[%add3A_29, %dma_wait3A] : memref<10240x32xf32, #tpu.memory_space<vmem_shared>> -> memref<128x32xf32, #tpu.memory_space<vmem_shared>>
      %dma_wait3A_67 = arith.constant 0 : i32
      %dma_wait3A_68 = tpu.memref_slice %arg10[%add3A_29, %dma_wait3A_67] : memref<10240x32xf32, #tpu.memory_space<vmem_shared>> -> memref<128x32xf32, #tpu.memory_space<vmem_shared>>
      tpu.wait_dma2 semaphore(%run_scoped3A : memref<!tpu.dma_semaphore, #tpu.memory_space<semaphore_mem>>) src(%arg13 : memref<128x32xf32, #tpu.memory_space<vmem>>) dst(%dma_wait3A_68 : memref<128x32xf32, #tpu.memory_space<vmem_shared>>)
      tpu.yield
    }) : () -> ()
    %barrier3A = arith.constant 0 : index
    tpu.barrier barrier_id(%barrier3A)
    "tpu.trace_start"() <{level = 10 : i32, message = "p1_scatter"}> : () -> ()
    %scan3A_30 = arith.constant 0 : i32
    %scan3A_31 = arith.constant 0 : i32
    %scan3A_32 = arith.constant 4 : i32
    %scan3A_33 = arith.addi %scan3A_31, %scan3A_32 : i32
    %scan3A_34 = arith.constant 1 : i32
    %scan3A_35 = scf.for %scan3A_63 = %scan3A_31 to %scan3A_33 step %scan3A_34 iter_args(%scan3A_64 = %scan3A_30) -> (i32)  : i32 {
      %mul3A_65 = arith.constant 40 : i32
      %mul3A_66 = arith.muli %scan3A_63, %mul3A_65 : i32
      "tpu.region"() ({
        %run_scoped3A = tpu.sem_alloc : memref<!tpu.dma_semaphore, #tpu.memory_space<semaphore_mem>>
        %dma_start3A_110 = arith.constant 0 : i32
        %dma_start3A_111 = arith.constant 0 : i32
        %dma_start3A_112 = tpu.memref_slice %arg3[%arg1, %dma_start3A_110, %dma_start3A_111] : memref<16x160x128xi32, #tpu.memory_space<hbm>> -> memref<1x160x128xi32, #tpu.memory_space<hbm>>
        %dma_start3A_113 = tpu.memref_squeeze %dma_start3A_112 : memref<1x160x128xi32, #tpu.memory_space<hbm>> -> memref<160x128xi32, #tpu.memory_space<hbm>>
        %dma_start3A_114 = arith.constant 0 : i32
        %dma_start3A_115 = tpu.memref_slice %dma_start3A_113[%mul3A_66, %dma_start3A_114] : memref<160x128xi32, #tpu.memory_space<hbm>> -> memref<40x128xi32, #tpu.memory_space<hbm>>
        %dma_start3A_116 = arith.constant 0 : i32
        %dma_start3A_117 = arith.constant 0 : i32
        %dma_start3A_118 = tpu.memref_slice %arg3[%arg1, %dma_start3A_116, %dma_start3A_117] : memref<16x160x128xi32, #tpu.memory_space<hbm>> -> memref<1x160x128xi32, #tpu.memory_space<hbm>>
        %dma_start3A_119 = tpu.memref_squeeze %dma_start3A_118 : memref<1x160x128xi32, #tpu.memory_space<hbm>> -> memref<160x128xi32, #tpu.memory_space<hbm>>
        %dma_start3A_120 = arith.constant 0 : i32
        %dma_start3A_121 = tpu.memref_slice %dma_start3A_119[%mul3A_66, %dma_start3A_120] : memref<160x128xi32, #tpu.memory_space<hbm>> -> memref<40x128xi32, #tpu.memory_space<hbm>>
        tpu.enqueue_dma source(%dma_start3A_121 : memref<40x128xi32, #tpu.memory_space<hbm>>) target(%arg11 : memref<40x128xi32, #tpu.memory_space<vmem>>) target_semaphore(%run_scoped3A : memref<!tpu.dma_semaphore, #tpu.memory_space<semaphore_mem>>)
        %dma_wait3A_122 = arith.constant 0 : i32
        %dma_wait3A_123 = arith.constant 0 : i32
        %dma_wait3A_124 = tpu.memref_slice %arg3[%arg1, %dma_wait3A_122, %dma_wait3A_123] : memref<16x160x128xi32, #tpu.memory_space<hbm>> -> memref<1x160x128xi32, #tpu.memory_space<hbm>>
        %dma_wait3A_125 = tpu.memref_squeeze %dma_wait3A_124 : memref<1x160x128xi32, #tpu.memory_space<hbm>> -> memref<160x128xi32, #tpu.memory_space<hbm>>
        %dma_wait3A_126 = arith.constant 0 : i32
        %dma_wait3A_127 = tpu.memref_slice %dma_wait3A_125[%mul3A_66, %dma_wait3A_126] : memref<160x128xi32, #tpu.memory_space<hbm>> -> memref<40x128xi32, #tpu.memory_space<hbm>>
        %dma_wait3A_128 = arith.constant 0 : i32
        %dma_wait3A_129 = arith.constant 0 : i32
        %dma_wait3A_130 = tpu.memref_slice %arg3[%arg1, %dma_wait3A_128, %dma_wait3A_129] : memref<16x160x128xi32, #tpu.memory_space<hbm>> -> memref<1x160x128xi32, #tpu.memory_space<hbm>>
        %dma_wait3A_131 = tpu.memref_squeeze %dma_wait3A_130 : memref<1x160x128xi32, #tpu.memory_space<hbm>> -> memref<160x128xi32, #tpu.memory_space<hbm>>
        %dma_wait3A_132 = arith.constant 0 : i32
        %dma_wait3A_133 = tpu.memref_slice %dma_wait3A_131[%mul3A_66, %dma_wait3A_132] : memref<160x128xi32, #tpu.memory_space<hbm>> -> memref<40x128xi32, #tpu.memory_space<hbm>>
        tpu.wait_dma2 semaphore(%run_scoped3A : memref<!tpu.dma_semaphore, #tpu.memory_space<semaphore_mem>>) src(%dma_wait3A_133 : memref<40x128xi32, #tpu.memory_space<hbm>>) dst(%arg11 : memref<40x128xi32, #tpu.memory_space<vmem>>)
        tpu.yield
      }) : () -> ()
      %scan3A_67 = arith.constant 0 : i32
      %scan3A_68 = arith.constant 0 : i32
      %scan3A_69 = arith.constant 40 : i32
      %scan3A_70 = arith.addi %scan3A_68, %scan3A_69 : i32
      %scan3A_71 = arith.constant 1 : i32
      %scan3A_72 = scf.for %scan3A_110 = %scan3A_68 to %scan3A_70 step %scan3A_71 iter_args(%scan3A_111 = %scan3A_67) -> (i32)  : i32 {
        %get3A = arith.index_cast %scan3A_110 : i32 to index
        %get3A_112 = arith.constant 0 : index
        %get3A_113 = tpu.vector_load %arg11[%get3A, %get3A_112] {strides = array<i32>} : memref<40x128xi32, #tpu.memory_space<vmem>>, vector<1x16xi32>,
        %get3A_114 = vector.shape_cast %get3A_113 : vector<1x16xi32> to vector<16xi32>
        %add3A_115 = arith.addi %get3A_114, %broadcast_in_dim3A : vector<16xi32>
        %swap3A = arith.index_cast %scan3A_110 : i32 to index
        %swap3A_116 = arith.constant 0 : index
        %swap3A_117 = tpu.vector_load %arg11[%swap3A, %swap3A_116] {strides = array<i32>} : memref<40x128xi32, #tpu.memory_space<vmem>>, vector<1x16xi32>,
        %swap3A_118 = vector.shape_cast %swap3A_117 : vector<1x16xi32> to vector<16xi32>
        %swap3A_119 = vector.shape_cast %add3A_115 : vector<16xi32> to vector<1x16xi32>
        tpu.vector_store %arg11[%swap3A, %swap3A_116], %swap3A_119 {strides = array<i32>} : memref<40x128xi32, #tpu.memory_space<vmem>>, vector<1x16xi32>,
        %get3A_120 = arith.index_cast %scan3A_110 : i32 to index
        %get3A_121 = arith.constant 16 : index
        %get3A_122 = tpu.vector_load %arg11[%get3A_120, %get3A_121] {strides = array<i32>} : memref<40x128xi32, #tpu.memory_space<vmem>>, vector<1x16xi32>,
        %get3A_123 = vector.shape_cast %get3A_122 : vector<1x16xi32> to vector<16xi32>
        %add3A_124 = arith.addi %get3A_123, %broadcast_in_dim3A : vector<16xi32>
        %swap3A_125 = arith.index_cast %scan3A_110 : i32 to index
        %swap3A_126 = arith.constant 16 : index
        %swap3A_127 = tpu.vector_load %arg11[%swap3A_125, %swap3A_126] {strides = array<i32>} : memref<40x128xi32, #tpu.memory_space<vmem>>, vector<1x16xi32>,
        %swap3A_128 = vector.shape_cast %swap3A_127 : vector<1x16xi32> to vector<16xi32>
        %swap3A_129 = vector.shape_cast %add3A_124 : vector<16xi32> to vector<1x16xi32>
        tpu.vector_store %arg11[%swap3A_125, %swap3A_126], %swap3A_129 {strides = array<i32>} : memref<40x128xi32, #tpu.memory_space<vmem>>, vector<1x16xi32>,
        %get3A_130 = arith.index_cast %scan3A_110 : i32 to index
        %get3A_131 = arith.constant 32 : index
        %get3A_132 = tpu.vector_load %arg11[%get3A_130, %get3A_131] {strides = array<i32>} : memref<40x128xi32, #tpu.memory_space<vmem>>, vector<1x16xi32>,
        %get3A_133 = vector.shape_cast %get3A_132 : vector<1x16xi32> to vector<16xi32>
        %add3A_134 = arith.addi %get3A_133, %broadcast_in_dim3A : vector<16xi32>
        %swap3A_135 = arith.index_cast %scan3A_110 : i32 to index
        %swap3A_136 = arith.constant 32 : index
        %swap3A_137 = tpu.vector_load %arg11[%swap3A_135, %swap3A_136] {strides = array<i32>} : memref<40x128xi32, #tpu.memory_space<vmem>>, vector<1x16xi32>,
        %swap3A_138 = vector.shape_cast %swap3A_137 : vector<1x16xi32> to vector<16xi32>
        %swap3A_139 = vector.shape_cast %add3A_134 : vector<16xi32> to vector<1x16xi32>
        tpu.vector_store %arg11[%swap3A_135, %swap3A_136], %swap3A_139 {strides = array<i32>} : memref<40x128xi32, #tpu.memory_space<vmem>>, vector<1x16xi32>,
        %get3A_140 = arith.index_cast %scan3A_110 : i32 to index
        %get3A_141 = arith.constant 48 : index
        %get3A_142 = tpu.vector_load %arg11[%get3A_140, %get3A_141] {strides = array<i32>} : memref<40x128xi32, #tpu.memory_space<vmem>>, vector<1x16xi32>,
        %get3A_143 = vector.shape_cast %get3A_142 : vector<1x16xi32> to vector<16xi32>
        %add3A_144 = arith.addi %get3A_143, %broadcast_in_dim3A : vector<16xi32>
        %swap3A_145 = arith.index_cast %scan3A_110 : i32 to index
        %swap3A_146 = arith.constant 48 : index
        %swap3A_147 = tpu.vector_load %arg11[%swap3A_145, %swap3A_146] {strides = array<i32>} : memref<40x128xi32, #tpu.memory_space<vmem>>, vector<1x16xi32>,
        %swap3A_148 = vector.shape_cast %swap3A_147 : vector<1x16xi32> to vector<16xi32>
        %swap3A_149 = vector.shape_cast %add3A_144 : vector<16xi32> to vector<1x16xi32>
        tpu.vector_store %arg11[%swap3A_145, %swap3A_146], %swap3A_149 {strides = array<i32>} : memref<40x128xi32, #tpu.memory_space<vmem>>, vector<1x16xi32>,
        %get3A_150 = arith.index_cast %scan3A_110 : i32 to index
        %get3A_151 = arith.constant 64 : index
        %get3A_152 = tpu.vector_load %arg11[%get3A_150, %get3A_151] {strides = array<i32>} : memref<40x128xi32, #tpu.memory_space<vmem>>, vector<1x16xi32>,
        %get3A_153 = vector.shape_cast %get3A_152 : vector<1x16xi32> to vector<16xi32>
        %add3A_154 = arith.addi %get3A_153, %broadcast_in_dim3A : vector<16xi32>
        %swap3A_155 = arith.index_cast %scan3A_110 : i32 to index
        %swap3A_156 = arith.constant 64 : index
        %swap3A_157 = tpu.vector_load %arg11[%swap3A_155, %swap3A_156] {strides = array<i32>} : memref<40x128xi32, #tpu.memory_space<vmem>>, vector<1x16xi32>,
        %swap3A_158 = vector.shape_cast %swap3A_157 : vector<1x16xi32> to vector<16xi32>
        %swap3A_159 = vector.shape_cast %add3A_154 : vector<16xi32> to vector<1x16xi32>
        tpu.vector_store %arg11[%swap3A_155, %swap3A_156], %swap3A_159 {strides = array<i32>} : memref<40x128xi32, #tpu.memory_space<vmem>>, vector<1x16xi32>,
        %get3A_160 = arith.index_cast %scan3A_110 : i32 to index
        %get3A_161 = arith.constant 80 : index
        %get3A_162 = tpu.vector_load %arg11[%get3A_160, %get3A_161] {strides = array<i32>} : memref<40x128xi32, #tpu.memory_space<vmem>>, vector<1x16xi32>,
        %get3A_163 = vector.shape_cast %get3A_162 : vector<1x16xi32> to vector<16xi32>
        %add3A_164 = arith.addi %get3A_163, %broadcast_in_dim3A : vector<16xi32>
        %swap3A_165 = arith.index_cast %scan3A_110 : i32 to index
        %swap3A_166 = arith.constant 80 : index
        %swap3A_167 = tpu.vector_load %arg11[%swap3A_165, %swap3A_166] {strides = array<i32>} : memref<40x128xi32, #tpu.memory_space<vmem>>, vector<1x16xi32>,
        %swap3A_168 = vector.shape_cast %swap3A_167 : vector<1x16xi32> to vector<16xi32>
        %swap3A_169 = vector.shape_cast %add3A_164 : vector<16xi32> to vector<1x16xi32>
        tpu.vector_store %arg11[%swap3A_165, %swap3A_166], %swap3A_169 {strides = array<i32>} : memref<40x128xi32, #tpu.memory_space<vmem>>, vector<1x16xi32>,
        %get3A_170 = arith.index_cast %scan3A_110 : i32 to index
        %get3A_171 = arith.constant 96 : index
        %get3A_172 = tpu.vector_load %arg11[%get3A_170, %get3A_171] {strides = array<i32>} : memref<40x128xi32, #tpu.memory_space<vmem>>, vector<1x16xi32>,
        %get3A_173 = vector.shape_cast %get3A_172 : vector<1x16xi32> to vector<16xi32>
        %add3A_174 = arith.addi %get3A_173, %broadcast_in_dim3A : vector<16xi32>
        %swap3A_175 = arith.index_cast %scan3A_110 : i32 to index
        %swap3A_176 = arith.constant 96 : index
        %swap3A_177 = tpu.vector_load %arg11[%swap3A_175, %swap3A_176] {strides = array<i32>} : memref<40x128xi32, #tpu.memory_space<vmem>>, vector<1x16xi32>,
        %swap3A_178 = vector.shape_cast %swap3A_177 : vector<1x16xi32> to vector<16xi32>
        %swap3A_179 = vector.shape_cast %add3A_174 : vector<16xi32> to vector<1x16xi32>
        tpu.vector_store %arg11[%swap3A_175, %swap3A_176], %swap3A_179 {strides = array<i32>} : memref<40x128xi32, #tpu.memory_space<vmem>>, vector<1x16xi32>,
        %get3A_180 = arith.index_cast %scan3A_110 : i32 to index
        %get3A_181 = arith.constant 112 : index
        %get3A_182 = tpu.vector_load %arg11[%get3A_180, %get3A_181] {strides = array<i32>} : memref<40x128xi32, #tpu.memory_space<vmem>>, vector<1x16xi32>,
        %get3A_183 = vector.shape_cast %get3A_182 : vector<1x16xi32> to vector<16xi32>
        %add3A_184 = arith.addi %get3A_183, %broadcast_in_dim3A : vector<16xi32>
        %swap3A_185 = arith.index_cast %scan3A_110 : i32 to index
        %swap3A_186 = arith.constant 112 : index
        %swap3A_187 = tpu.vector_load %arg11[%swap3A_185, %swap3A_186] {strides = array<i32>} : memref<40x128xi32, #tpu.memory_space<vmem>>, vector<1x16xi32>,
        %swap3A_188 = vector.shape_cast %swap3A_187 : vector<1x16xi32> to vector<16xi32>
        %swap3A_189 = vector.shape_cast %add3A_184 : vector<16xi32> to vector<1x16xi32>
        tpu.vector_store %arg11[%swap3A_185, %swap3A_186], %swap3A_189 {strides = array<i32>} : memref<40x128xi32, #tpu.memory_space<vmem>>, vector<1x16xi32>,
        %scan3A_190 = arith.constant 0 : i32
        scf.yield %scan3A_190 : i32
      }
      %scan3A_73 = arith.constant 40 : i32
      %mul3A_74 = arith.constant 40 : i32
      %mul3A_75 = arith.muli %scan3A_63, %mul3A_74 : i32
      "tpu.region"() ({
        %run_scoped3A = tpu.sem_alloc : memref<!tpu.dma_semaphore, #tpu.memory_space<semaphore_mem>>
        %dma_start3A_110 = arith.constant 0 : i32
        %dma_start3A_111 = arith.constant 0 : i32
        %dma_start3A_112 = tpu.memref_slice %arg4[%arg1, %dma_start3A_110, %dma_start3A_111] : memref<16x160x128xi32, #tpu.memory_space<hbm>> -> memref<1x160x128xi32, #tpu.memory_space<hbm>>
        %dma_start3A_113 = tpu.memref_squeeze %dma_start3A_112 : memref<1x160x128xi32, #tpu.memory_space<hbm>> -> memref<160x128xi32, #tpu.memory_space<hbm>>
        %dma_start3A_114 = arith.constant 0 : i32
        %dma_start3A_115 = tpu.memref_slice %dma_start3A_113[%mul3A_75, %dma_start3A_114] : memref<160x128xi32, #tpu.memory_space<hbm>> -> memref<40x128xi32, #tpu.memory_space<hbm>>
        %dma_start3A_116 = arith.constant 0 : i32
        %dma_start3A_117 = arith.constant 0 : i32
        %dma_start3A_118 = tpu.memref_slice %arg4[%arg1, %dma_start3A_116, %dma_start3A_117] : memref<16x160x128xi32, #tpu.memory_space<hbm>> -> memref<1x160x128xi32, #tpu.memory_space<hbm>>
        %dma_start3A_119 = tpu.memref_squeeze %dma_start3A_118 : memref<1x160x128xi32, #tpu.memory_space<hbm>> -> memref<160x128xi32, #tpu.memory_space<hbm>>
        %dma_start3A_120 = arith.constant 0 : i32
        %dma_start3A_121 = tpu.memref_slice %dma_start3A_119[%mul3A_75, %dma_start3A_120] : memref<160x128xi32, #tpu.memory_space<hbm>> -> memref<40x128xi32, #tpu.memory_space<hbm>>
        tpu.enqueue_dma source(%dma_start3A_121 : memref<40x128xi32, #tpu.memory_space<hbm>>) target(%arg12 : memref<40x128xi32, #tpu.memory_space<vmem>>) target_semaphore(%run_scoped3A : memref<!tpu.dma_semaphore, #tpu.memory_space<semaphore_mem>>)
        %dma_wait3A_122 = arith.constant 0 : i32
        %dma_wait3A_123 = arith.constant 0 : i32
        %dma_wait3A_124 = tpu.memref_slice %arg4[%arg1, %dma_wait3A_122, %dma_wait3A_123] : memref<16x160x128xi32, #tpu.memory_space<hbm>> -> memref<1x160x128xi32, #tpu.memory_space<hbm>>
        %dma_wait3A_125 = tpu.memref_squeeze %dma_wait3A_124 : memref<1x160x128xi32, #tpu.memory_space<hbm>> -> memref<160x128xi32, #tpu.memory_space<hbm>>
        %dma_wait3A_126 = arith.constant 0 : i32
        %dma_wait3A_127 = tpu.memref_slice %dma_wait3A_125[%mul3A_75, %dma_wait3A_126] : memref<160x128xi32, #tpu.memory_space<hbm>> -> memref<40x128xi32, #tpu.memory_space<hbm>>
        %dma_wait3A_128 = arith.constant 0 : i32
        %dma_wait3A_129 = arith.constant 0 : i32
        %dma_wait3A_130 = tpu.memref_slice %arg4[%arg1, %dma_wait3A_128, %dma_wait3A_129] : memref<16x160x128xi32, #tpu.memory_space<hbm>> -> memref<1x160x128xi32, #tpu.memory_space<hbm>>
        %dma_wait3A_131 = tpu.memref_squeeze %dma_wait3A_130 : memref<1x160x128xi32, #tpu.memory_space<hbm>> -> memref<160x128xi32, #tpu.memory_space<hbm>>
        %dma_wait3A_132 = arith.constant 0 : i32
        %dma_wait3A_133 = tpu.memref_slice %dma_wait3A_131[%mul3A_75, %dma_wait3A_132] : memref<160x128xi32, #tpu.memory_space<hbm>> -> memref<40x128xi32, #tpu.memory_space<hbm>>
        tpu.wait_dma2 semaphore(%run_scoped3A : memref<!tpu.dma_semaphore, #tpu.memory_space<semaphore_mem>>) src(%dma_wait3A_133 : memref<40x128xi32, #tpu.memory_space<hbm>>) dst(%arg12 : memref<40x128xi32, #tpu.memory_space<vmem>>)
        tpu.yield
      }) : () -> ()
      %dma_start3A = arith.constant 0 : i32
      %dma_start3A_76 = arith.constant 0 : i32
      %dma_start3A_77 = tpu.memref_slice %arg11[%dma_start3A, %dma_start3A_76] : memref<40x128xi32, #tpu.memory_space<vmem>> -> memref<1x128xi32, #tpu.memory_space<vmem>>
      %dma_start3A_78 = tpu.memref_squeeze %dma_start3A_77 : memref<1x128xi32, #tpu.memory_space<vmem>> -> memref<128xi32, #tpu.memory_space<vmem>>
      %dma_start3A_79 = arith.constant 0 : i32
      %dma_start3A_80 = arith.constant 0 : i32
      %dma_start3A_81 = tpu.memref_slice %arg2[%dma_start3A_79, %dma_start3A_80] : memref<20480x32xf32, #tpu.memory_space<hbm>> -> memref<20480x32xf32, #tpu.memory_space<hbm>>
      tpu.enqueue_indirect_dma source(%dma_start3A_81 : memref<20480x32xf32, #tpu.memory_space<hbm>>) target(%arg13 : memref<128x32xf32, #tpu.memory_space<vmem>>) offsets(%dma_start3A_78 : memref<128xi32, #tpu.memory_space<vmem>>) semaphore(%arg18 : memref<!tpu.dma_semaphore, #tpu.memory_space<semaphore_mem>>)
      %dma_start3A_82 = arith.constant 1 : i32
      %dma_start3A_83 = arith.constant 0 : i32
      %dma_start3A_84 = tpu.memref_slice %arg11[%dma_start3A_82, %dma_start3A_83] : memref<40x128xi32, #tpu.memory_space<vmem>> -> memref<1x128xi32, #tpu.memory_space<vmem>>
      %dma_start3A_85 = tpu.memref_squeeze %dma_start3A_84 : memref<1x128xi32, #tpu.memory_space<vmem>> -> memref<128xi32, #tpu.memory_space<vmem>>
      %dma_start3A_86 = arith.constant 0 : i32
      %dma_start3A_87 = arith.constant 0 : i32
      %dma_start3A_88 = tpu.memref_slice %arg2[%dma_start3A_86, %dma_start3A_87] : memref<20480x32xf32, #tpu.memory_space<hbm>> -> memref<20480x32xf32, #tpu.memory_space<hbm>>
      tpu.enqueue_indirect_dma source(%dma_start3A_88 : memref<20480x32xf32, #tpu.memory_space<hbm>>) target(%arg14 : memref<128x32xf32, #tpu.memory_space<vmem>>) offsets(%dma_start3A_85 : memref<128xi32, #tpu.memory_space<vmem>>) semaphore(%arg19 : memref<!tpu.dma_semaphore, #tpu.memory_space<semaphore_mem>>)
      %dma_start3A_89 = arith.constant 2 : i32
      %dma_start3A_90 = arith.constant 0 : i32
      %dma_start3A_91 = tpu.memref_slice %arg11[%dma_start3A_89, %dma_start3A_90] : memref<40x128xi32, #tpu.memory_space<vmem>> -> memref<1x128xi32, #tpu.memory_space<vmem>>
      %dma_start3A_92 = tpu.memref_squeeze %dma_start3A_91 : memref<1x128xi32, #tpu.memory_space<vmem>> -> memref<128xi32, #tpu.memory_space<vmem>>
      %dma_start3A_93 = arith.constant 0 : i32
      %dma_start3A_94 = arith.constant 0 : i32
      %dma_start3A_95 = tpu.memref_slice %arg2[%dma_start3A_93, %dma_start3A_94] : memref<20480x32xf32, #tpu.memory_space<hbm>> -> memref<20480x32xf32, #tpu.memory_space<hbm>>
      tpu.enqueue_indirect_dma source(%dma_start3A_95 : memref<20480x32xf32, #tpu.memory_space<hbm>>) target(%arg15 : memref<128x32xf32, #tpu.memory_space<vmem>>) offsets(%dma_start3A_92 : memref<128xi32, #tpu.memory_space<vmem>>) semaphore(%arg20 : memref<!tpu.dma_semaphore, #tpu.memory_space<semaphore_mem>>)
      %scan3A_96 = arith.constant 0 : i32
      %scan3A_97 = arith.constant 0 : i32
      %scan3A_98 = arith.constant 10 : i32
      %scan3A_99 = arith.addi %scan3A_97, %scan3A_98 : i32
      %scan3A_100 = arith.constant 1 : i32
      %scan3A_101 = scf.for %scan3A_110 = %scan3A_97 to %scan3A_99 step %scan3A_100 iter_args(%scan3A_111 = %scan3A_96) -> (i32)  : i32 {
        %mul3A_112 = arith.constant 4 : i32
        %mul3A_113 = arith.muli %mul3A_112, %scan3A_110 : i32
        %add3A_114 = arith.constant 0 : i32
        %add3A_115 = arith.addi %mul3A_113, %add3A_114 : i32
        %dma_wait3A_116 = arith.constant 0 : i32
        %dma_wait3A_117 = tpu.memref_slice %arg11[%add3A_115, %dma_wait3A_116] : memref<40x128xi32, #tpu.memory_space<vmem>> -> memref<1x128xi32, #tpu.memory_space<vmem>>
        %dma_wait3A_118 = tpu.memref_squeeze %dma_wait3A_117 : memref<1x128xi32, #tpu.memory_space<vmem>> -> memref<128xi32, #tpu.memory_space<vmem>>
        %dma_wait3A_119 = arith.constant 0 : i32
        %dma_wait3A_120 = arith.constant 0 : i32
        %dma_wait3A_121 = tpu.memref_slice %arg2[%dma_wait3A_119, %dma_wait3A_120] : memref<20480x32xf32, #tpu.memory_space<hbm>> -> memref<20480x32xf32, #tpu.memory_space<hbm>>
        tpu.wait_indirect_dma semaphore(%arg18 : memref<!tpu.dma_semaphore, #tpu.memory_space<semaphore_mem>>) src(%dma_wait3A_121 : memref<20480x32xf32, #tpu.memory_space<hbm>>) dst(%arg13 : memref<128x32xf32, #tpu.memory_space<vmem>>)
        %dma_start3A_122 = arith.constant 0 : i32
        %dma_start3A_123 = tpu.memref_slice %arg12[%add3A_115, %dma_start3A_122] : memref<40x128xi32, #tpu.memory_space<vmem>> -> memref<1x128xi32, #tpu.memory_space<vmem>>
        %dma_start3A_124 = tpu.memref_squeeze %dma_start3A_123 : memref<1x128xi32, #tpu.memory_space<vmem>> -> memref<128xi32, #tpu.memory_space<vmem>>
        %dma_start3A_125 = arith.constant 0 : i32
        %dma_start3A_126 = arith.constant 0 : i32
        %dma_start3A_127 = tpu.memref_slice %arg9[%dma_start3A_125, %dma_start3A_126] : memref<10240x32xf32, #tpu.memory_space<vmem_shared>> -> memref<10240x32xf32, #tpu.memory_space<vmem_shared>>
        tpu.enqueue_indirect_dma source(%arg13 : memref<128x32xf32, #tpu.memory_space<vmem>>) target(%dma_start3A_127 : memref<10240x32xf32, #tpu.memory_space<vmem_shared>>) offsets(%dma_start3A_124 : memref<128xi32, #tpu.memory_space<vmem>>) semaphore(%arg22 : memref<!tpu.dma_semaphore, #tpu.memory_space<semaphore_mem>>) {add = true}
        %ge3A = arith.constant 1 : i32
        %ge3A_128 = arith.cmpi sge, %add3A_115, %ge3A : i32
        %convert_element_type3A = arith.extui %ge3A_128 : i1 to i32
        %cond3A = arith.constant 0 : i32
        %cond3A_129 = arith.cmpi ne, %convert_element_type3A, %cond3A : i32
        scf.if %cond3A_129 {
          %dma_wait3A_221 = arith.constant 0 : i32
          %dma_wait3A_222 = arith.constant 0 : i32
          %dma_wait3A_223 = tpu.memref_slice %arg12[%dma_wait3A_221, %dma_wait3A_222] : memref<40x128xi32, #tpu.memory_space<vmem>> -> memref<1x128xi32, #tpu.memory_space<vmem>>
          %dma_wait3A_224 = tpu.memref_squeeze %dma_wait3A_223 : memref<1x128xi32, #tpu.memory_space<vmem>> -> memref<128xi32, #tpu.memory_space<vmem>>
          %dma_wait3A_225 = arith.constant 0 : i32
          %dma_wait3A_226 = arith.constant 0 : i32
          %dma_wait3A_227 = tpu.memref_slice %arg9[%dma_wait3A_225, %dma_wait3A_226] : memref<10240x32xf32, #tpu.memory_space<vmem_shared>> -> memref<10240x32xf32, #tpu.memory_space<vmem_shared>>
          tpu.wait_indirect_dma semaphore(%arg25 : memref<!tpu.dma_semaphore, #tpu.memory_space<semaphore_mem>>) src(%arg16 : memref<128x32xf32, #tpu.memory_space<vmem>>) dst(%dma_wait3A_227 : memref<10240x32xf32, #tpu.memory_space<vmem_shared>>)
        } else {
        }
        %add3A_130 = arith.constant 3 : i32
        %add3A_131 = arith.addi %add3A_115, %add3A_130 : i32
        %lt3A = arith.constant 40 : i32
        %lt3A_132 = arith.cmpi slt, %add3A_131, %lt3A : i32
        %convert_element_type3A_133 = arith.extui %lt3A_132 : i1 to i32
        %cond3A_134 = arith.constant 0 : i32
        %cond3A_135 = arith.cmpi ne, %convert_element_type3A_133, %cond3A_134 : i32
        scf.if %cond3A_135 {
          %add3A_221 = arith.constant 3 : i32
          %add3A_222 = arith.addi %add3A_115, %add3A_221 : i32
          %dma_start3A_223 = arith.constant 0 : i32
          %dma_start3A_224 = tpu.memref_slice %arg11[%add3A_222, %dma_start3A_223] : memref<40x128xi32, #tpu.memory_space<vmem>> -> memref<1x128xi32, #tpu.memory_space<vmem>>
          %dma_start3A_225 = tpu.memref_squeeze %dma_start3A_224 : memref<1x128xi32, #tpu.memory_space<vmem>> -> memref<128xi32, #tpu.memory_space<vmem>>
          %dma_start3A_226 = arith.constant 0 : i32
          %dma_start3A_227 = arith.constant 0 : i32
          %dma_start3A_228 = tpu.memref_slice %arg2[%dma_start3A_226, %dma_start3A_227] : memref<20480x32xf32, #tpu.memory_space<hbm>> -> memref<20480x32xf32, #tpu.memory_space<hbm>>
          tpu.enqueue_indirect_dma source(%dma_start3A_228 : memref<20480x32xf32, #tpu.memory_space<hbm>>) target(%arg16 : memref<128x32xf32, #tpu.memory_space<vmem>>) offsets(%dma_start3A_225 : memref<128xi32, #tpu.memory_space<vmem>>) semaphore(%arg21 : memref<!tpu.dma_semaphore, #tpu.memory_space<semaphore_mem>>)
        } else {
        }
        %mul3A_136 = arith.constant 4 : i32
        %mul3A_137 = arith.muli %mul3A_136, %scan3A_110 : i32
        %add3A_138 = arith.constant 1 : i32
        %add3A_139 = arith.addi %mul3A_137, %add3A_138 : i32
        %dma_wait3A_140 = arith.constant 0 : i32
        %dma_wait3A_141 = tpu.memref_slice %arg11[%add3A_139, %dma_wait3A_140] : memref<40x128xi32, #tpu.memory_space<vmem>> -> memref<1x128xi32, #tpu.memory_space<vmem>>
        %dma_wait3A_142 = tpu.memref_squeeze %dma_wait3A_141 : memref<1x128xi32, #tpu.memory_space<vmem>> -> memref<128xi32, #tpu.memory_space<vmem>>
        %dma_wait3A_143 = arith.constant 0 : i32
        %dma_wait3A_144 = arith.constant 0 : i32
        %dma_wait3A_145 = tpu.memref_slice %arg2[%dma_wait3A_143, %dma_wait3A_144] : memref<20480x32xf32, #tpu.memory_space<hbm>> -> memref<20480x32xf32, #tpu.memory_space<hbm>>
        tpu.wait_indirect_dma semaphore(%arg19 : memref<!tpu.dma_semaphore, #tpu.memory_space<semaphore_mem>>) src(%dma_wait3A_145 : memref<20480x32xf32, #tpu.memory_space<hbm>>) dst(%arg14 : memref<128x32xf32, #tpu.memory_space<vmem>>)
        %dma_start3A_146 = arith.constant 0 : i32
        %dma_start3A_147 = tpu.memref_slice %arg12[%add3A_139, %dma_start3A_146] : memref<40x128xi32, #tpu.memory_space<vmem>> -> memref<1x128xi32, #tpu.memory_space<vmem>>
        %dma_start3A_148 = tpu.memref_squeeze %dma_start3A_147 : memref<1x128xi32, #tpu.memory_space<vmem>> -> memref<128xi32, #tpu.memory_space<vmem>>
        %dma_start3A_149 = arith.constant 0 : i32
        %dma_start3A_150 = arith.constant 0 : i32
        %dma_start3A_151 = tpu.memref_slice %arg9[%dma_start3A_149, %dma_start3A_150] : memref<10240x32xf32, #tpu.memory_space<vmem_shared>> -> memref<10240x32xf32, #tpu.memory_space<vmem_shared>>
        tpu.enqueue_indirect_dma source(%arg14 : memref<128x32xf32, #tpu.memory_space<vmem>>) target(%dma_start3A_151 : memref<10240x32xf32, #tpu.memory_space<vmem_shared>>) offsets(%dma_start3A_148 : memref<128xi32, #tpu.memory_space<vmem>>) semaphore(%arg23 : memref<!tpu.dma_semaphore, #tpu.memory_space<semaphore_mem>>) {add = true}
        %ge3A_152 = arith.constant 1 : i32
        %ge3A_153 = arith.cmpi sge, %add3A_139, %ge3A_152 : i32
        %convert_element_type3A_154 = arith.extui %ge3A_153 : i1 to i32
        %cond3A_155 = arith.constant 0 : i32
        %cond3A_156 = arith.cmpi ne, %convert_element_type3A_154, %cond3A_155 : i32
        scf.if %cond3A_156 {
          %dma_wait3A_221 = arith.constant 0 : i32
          %dma_wait3A_222 = arith.constant 0 : i32
          %dma_wait3A_223 = tpu.memref_slice %arg12[%dma_wait3A_221, %dma_wait3A_222] : memref<40x128xi32, #tpu.memory_space<vmem>> -> memref<1x128xi32, #tpu.memory_space<vmem>>
          %dma_wait3A_224 = tpu.memref_squeeze %dma_wait3A_223 : memref<1x128xi32, #tpu.memory_space<vmem>> -> memref<128xi32, #tpu.memory_space<vmem>>
          %dma_wait3A_225 = arith.constant 0 : i32
          %dma_wait3A_226 = arith.constant 0 : i32
          %dma_wait3A_227 = tpu.memref_slice %arg9[%dma_wait3A_225, %dma_wait3A_226] : memref<10240x32xf32, #tpu.memory_space<vmem_shared>> -> memref<10240x32xf32, #tpu.memory_space<vmem_shared>>
          tpu.wait_indirect_dma semaphore(%arg22 : memref<!tpu.dma_semaphore, #tpu.memory_space<semaphore_mem>>) src(%arg13 : memref<128x32xf32, #tpu.memory_space<vmem>>) dst(%dma_wait3A_227 : memref<10240x32xf32, #tpu.memory_space<vmem_shared>>)
        } else {
        }
        %add3A_157 = arith.constant 3 : i32
        %add3A_158 = arith.addi %add3A_139, %add3A_157 : i32
        %lt3A_159 = arith.constant 40 : i32
        %lt3A_160 = arith.cmpi slt, %add3A_158, %lt3A_159 : i32
        %convert_element_type3A_161 = arith.extui %lt3A_160 : i1 to i32
        %cond3A_162 = arith.constant 0 : i32
        %cond3A_163 = arith.cmpi ne, %convert_element_type3A_161, %cond3A_162 : i32
        scf.if %cond3A_163 {
          %add3A_221 = arith.constant 3 : i32
          %add3A_222 = arith.addi %add3A_139, %add3A_221 : i32
          %dma_start3A_223 = arith.constant 0 : i32
          %dma_start3A_224 = tpu.memref_slice %arg11[%add3A_222, %dma_start3A_223] : memref<40x128xi32, #tpu.memory_space<vmem>> -> memref<1x128xi32, #tpu.memory_space<vmem>>
          %dma_start3A_225 = tpu.memref_squeeze %dma_start3A_224 : memref<1x128xi32, #tpu.memory_space<vmem>> -> memref<128xi32, #tpu.memory_space<vmem>>
          %dma_start3A_226 = arith.constant 0 : i32
          %dma_start3A_227 = arith.constant 0 : i32
          %dma_start3A_228 = tpu.memref_slice %arg2[%dma_start3A_226, %dma_start3A_227] : memref<20480x32xf32, #tpu.memory_space<hbm>> -> memref<20480x32xf32, #tpu.memory_space<hbm>>
          tpu.enqueue_indirect_dma source(%dma_start3A_228 : memref<20480x32xf32, #tpu.memory_space<hbm>>) target(%arg13 : memref<128x32xf32, #tpu.memory_space<vmem>>) offsets(%dma_start3A_225 : memref<128xi32, #tpu.memory_space<vmem>>) semaphore(%arg18 : memref<!tpu.dma_semaphore, #tpu.memory_space<semaphore_mem>>)
        } else {
        }
        %mul3A_164 = arith.constant 4 : i32
        %mul3A_165 = arith.muli %mul3A_164, %scan3A_110 : i32
        %add3A_166 = arith.constant 2 : i32
        %add3A_167 = arith.addi %mul3A_165, %add3A_166 : i32
        %dma_wait3A_168 = arith.constant 0 : i32
        %dma_wait3A_169 = tpu.memref_slice %arg11[%add3A_167, %dma_wait3A_168] : memref<40x128xi32, #tpu.memory_space<vmem>> -> memref<1x128xi32, #tpu.memory_space<vmem>>
        %dma_wait3A_170 = tpu.memref_squeeze %dma_wait3A_169 : memref<1x128xi32, #tpu.memory_space<vmem>> -> memref<128xi32, #tpu.memory_space<vmem>>
        %dma_wait3A_171 = arith.constant 0 : i32
        %dma_wait3A_172 = arith.constant 0 : i32
        %dma_wait3A_173 = tpu.memref_slice %arg2[%dma_wait3A_171, %dma_wait3A_172] : memref<20480x32xf32, #tpu.memory_space<hbm>> -> memref<20480x32xf32, #tpu.memory_space<hbm>>
        tpu.wait_indirect_dma semaphore(%arg20 : memref<!tpu.dma_semaphore, #tpu.memory_space<semaphore_mem>>) src(%dma_wait3A_173 : memref<20480x32xf32, #tpu.memory_space<hbm>>) dst(%arg15 : memref<128x32xf32, #tpu.memory_space<vmem>>)
        %dma_start3A_174 = arith.constant 0 : i32
        %dma_start3A_175 = tpu.memref_slice %arg12[%add3A_167, %dma_start3A_174] : memref<40x128xi32, #tpu.memory_space<vmem>> -> memref<1x128xi32, #tpu.memory_space<vmem>>
        %dma_start3A_176 = tpu.memref_squeeze %dma_start3A_175 : memref<1x128xi32, #tpu.memory_space<vmem>> -> memref<128xi32, #tpu.memory_space<vmem>>
        %dma_start3A_177 = arith.constant 0 : i32
        %dma_start3A_178 = arith.constant 0 : i32
        %dma_start3A_179 = tpu.memref_slice %arg9[%dma_start3A_177, %dma_start3A_178] : memref<10240x32xf32, #tpu.memory_space<vmem_shared>> -> memref<10240x32xf32, #tpu.memory_space<vmem_shared>>
        tpu.enqueue_indirect_dma source(%arg15 : memref<128x32xf32, #tpu.memory_space<vmem>>) target(%dma_start3A_179 : memref<10240x32xf32, #tpu.memory_space<vmem_shared>>) offsets(%dma_start3A_176 : memref<128xi32, #tpu.memory_space<vmem>>) semaphore(%arg24 : memref<!tpu.dma_semaphore, #tpu.memory_space<semaphore_mem>>) {add = true}
        %ge3A_180 = arith.constant 1 : i32
        %ge3A_181 = arith.cmpi sge, %add3A_167, %ge3A_180 : i32
        %convert_element_type3A_182 = arith.extui %ge3A_181 : i1 to i32
        %cond3A_183 = arith.constant 0 : i32
        %cond3A_184 = arith.cmpi ne, %convert_element_type3A_182, %cond3A_183 : i32
        scf.if %cond3A_184 {
          %dma_wait3A_221 = arith.constant 0 : i32
          %dma_wait3A_222 = arith.constant 0 : i32
          %dma_wait3A_223 = tpu.memref_slice %arg12[%dma_wait3A_221, %dma_wait3A_222] : memref<40x128xi32, #tpu.memory_space<vmem>> -> memref<1x128xi32, #tpu.memory_space<vmem>>
          %dma_wait3A_224 = tpu.memref_squeeze %dma_wait3A_223 : memref<1x128xi32, #tpu.memory_space<vmem>> -> memref<128xi32, #tpu.memory_space<vmem>>
          %dma_wait3A_225 = arith.constant 0 : i32
          %dma_wait3A_226 = arith.constant 0 : i32
          %dma_wait3A_227 = tpu.memref_slice %arg9[%dma_wait3A_225, %dma_wait3A_226] : memref<10240x32xf32, #tpu.memory_space<vmem_shared>> -> memref<10240x32xf32, #tpu.memory_space<vmem_shared>>
          tpu.wait_indirect_dma semaphore(%arg23 : memref<!tpu.dma_semaphore, #tpu.memory_space<semaphore_mem>>) src(%arg14 : memref<128x32xf32, #tpu.memory_space<vmem>>) dst(%dma_wait3A_227 : memref<10240x32xf32, #tpu.memory_space<vmem_shared>>)
        } else {
        }
        %add3A_185 = arith.constant 3 : i32
        %add3A_186 = arith.addi %add3A_167, %add3A_185 : i32
        %lt3A_187 = arith.constant 40 : i32
        %lt3A_188 = arith.cmpi slt, %add3A_186, %lt3A_187 : i32
        %convert_element_type3A_189 = arith.extui %lt3A_188 : i1 to i32
        %cond3A_190 = arith.constant 0 : i32
        %cond3A_191 = arith.cmpi ne, %convert_element_type3A_189, %cond3A_190 : i32
        scf.if %cond3A_191 {
          %add3A_221 = arith.constant 3 : i32
          %add3A_222 = arith.addi %add3A_167, %add3A_221 : i32
          %dma_start3A_223 = arith.constant 0 : i32
          %dma_start3A_224 = tpu.memref_slice %arg11[%add3A_222, %dma_start3A_223] : memref<40x128xi32, #tpu.memory_space<vmem>> -> memref<1x128xi32, #tpu.memory_space<vmem>>
          %dma_start3A_225 = tpu.memref_squeeze %dma_start3A_224 : memref<1x128xi32, #tpu.memory_space<vmem>> -> memref<128xi32, #tpu.memory_space<vmem>>
          %dma_start3A_226 = arith.constant 0 : i32
          %dma_start3A_227 = arith.constant 0 : i32
          %dma_start3A_228 = tpu.memref_slice %arg2[%dma_start3A_226, %dma_start3A_227] : memref<20480x32xf32, #tpu.memory_space<hbm>> -> memref<20480x32xf32, #tpu.memory_space<hbm>>
          tpu.enqueue_indirect_dma source(%dma_start3A_228 : memref<20480x32xf32, #tpu.memory_space<hbm>>) target(%arg14 : memref<128x32xf32, #tpu.memory_space<vmem>>) offsets(%dma_start3A_225 : memref<128xi32, #tpu.memory_space<vmem>>) semaphore(%arg19 : memref<!tpu.dma_semaphore, #tpu.memory_space<semaphore_mem>>)
        } else {
        }
        %mul3A_192 = arith.constant 4 : i32
        %mul3A_193 = arith.muli %mul3A_192, %scan3A_110 : i32
        %add3A_194 = arith.constant 3 : i32
        %add3A_195 = arith.addi %mul3A_193, %add3A_194 : i32
        %dma_wait3A_196 = arith.constant 0 : i32
        %dma_wait3A_197 = tpu.memref_slice %arg11[%add3A_195, %dma_wait3A_196] : memref<40x128xi32, #tpu.memory_space<vmem>> -> memref<1x128xi32, #tpu.memory_space<vmem>>
        %dma_wait3A_198 = tpu.memref_squeeze %dma_wait3A_197 : memref<1x128xi32, #tpu.memory_space<vmem>> -> memref<128xi32, #tpu.memory_space<vmem>>
        %dma_wait3A_199 = arith.constant 0 : i32
        %dma_wait3A_200 = arith.constant 0 : i32
        %dma_wait3A_201 = tpu.memref_slice %arg2[%dma_wait3A_199, %dma_wait3A_200] : memref<20480x32xf32, #tpu.memory_space<hbm>> -> memref<20480x32xf32, #tpu.memory_space<hbm>>
        tpu.wait_indirect_dma semaphore(%arg21 : memref<!tpu.dma_semaphore, #tpu.memory_space<semaphore_mem>>) src(%dma_wait3A_201 : memref<20480x32xf32, #tpu.memory_space<hbm>>) dst(%arg16 : memref<128x32xf32, #tpu.memory_space<vmem>>)
        %dma_start3A_202 = arith.constant 0 : i32
        %dma_start3A_203 = tpu.memref_slice %arg12[%add3A_195, %dma_start3A_202] : memref<40x128xi32, #tpu.memory_space<vmem>> -> memref<1x128xi32, #tpu.memory_space<vmem>>
        %dma_start3A_204 = tpu.memref_squeeze %dma_start3A_203 : memref<1x128xi32, #tpu.memory_space<vmem>> -> memref<128xi32, #tpu.memory_space<vmem>>
        %dma_start3A_205 = arith.constant 0 : i32
        %dma_start3A_206 = arith.constant 0 : i32
        %dma_start3A_207 = tpu.memref_slice %arg9[%dma_start3A_205, %dma_start3A_206] : memref<10240x32xf32, #tpu.memory_space<vmem_shared>> -> memref<10240x32xf32, #tpu.memory_space<vmem_shared>>
        tpu.enqueue_indirect_dma source(%arg16 : memref<128x32xf32, #tpu.memory_space<vmem>>) target(%dma_start3A_207 : memref<10240x32xf32, #tpu.memory_space<vmem_shared>>) offsets(%dma_start3A_204 : memref<128xi32, #tpu.memory_space<vmem>>) semaphore(%arg25 : memref<!tpu.dma_semaphore, #tpu.memory_space<semaphore_mem>>) {add = true}
        %ge3A_208 = arith.constant 1 : i32
        %ge3A_209 = arith.cmpi sge, %add3A_195, %ge3A_208 : i32
        %convert_element_type3A_210 = arith.extui %ge3A_209 : i1 to i32
        %cond3A_211 = arith.constant 0 : i32
        %cond3A_212 = arith.cmpi ne, %convert_element_type3A_210, %cond3A_211 : i32
        scf.if %cond3A_212 {
          %dma_wait3A_221 = arith.constant 0 : i32
          %dma_wait3A_222 = arith.constant 0 : i32
          %dma_wait3A_223 = tpu.memref_slice %arg12[%dma_wait3A_221, %dma_wait3A_222] : memref<40x128xi32, #tpu.memory_space<vmem>> -> memref<1x128xi32, #tpu.memory_space<vmem>>
          %dma_wait3A_224 = tpu.memref_squeeze %dma_wait3A_223 : memref<1x128xi32, #tpu.memory_space<vmem>> -> memref<128xi32, #tpu.memory_space<vmem>>
          %dma_wait3A_225 = arith.constant 0 : i32
          %dma_wait3A_226 = arith.constant 0 : i32
          %dma_wait3A_227 = tpu.memref_slice %arg9[%dma_wait3A_225, %dma_wait3A_226] : memref<10240x32xf32, #tpu.memory_space<vmem_shared>> -> memref<10240x32xf32, #tpu.memory_space<vmem_shared>>
          tpu.wait_indirect_dma semaphore(%arg24 : memref<!tpu.dma_semaphore, #tpu.memory_space<semaphore_mem>>) src(%arg15 : memref<128x32xf32, #tpu.memory_space<vmem>>) dst(%dma_wait3A_227 : memref<10240x32xf32, #tpu.memory_space<vmem_shared>>)
        } else {
        }
        %add3A_213 = arith.constant 3 : i32
        %add3A_214 = arith.addi %add3A_195, %add3A_213 : i32
        %lt3A_215 = arith.constant 40 : i32
        %lt3A_216 = arith.cmpi slt, %add3A_214, %lt3A_215 : i32
        %convert_element_type3A_217 = arith.extui %lt3A_216 : i1 to i32
        %cond3A_218 = arith.constant 0 : i32
        %cond3A_219 = arith.cmpi ne, %convert_element_type3A_217, %cond3A_218 : i32
        scf.if %cond3A_219 {
          %add3A_221 = arith.constant 3 : i32
          %add3A_222 = arith.addi %add3A_195, %add3A_221 : i32
          %dma_start3A_223 = arith.constant 0 : i32
          %dma_start3A_224 = tpu.memref_slice %arg11[%add3A_222, %dma_start3A_223] : memref<40x128xi32, #tpu.memory_space<vmem>> -> memref<1x128xi32, #tpu.memory_space<vmem>>
          %dma_start3A_225 = tpu.memref_squeeze %dma_start3A_224 : memref<1x128xi32, #tpu.memory_space<vmem>> -> memref<128xi32, #tpu.memory_space<vmem>>
          %dma_start3A_226 = arith.constant 0 : i32
          %dma_start3A_227 = arith.constant 0 : i32
          %dma_start3A_228 = tpu.memref_slice %arg2[%dma_start3A_226, %dma_start3A_227] : memref<20480x32xf32, #tpu.memory_space<hbm>> -> memref<20480x32xf32, #tpu.memory_space<hbm>>
          tpu.enqueue_indirect_dma source(%dma_start3A_228 : memref<20480x32xf32, #tpu.memory_space<hbm>>) target(%arg15 : memref<128x32xf32, #tpu.memory_space<vmem>>) offsets(%dma_start3A_225 : memref<128xi32, #tpu.memory_space<vmem>>) semaphore(%arg20 : memref<!tpu.dma_semaphore, #tpu.memory_space<semaphore_mem>>)
        } else {
        }
        %scan3A_220 = arith.constant 0 : i32
        scf.yield %scan3A_220 : i32
      }
      %scan3A_102 = arith.constant 10 : i32
      %dma_wait3A = arith.constant 0 : i32
      %dma_wait3A_103 = arith.constant 0 : i32
      %dma_wait3A_104 = tpu.memref_slice %arg12[%dma_wait3A, %dma_wait3A_103] : memref<40x128xi32, #tpu.memory_space<vmem>> -> memref<1x128xi32, #tpu.memory_space<vmem>>
      %dma_wait3A_105 = tpu.memref_squeeze %dma_wait3A_104 : memref<1x128xi32, #tpu.memory_space<vmem>> -> memref<128xi32, #tpu.memory_space<vmem>>
      %dma_wait3A_106 = arith.constant 0 : i32
      %dma_wait3A_107 = arith.constant 0 : i32
      %dma_wait3A_108 = tpu.memref_slice %arg9[%dma_wait3A_106, %dma_wait3A_107] : memref<10240x32xf32, #tpu.memory_space<vmem_shared>> -> memref<10240x32xf32, #tpu.memory_space<vmem_shared>>
      tpu.wait_indirect_dma semaphore(%arg25 : memref<!tpu.dma_semaphore, #tpu.memory_space<semaphore_mem>>) src(%arg16 : memref<128x32xf32, #tpu.memory_space<vmem>>) dst(%dma_wait3A_108 : memref<10240x32xf32, #tpu.memory_space<vmem_shared>>)
      %scan3A_109 = arith.constant 0 : i32
      scf.yield %scan3A_109 : i32
    }
    %scan3A_36 = arith.constant 4 : i32
    "tpu.trace_stop"() : () -> ()
    %barrier3A_37 = arith.constant 0 : index
    tpu.barrier barrier_id(%barrier3A_37)
    "tpu.trace_start"() <{level = 10 : i32, message = "p2_norm"}> : () -> ()
    %mul3A_38 = arith.constant 10240 : i32
    %mul3A_39 = arith.muli %arg0, %mul3A_38 : i32
    %scan3A_40 = arith.constant 0 : i32
    %scan3A_41 = arith.constant 0 : i32
    %scan3A_42 = arith.constant 5 : i32
    %scan3A_43 = arith.addi %scan3A_41, %scan3A_42 : i32
    %scan3A_44 = arith.constant 1 : i32
    %scan3A_45 = scf.for %scan3A_63 = %scan3A_41 to %scan3A_43 step %scan3A_44 iter_args(%scan3A_64 = %scan3A_40) -> (i32)  : i32 {
      %mul3A_65 = arith.constant 128 : i32
      %mul3A_66 = arith.muli %mul3A_65, %scan3A_63 : i32
      %add3A_67 = arith.addi %mul3A_0, %mul3A_66 : i32
      "tpu.region"() ({
        %run_scoped3A = tpu.sem_alloc : memref<!tpu.dma_semaphore, #tpu.memory_space<semaphore_mem>>
        %dma_start3A = arith.constant 0 : i32
        %dma_start3A_76 = tpu.memref_slice %arg5[%add3A_67, %dma_start3A] : memref<10240x16xf32, #tpu.memory_space<hbm>> -> memref<128x16xf32, #tpu.memory_space<hbm>>
        %dma_start3A_77 = arith.constant 0 : i32
        %dma_start3A_78 = tpu.memref_slice %arg5[%add3A_67, %dma_start3A_77] : memref<10240x16xf32, #tpu.memory_space<hbm>> -> memref<128x16xf32, #tpu.memory_space<hbm>>
        tpu.enqueue_dma source(%dma_start3A_78 : memref<128x16xf32, #tpu.memory_space<hbm>>) target(%arg17 : memref<128x16xf32, #tpu.memory_space<vmem>>) target_semaphore(%run_scoped3A : memref<!tpu.dma_semaphore, #tpu.memory_space<semaphore_mem>>)
        %dma_wait3A = arith.constant 0 : i32
        %dma_wait3A_79 = tpu.memref_slice %arg5[%add3A_67, %dma_wait3A] : memref<10240x16xf32, #tpu.memory_space<hbm>> -> memref<128x16xf32, #tpu.memory_space<hbm>>
        %dma_wait3A_80 = arith.constant 0 : i32
        %dma_wait3A_81 = tpu.memref_slice %arg5[%add3A_67, %dma_wait3A_80] : memref<10240x16xf32, #tpu.memory_space<hbm>> -> memref<128x16xf32, #tpu.memory_space<hbm>>
        tpu.wait_dma2 semaphore(%run_scoped3A : memref<!tpu.dma_semaphore, #tpu.memory_space<semaphore_mem>>) src(%dma_wait3A_81 : memref<128x16xf32, #tpu.memory_space<hbm>>) dst(%arg17 : memref<128x16xf32, #tpu.memory_space<vmem>>)
        tpu.yield
      }) : () -> ()
      "tpu.region"() ({
        %run_scoped3A = tpu.sem_alloc : memref<!tpu.dma_semaphore, #tpu.memory_space<semaphore_mem>>
        %dma_start3A = arith.constant 0 : i32
        %dma_start3A_76 = tpu.memref_slice %arg9[%add3A_67, %dma_start3A] : memref<10240x32xf32, #tpu.memory_space<vmem_shared>> -> memref<128x32xf32, #tpu.memory_space<vmem_shared>>
        %dma_start3A_77 = arith.constant 0 : i32
        %dma_start3A_78 = tpu.memref_slice %arg9[%add3A_67, %dma_start3A_77] : memref<10240x32xf32, #tpu.memory_space<vmem_shared>> -> memref<128x32xf32, #tpu.memory_space<vmem_shared>>
        tpu.enqueue_dma source(%dma_start3A_78 : memref<128x32xf32, #tpu.memory_space<vmem_shared>>) target(%arg13 : memref<128x32xf32, #tpu.memory_space<vmem>>) target_semaphore(%run_scoped3A : memref<!tpu.dma_semaphore, #tpu.memory_space<semaphore_mem>>)
        %dma_wait3A = arith.constant 0 : i32
        %dma_wait3A_79 = tpu.memref_slice %arg9[%add3A_67, %dma_wait3A] : memref<10240x32xf32, #tpu.memory_space<vmem_shared>> -> memref<128x32xf32, #tpu.memory_space<vmem_shared>>
        %dma_wait3A_80 = arith.constant 0 : i32
        %dma_wait3A_81 = tpu.memref_slice %arg9[%add3A_67, %dma_wait3A_80] : memref<10240x32xf32, #tpu.memory_space<vmem_shared>> -> memref<128x32xf32, #tpu.memory_space<vmem_shared>>
        tpu.wait_dma2 semaphore(%run_scoped3A : memref<!tpu.dma_semaphore, #tpu.memory_space<semaphore_mem>>) src(%dma_wait3A_81 : memref<128x32xf32, #tpu.memory_space<vmem_shared>>) dst(%arg13 : memref<128x32xf32, #tpu.memory_space<vmem>>)
        tpu.yield
      }) : () -> ()
      %scan3A_68 = arith.constant 0 : i32
      %scan3A_69 = arith.constant 0 : i32
      %scan3A_70 = arith.constant 128 : i32
      %scan3A_71 = arith.addi %scan3A_69, %scan3A_70 : i32
      %scan3A_72 = arith.constant 1 : i32
      %scan3A_73 = scf.for %scan3A_76 = %scan3A_69 to %scan3A_71 step %scan3A_72 iter_args(%scan3A_77 = %scan3A_68) -> (i32)  : i32 {
        %get3A = arith.index_cast %scan3A_76 : i32 to index
        %get3A_78 = arith.constant 0 : index
        %get3A_79 = tpu.vector_load %arg17[%get3A, %get3A_78] {strides = array<i32>} : memref<128x16xf32, #tpu.memory_space<vmem>>, vector<1x16xf32>,
        %get3A_80 = vector.shape_cast %get3A_79 : vector<1x16xf32> to vector<16xf32>
        %get3A_81 = arith.index_cast %scan3A_76 : i32 to index
        %get3A_82 = arith.constant 0 : index
        %get3A_83 = tpu.vector_load %arg13[%get3A_81, %get3A_82] {strides = array<i32>} : memref<128x32xf32, #tpu.memory_space<vmem>>, vector<1x16xf32>,
        %get3A_84 = vector.shape_cast %get3A_83 : vector<1x16xf32> to vector<16xf32>
        %mul3A_85 = arith.mulf %get3A_84, %get3A_80 : vector<16xf32>
        %swap3A = arith.index_cast %scan3A_76 : i32 to index
        %swap3A_86 = arith.constant 0 : index
        %swap3A_87 = tpu.vector_load %arg13[%swap3A, %swap3A_86] {strides = array<i32>} : memref<128x32xf32, #tpu.memory_space<vmem>>, vector<1x16xf32>,
        %swap3A_88 = vector.shape_cast %swap3A_87 : vector<1x16xf32> to vector<16xf32>
        %swap3A_89 = vector.shape_cast %mul3A_85 : vector<16xf32> to vector<1x16xf32>
        tpu.vector_store %arg13[%swap3A, %swap3A_86], %swap3A_89 {strides = array<i32>} : memref<128x32xf32, #tpu.memory_space<vmem>>, vector<1x16xf32>,
        %get3A_90 = arith.index_cast %scan3A_76 : i32 to index
        %get3A_91 = arith.constant 16 : index
        %get3A_92 = tpu.vector_load %arg13[%get3A_90, %get3A_91] {strides = array<i32>} : memref<128x32xf32, #tpu.memory_space<vmem>>, vector<1x16xf32>,
        %get3A_93 = vector.shape_cast %get3A_92 : vector<1x16xf32> to vector<16xf32>
        %mul3A_94 = arith.mulf %get3A_93, %get3A_80 : vector<16xf32>
        %swap3A_95 = arith.index_cast %scan3A_76 : i32 to index
        %swap3A_96 = arith.constant 16 : index
        %swap3A_97 = tpu.vector_load %arg13[%swap3A_95, %swap3A_96] {strides = array<i32>} : memref<128x32xf32, #tpu.memory_space<vmem>>, vector<1x16xf32>,
        %swap3A_98 = vector.shape_cast %swap3A_97 : vector<1x16xf32> to vector<16xf32>
        %swap3A_99 = vector.shape_cast %mul3A_94 : vector<16xf32> to vector<1x16xf32>
        tpu.vector_store %arg13[%swap3A_95, %swap3A_96], %swap3A_99 {strides = array<i32>} : memref<128x32xf32, #tpu.memory_space<vmem>>, vector<1x16xf32>,
        %scan3A_100 = arith.constant 0 : i32
        scf.yield %scan3A_100 : i32
      }
      %scan3A_74 = arith.constant 128 : i32
      "tpu.region"() ({
        %run_scoped3A = tpu.sem_alloc : memref<!tpu.dma_semaphore, #tpu.memory_space<semaphore_mem>>
        %dma_start3A = arith.constant 0 : i32
        %dma_start3A_76 = tpu.memref_slice %arg8[%mul3A_39, %dma_start3A] : memref<20480x32xf32, #tpu.memory_space<hbm>> -> memref<10240x32xf32, #tpu.memory_space<hbm>>
        %dma_start3A_77 = arith.constant 0 : i32
        %dma_start3A_78 = tpu.memref_slice %dma_start3A_76[%add3A_67, %dma_start3A_77] : memref<10240x32xf32, #tpu.memory_space<hbm>> -> memref<128x32xf32, #tpu.memory_space<hbm>>
        %dma_start3A_79 = arith.constant 0 : i32
        %dma_start3A_80 = tpu.memref_slice %arg8[%mul3A_39, %dma_start3A_79] : memref<20480x32xf32, #tpu.memory_space<hbm>> -> memref<10240x32xf32, #tpu.memory_space<hbm>>
        %dma_start3A_81 = arith.constant 0 : i32
        %dma_start3A_82 = tpu.memref_slice %dma_start3A_80[%add3A_67, %dma_start3A_81] : memref<10240x32xf32, #tpu.memory_space<hbm>> -> memref<128x32xf32, #tpu.memory_space<hbm>>
        tpu.enqueue_dma source(%arg13 : memref<128x32xf32, #tpu.memory_space<vmem>>) target(%dma_start3A_82 : memref<128x32xf32, #tpu.memory_space<hbm>>) target_semaphore(%run_scoped3A : memref<!tpu.dma_semaphore, #tpu.memory_space<semaphore_mem>>)
        %dma_wait3A = arith.constant 0 : i32
        %dma_wait3A_83 = tpu.memref_slice %arg8[%mul3A_39, %dma_wait3A] : memref<20480x32xf32, #tpu.memory_space<hbm>> -> memref<10240x32xf32, #tpu.memory_space<hbm>>
        %dma_wait3A_84 = arith.constant 0 : i32
        %dma_wait3A_85 = tpu.memref_slice %dma_wait3A_83[%add3A_67, %dma_wait3A_84] : memref<10240x32xf32, #tpu.memory_space<hbm>> -> memref<128x32xf32, #tpu.memory_space<hbm>>
        %dma_wait3A_86 = arith.constant 0 : i32
        %dma_wait3A_87 = tpu.memref_slice %arg8[%mul3A_39, %dma_wait3A_86] : memref<20480x32xf32, #tpu.memory_space<hbm>> -> memref<10240x32xf32, #tpu.memory_space<hbm>>
        %dma_wait3A_88 = arith.constant 0 : i32
        %dma_wait3A_89 = tpu.memref_slice %dma_wait3A_87[%add3A_67, %dma_wait3A_88] : memref<10240x32xf32, #tpu.memory_space<hbm>> -> memref<128x32xf32, #tpu.memory_space<hbm>>
        tpu.wait_dma2 semaphore(%run_scoped3A : memref<!tpu.dma_semaphore, #tpu.memory_space<semaphore_mem>>) src(%arg13 : memref<128x32xf32, #tpu.memory_space<vmem>>) dst(%dma_wait3A_89 : memref<128x32xf32, #tpu.memory_space<hbm>>)
        tpu.yield
      }) : () -> ()
      %scan3A_75 = arith.constant 0 : i32
      scf.yield %scan3A_75 : i32
    }
    %scan3A_46 = arith.constant 5 : i32
    "tpu.trace_stop"() : () -> ()
    %barrier3A_47 = arith.constant 0 : index
    tpu.barrier barrier_id(%barrier3A_47)
    "tpu.trace_start"() <{level = 10 : i32, message = "p3_scatter"}> : () -> ()
    %scan3A_48 = arith.constant 0 : i32
    %scan3A_49 = arith.constant 0 : i32
    %scan3A_50 = arith.constant 4 : i32
    %scan3A_51 = arith.addi %scan3A_49, %scan3A_50 : i32
    %scan3A_52 = arith.constant 1 : i32
    %scan3A_53 = scf.for %scan3A_63 = %scan3A_49 to %scan3A_51 step %scan3A_52 iter_args(%scan3A_64 = %scan3A_48) -> (i32)  : i32 {
      %mul3A_65 = arith.constant 40 : i32
      %mul3A_66 = arith.muli %scan3A_63, %mul3A_65 : i32
      "tpu.region"() ({
        %run_scoped3A = tpu.sem_alloc : memref<!tpu.dma_semaphore, #tpu.memory_space<semaphore_mem>>
        %dma_start3A_110 = arith.constant 0 : i32
        %dma_start3A_111 = arith.constant 0 : i32
        %dma_start3A_112 = tpu.memref_slice %arg4[%arg1, %dma_start3A_110, %dma_start3A_111] : memref<16x160x128xi32, #tpu.memory_space<hbm>> -> memref<1x160x128xi32, #tpu.memory_space<hbm>>
        %dma_start3A_113 = tpu.memref_squeeze %dma_start3A_112 : memref<1x160x128xi32, #tpu.memory_space<hbm>> -> memref<160x128xi32, #tpu.memory_space<hbm>>
        %dma_start3A_114 = arith.constant 0 : i32
        %dma_start3A_115 = tpu.memref_slice %dma_start3A_113[%mul3A_66, %dma_start3A_114] : memref<160x128xi32, #tpu.memory_space<hbm>> -> memref<40x128xi32, #tpu.memory_space<hbm>>
        %dma_start3A_116 = arith.constant 0 : i32
        %dma_start3A_117 = arith.constant 0 : i32
        %dma_start3A_118 = tpu.memref_slice %arg4[%arg1, %dma_start3A_116, %dma_start3A_117] : memref<16x160x128xi32, #tpu.memory_space<hbm>> -> memref<1x160x128xi32, #tpu.memory_space<hbm>>
        %dma_start3A_119 = tpu.memref_squeeze %dma_start3A_118 : memref<1x160x128xi32, #tpu.memory_space<hbm>> -> memref<160x128xi32, #tpu.memory_space<hbm>>
        %dma_start3A_120 = arith.constant 0 : i32
        %dma_start3A_121 = tpu.memref_slice %dma_start3A_119[%mul3A_66, %dma_start3A_120] : memref<160x128xi32, #tpu.memory_space<hbm>> -> memref<40x128xi32, #tpu.memory_space<hbm>>
        tpu.enqueue_dma source(%dma_start3A_121 : memref<40x128xi32, #tpu.memory_space<hbm>>) target(%arg11 : memref<40x128xi32, #tpu.memory_space<vmem>>) target_semaphore(%run_scoped3A : memref<!tpu.dma_semaphore, #tpu.memory_space<semaphore_mem>>)
        %dma_wait3A_122 = arith.constant 0 : i32
        %dma_wait3A_123 = arith.constant 0 : i32
        %dma_wait3A_124 = tpu.memref_slice %arg4[%arg1, %dma_wait3A_122, %dma_wait3A_123] : memref<16x160x128xi32, #tpu.memory_space<hbm>> -> memref<1x160x128xi32, #tpu.memory_space<hbm>>
        %dma_wait3A_125 = tpu.memref_squeeze %dma_wait3A_124 : memref<1x160x128xi32, #tpu.memory_space<hbm>> -> memref<160x128xi32, #tpu.memory_space<hbm>>
        %dma_wait3A_126 = arith.constant 0 : i32
        %dma_wait3A_127 = tpu.memref_slice %dma_wait3A_125[%mul3A_66, %dma_wait3A_126] : memref<160x128xi32, #tpu.memory_space<hbm>> -> memref<40x128xi32, #tpu.memory_space<hbm>>
        %dma_wait3A_128 = arith.constant 0 : i32
        %dma_wait3A_129 = arith.constant 0 : i32
        %dma_wait3A_130 = tpu.memref_slice %arg4[%arg1, %dma_wait3A_128, %dma_wait3A_129] : memref<16x160x128xi32, #tpu.memory_space<hbm>> -> memref<1x160x128xi32, #tpu.memory_space<hbm>>
        %dma_wait3A_131 = tpu.memref_squeeze %dma_wait3A_130 : memref<1x160x128xi32, #tpu.memory_space<hbm>> -> memref<160x128xi32, #tpu.memory_space<hbm>>
        %dma_wait3A_132 = arith.constant 0 : i32
        %dma_wait3A_133 = tpu.memref_slice %dma_wait3A_131[%mul3A_66, %dma_wait3A_132] : memref<160x128xi32, #tpu.memory_space<hbm>> -> memref<40x128xi32, #tpu.memory_space<hbm>>
        tpu.wait_dma2 semaphore(%run_scoped3A : memref<!tpu.dma_semaphore, #tpu.memory_space<semaphore_mem>>) src(%dma_wait3A_133 : memref<40x128xi32, #tpu.memory_space<hbm>>) dst(%arg11 : memref<40x128xi32, #tpu.memory_space<vmem>>)
        tpu.yield
      }) : () -> ()
      %scan3A_67 = arith.constant 0 : i32
      %scan3A_68 = arith.constant 0 : i32
      %scan3A_69 = arith.constant 40 : i32
      %scan3A_70 = arith.addi %scan3A_68, %scan3A_69 : i32
      %scan3A_71 = arith.constant 1 : i32
      %scan3A_72 = scf.for %scan3A_110 = %scan3A_68 to %scan3A_70 step %scan3A_71 iter_args(%scan3A_111 = %scan3A_67) -> (i32)  : i32 {
        %get3A = arith.index_cast %scan3A_110 : i32 to index
        %get3A_112 = arith.constant 0 : index
        %get3A_113 = tpu.vector_load %arg11[%get3A, %get3A_112] {strides = array<i32>} : memref<40x128xi32, #tpu.memory_space<vmem>>, vector<1x16xi32>,
        %get3A_114 = vector.shape_cast %get3A_113 : vector<1x16xi32> to vector<16xi32>
        %add3A_115 = arith.addi %get3A_114, %broadcast_in_dim3A : vector<16xi32>
        %swap3A = arith.index_cast %scan3A_110 : i32 to index
        %swap3A_116 = arith.constant 0 : index
        %swap3A_117 = tpu.vector_load %arg11[%swap3A, %swap3A_116] {strides = array<i32>} : memref<40x128xi32, #tpu.memory_space<vmem>>, vector<1x16xi32>,
        %swap3A_118 = vector.shape_cast %swap3A_117 : vector<1x16xi32> to vector<16xi32>
        %swap3A_119 = vector.shape_cast %add3A_115 : vector<16xi32> to vector<1x16xi32>
        tpu.vector_store %arg11[%swap3A, %swap3A_116], %swap3A_119 {strides = array<i32>} : memref<40x128xi32, #tpu.memory_space<vmem>>, vector<1x16xi32>,
        %get3A_120 = arith.index_cast %scan3A_110 : i32 to index
        %get3A_121 = arith.constant 16 : index
        %get3A_122 = tpu.vector_load %arg11[%get3A_120, %get3A_121] {strides = array<i32>} : memref<40x128xi32, #tpu.memory_space<vmem>>, vector<1x16xi32>,
        %get3A_123 = vector.shape_cast %get3A_122 : vector<1x16xi32> to vector<16xi32>
        %add3A_124 = arith.addi %get3A_123, %broadcast_in_dim3A : vector<16xi32>
        %swap3A_125 = arith.index_cast %scan3A_110 : i32 to index
        %swap3A_126 = arith.constant 16 : index
        %swap3A_127 = tpu.vector_load %arg11[%swap3A_125, %swap3A_126] {strides = array<i32>} : memref<40x128xi32, #tpu.memory_space<vmem>>, vector<1x16xi32>,
        %swap3A_128 = vector.shape_cast %swap3A_127 : vector<1x16xi32> to vector<16xi32>
        %swap3A_129 = vector.shape_cast %add3A_124 : vector<16xi32> to vector<1x16xi32>
        tpu.vector_store %arg11[%swap3A_125, %swap3A_126], %swap3A_129 {strides = array<i32>} : memref<40x128xi32, #tpu.memory_space<vmem>>, vector<1x16xi32>,
        %get3A_130 = arith.index_cast %scan3A_110 : i32 to index
        %get3A_131 = arith.constant 32 : index
        %get3A_132 = tpu.vector_load %arg11[%get3A_130, %get3A_131] {strides = array<i32>} : memref<40x128xi32, #tpu.memory_space<vmem>>, vector<1x16xi32>,
        %get3A_133 = vector.shape_cast %get3A_132 : vector<1x16xi32> to vector<16xi32>
        %add3A_134 = arith.addi %get3A_133, %broadcast_in_dim3A : vector<16xi32>
        %swap3A_135 = arith.index_cast %scan3A_110 : i32 to index
        %swap3A_136 = arith.constant 32 : index
        %swap3A_137 = tpu.vector_load %arg11[%swap3A_135, %swap3A_136] {strides = array<i32>} : memref<40x128xi32, #tpu.memory_space<vmem>>, vector<1x16xi32>,
        %swap3A_138 = vector.shape_cast %swap3A_137 : vector<1x16xi32> to vector<16xi32>
        %swap3A_139 = vector.shape_cast %add3A_134 : vector<16xi32> to vector<1x16xi32>
        tpu.vector_store %arg11[%swap3A_135, %swap3A_136], %swap3A_139 {strides = array<i32>} : memref<40x128xi32, #tpu.memory_space<vmem>>, vector<1x16xi32>,
        %get3A_140 = arith.index_cast %scan3A_110 : i32 to index
        %get3A_141 = arith.constant 48 : index
        %get3A_142 = tpu.vector_load %arg11[%get3A_140, %get3A_141] {strides = array<i32>} : memref<40x128xi32, #tpu.memory_space<vmem>>, vector<1x16xi32>,
        %get3A_143 = vector.shape_cast %get3A_142 : vector<1x16xi32> to vector<16xi32>
        %add3A_144 = arith.addi %get3A_143, %broadcast_in_dim3A : vector<16xi32>
        %swap3A_145 = arith.index_cast %scan3A_110 : i32 to index
        %swap3A_146 = arith.constant 48 : index
        %swap3A_147 = tpu.vector_load %arg11[%swap3A_145, %swap3A_146] {strides = array<i32>} : memref<40x128xi32, #tpu.memory_space<vmem>>, vector<1x16xi32>,
        %swap3A_148 = vector.shape_cast %swap3A_147 : vector<1x16xi32> to vector<16xi32>
        %swap3A_149 = vector.shape_cast %add3A_144 : vector<16xi32> to vector<1x16xi32>
        tpu.vector_store %arg11[%swap3A_145, %swap3A_146], %swap3A_149 {strides = array<i32>} : memref<40x128xi32, #tpu.memory_space<vmem>>, vector<1x16xi32>,
        %get3A_150 = arith.index_cast %scan3A_110 : i32 to index
        %get3A_151 = arith.constant 64 : index
        %get3A_152 = tpu.vector_load %arg11[%get3A_150, %get3A_151] {strides = array<i32>} : memref<40x128xi32, #tpu.memory_space<vmem>>, vector<1x16xi32>,
        %get3A_153 = vector.shape_cast %get3A_152 : vector<1x16xi32> to vector<16xi32>
        %add3A_154 = arith.addi %get3A_153, %broadcast_in_dim3A : vector<16xi32>
        %swap3A_155 = arith.index_cast %scan3A_110 : i32 to index
        %swap3A_156 = arith.constant 64 : index
        %swap3A_157 = tpu.vector_load %arg11[%swap3A_155, %swap3A_156] {strides = array<i32>} : memref<40x128xi32, #tpu.memory_space<vmem>>, vector<1x16xi32>,
        %swap3A_158 = vector.shape_cast %swap3A_157 : vector<1x16xi32> to vector<16xi32>
        %swap3A_159 = vector.shape_cast %add3A_154 : vector<16xi32> to vector<1x16xi32>
        tpu.vector_store %arg11[%swap3A_155, %swap3A_156], %swap3A_159 {strides = array<i32>} : memref<40x128xi32, #tpu.memory_space<vmem>>, vector<1x16xi32>,
        %get3A_160 = arith.index_cast %scan3A_110 : i32 to index
        %get3A_161 = arith.constant 80 : index
        %get3A_162 = tpu.vector_load %arg11[%get3A_160, %get3A_161] {strides = array<i32>} : memref<40x128xi32, #tpu.memory_space<vmem>>, vector<1x16xi32>,
        %get3A_163 = vector.shape_cast %get3A_162 : vector<1x16xi32> to vector<16xi32>
        %add3A_164 = arith.addi %get3A_163, %broadcast_in_dim3A : vector<16xi32>
        %swap3A_165 = arith.index_cast %scan3A_110 : i32 to index
        %swap3A_166 = arith.constant 80 : index
        %swap3A_167 = tpu.vector_load %arg11[%swap3A_165, %swap3A_166] {strides = array<i32>} : memref<40x128xi32, #tpu.memory_space<vmem>>, vector<1x16xi32>,
        %swap3A_168 = vector.shape_cast %swap3A_167 : vector<1x16xi32> to vector<16xi32>
        %swap3A_169 = vector.shape_cast %add3A_164 : vector<16xi32> to vector<1x16xi32>
        tpu.vector_store %arg11[%swap3A_165, %swap3A_166], %swap3A_169 {strides = array<i32>} : memref<40x128xi32, #tpu.memory_space<vmem>>, vector<1x16xi32>,
        %get3A_170 = arith.index_cast %scan3A_110 : i32 to index
        %get3A_171 = arith.constant 96 : index
        %get3A_172 = tpu.vector_load %arg11[%get3A_170, %get3A_171] {strides = array<i32>} : memref<40x128xi32, #tpu.memory_space<vmem>>, vector<1x16xi32>,
        %get3A_173 = vector.shape_cast %get3A_172 : vector<1x16xi32> to vector<16xi32>
        %add3A_174 = arith.addi %get3A_173, %broadcast_in_dim3A : vector<16xi32>
        %swap3A_175 = arith.index_cast %scan3A_110 : i32 to index
        %swap3A_176 = arith.constant 96 : index
        %swap3A_177 = tpu.vector_load %arg11[%swap3A_175, %swap3A_176] {strides = array<i32>} : memref<40x128xi32, #tpu.memory_space<vmem>>, vector<1x16xi32>,
        %swap3A_178 = vector.shape_cast %swap3A_177 : vector<1x16xi32> to vector<16xi32>
        %swap3A_179 = vector.shape_cast %add3A_174 : vector<16xi32> to vector<1x16xi32>
        tpu.vector_store %arg11[%swap3A_175, %swap3A_176], %swap3A_179 {strides = array<i32>} : memref<40x128xi32, #tpu.memory_space<vmem>>, vector<1x16xi32>,
        %get3A_180 = arith.index_cast %scan3A_110 : i32 to index
        %get3A_181 = arith.constant 112 : index
        %get3A_182 = tpu.vector_load %arg11[%get3A_180, %get3A_181] {strides = array<i32>} : memref<40x128xi32, #tpu.memory_space<vmem>>, vector<1x16xi32>,
        %get3A_183 = vector.shape_cast %get3A_182 : vector<1x16xi32> to vector<16xi32>
        %add3A_184 = arith.addi %get3A_183, %broadcast_in_dim3A : vector<16xi32>
        %swap3A_185 = arith.index_cast %scan3A_110 : i32 to index
        %swap3A_186 = arith.constant 112 : index
        %swap3A_187 = tpu.vector_load %arg11[%swap3A_185, %swap3A_186] {strides = array<i32>} : memref<40x128xi32, #tpu.memory_space<vmem>>, vector<1x16xi32>,
        %swap3A_188 = vector.shape_cast %swap3A_187 : vector<1x16xi32> to vector<16xi32>
        %swap3A_189 = vector.shape_cast %add3A_184 : vector<16xi32> to vector<1x16xi32>
        tpu.vector_store %arg11[%swap3A_185, %swap3A_186], %swap3A_189 {strides = array<i32>} : memref<40x128xi32, #tpu.memory_space<vmem>>, vector<1x16xi32>,
        %scan3A_190 = arith.constant 0 : i32
        scf.yield %scan3A_190 : i32
      }
      %scan3A_73 = arith.constant 40 : i32
      %mul3A_74 = arith.constant 40 : i32
      %mul3A_75 = arith.muli %scan3A_63, %mul3A_74 : i32
      "tpu.region"() ({
        %run_scoped3A = tpu.sem_alloc : memref<!tpu.dma_semaphore, #tpu.memory_space<semaphore_mem>>
        %dma_start3A_110 = arith.constant 0 : i32
        %dma_start3A_111 = arith.constant 0 : i32
        %dma_start3A_112 = tpu.memref_slice %arg3[%arg1, %dma_start3A_110, %dma_start3A_111] : memref<16x160x128xi32, #tpu.memory_space<hbm>> -> memref<1x160x128xi32, #tpu.memory_space<hbm>>
        %dma_start3A_113 = tpu.memref_squeeze %dma_start3A_112 : memref<1x160x128xi32, #tpu.memory_space<hbm>> -> memref<160x128xi32, #tpu.memory_space<hbm>>
        %dma_start3A_114 = arith.constant 0 : i32
        %dma_start3A_115 = tpu.memref_slice %dma_start3A_113[%mul3A_75, %dma_start3A_114] : memref<160x128xi32, #tpu.memory_space<hbm>> -> memref<40x128xi32, #tpu.memory_space<hbm>>
        %dma_start3A_116 = arith.constant 0 : i32
        %dma_start3A_117 = arith.constant 0 : i32
        %dma_start3A_118 = tpu.memref_slice %arg3[%arg1, %dma_start3A_116, %dma_start3A_117] : memref<16x160x128xi32, #tpu.memory_space<hbm>> -> memref<1x160x128xi32, #tpu.memory_space<hbm>>
        %dma_start3A_119 = tpu.memref_squeeze %dma_start3A_118 : memref<1x160x128xi32, #tpu.memory_space<hbm>> -> memref<160x128xi32, #tpu.memory_space<hbm>>
        %dma_start3A_120 = arith.constant 0 : i32
        %dma_start3A_121 = tpu.memref_slice %dma_start3A_119[%mul3A_75, %dma_start3A_120] : memref<160x128xi32, #tpu.memory_space<hbm>> -> memref<40x128xi32, #tpu.memory_space<hbm>>
        tpu.enqueue_dma source(%dma_start3A_121 : memref<40x128xi32, #tpu.memory_space<hbm>>) target(%arg12 : memref<40x128xi32, #tpu.memory_space<vmem>>) target_semaphore(%run_scoped3A : memref<!tpu.dma_semaphore, #tpu.memory_space<semaphore_mem>>)
        %dma_wait3A_122 = arith.constant 0 : i32
        %dma_wait3A_123 = arith.constant 0 : i32
        %dma_wait3A_124 = tpu.memref_slice %arg3[%arg1, %dma_wait3A_122, %dma_wait3A_123] : memref<16x160x128xi32, #tpu.memory_space<hbm>> -> memref<1x160x128xi32, #tpu.memory_space<hbm>>
        %dma_wait3A_125 = tpu.memref_squeeze %dma_wait3A_124 : memref<1x160x128xi32, #tpu.memory_space<hbm>> -> memref<160x128xi32, #tpu.memory_space<hbm>>
        %dma_wait3A_126 = arith.constant 0 : i32
        %dma_wait3A_127 = tpu.memref_slice %dma_wait3A_125[%mul3A_75, %dma_wait3A_126] : memref<160x128xi32, #tpu.memory_space<hbm>> -> memref<40x128xi32, #tpu.memory_space<hbm>>
        %dma_wait3A_128 = arith.constant 0 : i32
        %dma_wait3A_129 = arith.constant 0 : i32
        %dma_wait3A_130 = tpu.memref_slice %arg3[%arg1, %dma_wait3A_128, %dma_wait3A_129] : memref<16x160x128xi32, #tpu.memory_space<hbm>> -> memref<1x160x128xi32, #tpu.memory_space<hbm>>
        %dma_wait3A_131 = tpu.memref_squeeze %dma_wait3A_130 : memref<1x160x128xi32, #tpu.memory_space<hbm>> -> memref<160x128xi32, #tpu.memory_space<hbm>>
        %dma_wait3A_132 = arith.constant 0 : i32
        %dma_wait3A_133 = tpu.memref_slice %dma_wait3A_131[%mul3A_75, %dma_wait3A_132] : memref<160x128xi32, #tpu.memory_space<hbm>> -> memref<40x128xi32, #tpu.memory_space<hbm>>
        tpu.wait_dma2 semaphore(%run_scoped3A : memref<!tpu.dma_semaphore, #tpu.memory_space<semaphore_mem>>) src(%dma_wait3A_133 : memref<40x128xi32, #tpu.memory_space<hbm>>) dst(%arg12 : memref<40x128xi32, #tpu.memory_space<vmem>>)
        tpu.yield
      }) : () -> ()
      %dma_start3A = arith.constant 0 : i32
      %dma_start3A_76 = arith.constant 0 : i32
      %dma_start3A_77 = tpu.memref_slice %arg11[%dma_start3A, %dma_start3A_76] : memref<40x128xi32, #tpu.memory_space<vmem>> -> memref<1x128xi32, #tpu.memory_space<vmem>>
      %dma_start3A_78 = tpu.memref_squeeze %dma_start3A_77 : memref<1x128xi32, #tpu.memory_space<vmem>> -> memref<128xi32, #tpu.memory_space<vmem>>
      %dma_start3A_79 = arith.constant 0 : i32
      %dma_start3A_80 = arith.constant 0 : i32
      %dma_start3A_81 = tpu.memref_slice %arg8[%dma_start3A_79, %dma_start3A_80] : memref<20480x32xf32, #tpu.memory_space<hbm>> -> memref<20480x32xf32, #tpu.memory_space<hbm>>
      tpu.enqueue_indirect_dma source(%dma_start3A_81 : memref<20480x32xf32, #tpu.memory_space<hbm>>) target(%arg13 : memref<128x32xf32, #tpu.memory_space<vmem>>) offsets(%dma_start3A_78 : memref<128xi32, #tpu.memory_space<vmem>>) semaphore(%arg18 : memref<!tpu.dma_semaphore, #tpu.memory_space<semaphore_mem>>)
      %dma_start3A_82 = arith.constant 1 : i32
      %dma_start3A_83 = arith.constant 0 : i32
      %dma_start3A_84 = tpu.memref_slice %arg11[%dma_start3A_82, %dma_start3A_83] : memref<40x128xi32, #tpu.memory_space<vmem>> -> memref<1x128xi32, #tpu.memory_space<vmem>>
      %dma_start3A_85 = tpu.memref_squeeze %dma_start3A_84 : memref<1x128xi32, #tpu.memory_space<vmem>> -> memref<128xi32, #tpu.memory_space<vmem>>
      %dma_start3A_86 = arith.constant 0 : i32
      %dma_start3A_87 = arith.constant 0 : i32
      %dma_start3A_88 = tpu.memref_slice %arg8[%dma_start3A_86, %dma_start3A_87] : memref<20480x32xf32, #tpu.memory_space<hbm>> -> memref<20480x32xf32, #tpu.memory_space<hbm>>
      tpu.enqueue_indirect_dma source(%dma_start3A_88 : memref<20480x32xf32, #tpu.memory_space<hbm>>) target(%arg14 : memref<128x32xf32, #tpu.memory_space<vmem>>) offsets(%dma_start3A_85 : memref<128xi32, #tpu.memory_space<vmem>>) semaphore(%arg19 : memref<!tpu.dma_semaphore, #tpu.memory_space<semaphore_mem>>)
      %dma_start3A_89 = arith.constant 2 : i32
      %dma_start3A_90 = arith.constant 0 : i32
      %dma_start3A_91 = tpu.memref_slice %arg11[%dma_start3A_89, %dma_start3A_90] : memref<40x128xi32, #tpu.memory_space<vmem>> -> memref<1x128xi32, #tpu.memory_space<vmem>>
      %dma_start3A_92 = tpu.memref_squeeze %dma_start3A_91 : memref<1x128xi32, #tpu.memory_space<vmem>> -> memref<128xi32, #tpu.memory_space<vmem>>
      %dma_start3A_93 = arith.constant 0 : i32
      %dma_start3A_94 = arith.constant 0 : i32
      %dma_start3A_95 = tpu.memref_slice %arg8[%dma_start3A_93, %dma_start3A_94] : memref<20480x32xf32, #tpu.memory_space<hbm>> -> memref<20480x32xf32, #tpu.memory_space<hbm>>
      tpu.enqueue_indirect_dma source(%dma_start3A_95 : memref<20480x32xf32, #tpu.memory_space<hbm>>) target(%arg15 : memref<128x32xf32, #tpu.memory_space<vmem>>) offsets(%dma_start3A_92 : memref<128xi32, #tpu.memory_space<vmem>>) semaphore(%arg20 : memref<!tpu.dma_semaphore, #tpu.memory_space<semaphore_mem>>)
      %scan3A_96 = arith.constant 0 : i32
      %scan3A_97 = arith.constant 0 : i32
      %scan3A_98 = arith.constant 10 : i32
      %scan3A_99 = arith.addi %scan3A_97, %scan3A_98 : i32
      %scan3A_100 = arith.constant 1 : i32
      %scan3A_101 = scf.for %scan3A_110 = %scan3A_97 to %scan3A_99 step %scan3A_100 iter_args(%scan3A_111 = %scan3A_96) -> (i32)  : i32 {
        %mul3A_112 = arith.constant 4 : i32
        %mul3A_113 = arith.muli %mul3A_112, %scan3A_110 : i32
        %add3A_114 = arith.constant 0 : i32
        %add3A_115 = arith.addi %mul3A_113, %add3A_114 : i32
        %dma_wait3A_116 = arith.constant 0 : i32
        %dma_wait3A_117 = tpu.memref_slice %arg11[%add3A_115, %dma_wait3A_116] : memref<40x128xi32, #tpu.memory_space<vmem>> -> memref<1x128xi32, #tpu.memory_space<vmem>>
        %dma_wait3A_118 = tpu.memref_squeeze %dma_wait3A_117 : memref<1x128xi32, #tpu.memory_space<vmem>> -> memref<128xi32, #tpu.memory_space<vmem>>
        %dma_wait3A_119 = arith.constant 0 : i32
        %dma_wait3A_120 = arith.constant 0 : i32
        %dma_wait3A_121 = tpu.memref_slice %arg8[%dma_wait3A_119, %dma_wait3A_120] : memref<20480x32xf32, #tpu.memory_space<hbm>> -> memref<20480x32xf32, #tpu.memory_space<hbm>>
        tpu.wait_indirect_dma semaphore(%arg18 : memref<!tpu.dma_semaphore, #tpu.memory_space<semaphore_mem>>) src(%dma_wait3A_121 : memref<20480x32xf32, #tpu.memory_space<hbm>>) dst(%arg13 : memref<128x32xf32, #tpu.memory_space<vmem>>)
        %dma_start3A_122 = arith.constant 0 : i32
        %dma_start3A_123 = tpu.memref_slice %arg12[%add3A_115, %dma_start3A_122] : memref<40x128xi32, #tpu.memory_space<vmem>> -> memref<1x128xi32, #tpu.memory_space<vmem>>
        %dma_start3A_124 = tpu.memref_squeeze %dma_start3A_123 : memref<1x128xi32, #tpu.memory_space<vmem>> -> memref<128xi32, #tpu.memory_space<vmem>>
        %dma_start3A_125 = arith.constant 0 : i32
        %dma_start3A_126 = arith.constant 0 : i32
        %dma_start3A_127 = tpu.memref_slice %arg10[%dma_start3A_125, %dma_start3A_126] : memref<10240x32xf32, #tpu.memory_space<vmem_shared>> -> memref<10240x32xf32, #tpu.memory_space<vmem_shared>>
        tpu.enqueue_indirect_dma source(%arg13 : memref<128x32xf32, #tpu.memory_space<vmem>>) target(%dma_start3A_127 : memref<10240x32xf32, #tpu.memory_space<vmem_shared>>) offsets(%dma_start3A_124 : memref<128xi32, #tpu.memory_space<vmem>>) semaphore(%arg22 : memref<!tpu.dma_semaphore, #tpu.memory_space<semaphore_mem>>) {add = true}
        %ge3A = arith.constant 1 : i32
        %ge3A_128 = arith.cmpi sge, %add3A_115, %ge3A : i32
        %convert_element_type3A = arith.extui %ge3A_128 : i1 to i32
        %cond3A = arith.constant 0 : i32
        %cond3A_129 = arith.cmpi ne, %convert_element_type3A, %cond3A : i32
        scf.if %cond3A_129 {
          %dma_wait3A_221 = arith.constant 0 : i32
          %dma_wait3A_222 = arith.constant 0 : i32
          %dma_wait3A_223 = tpu.memref_slice %arg12[%dma_wait3A_221, %dma_wait3A_222] : memref<40x128xi32, #tpu.memory_space<vmem>> -> memref<1x128xi32, #tpu.memory_space<vmem>>
          %dma_wait3A_224 = tpu.memref_squeeze %dma_wait3A_223 : memref<1x128xi32, #tpu.memory_space<vmem>> -> memref<128xi32, #tpu.memory_space<vmem>>
          %dma_wait3A_225 = arith.constant 0 : i32
          %dma_wait3A_226 = arith.constant 0 : i32
          %dma_wait3A_227 = tpu.memref_slice %arg10[%dma_wait3A_225, %dma_wait3A_226] : memref<10240x32xf32, #tpu.memory_space<vmem_shared>> -> memref<10240x32xf32, #tpu.memory_space<vmem_shared>>
          tpu.wait_indirect_dma semaphore(%arg25 : memref<!tpu.dma_semaphore, #tpu.memory_space<semaphore_mem>>) src(%arg16 : memref<128x32xf32, #tpu.memory_space<vmem>>) dst(%dma_wait3A_227 : memref<10240x32xf32, #tpu.memory_space<vmem_shared>>)
        } else {
        }
        %add3A_130 = arith.constant 3 : i32
        %add3A_131 = arith.addi %add3A_115, %add3A_130 : i32
        %lt3A = arith.constant 40 : i32
        %lt3A_132 = arith.cmpi slt, %add3A_131, %lt3A : i32
        %convert_element_type3A_133 = arith.extui %lt3A_132 : i1 to i32
        %cond3A_134 = arith.constant 0 : i32
        %cond3A_135 = arith.cmpi ne, %convert_element_type3A_133, %cond3A_134 : i32
        scf.if %cond3A_135 {
          %add3A_221 = arith.constant 3 : i32
          %add3A_222 = arith.addi %add3A_115, %add3A_221 : i32
          %dma_start3A_223 = arith.constant 0 : i32
          %dma_start3A_224 = tpu.memref_slice %arg11[%add3A_222, %dma_start3A_223] : memref<40x128xi32, #tpu.memory_space<vmem>> -> memref<1x128xi32, #tpu.memory_space<vmem>>
          %dma_start3A_225 = tpu.memref_squeeze %dma_start3A_224 : memref<1x128xi32, #tpu.memory_space<vmem>> -> memref<128xi32, #tpu.memory_space<vmem>>
          %dma_start3A_226 = arith.constant 0 : i32
          %dma_start3A_227 = arith.constant 0 : i32
          %dma_start3A_228 = tpu.memref_slice %arg8[%dma_start3A_226, %dma_start3A_227] : memref<20480x32xf32, #tpu.memory_space<hbm>> -> memref<20480x32xf32, #tpu.memory_space<hbm>>
          tpu.enqueue_indirect_dma source(%dma_start3A_228 : memref<20480x32xf32, #tpu.memory_space<hbm>>) target(%arg16 : memref<128x32xf32, #tpu.memory_space<vmem>>) offsets(%dma_start3A_225 : memref<128xi32, #tpu.memory_space<vmem>>) semaphore(%arg21 : memref<!tpu.dma_semaphore, #tpu.memory_space<semaphore_mem>>)
        } else {
        }
        %mul3A_136 = arith.constant 4 : i32
        %mul3A_137 = arith.muli %mul3A_136, %scan3A_110 : i32
        %add3A_138 = arith.constant 1 : i32
        %add3A_139 = arith.addi %mul3A_137, %add3A_138 : i32
        %dma_wait3A_140 = arith.constant 0 : i32
        %dma_wait3A_141 = tpu.memref_slice %arg11[%add3A_139, %dma_wait3A_140] : memref<40x128xi32, #tpu.memory_space<vmem>> -> memref<1x128xi32, #tpu.memory_space<vmem>>
        %dma_wait3A_142 = tpu.memref_squeeze %dma_wait3A_141 : memref<1x128xi32, #tpu.memory_space<vmem>> -> memref<128xi32, #tpu.memory_space<vmem>>
        %dma_wait3A_143 = arith.constant 0 : i32
        %dma_wait3A_144 = arith.constant 0 : i32
        %dma_wait3A_145 = tpu.memref_slice %arg8[%dma_wait3A_143, %dma_wait3A_144] : memref<20480x32xf32, #tpu.memory_space<hbm>> -> memref<20480x32xf32, #tpu.memory_space<hbm>>
        tpu.wait_indirect_dma semaphore(%arg19 : memref<!tpu.dma_semaphore, #tpu.memory_space<semaphore_mem>>) src(%dma_wait3A_145 : memref<20480x32xf32, #tpu.memory_space<hbm>>) dst(%arg14 : memref<128x32xf32, #tpu.memory_space<vmem>>)
        %dma_start3A_146 = arith.constant 0 : i32
        %dma_start3A_147 = tpu.memref_slice %arg12[%add3A_139, %dma_start3A_146] : memref<40x128xi32, #tpu.memory_space<vmem>> -> memref<1x128xi32, #tpu.memory_space<vmem>>
        %dma_start3A_148 = tpu.memref_squeeze %dma_start3A_147 : memref<1x128xi32, #tpu.memory_space<vmem>> -> memref<128xi32, #tpu.memory_space<vmem>>
        %dma_start3A_149 = arith.constant 0 : i32
        %dma_start3A_150 = arith.constant 0 : i32
        %dma_start3A_151 = tpu.memref_slice %arg10[%dma_start3A_149, %dma_start3A_150] : memref<10240x32xf32, #tpu.memory_space<vmem_shared>> -> memref<10240x32xf32, #tpu.memory_space<vmem_shared>>
        tpu.enqueue_indirect_dma source(%arg14 : memref<128x32xf32, #tpu.memory_space<vmem>>) target(%dma_start3A_151 : memref<10240x32xf32, #tpu.memory_space<vmem_shared>>) offsets(%dma_start3A_148 : memref<128xi32, #tpu.memory_space<vmem>>) semaphore(%arg23 : memref<!tpu.dma_semaphore, #tpu.memory_space<semaphore_mem>>) {add = true}
        %ge3A_152 = arith.constant 1 : i32
        %ge3A_153 = arith.cmpi sge, %add3A_139, %ge3A_152 : i32
        %convert_element_type3A_154 = arith.extui %ge3A_153 : i1 to i32
        %cond3A_155 = arith.constant 0 : i32
        %cond3A_156 = arith.cmpi ne, %convert_element_type3A_154, %cond3A_155 : i32
        scf.if %cond3A_156 {
          %dma_wait3A_221 = arith.constant 0 : i32
          %dma_wait3A_222 = arith.constant 0 : i32
          %dma_wait3A_223 = tpu.memref_slice %arg12[%dma_wait3A_221, %dma_wait3A_222] : memref<40x128xi32, #tpu.memory_space<vmem>> -> memref<1x128xi32, #tpu.memory_space<vmem>>
          %dma_wait3A_224 = tpu.memref_squeeze %dma_wait3A_223 : memref<1x128xi32, #tpu.memory_space<vmem>> -> memref<128xi32, #tpu.memory_space<vmem>>
          %dma_wait3A_225 = arith.constant 0 : i32
          %dma_wait3A_226 = arith.constant 0 : i32
          %dma_wait3A_227 = tpu.memref_slice %arg10[%dma_wait3A_225, %dma_wait3A_226] : memref<10240x32xf32, #tpu.memory_space<vmem_shared>> -> memref<10240x32xf32, #tpu.memory_space<vmem_shared>>
          tpu.wait_indirect_dma semaphore(%arg22 : memref<!tpu.dma_semaphore, #tpu.memory_space<semaphore_mem>>) src(%arg13 : memref<128x32xf32, #tpu.memory_space<vmem>>) dst(%dma_wait3A_227 : memref<10240x32xf32, #tpu.memory_space<vmem_shared>>)
        } else {
        }
        %add3A_157 = arith.constant 3 : i32
        %add3A_158 = arith.addi %add3A_139, %add3A_157 : i32
        %lt3A_159 = arith.constant 40 : i32
        %lt3A_160 = arith.cmpi slt, %add3A_158, %lt3A_159 : i32
        %convert_element_type3A_161 = arith.extui %lt3A_160 : i1 to i32
        %cond3A_162 = arith.constant 0 : i32
        %cond3A_163 = arith.cmpi ne, %convert_element_type3A_161, %cond3A_162 : i32
        scf.if %cond3A_163 {
          %add3A_221 = arith.constant 3 : i32
          %add3A_222 = arith.addi %add3A_139, %add3A_221 : i32
          %dma_start3A_223 = arith.constant 0 : i32
          %dma_start3A_224 = tpu.memref_slice %arg11[%add3A_222, %dma_start3A_223] : memref<40x128xi32, #tpu.memory_space<vmem>> -> memref<1x128xi32, #tpu.memory_space<vmem>>
          %dma_start3A_225 = tpu.memref_squeeze %dma_start3A_224 : memref<1x128xi32, #tpu.memory_space<vmem>> -> memref<128xi32, #tpu.memory_space<vmem>>
          %dma_start3A_226 = arith.constant 0 : i32
          %dma_start3A_227 = arith.constant 0 : i32
          %dma_start3A_228 = tpu.memref_slice %arg8[%dma_start3A_226, %dma_start3A_227] : memref<20480x32xf32, #tpu.memory_space<hbm>> -> memref<20480x32xf32, #tpu.memory_space<hbm>>
          tpu.enqueue_indirect_dma source(%dma_start3A_228 : memref<20480x32xf32, #tpu.memory_space<hbm>>) target(%arg13 : memref<128x32xf32, #tpu.memory_space<vmem>>) offsets(%dma_start3A_225 : memref<128xi32, #tpu.memory_space<vmem>>) semaphore(%arg18 : memref<!tpu.dma_semaphore, #tpu.memory_space<semaphore_mem>>)
        } else {
        }
        %mul3A_164 = arith.constant 4 : i32
        %mul3A_165 = arith.muli %mul3A_164, %scan3A_110 : i32
        %add3A_166 = arith.constant 2 : i32
        %add3A_167 = arith.addi %mul3A_165, %add3A_166 : i32
        %dma_wait3A_168 = arith.constant 0 : i32
        %dma_wait3A_169 = tpu.memref_slice %arg11[%add3A_167, %dma_wait3A_168] : memref<40x128xi32, #tpu.memory_space<vmem>> -> memref<1x128xi32, #tpu.memory_space<vmem>>
        %dma_wait3A_170 = tpu.memref_squeeze %dma_wait3A_169 : memref<1x128xi32, #tpu.memory_space<vmem>> -> memref<128xi32, #tpu.memory_space<vmem>>
        %dma_wait3A_171 = arith.constant 0 : i32
        %dma_wait3A_172 = arith.constant 0 : i32
        %dma_wait3A_173 = tpu.memref_slice %arg8[%dma_wait3A_171, %dma_wait3A_172] : memref<20480x32xf32, #tpu.memory_space<hbm>> -> memref<20480x32xf32, #tpu.memory_space<hbm>>
        tpu.wait_indirect_dma semaphore(%arg20 : memref<!tpu.dma_semaphore, #tpu.memory_space<semaphore_mem>>) src(%dma_wait3A_173 : memref<20480x32xf32, #tpu.memory_space<hbm>>) dst(%arg15 : memref<128x32xf32, #tpu.memory_space<vmem>>)
        %dma_start3A_174 = arith.constant 0 : i32
        %dma_start3A_175 = tpu.memref_slice %arg12[%add3A_167, %dma_start3A_174] : memref<40x128xi32, #tpu.memory_space<vmem>> -> memref<1x128xi32, #tpu.memory_space<vmem>>
        %dma_start3A_176 = tpu.memref_squeeze %dma_start3A_175 : memref<1x128xi32, #tpu.memory_space<vmem>> -> memref<128xi32, #tpu.memory_space<vmem>>
        %dma_start3A_177 = arith.constant 0 : i32
        %dma_start3A_178 = arith.constant 0 : i32
        %dma_start3A_179 = tpu.memref_slice %arg10[%dma_start3A_177, %dma_start3A_178] : memref<10240x32xf32, #tpu.memory_space<vmem_shared>> -> memref<10240x32xf32, #tpu.memory_space<vmem_shared>>
        tpu.enqueue_indirect_dma source(%arg15 : memref<128x32xf32, #tpu.memory_space<vmem>>) target(%dma_start3A_179 : memref<10240x32xf32, #tpu.memory_space<vmem_shared>>) offsets(%dma_start3A_176 : memref<128xi32, #tpu.memory_space<vmem>>) semaphore(%arg24 : memref<!tpu.dma_semaphore, #tpu.memory_space<semaphore_mem>>) {add = true}
        %ge3A_180 = arith.constant 1 : i32
        %ge3A_181 = arith.cmpi sge, %add3A_167, %ge3A_180 : i32
        %convert_element_type3A_182 = arith.extui %ge3A_181 : i1 to i32
        %cond3A_183 = arith.constant 0 : i32
        %cond3A_184 = arith.cmpi ne, %convert_element_type3A_182, %cond3A_183 : i32
        scf.if %cond3A_184 {
          %dma_wait3A_221 = arith.constant 0 : i32
          %dma_wait3A_222 = arith.constant 0 : i32
          %dma_wait3A_223 = tpu.memref_slice %arg12[%dma_wait3A_221, %dma_wait3A_222] : memref<40x128xi32, #tpu.memory_space<vmem>> -> memref<1x128xi32, #tpu.memory_space<vmem>>
          %dma_wait3A_224 = tpu.memref_squeeze %dma_wait3A_223 : memref<1x128xi32, #tpu.memory_space<vmem>> -> memref<128xi32, #tpu.memory_space<vmem>>
          %dma_wait3A_225 = arith.constant 0 : i32
          %dma_wait3A_226 = arith.constant 0 : i32
          %dma_wait3A_227 = tpu.memref_slice %arg10[%dma_wait3A_225, %dma_wait3A_226] : memref<10240x32xf32, #tpu.memory_space<vmem_shared>> -> memref<10240x32xf32, #tpu.memory_space<vmem_shared>>
          tpu.wait_indirect_dma semaphore(%arg23 : memref<!tpu.dma_semaphore, #tpu.memory_space<semaphore_mem>>) src(%arg14 : memref<128x32xf32, #tpu.memory_space<vmem>>) dst(%dma_wait3A_227 : memref<10240x32xf32, #tpu.memory_space<vmem_shared>>)
        } else {
        }
        %add3A_185 = arith.constant 3 : i32
        %add3A_186 = arith.addi %add3A_167, %add3A_185 : i32
        %lt3A_187 = arith.constant 40 : i32
        %lt3A_188 = arith.cmpi slt, %add3A_186, %lt3A_187 : i32
        %convert_element_type3A_189 = arith.extui %lt3A_188 : i1 to i32
        %cond3A_190 = arith.constant 0 : i32
        %cond3A_191 = arith.cmpi ne, %convert_element_type3A_189, %cond3A_190 : i32
        scf.if %cond3A_191 {
          %add3A_221 = arith.constant 3 : i32
          %add3A_222 = arith.addi %add3A_167, %add3A_221 : i32
          %dma_start3A_223 = arith.constant 0 : i32
          %dma_start3A_224 = tpu.memref_slice %arg11[%add3A_222, %dma_start3A_223] : memref<40x128xi32, #tpu.memory_space<vmem>> -> memref<1x128xi32, #tpu.memory_space<vmem>>
          %dma_start3A_225 = tpu.memref_squeeze %dma_start3A_224 : memref<1x128xi32, #tpu.memory_space<vmem>> -> memref<128xi32, #tpu.memory_space<vmem>>
          %dma_start3A_226 = arith.constant 0 : i32
          %dma_start3A_227 = arith.constant 0 : i32
          %dma_start3A_228 = tpu.memref_slice %arg8[%dma_start3A_226, %dma_start3A_227] : memref<20480x32xf32, #tpu.memory_space<hbm>> -> memref<20480x32xf32, #tpu.memory_space<hbm>>
          tpu.enqueue_indirect_dma source(%dma_start3A_228 : memref<20480x32xf32, #tpu.memory_space<hbm>>) target(%arg14 : memref<128x32xf32, #tpu.memory_space<vmem>>) offsets(%dma_start3A_225 : memref<128xi32, #tpu.memory_space<vmem>>) semaphore(%arg19 : memref<!tpu.dma_semaphore, #tpu.memory_space<semaphore_mem>>)
        } else {
        }
        %mul3A_192 = arith.constant 4 : i32
        %mul3A_193 = arith.muli %mul3A_192, %scan3A_110 : i32
        %add3A_194 = arith.constant 3 : i32
        %add3A_195 = arith.addi %mul3A_193, %add3A_194 : i32
        %dma_wait3A_196 = arith.constant 0 : i32
        %dma_wait3A_197 = tpu.memref_slice %arg11[%add3A_195, %dma_wait3A_196] : memref<40x128xi32, #tpu.memory_space<vmem>> -> memref<1x128xi32, #tpu.memory_space<vmem>>
        %dma_wait3A_198 = tpu.memref_squeeze %dma_wait3A_197 : memref<1x128xi32, #tpu.memory_space<vmem>> -> memref<128xi32, #tpu.memory_space<vmem>>
        %dma_wait3A_199 = arith.constant 0 : i32
        %dma_wait3A_200 = arith.constant 0 : i32
        %dma_wait3A_201 = tpu.memref_slice %arg8[%dma_wait3A_199, %dma_wait3A_200] : memref<20480x32xf32, #tpu.memory_space<hbm>> -> memref<20480x32xf32, #tpu.memory_space<hbm>>
        tpu.wait_indirect_dma semaphore(%arg21 : memref<!tpu.dma_semaphore, #tpu.memory_space<semaphore_mem>>) src(%dma_wait3A_201 : memref<20480x32xf32, #tpu.memory_space<hbm>>) dst(%arg16 : memref<128x32xf32, #tpu.memory_space<vmem>>)
        %dma_start3A_202 = arith.constant 0 : i32
        %dma_start3A_203 = tpu.memref_slice %arg12[%add3A_195, %dma_start3A_202] : memref<40x128xi32, #tpu.memory_space<vmem>> -> memref<1x128xi32, #tpu.memory_space<vmem>>
        %dma_start3A_204 = tpu.memref_squeeze %dma_start3A_203 : memref<1x128xi32, #tpu.memory_space<vmem>> -> memref<128xi32, #tpu.memory_space<vmem>>
        %dma_start3A_205 = arith.constant 0 : i32
        %dma_start3A_206 = arith.constant 0 : i32
        %dma_start3A_207 = tpu.memref_slice %arg10[%dma_start3A_205, %dma_start3A_206] : memref<10240x32xf32, #tpu.memory_space<vmem_shared>> -> memref<10240x32xf32, #tpu.memory_space<vmem_shared>>
        tpu.enqueue_indirect_dma source(%arg16 : memref<128x32xf32, #tpu.memory_space<vmem>>) target(%dma_start3A_207 : memref<10240x32xf32, #tpu.memory_space<vmem_shared>>) offsets(%dma_start3A_204 : memref<128xi32, #tpu.memory_space<vmem>>) semaphore(%arg25 : memref<!tpu.dma_semaphore, #tpu.memory_space<semaphore_mem>>) {add = true}
        %ge3A_208 = arith.constant 1 : i32
        %ge3A_209 = arith.cmpi sge, %add3A_195, %ge3A_208 : i32
        %convert_element_type3A_210 = arith.extui %ge3A_209 : i1 to i32
        %cond3A_211 = arith.constant 0 : i32
        %cond3A_212 = arith.cmpi ne, %convert_element_type3A_210, %cond3A_211 : i32
        scf.if %cond3A_212 {
          %dma_wait3A_221 = arith.constant 0 : i32
          %dma_wait3A_222 = arith.constant 0 : i32
          %dma_wait3A_223 = tpu.memref_slice %arg12[%dma_wait3A_221, %dma_wait3A_222] : memref<40x128xi32, #tpu.memory_space<vmem>> -> memref<1x128xi32, #tpu.memory_space<vmem>>
          %dma_wait3A_224 = tpu.memref_squeeze %dma_wait3A_223 : memref<1x128xi32, #tpu.memory_space<vmem>> -> memref<128xi32, #tpu.memory_space<vmem>>
          %dma_wait3A_225 = arith.constant 0 : i32
          %dma_wait3A_226 = arith.constant 0 : i32
          %dma_wait3A_227 = tpu.memref_slice %arg10[%dma_wait3A_225, %dma_wait3A_226] : memref<10240x32xf32, #tpu.memory_space<vmem_shared>> -> memref<10240x32xf32, #tpu.memory_space<vmem_shared>>
          tpu.wait_indirect_dma semaphore(%arg24 : memref<!tpu.dma_semaphore, #tpu.memory_space<semaphore_mem>>) src(%arg15 : memref<128x32xf32, #tpu.memory_space<vmem>>) dst(%dma_wait3A_227 : memref<10240x32xf32, #tpu.memory_space<vmem_shared>>)
        } else {
        }
        %add3A_213 = arith.constant 3 : i32
        %add3A_214 = arith.addi %add3A_195, %add3A_213 : i32
        %lt3A_215 = arith.constant 40 : i32
        %lt3A_216 = arith.cmpi slt, %add3A_214, %lt3A_215 : i32
        %convert_element_type3A_217 = arith.extui %lt3A_216 : i1 to i32
        %cond3A_218 = arith.constant 0 : i32
        %cond3A_219 = arith.cmpi ne, %convert_element_type3A_217, %cond3A_218 : i32
        scf.if %cond3A_219 {
          %add3A_221 = arith.constant 3 : i32
          %add3A_222 = arith.addi %add3A_195, %add3A_221 : i32
          %dma_start3A_223 = arith.constant 0 : i32
          %dma_start3A_224 = tpu.memref_slice %arg11[%add3A_222, %dma_start3A_223] : memref<40x128xi32, #tpu.memory_space<vmem>> -> memref<1x128xi32, #tpu.memory_space<vmem>>
          %dma_start3A_225 = tpu.memref_squeeze %dma_start3A_224 : memref<1x128xi32, #tpu.memory_space<vmem>> -> memref<128xi32, #tpu.memory_space<vmem>>
          %dma_start3A_226 = arith.constant 0 : i32
          %dma_start3A_227 = arith.constant 0 : i32
          %dma_start3A_228 = tpu.memref_slice %arg8[%dma_start3A_226, %dma_start3A_227] : memref<20480x32xf32, #tpu.memory_space<hbm>> -> memref<20480x32xf32, #tpu.memory_space<hbm>>
          tpu.enqueue_indirect_dma source(%dma_start3A_228 : memref<20480x32xf32, #tpu.memory_space<hbm>>) target(%arg15 : memref<128x32xf32, #tpu.memory_space<vmem>>) offsets(%dma_start3A_225 : memref<128xi32, #tpu.memory_space<vmem>>) semaphore(%arg20 : memref<!tpu.dma_semaphore, #tpu.memory_space<semaphore_mem>>)
        } else {
        }
        %scan3A_220 = arith.constant 0 : i32
        scf.yield %scan3A_220 : i32
      }
      %scan3A_102 = arith.constant 10 : i32
      %dma_wait3A = arith.constant 0 : i32
      %dma_wait3A_103 = arith.constant 0 : i32
      %dma_wait3A_104 = tpu.memref_slice %arg12[%dma_wait3A, %dma_wait3A_103] : memref<40x128xi32, #tpu.memory_space<vmem>> -> memref<1x128xi32, #tpu.memory_space<vmem>>
      %dma_wait3A_105 = tpu.memref_squeeze %dma_wait3A_104 : memref<1x128xi32, #tpu.memory_space<vmem>> -> memref<128xi32, #tpu.memory_space<vmem>>
      %dma_wait3A_106 = arith.constant 0 : i32
      %dma_wait3A_107 = arith.constant 0 : i32
      %dma_wait3A_108 = tpu.memref_slice %arg10[%dma_wait3A_106, %dma_wait3A_107] : memref<10240x32xf32, #tpu.memory_space<vmem_shared>> -> memref<10240x32xf32, #tpu.memory_space<vmem_shared>>
      tpu.wait_indirect_dma semaphore(%arg25 : memref<!tpu.dma_semaphore, #tpu.memory_space<semaphore_mem>>) src(%arg16 : memref<128x32xf32, #tpu.memory_space<vmem>>) dst(%dma_wait3A_108 : memref<10240x32xf32, #tpu.memory_space<vmem_shared>>)
      %scan3A_109 = arith.constant 0 : i32
      scf.yield %scan3A_109 : i32
    }
    %scan3A_54 = arith.constant 4 : i32
    "tpu.trace_stop"() : () -> ()
    %barrier3A_55 = arith.constant 0 : index
    tpu.barrier barrier_id(%barrier3A_55)
    "tpu.trace_start"() <{level = 10 : i32, message = "p4_norm"}> : () -> ()
    %scan3A_56 = arith.constant 0 : i32
    %scan3A_57 = arith.constant 0 : i32
    %scan3A_58 = arith.constant 5 : i32
    %scan3A_59 = arith.addi %scan3A_57, %scan3A_58 : i32
    %scan3A_60 = arith.constant 1 : i32
    %scan3A_61 = scf.for %scan3A_63 = %scan3A_57 to %scan3A_59 step %scan3A_60 iter_args(%scan3A_64 = %scan3A_56) -> (i32)  : i32 {
      %mul3A_65 = arith.constant 128 : i32
      %mul3A_66 = arith.muli %mul3A_65, %scan3A_63 : i32
      %add3A_67 = arith.addi %mul3A_0, %mul3A_66 : i32
      "tpu.region"() ({
        %run_scoped3A = tpu.sem_alloc : memref<!tpu.dma_semaphore, #tpu.memory_space<semaphore_mem>>
        %dma_start3A = arith.constant 0 : i32
        %dma_start3A_76 = tpu.memref_slice %arg6[%add3A_67, %dma_start3A] : memref<10240x16xf32, #tpu.memory_space<hbm>> -> memref<128x16xf32, #tpu.memory_space<hbm>>
        %dma_start3A_77 = arith.constant 0 : i32
        %dma_start3A_78 = tpu.memref_slice %arg6[%add3A_67, %dma_start3A_77] : memref<10240x16xf32, #tpu.memory_space<hbm>> -> memref<128x16xf32, #tpu.memory_space<hbm>>
        tpu.enqueue_dma source(%dma_start3A_78 : memref<128x16xf32, #tpu.memory_space<hbm>>) target(%arg17 : memref<128x16xf32, #tpu.memory_space<vmem>>) target_semaphore(%run_scoped3A : memref<!tpu.dma_semaphore, #tpu.memory_space<semaphore_mem>>)
        %dma_wait3A = arith.constant 0 : i32
        %dma_wait3A_79 = tpu.memref_slice %arg6[%add3A_67, %dma_wait3A] : memref<10240x16xf32, #tpu.memory_space<hbm>> -> memref<128x16xf32, #tpu.memory_space<hbm>>
        %dma_wait3A_80 = arith.constant 0 : i32
        %dma_wait3A_81 = tpu.memref_slice %arg6[%add3A_67, %dma_wait3A_80] : memref<10240x16xf32, #tpu.memory_space<hbm>> -> memref<128x16xf32, #tpu.memory_space<hbm>>
        tpu.wait_dma2 semaphore(%run_scoped3A : memref<!tpu.dma_semaphore, #tpu.memory_space<semaphore_mem>>) src(%dma_wait3A_81 : memref<128x16xf32, #tpu.memory_space<hbm>>) dst(%arg17 : memref<128x16xf32, #tpu.memory_space<vmem>>)
        tpu.yield
      }) : () -> ()
      "tpu.region"() ({
        %run_scoped3A = tpu.sem_alloc : memref<!tpu.dma_semaphore, #tpu.memory_space<semaphore_mem>>
        %dma_start3A = arith.constant 0 : i32
        %dma_start3A_76 = tpu.memref_slice %arg10[%add3A_67, %dma_start3A] : memref<10240x32xf32, #tpu.memory_space<vmem_shared>> -> memref<128x32xf32, #tpu.memory_space<vmem_shared>>
        %dma_start3A_77 = arith.constant 0 : i32
        %dma_start3A_78 = tpu.memref_slice %arg10[%add3A_67, %dma_start3A_77] : memref<10240x32xf32, #tpu.memory_space<vmem_shared>> -> memref<128x32xf32, #tpu.memory_space<vmem_shared>>
        tpu.enqueue_dma source(%dma_start3A_78 : memref<128x32xf32, #tpu.memory_space<vmem_shared>>) target(%arg13 : memref<128x32xf32, #tpu.memory_space<vmem>>) target_semaphore(%run_scoped3A : memref<!tpu.dma_semaphore, #tpu.memory_space<semaphore_mem>>)
        %dma_wait3A = arith.constant 0 : i32
        %dma_wait3A_79 = tpu.memref_slice %arg10[%add3A_67, %dma_wait3A] : memref<10240x32xf32, #tpu.memory_space<vmem_shared>> -> memref<128x32xf32, #tpu.memory_space<vmem_shared>>
        %dma_wait3A_80 = arith.constant 0 : i32
        %dma_wait3A_81 = tpu.memref_slice %arg10[%add3A_67, %dma_wait3A_80] : memref<10240x32xf32, #tpu.memory_space<vmem_shared>> -> memref<128x32xf32, #tpu.memory_space<vmem_shared>>
        tpu.wait_dma2 semaphore(%run_scoped3A : memref<!tpu.dma_semaphore, #tpu.memory_space<semaphore_mem>>) src(%dma_wait3A_81 : memref<128x32xf32, #tpu.memory_space<vmem_shared>>) dst(%arg13 : memref<128x32xf32, #tpu.memory_space<vmem>>)
        tpu.yield
      }) : () -> ()
      %scan3A_68 = arith.constant 0 : i32
      %scan3A_69 = arith.constant 0 : i32
      %scan3A_70 = arith.constant 128 : i32
      %scan3A_71 = arith.addi %scan3A_69, %scan3A_70 : i32
      %scan3A_72 = arith.constant 1 : i32
      %scan3A_73 = scf.for %scan3A_76 = %scan3A_69 to %scan3A_71 step %scan3A_72 iter_args(%scan3A_77 = %scan3A_68) -> (i32)  : i32 {
        %get3A = arith.index_cast %scan3A_76 : i32 to index
        %get3A_78 = arith.constant 0 : index
        %get3A_79 = tpu.vector_load %arg17[%get3A, %get3A_78] {strides = array<i32>} : memref<128x16xf32, #tpu.memory_space<vmem>>, vector<1x16xf32>,
        %get3A_80 = vector.shape_cast %get3A_79 : vector<1x16xf32> to vector<16xf32>
        %get3A_81 = arith.index_cast %scan3A_76 : i32 to index
        %get3A_82 = arith.constant 0 : index
        %get3A_83 = tpu.vector_load %arg13[%get3A_81, %get3A_82] {strides = array<i32>} : memref<128x32xf32, #tpu.memory_space<vmem>>, vector<1x16xf32>,
        %get3A_84 = vector.shape_cast %get3A_83 : vector<1x16xf32> to vector<16xf32>
        %mul3A_85 = arith.mulf %get3A_84, %get3A_80 : vector<16xf32>
        %swap3A = arith.index_cast %scan3A_76 : i32 to index
        %swap3A_86 = arith.constant 0 : index
        %swap3A_87 = tpu.vector_load %arg13[%swap3A, %swap3A_86] {strides = array<i32>} : memref<128x32xf32, #tpu.memory_space<vmem>>, vector<1x16xf32>,
        %swap3A_88 = vector.shape_cast %swap3A_87 : vector<1x16xf32> to vector<16xf32>
        %swap3A_89 = vector.shape_cast %mul3A_85 : vector<16xf32> to vector<1x16xf32>
        tpu.vector_store %arg13[%swap3A, %swap3A_86], %swap3A_89 {strides = array<i32>} : memref<128x32xf32, #tpu.memory_space<vmem>>, vector<1x16xf32>,
        %get3A_90 = arith.index_cast %scan3A_76 : i32 to index
        %get3A_91 = arith.constant 16 : index
        %get3A_92 = tpu.vector_load %arg13[%get3A_90, %get3A_91] {strides = array<i32>} : memref<128x32xf32, #tpu.memory_space<vmem>>, vector<1x16xf32>,
        %get3A_93 = vector.shape_cast %get3A_92 : vector<1x16xf32> to vector<16xf32>
        %mul3A_94 = arith.mulf %get3A_93, %get3A_80 : vector<16xf32>
        %swap3A_95 = arith.index_cast %scan3A_76 : i32 to index
        %swap3A_96 = arith.constant 16 : index
        %swap3A_97 = tpu.vector_load %arg13[%swap3A_95, %swap3A_96] {strides = array<i32>} : memref<128x32xf32, #tpu.memory_space<vmem>>, vector<1x16xf32>,
        %swap3A_98 = vector.shape_cast %swap3A_97 : vector<1x16xf32> to vector<16xf32>
        %swap3A_99 = vector.shape_cast %mul3A_94 : vector<16xf32> to vector<1x16xf32>
        tpu.vector_store %arg13[%swap3A_95, %swap3A_96], %swap3A_99 {strides = array<i32>} : memref<128x32xf32, #tpu.memory_space<vmem>>, vector<1x16xf32>,
        %scan3A_100 = arith.constant 0 : i32
        scf.yield %scan3A_100 : i32
      }
      %scan3A_74 = arith.constant 128 : i32
      "tpu.region"() ({
        %run_scoped3A = tpu.sem_alloc : memref<!tpu.dma_semaphore, #tpu.memory_space<semaphore_mem>>
        %dma_start3A = arith.constant 0 : i32
        %dma_start3A_76 = arith.constant 0 : i32
        %dma_start3A_77 = tpu.memref_slice %arg7[%arg0, %dma_start3A, %dma_start3A_76] : memref<2x10240x32xf32, #tpu.memory_space<hbm>> -> memref<1x10240x32xf32, #tpu.memory_space<hbm>>
        %dma_start3A_78 = tpu.memref_squeeze %dma_start3A_77 : memref<1x10240x32xf32, #tpu.memory_space<hbm>> -> memref<10240x32xf32, #tpu.memory_space<hbm>>
        %dma_start3A_79 = arith.constant 0 : i32
        %dma_start3A_80 = tpu.memref_slice %dma_start3A_78[%add3A_67, %dma_start3A_79] : memref<10240x32xf32, #tpu.memory_space<hbm>> -> memref<128x32xf32, #tpu.memory_space<hbm>>
        %dma_start3A_81 = arith.constant 0 : i32
        %dma_start3A_82 = arith.constant 0 : i32
        %dma_start3A_83 = tpu.memref_slice %arg7[%arg0, %dma_start3A_81, %dma_start3A_82] : memref<2x10240x32xf32, #tpu.memory_space<hbm>> -> memref<1x10240x32xf32, #tpu.memory_space<hbm>>
        %dma_start3A_84 = tpu.memref_squeeze %dma_start3A_83 : memref<1x10240x32xf32, #tpu.memory_space<hbm>> -> memref<10240x32xf32, #tpu.memory_space<hbm>>
        %dma_start3A_85 = arith.constant 0 : i32
        %dma_start3A_86 = tpu.memref_slice %dma_start3A_84[%add3A_67, %dma_start3A_85] : memref<10240x32xf32, #tpu.memory_space<hbm>> -> memref<128x32xf32, #tpu.memory_space<hbm>>
        tpu.enqueue_dma source(%arg13 : memref<128x32xf32, #tpu.memory_space<vmem>>) target(%dma_start3A_86 : memref<128x32xf32, #tpu.memory_space<hbm>>) target_semaphore(%run_scoped3A : memref<!tpu.dma_semaphore, #tpu.memory_space<semaphore_mem>>)
        %dma_wait3A = arith.constant 0 : i32
        %dma_wait3A_87 = arith.constant 0 : i32
        %dma_wait3A_88 = tpu.memref_slice %arg7[%arg0, %dma_wait3A, %dma_wait3A_87] : memref<2x10240x32xf32, #tpu.memory_space<hbm>> -> memref<1x10240x32xf32, #tpu.memory_space<hbm>>
        %dma_wait3A_89 = tpu.memref_squeeze %dma_wait3A_88 : memref<1x10240x32xf32, #tpu.memory_space<hbm>> -> memref<10240x32xf32, #tpu.memory_space<hbm>>
        %dma_wait3A_90 = arith.constant 0 : i32
        %dma_wait3A_91 = tpu.memref_slice %dma_wait3A_89[%add3A_67, %dma_wait3A_90] : memref<10240x32xf32, #tpu.memory_space<hbm>> -> memref<128x32xf32, #tpu.memory_space<hbm>>
        %dma_wait3A_92 = arith.constant 0 : i32
        %dma_wait3A_93 = arith.constant 0 : i32
        %dma_wait3A_94 = tpu.memref_slice %arg7[%arg0, %dma_wait3A_92, %dma_wait3A_93] : memref<2x10240x32xf32, #tpu.memory_space<hbm>> -> memref<1x10240x32xf32, #tpu.memory_space<hbm>>
        %dma_wait3A_95 = tpu.memref_squeeze %dma_wait3A_94 : memref<1x10240x32xf32, #tpu.memory_space<hbm>> -> memref<10240x32xf32, #tpu.memory_space<hbm>>
        %dma_wait3A_96 = arith.constant 0 : i32
        %dma_wait3A_97 = tpu.memref_slice %dma_wait3A_95[%add3A_67, %dma_wait3A_96] : memref<10240x32xf32, #tpu.memory_space<hbm>> -> memref<128x32xf32, #tpu.memory_space<hbm>>
        tpu.wait_dma2 semaphore(%run_scoped3A : memref<!tpu.dma_semaphore, #tpu.memory_space<semaphore_mem>>) src(%arg13 : memref<128x32xf32, #tpu.memory_space<vmem>>) dst(%dma_wait3A_97 : memref<128x32xf32, #tpu.memory_space<hbm>>)
        tpu.yield
      }) : () -> ()
      %scan3A_75 = arith.constant 0 : i32
      scf.yield %scan3A_75 : i32
    }
    %scan3A_62 = arith.constant 5 : i32
    "tpu.trace_stop"() : () -> ()
    return
  }
}

module attributes {stable_mosaic.version = 14 : i64} {
  func.func @body(%arg0: i32, %arg1: memref<1000x128xf32, #tpu.memory_space<vmem>>, %arg2: memref<128x128xf32, #tpu.memory_space<vmem>>, %arg3: memref<1x128xf32, #tpu.memory_space<vmem>>, %arg4: memref<2x1000x64xf32, #tpu.memory_space<vmem>>) attributes {dimension_semantics = [#tpu.dimension_semantics<arbitrary>], iteration_bounds = array<i64: 10>, scalar_prefetch = 0 : i64, scratch_operands = 0 : i64, tpu.core_type = #tpu.core_type<tc>, window_params = [{transform_indices = @transform_0, window_bounds = array<i64: 1000, 128>}, {pipeline_mode = #tpu.pipeline_mode<synchronous>, transform_indices = @transform_1, window_bounds = array<i64: 128, 128>}, {pipeline_mode = #tpu.pipeline_mode<synchronous>, transform_indices = @transform_2, window_bounds = array<i64: 1, 128>}, {transform_indices = @transform_3, window_bounds = array<i64: 2, 1000, 64>}]} {
    %get3A = arith.constant 0 : index
    %get3A_0 = arith.constant 0 : index
    %get3A_1 = vector.load %arg1[%get3A, %get3A_0] : memref<1000x128xf32, #tpu.memory_space<vmem>>, vector<1000x128xf32>
    %get3A_2 = arith.constant 0 : index
    %get3A_3 = arith.constant 0 : index
    %get3A_4 = vector.load %arg2[%get3A_2, %get3A_3] : memref<128x128xf32, #tpu.memory_space<vmem>>, vector<128x128xf32>
    %dot_general3A = arith.constant dense<0.000000e+00> : vector<1000x128xf32>
    %dot_general3A_5 = tpu.matmul %get3A_1, %get3A_4, %dot_general3A {dimension_numbers = #tpu.dot_dimension_numbers<[1], [0], [0], [1], [0, 0, 1, 1], [], []>, transpose_lhs_hint = false} : vector<1000x128xf32>, vector<128x128xf32>, vector<1000x128xf32> -> vector<1000x128xf32>
    %get3A_6 = arith.constant 0 : index
    %get3A_7 = arith.constant 0 : index
    %get3A_8 = vector.load %arg3[%get3A_6, %get3A_7] : memref<1x128xf32, #tpu.memory_space<vmem>>, vector<1x128xf32>
    %add3A = vector.broadcast %get3A_8 : vector<1x128xf32> to vector<1000x128xf32>
    %add3A_9 = arith.addf %dot_general3A_5, %add3A : vector<1000x128xf32>
    %slice3A = vector.extract_strided_slice %add3A_9 {offsets = [0, 0], sizes = [1000, 64], strides = [1, 1]} : vector<1000x128xf32> to vector<1000x64xf32>
    %swap3A = arith.constant 0 : index
    %swap3A_10 = arith.constant 0 : index
    %swap3A_11 = arith.constant 0 : index
    %swap3A_12 = vector.load %arg4[%swap3A, %swap3A_10, %swap3A_11] : memref<2x1000x64xf32, #tpu.memory_space<vmem>>, vector<1x1000x64xf32>
    %swap3A_13 = vector.shape_cast %swap3A_12 : vector<1x1000x64xf32> to vector<1000x64xf32>
    %swap3A_14 = vector.shape_cast %slice3A : vector<1000x64xf32> to vector<1x1000x64xf32>
    tpu.vector_store %arg4[%swap3A, %swap3A_10, %swap3A_11], %swap3A_14 {strides = array<i32>} : memref<2x1000x64xf32, #tpu.memory_space<vmem>>, vector<1x1000x64xf32>,
    %slice3A_15 = vector.extract_strided_slice %add3A_9 {offsets = [0, 64], sizes = [1000, 64], strides = [1, 1]} : vector<1000x128xf32> to vector<1000x64xf32>
    %swap3A_16 = arith.constant 1 : index
    %swap3A_17 = arith.constant 0 : index
    %swap3A_18 = arith.constant 0 : index
    %swap3A_19 = vector.load %arg4[%swap3A_16, %swap3A_17, %swap3A_18] : memref<2x1000x64xf32, #tpu.memory_space<vmem>>, vector<1x1000x64xf32>
    %swap3A_20 = vector.shape_cast %swap3A_19 : vector<1x1000x64xf32> to vector<1000x64xf32>
    %swap3A_21 = vector.shape_cast %slice3A_15 : vector<1000x64xf32> to vector<1x1000x64xf32>
    tpu.vector_store %arg4[%swap3A_16, %swap3A_17, %swap3A_18], %swap3A_21 {strides = array<i32>} : memref<2x1000x64xf32, #tpu.memory_space<vmem>>, vector<1x1000x64xf32>,
    return
  }
  func.func @transform_0(%arg0: i32) -> (i32, i32) {
    %c0_i32 = arith.constant 0 : i32
    %c0_i32_0 = arith.constant 0 : i32
    return %arg0, %c0_i32 : i32, i32
  }
  func.func @transform_1(%arg0: i32) -> (i32, i32) {
    %c0_i32 = arith.constant 0 : i32
    %c0_i32_0 = arith.constant 0 : i32
    %c0_i32_1 = arith.constant 0 : i32
    return %c0_i32, %c0_i32_0 : i32, i32
  }
  func.func @transform_2(%arg0: i32) -> (i32, i32) {
    %c0_i32 = arith.constant 0 : i32
    %c0_i32_0 = arith.constant 0 : i32
    %c0_i32_1 = arith.constant 0 : i32
    return %c0_i32, %c0_i32_0 : i32, i32
  }
  func.func @transform_3(%arg0: i32) -> (i32, i32, i32) {
    %c0_i32 = arith.constant 0 : i32
    %c0_i32_0 = arith.constant 0 : i32
    %c0_i32_1 = arith.constant 0 : i32
    return %c0_i32, %arg0, %c0_i32_0 : i32, i32, i32
  }
}

module attributes {stable_mosaic.version = 14 : i64} {
  func.func @body(%arg0: i32, %arg1: memref<2x1000x64xf32, #tpu.memory_space<vmem>>, %arg2: memref<2x64x64xf32, #tpu.memory_space<vmem>>, %arg3: memref<1x64xf32, #tpu.memory_space<vmem>>, %arg4: memref<2x1000x32xf32, #tpu.memory_space<vmem>>) attributes {dimension_semantics = [#tpu.dimension_semantics<arbitrary>], iteration_bounds = array<i64: 10>, scalar_prefetch = 0 : i64, scratch_operands = 0 : i64, tpu.core_type = #tpu.core_type<tc>, window_params = [{transform_indices = @transform_0, window_bounds = array<i64: 2, 1000, 64>}, {pipeline_mode = #tpu.pipeline_mode<synchronous>, transform_indices = @transform_1, window_bounds = array<i64: 2, 64, 64>}, {pipeline_mode = #tpu.pipeline_mode<synchronous>, transform_indices = @transform_2, window_bounds = array<i64: 1, 64>}, {transform_indices = @transform_3, window_bounds = array<i64: 2, 1000, 32>}]} {
    %get3A = arith.constant 0 : index
    %get3A_0 = arith.constant 0 : index
    %get3A_1 = arith.constant 0 : index
    %get3A_2 = vector.load %arg1[%get3A, %get3A_0, %get3A_1] : memref<2x1000x64xf32, #tpu.memory_space<vmem>>, vector<1x1000x64xf32>
    %get3A_3 = vector.shape_cast %get3A_2 : vector<1x1000x64xf32> to vector<1000x64xf32>
    %get3A_4 = arith.constant 0 : index
    %get3A_5 = arith.constant 0 : index
    %get3A_6 = arith.constant 0 : index
    %get3A_7 = vector.load %arg2[%get3A_4, %get3A_5, %get3A_6] : memref<2x64x64xf32, #tpu.memory_space<vmem>>, vector<1x64x64xf32>
    %get3A_8 = vector.shape_cast %get3A_7 : vector<1x64x64xf32> to vector<64x64xf32>
    %dot_general3A = arith.constant dense<0.000000e+00> : vector<1000x64xf32>
    %dot_general3A_9 = tpu.matmul %get3A_3, %get3A_8, %dot_general3A {dimension_numbers = #tpu.dot_dimension_numbers<[1], [0], [0], [1], [0, 0, 1, 1], [], []>, transpose_lhs_hint = false} : vector<1000x64xf32>, vector<64x64xf32>, vector<1000x64xf32> -> vector<1000x64xf32>
    %get3A_10 = arith.constant 1 : index
    %get3A_11 = arith.constant 0 : index
    %get3A_12 = arith.constant 0 : index
    %get3A_13 = vector.load %arg1[%get3A_10, %get3A_11, %get3A_12] : memref<2x1000x64xf32, #tpu.memory_space<vmem>>, vector<1x1000x64xf32>
    %get3A_14 = vector.shape_cast %get3A_13 : vector<1x1000x64xf32> to vector<1000x64xf32>
    %get3A_15 = arith.constant 1 : index
    %get3A_16 = arith.constant 0 : index
    %get3A_17 = arith.constant 0 : index
    %get3A_18 = vector.load %arg2[%get3A_15, %get3A_16, %get3A_17] : memref<2x64x64xf32, #tpu.memory_space<vmem>>, vector<1x64x64xf32>
    %get3A_19 = vector.shape_cast %get3A_18 : vector<1x64x64xf32> to vector<64x64xf32>
    %dot_general3A_20 = arith.constant dense<0.000000e+00> : vector<1000x64xf32>
    %dot_general3A_21 = tpu.matmul %get3A_14, %get3A_19, %dot_general3A_20 {dimension_numbers = #tpu.dot_dimension_numbers<[1], [0], [0], [1], [0, 0, 1, 1], [], []>, transpose_lhs_hint = false} : vector<1000x64xf32>, vector<64x64xf32>, vector<1000x64xf32> -> vector<1000x64xf32>
    %add3A = arith.addf %dot_general3A_9, %dot_general3A_21 : vector<1000x64xf32>
    %get3A_22 = arith.constant 0 : index
    %get3A_23 = arith.constant 0 : index
    %get3A_24 = vector.load %arg3[%get3A_22, %get3A_23] : memref<1x64xf32, #tpu.memory_space<vmem>>, vector<1x64xf32>
    %add3A_25 = vector.broadcast %get3A_24 : vector<1x64xf32> to vector<1000x64xf32>
    %add3A_26 = arith.addf %add3A, %add3A_25 : vector<1000x64xf32>
    %slice3A = vector.extract_strided_slice %add3A_26 {offsets = [0, 0], sizes = [1000, 32], strides = [1, 1]} : vector<1000x64xf32> to vector<1000x32xf32>
    %swap3A = arith.constant 0 : index
    %swap3A_27 = arith.constant 0 : index
    %swap3A_28 = arith.constant 0 : index
    %swap3A_29 = vector.load %arg4[%swap3A, %swap3A_27, %swap3A_28] : memref<2x1000x32xf32, #tpu.memory_space<vmem>>, vector<1x1000x32xf32>
    %swap3A_30 = vector.shape_cast %swap3A_29 : vector<1x1000x32xf32> to vector<1000x32xf32>
    %swap3A_31 = vector.shape_cast %slice3A : vector<1000x32xf32> to vector<1x1000x32xf32>
    tpu.vector_store %arg4[%swap3A, %swap3A_27, %swap3A_28], %swap3A_31 {strides = array<i32>} : memref<2x1000x32xf32, #tpu.memory_space<vmem>>, vector<1x1000x32xf32>,
    %slice3A_32 = vector.extract_strided_slice %add3A_26 {offsets = [0, 32], sizes = [1000, 32], strides = [1, 1]} : vector<1000x64xf32> to vector<1000x32xf32>
    %swap3A_33 = arith.constant 1 : index
    %swap3A_34 = arith.constant 0 : index
    %swap3A_35 = arith.constant 0 : index
    %swap3A_36 = vector.load %arg4[%swap3A_33, %swap3A_34, %swap3A_35] : memref<2x1000x32xf32, #tpu.memory_space<vmem>>, vector<1x1000x32xf32>
    %swap3A_37 = vector.shape_cast %swap3A_36 : vector<1x1000x32xf32> to vector<1000x32xf32>
    %swap3A_38 = vector.shape_cast %slice3A_32 : vector<1000x32xf32> to vector<1x1000x32xf32>
    tpu.vector_store %arg4[%swap3A_33, %swap3A_34, %swap3A_35], %swap3A_38 {strides = array<i32>} : memref<2x1000x32xf32, #tpu.memory_space<vmem>>, vector<1x1000x32xf32>,
    return
  }
  func.func @transform_0(%arg0: i32) -> (i32, i32, i32) {
    %c0_i32 = arith.constant 0 : i32
    %c0_i32_0 = arith.constant 0 : i32
    %c0_i32_1 = arith.constant 0 : i32
    return %c0_i32, %arg0, %c0_i32_0 : i32, i32, i32
  }
  func.func @transform_1(%arg0: i32) -> (i32, i32, i32) {
    %c0_i32 = arith.constant 0 : i32
    %c0_i32_0 = arith.constant 0 : i32
    %c0_i32_1 = arith.constant 0 : i32
    %c0_i32_2 = arith.constant 0 : i32
    return %c0_i32, %c0_i32_0, %c0_i32_1 : i32, i32, i32
  }
  func.func @transform_2(%arg0: i32) -> (i32, i32) {
    %c0_i32 = arith.constant 0 : i32
    %c0_i32_0 = arith.constant 0 : i32
    %c0_i32_1 = arith.constant 0 : i32
    return %c0_i32, %c0_i32_0 : i32, i32
  }
  func.func @transform_3(%arg0: i32) -> (i32, i32, i32) {
    %c0_i32 = arith.constant 0 : i32
    %c0_i32_0 = arith.constant 0 : i32
    %c0_i32_1 = arith.constant 0 : i32
    return %c0_i32, %arg0, %c0_i32_0 : i32, i32, i32
  }
}

</mosaic_0001>

<sc_bundles>
// kernel: kernel.10.cloned.1.call-start
scs
__scs_entry_jumppad:
0x0: {  	(pc) =	sbr.rel $0x88, $3  }
0x1: {  	(tag) =	ssettag $0x0;
	lr =	simm.s32 $0x1  }
0x2: {  	[smem:$0x3F9B] =	sst lr;
	_ =	strace $0xD0000000  }
0x3: {  	_ = 	snop  }
0x4: {  	_ = 	snop  }
0x5: {  	_ = 	snop  }
0x6: {  	_ = 	snop  }
0x7: {  	_ = 	snop  }
__scs_overlays_trampoline_lowered:
0x8: {  	[smem:$0x3FAA] =	sst s0  }
0x9: {  	[smem:$0x3FAB] =	sst s1  }
0xa: {  	[smem:$0x3FAC] =	sst s2  }
0xb: {  	[smem:$0x3FAD] =	sst s3  }
0xc: {  	[smem:$0x3FAE] =	sst s4  }
0xd: {  	[smem:$0x3FAF] =	sst s5  }
0xe: {  	[smem:$0x3FB0] =	sst s6  }
0xf: {  	[smem:$0x3FB1] =	sst s7  }
0x10: {  	[smem:$0x3FB2] =	sst s8  }
0x11: {  	[smem:$0x3FB3] =	sst s9;
	s0 =	simm.s32 @!p0 $0x0  }
0x12: {  	s1 =	sld [smem:$0x3F99];
	s0 =	simm.s32 @p0 $0x1  }
0x13: {  	[smem:$0x3FB4] =	sst s0;
	s0 =	simm.s32 @!p1 $0x0  }
0x14: {  	s2 =	sld [smem:$0x3F98];
	s0 =	simm.s32 @p1 $0x1  }
0x15: {  	[smem:$0x3FB5] =	sst s0;
	s0 =	simm.s32 @!p2 $0x0  }
0x16: {  	s3 =	sld [smem:$0x3FDB];
	s0 =	simm.s32 @p2 $0x1  }
0x17: {  	s4 =	simm.s32 $0x1BF5;
	[smem:$0x3FB7] =	sst s0  }
0x18: {  	s0 =	sld [smem:$0x3F9A];
	_ =	swait.ge [sflag:s4], $0x0  }
0x19: {  	s7 =	sld [smem:$0x3F9B]  }
0x1a: {  	s8 =	sadd.s32 $0xFFFFE003, lr  }
0x1b: {  	s9 =	sadd.s32 $0xFFFFFEF7, lr;
	s5 =	simm.s32 $0xFFFFFFFF;
	p2 =	slt.u32 s8, $0xFFFFF086  }
0x1c: {  	p1 =	slt.u32 s9, $0xF7A;
	s5 =	simm.s32 @!p2 $0x0  }
0x1d: {  	s5 =	simm.s32 @p1 $0x1;
	p0 =	seq.s32 s7, s2  }
0x1e: {  	s7 =	smul.u32 @!p0 $0xF7A, s2;
	p2 =	seq.s32 @!p0 s5, $0x0  }
0x1f: {  	s9 =	smul.u32 $0xF7A, s1;
	s8 =	simm.s32 @!p0 $0x1BF5;
	p2 =	por !p2, p0  }
0x20: {  	[sflag:s8] =	ssyncset.s32 @!p0 $0xFFFFF086;
	s6 =	sadd.s32 @!p0 s3, s7;
	s7 =	simm.s32 @!p0 $0x108  }
0x21: {  	s3 =	sadd.s32 s3, s9;
	s6 =	sadd.s32 @!p0 $0x88, s6;
	s7 =	simm.s32 @p2 $0x1082  }
0x22: {  	[simem:s7], [sflag:s8] =	dma.local @!p0 [hbm:s6], $0xF7A  }
0x23: {  	s9 =	sor.u32 $0xD0000000, s2;
	s6 =	simm.s32 $0x108;
	_ =	swait.ge @!p0 [sflag:s8], $0x0  }
0x24: {  	s3 =	sadd.s32 $0x88, s3;
	s6 =	simm.s32 @!p1 $0x1082;
	[sflag:s4] =	ssyncset.s32 $0xFFFFF086  }
0x25: {  	[simem:s6], [sflag:s4] =	dma.local [hbm:s3], $0xF7A  }
0x26: {  	[smem:$0x3F9B] =	sst s1;
	(tag) =	ssettag s2;
	_ =	strace s9  }
0x27: {  	s1 =	sld [smem:$0x3FAB]  }
0x28: {  	s2 =	sld [smem:$0x3FAC]  }
0x29: {  	s4 =	sld [smem:$0x3FAE]  }
0x2a: {  	p0 =	seq.s32 s5, $0x0;
	s5 =	sld [smem:$0x3FAF]  }
0x2b: {  	s6 =	sld [smem:$0x3FB0]  }
0x2c: {  	s7 =	sld [smem:$0x3FB1]  }
0x2d: {  	s3 =	simm.s32 $0x108;
	s8 =	sld [smem:$0x3FB2]  }
0x2e: {  	s3 =	simm.s32 @!p0 $0x1082;
	s9 =	sld [smem:$0x3FB3]  }
0x2f: {  	lr =	sadd.s32 s0, s3;
	s0 =	sld [smem:$0x3FAA]  }
0x30: {  	s3 =	sld [smem:$0x3FAD]  }
0x31: {  	[smem:$0x3FB6] =	sst s10  }
0x32: {  	s10 =	sld [smem:$0x3FB4];
	_ =	sdelay $0x3  }
0x33: {  	p0 =	seq.s32 s10, $0x1;
	s10 =	sld [smem:$0x3FB6];
	_ =	sdelay $0x3  }
0x34: {  	[smem:$0x3FB6] =	sst s10  }
0x35: {  	s10 =	sld [smem:$0x3FB5];
	_ =	sdelay $0x3  }
0x36: {  	p1 =	seq.s32 s10, $0x1;
	s10 =	sld [smem:$0x3FB6];
	_ =	sdelay $0x3  }
0x37: {  	[smem:$0x3FB6] =	sst s10  }
0x38: {  	s10 =	sld [smem:$0x3FB7]  }
0x39: {  	_ = 	snop;
	(pc) =	sbr.ind lr, $3  }
0x3a: {  	_ = 	snop  }
0x3b: {  	_ = 	snop  }
0x3c: {  	p2 =	seq.s32 s10, $0x1;
	s10 =	sld [smem:$0x3FB6]  }
0x3d: {  	_ =	shalt  }
0x3e: {  	_ =	shalt  }
0x3f: {  	_ =	shalt  }
0x40: {  	_ =	shalt  }
0x41: {  	_ =	shalt  }
0x42: {  	_ =	shalt  }
0x43: {  	_ =	shalt  }
0x44: {  	_ =	shalt  }
0x45: {  	_ =	shalt  }
0x46: {  	_ =	shalt  }
0x47: {  	_ =	shalt  }
0x48: {  	_ =	shalt  }
0x49: {  	_ =	shalt  }
0x4a: {  	_ =	shalt  }
0x4b: {  	_ =	shalt  }
0x4c: {  	_ =	shalt  }
0x4d: {  	_ =	shalt  }
0x4e: {  	_ =	shalt  }
0x4f: {  	_ =	shalt  }
0x50: {  	_ =	shalt  }
0x51: {  	_ =	shalt  }
0x52: {  	_ =	shalt  }
0x53: {  	_ =	shalt  }
0x54: {  	_ =	shalt  }
0x55: {  	_ =	shalt  }
0x56: {  	_ =	shalt  }
0x57: {  	_ =	shalt  }
0x58: {  	_ =	shalt  }
0x59: {  	_ =	shalt  }
0x5a: {  	_ =	shalt  }
0x5b: {  	_ =	shalt  }
0x5c: {  	_ =	shalt  }
0x5d: {  	_ =	shalt  }
0x5e: {  	_ =	shalt  }
0x5f: {  	_ =	shalt  }
0x60: {  	_ =	shalt  }
0x61: {  	_ =	shalt  }
0x62: {  	_ =	shalt  }
0x63: {  	_ =	shalt  }
0x64: {  	_ =	shalt  }
0x65: {  	_ =	shalt  }
0x66: {  	_ =	shalt  }
0x67: {  	_ =	shalt  }
0x68: {  	_ =	shalt  }
0x69: {  	_ =	shalt  }
0x6a: {  	_ =	shalt  }
0x6b: {  	_ =	shalt  }
0x6c: {  	_ =	shalt  }
0x6d: {  	_ =	shalt  }
0x6e: {  	_ =	shalt  }
0x6f: {  	_ =	shalt  }
0x70: {  	_ =	shalt  }
0x71: {  	_ =	shalt  }
0x72: {  	_ =	shalt  }
0x73: {  	_ =	shalt  }
0x74: {  	_ =	shalt  }
0x75: {  	_ =	shalt  }
0x76: {  	_ =	shalt  }
0x77: {  	_ =	shalt  }
0x78: {  	_ =	shalt  }
0x79: {  	_ =	shalt  }
0x7a: {  	_ =	shalt  }
0x7b: {  	_ =	shalt  }
0x7c: {  	_ =	shalt  }
0x7d: {  	_ =	shalt  }
0x7e: {  	_ =	shalt  }
0x7f: {  	_ =	shalt  }
0x80: {  	_ =	shalt  }
0x81: {  	_ =	shalt  }
0x82: {  	_ =	shalt  }
0x83: {  	_ =	shalt  }
0x84: {  	_ =	shalt  }
0x85: {  	_ =	shalt  }
0x86: {  	_ =	shalt  }
0x87: {  	_ =	shalt  }
.Lfunc_end0:
.L_simem_size_0:
called_computation.1_lowered:
.L_overlay_start_0:
0x88: {  	s2 =	sld [smem:$0x3FD9]  }
0x89: {  	s3 =	sld [smem:$0x3FFE];
	_ =	sdelay $0x1  }
0x8a: {  	s1 =	srdreg.scid  }
0x8b: {  	s0 =	sand.u32 $0x1, s1  }
0x8c: {  	s17 =	sshll.u32 s0, $0xA;
	s2 =	sadd.s32 s3, s2  }
0x8d: {  	s2 =	sadd.s32 s2, s17  }
0x8e: {  	[smem:$0x3FC2] =	sst s2  }
0x8f: {  	_ = 	snop  }
0x90: {  	s2 =	sld [smem:$0x3FD0];
	(tm) =	ssettm $0x1  }
0x91: {  	s18 =	sld [smem:$0x3FFB];
	_ =	sdelay $0x3  }
0x92: {  	_ =	strace s18  }
0x93: {  	s3 =	sld [smem:$0x3FFC];
	_ =	sdelay $0x3  }
0x94: {  	_ =	strace s3  }
0x95: {  	s3 =	sld [smem:$0x3FFD];
	_ =	sdelay $0x3  }
0x96: {  	_ =	strace s3  }
0x97: {  	_ =	strace $0x8FFFFFFF  }
0x98: {  	s19 =	sld [smem:$0x3FDB];
	_ =	sdelay $0x1  }
0x99: {  	s4 =	simm.s32 $_scs_section_size  }
0x9a: {  	s5 =	simm.s32 $_size__tile_overlayer_lowered;
	s6 =	simm.s32 $_tile_overlayer_lowered  }
0x9b: {  	s22 =	simm.s32 $0x1BFF;
	s21 =	sshll.u32 s6, $0x1;
	s3 =	sadd.s32 s4, s19  }
0x9c: {  	s7 =	simm.s32 $0x0;
	s20 =	sshll.u32 s5, $0x1;
	s5 =	sadd.s32 s21, s3  }
0x9d: {  	[timem:s7], [sflag:s22] =	dma.local [hbm:s5], s20  }
0x9e: {  	_ =	swait.ge [sflag:s22], s20  }
0x9f: {  	s4 =	ssub.s32 $0x0, s20;
	[sflag:s22] =	ssyncset.done $0x0  }
0xa0: {  	[sflag:s22] =	ssyncadd.s32 s4;
	_ =	sdelay $0x1  }
0xa1: {  	s23 =	simm.s32 $0x1B8B  }
0xa2: {  	_ =	swait.ge [sflag:s23], $0x1  }
0xa3: {  	[sflag:s23] =	ssyncset.done $0x0  }
0xa4: {  	s25 =	simm.s32 $0x1B8E;
	s24 =	sld [smem:$0x3FFE];
	[sflag:s23] =	ssyncadd.s32 $0xFFFFFFFF  }
0xa5: {  	s26 =	simm.s32 $execute0_lowered;
	[smem:$0x3FD2] =	sst s25  }
0xa6: {  	s5 =	sshll.u32 s26, $0x1;
	_ =	strace $0x80000049;
	[dreg:$0x1] =	wrdreg $0xFFFFFFFF  }
0xa7: {  	s28 =	simm.s32 $_size_execute0_lowered;
	s3 =	sadd.s32 s3, s5;
	[dreg:$0x0] =	wrdreg $0x0  }
0xa8: {  	s5 =	sshll.u32 s28, $0x1;
	[dreg:$0x2] =	wrdreg s3  }
0xa9: {  	[dreg:$0x3] =	wrdreg s5  }
0xaa: {  	[dreg:$0x4] =	wrdreg $0xC0  }
0xab: {  	_ =	task [dreg:s7], $0x5FFFF  }
0xac: {  	[dreg:$0x1] =	wrdreg $0xFFFFFFFF  }
0xad: {  	[dreg:$0x0] =	wrdreg $0x60  }
0xae: {  	[dreg:$0x2] =	wrdreg s24  }
0xaf: {  	[dreg:$0x3] =	wrdreg s2  }
0xb0: {  	[dreg:$0x4] =	wrdreg $0x0  }
0xb1: {  	[dreg:$0x5] =	wrdreg $0xA0000  }
0xb2: {  	[dreg:$0x6] =	wrdreg $0x9  }
0xb3: {  	_ =	task.clear_ibuf [dreg:s7], $0x7FFFF;
	_ =	strace $0x90000049  }
0xb4: {  	s29 =	simm.s32 $0x9;
	_ =	strace $0x8000004F  }
0xb5: {  	_ =	swait.ge [sflag:s29], $0x1  }
0xb6: {  	[sflag:s29] =	ssyncadd.s32 $0xFFFFFFFF  }
0xb7: {  	_ =	strace $0x9000004F  }
0xb8: {  	_ =	sfence  }
0xb9: {  	s30 =	sld [smem:$0x0];
	_ =	sdelay $0x2  }
0xba: {  	s31 =	sshll.u32 s1, $0xD;
	s1 =	sshrl.u32 s1, $0x2  }
0xbb: {  	s3 =	sand.u32 $0x4000, s31;
	s1 =	sadd.s32 s1, s30  }
0xbc: {  	s0 =	sor.u32 s3, s0;
	s1 =	sshll.u32 s1, $0x11  }
0xbd: {  	s0 =	sor.u32 s1, s0  }
0xbe: {  	s0 =	sadd.s32 $0x8F2B, s0  }
0xbf: {  	[sflag:s0] =	ssyncadd.remote.s32 $0x1  }
0xc0: {  	_ =	sfence.sel $0xFFFF  }
0xc1: {  	[dreg:$0x0] =	wrdreg $0xFFFFFFFF;
	(pc) =	sbr.abs _section_cstart, $3  }
0xc2: {  	[dreg:$0x1] =	wrdreg $0xFFFFFFFF  }
0xc3: {  	_ =	task.clear_ibuf [dreg:s7], $0x2FFFF;
	_ =	strace $0x9FFFFFFF  }
0xc4: {  	(tm) =	ssettm $0x7FFFFFFF  }
0xc5: {  	_ =	shalt  }
tec
execute0_lowered:
.L_overlay_start_1:
0x0: {  	(tag) =	ssettag $0x1  }
0x1: {  	s0 =	rddreg [dreg:$0x0]  }
0x2: {  	s1 =	rddreg [dreg:$0x1]  }
0x3: {  	s2 =	rddreg [dreg:$0x2]  }
0x4: {  	s3 =	rddreg [dreg:$0x3];
	s5 =	simm.s32 $0x0;
	s9 =	stileid.u32  }
0x5: {  	s4 =	srdreg.scid;
	s28 =	simm.s32 $0x14000;
	s29 =	simm.s32 $0x15400  }
0x6: {  	s30 =	simm.s32 $0x80;
	s31 =	simm.s32 $0x8;
	[smem:$0x7FF] =	sst s5  }
0x7: {  	s6 =	smul.u32 $0xA00, s9;
	s4 =	sand.u32 $0x1, s4;
	s5 =	sadd.s32 $0x16400, s0  }
0x8: {  	s8 =	sadd.s32 $0xC400, s0;
	s13 =	sadd.s32 $0x11400, s0;
	s7 =	smul.u32 $0x14000, s4  }
0x9: {  	_ =	strace $0x8000004A;
	[dreg:$0x6] =	wrdreg s13;
	s13 =	smul.u32 $0xA000, s9  }
0xa: {  	[dreg:$0x5] =	wrdreg s8;
	s12 =	ssub.s32 $0x2, s4;
	s9 =	smul.u32 $0x280, s9  }
0xb: {  	s8 =	sadd.s32 $0x3E400, s0;
	s4 =	smul.u32 $0x2800, s4;
	s14 =	sshrl.u32 s12, $0x1  }
0xc: {  	s10 =	sadd.s32 s6, s0;
	s11 =	sadd.s32 s7, s0;
	s0 =	ssub.s32 s12, s14  }
0xd: {  	s15 =	sadd.s32 $0x2000, s13;
	s14 =	sadd.s32 s13, s2;
	s16 =	sadd.s32 s13, s3  }
0xe: {  	s18 =	sadd.s32 $0x4000, s13;
	s19 =	sadd.s32 $0x6000, s13;
	[dreg:$0x7] =	wrdreg s14  }
0xf: {  	s22 =	sadd.s32 $0x8000, s13;
	s25 =	sadd.s32 s8, s7;
	[dreg:$0x8] =	wrdreg s16  }
0x10: {  	s13 =	simm.s32 $0x1C800;
	s17 =	sadd.s32 s15, s2;
	[dreg:$0x11] =	wrdreg s25  }
0x11: {  	v0 =	vmov s4;
	s4 =	simm.s32 $0x0;
	s12 =	sadd.s32 s15, s3;
	[dreg:$0x9] =	wrdreg s17  }
0x12: {  	s15 =	sadd.s32 s18, s2;
	s20 =	sadd.s32 s19, s2;
	[dreg:$0xa] =	wrdreg s12  }
0x13: {  	s21 =	sadd.s32 s19, s3;
	s23 =	sadd.s32 s22, s2;
	[dreg:$0xb] =	wrdreg s15  }
0x14: {  	s24 =	sadd.s32 s22, s3;
	s26 =	sadd.s32 $0x66400, s11;
	[dreg:$0xd] =	wrdreg s20  }
0x15: {  	s0 =	smax.u32 s0, $0x1;
	s25 =	simm.s32 $0x16800;
	[dreg:$0xe] =	wrdreg s21  }
0x16: {  	s11 =	simm.s32 $0x1;
	s14 =	simm.s32 $0x2;
	[dreg:$0xf] =	wrdreg s23  }
0x17: {  	s16 =	simm.s32 $0x5;
	s19 =	simm.s32 $0x3;
	[dreg:$0x10] =	wrdreg s24  }
0x18: {  	s22 =	simm.s32 $0x7;
	s12 =	sadd.s32 s18, s3;
	[dreg:$0x12] =	wrdreg s26  }
0x19: {  	s18 =	sadd.s32 s1, s6;
	s21 =	sadd.s32 $0x2400, s10;
	[dreg:$0x13] =	wrdreg s0  }
0x1a: {  	s26 =	simm.s32 $0x9;
	s0 =	simm.s32 $0x18800;
	s10 =	simm.s32 $0x1A800  }
0x1b: {  	v1 =	vimm.f32 $0.0e+00;
	s24 =	simm.s32 $0x6;
	s6 =	simm.s32 $0x4;
	[dreg:$0xc] =	wrdreg s12  }
.LBB2_1:
0x1c: {  	[dreg:$0x14] =	wrdreg s4;
	s7 =	simm.s32 $0x100;
	s4 =	simm.s32 $0x0  }
.LBB2_2:
0x1d: {  	p0 =	sne.s32 s7, $0x7F00;
	[tilespmem:s4+$0x16830] =	vst v1;
	s12 =	smov.u32 s7;
	s7 =	sadd.s32 $0x100, s7  }
.Ltmp0:
0x1e: {  	[tilespmem:s4+$0x16820] =	vst v1;
	(pc) =	sbr.rel @p0 .LBB2_2-.Ltmp0, $3  }
0x1f: {  	[tilespmem:s4+$0x16800] =	vst v1  }
0x20: {  	[tilespmem:s4+$0x16810] =	vst v1;
	_ =	sdelay $0x1  }
0x21: {  	s4 =	sshra.s32 s12, $0x2  }
0x22: {  	[tilespmem:s4+$0x16830] =	vst v1  }
0x23: {  	[tilespmem:s4+$0x16820] =	vst v1  }
0x24: {  	[tilespmem:s4+$0x16800] =	vst v1  }
0x25: {  	[tilespmem:s4+$0x16810] =	vst v1;
	s1 =	rddreg [dreg:$0x7]  }
0x26: {  	[spmem:s1] =	stream.linear.scatter [tilespmem:s25], [sflag:$0x9], $0x2000, $0x38;
	[tilespmem:$0x1F000] =	vst v63  }
0x27: {  	_ =	swait.ge [sflag:s26], $0x2000  }
0x28: {  	[sflag:s26] =	ssyncset.done $0x0  }
0x29: {  	s20 =	rddreg [dreg:$0x8];
	[sflag:s26] =	ssyncadd.s32 $0xFFFFE000  }
0x2a: {  	[spmem:s20] =	stream.linear.scatter [tilespmem:s25], [sflag:$0x9], $0x2000, $0x38;
	[tilespmem:$0x1F000] =	vst v63  }
0x2b: {  	_ =	swait.ge [sflag:s26], $0x2000  }
0x2c: {  	[sflag:s26] =	ssyncset.done $0x0  }
0x2d: {  	s23 =	rddreg [dreg:$0x9];
	[sflag:s26] =	ssyncadd.s32 $0xFFFFE000  }
0x2e: {  	[spmem:s23] =	stream.linear.scatter [tilespmem:s25], [sflag:$0x9], $0x2000, $0x38;
	[tilespmem:$0x1F000] =	vst v63  }
0x2f: {  	_ =	swait.ge [sflag:s26], $0x2000  }
0x30: {  	[sflag:s26] =	ssyncset.done $0x0  }
0x31: {  	s4 =	rddreg [dreg:$0xa];
	[sflag:s26] =	ssyncadd.s32 $0xFFFFE000  }
0x32: {  	[spmem:s4] =	stream.linear.scatter [tilespmem:s25], [sflag:$0x9], $0x2000, $0x38;
	[tilespmem:$0x1F000] =	vst v63  }
0x33: {  	_ =	swait.ge [sflag:s26], $0x2000  }
0x34: {  	[sflag:s26] =	ssyncset.done $0x0  }
0x35: {  	s7 =	rddreg [dreg:$0xb];
	[sflag:s26] =	ssyncadd.s32 $0xFFFFE000  }
0x36: {  	[spmem:s7] =	stream.linear.scatter [tilespmem:s25], [sflag:$0x9], $0x2000, $0x38;
	[tilespmem:$0x1F000] =	vst v63  }
0x37: {  	_ =	swait.ge [sflag:s26], $0x2000  }
0x38: {  	[sflag:s26] =	ssyncset.done $0x0  }
0x39: {  	s12 =	rddreg [dreg:$0xc];
	[sflag:s26] =	ssyncadd.s32 $0xFFFFE000  }
0x3a: {  	[spmem:s12] =	stream.linear.scatter [tilespmem:s25], [sflag:$0x9], $0x2000, $0x38;
	[tilespmem:$0x1F000] =	vst v63  }
0x3b: {  	_ =	swait.ge [sflag:s26], $0x2000  }
0x3c: {  	[sflag:s26] =	ssyncset.done $0x0  }
0x3d: {  	s15 =	rddreg [dreg:$0xd];
	[sflag:s26] =	ssyncadd.s32 $0xFFFFE000  }
0x3e: {  	[spmem:s15] =	stream.linear.scatter [tilespmem:s25], [sflag:$0x9], $0x2000, $0x38;
	[tilespmem:$0x1F000] =	vst v63  }
0x3f: {  	_ =	swait.ge [sflag:s26], $0x2000  }
0x40: {  	[sflag:s26] =	ssyncset.done $0x0  }
0x41: {  	s17 =	rddreg [dreg:$0xe];
	[sflag:s26] =	ssyncadd.s32 $0xFFFFE000  }
0x42: {  	[spmem:s17] =	stream.linear.scatter [tilespmem:s25], [sflag:$0x9], $0x2000, $0x38;
	[tilespmem:$0x1F000] =	vst v63  }
0x43: {  	_ =	swait.ge [sflag:s26], $0x2000  }
0x44: {  	[sflag:s26] =	ssyncset.done $0x0  }
0x45: {  	s20 =	rddreg [dreg:$0xf];
	[sflag:s26] =	ssyncadd.s32 $0xFFFFE000  }
0x46: {  	[spmem:s20] =	stream.linear.scatter [tilespmem:s25], [sflag:$0x9], $0x2000, $0x38;
	[tilespmem:$0x1F000] =	vst v63  }
0x47: {  	_ =	swait.ge [sflag:s26], $0x2000  }
0x48: {  	[sflag:s26] =	ssyncset.done $0x0  }
0x49: {  	s23 =	rddreg [dreg:$0x10];
	[sflag:s26] =	ssyncadd.s32 $0xFFFFE000  }
0x4a: {  	[spmem:s23] =	stream.linear.scatter [tilespmem:s25], [sflag:$0x9], $0x2000, $0x38;
	[tilespmem:$0x1F000] =	vst v63  }
.Ltmp1:
0x4b: {  	_ =	swait.ge [sflag:s26], $0x2000;
	(pc) =	sbr.rel .LBB2_4-.Ltmp1, $4  }
0x4c: {  	[sflag:s26] =	ssyncset.done $0x0  }
0x4d: {  	[sflag:s26] =	ssyncadd.s32 $0xFFFFE000  }
0x4e: {  	[bflag:$0x0] =	sbarrier.arrive $0xFFFF  }
0x4f: {  	s12 =	simm.s32 $0x0;
	s15 =	simm.s32 $0x0;
	_ =	strace $0x8000004B  }
.LBB2_9:
0x50: {  	s15 =	sadd.s32 $0x1, s15  }
0x51: {  	p0 =	sne.s32 s15, $0x4  }
.Ltmp2:
0x52: {  	_ = 	snop;
	(pc) =	sbr.rel @!p0 .LBB2_10-.Ltmp2, $4  }
0x53: {  	_ = 	snop  }
0x54: {  	_ =	swait.ge [sflag:s31], $0x2000  }
0x55: {  	[sflag:s31] =	ssyncset.done $0x0  }
0x56: {  	[sflag:s31] =	ssyncadd.s32 $0xFFFFE000  }
.LBB2_4:
0x57: {  	s17 =	smul.u32 $0x280, s15;
	_ =	sdelay $0x1  }
0x58: {  	s4 =	sadd.s32 s17, s21  }
0x59: {  	[tilespmem:s28], [sflag:$0x9] =	stream.linear.gather [hbm4b:s4+s12], $0x1400, $0x200038;
	[tilespmem:$0x1F000] =	vst v63  }
0x5a: {  	_ =	swait.ge [sflag:s26], $0x1400  }
0x5b: {  	[sflag:s26] =	ssyncset.done $0x0  }
0x5c: {  	s20 =	simm.s32 $0x0;
	[sflag:s26] =	ssyncadd.s32 $0xFFFFEC00  }
0x5d: {  	v4 =	vld [tilespmem:s20+$0x14000]  }
0x5e: {  	v6 =	vld [tilespmem:s20+$0x14010]  }
0x5f: {  	v5 =	vld [tilespmem:s20+$0x14020]  }
0x60: {  	v3 =	vld [tilespmem:s20+$0x14030]  }
0x61: {  	v2 =	vld [tilespmem:s20+$0x14040]  }
0x62: {  	v7 =	vadd.s32 v0, v4;
	v4 =	vld [tilespmem:s20+$0x14050]  }
0x63: {  	s4 =	simm.s32 $0x200;
	[tilespmem:s20+$0x14000] =	vst v7;
	v7 =	vadd.s32 v0, v6;
	v6 =	vld [tilespmem:s20+$0x14060]  }
.LBB2_5:
0x64: {  	s7 =	sshra.s32 s4, $0x2;
	p0 =	sne.s32 s4, $0x4E00;
	[tilespmem:s20+$0x14010] =	vst v7;
	v5 =	vadd.s32 v0, v5;
	v7 =	vld [tilespmem:s20+$0x14070]  }
0x65: {  	v8 =	vld [tilespmem:s7+$0x14000];
	[tilespmem:s20+$0x14020] =	vst v5;
	v3 =	vadd.s32 v0, v3  }
0x66: {  	v9 =	vld [tilespmem:s7+$0x14010];
	[tilespmem:s20+$0x14030] =	vst v3;
	v2 =	vadd.s32 v0, v2  }
.Ltmp3:
0x67: {  	v5 =	vld [tilespmem:s7+$0x14020];
	[tilespmem:s20+$0x14040] =	vst v2;
	v2 =	vadd.s32 v0, v4;
	(pc) =	sbr.rel @p0 .LBB2_5-.Ltmp3, $4  }
0x68: {  	v3 =	vld [tilespmem:s7+$0x14030];
	[tilespmem:s20+$0x14050] =	vst v2;
	v4 =	vadd.s32 v0, v6  }
0x69: {  	v2 =	vld [tilespmem:s7+$0x14040];
	[tilespmem:s20+$0x14060] =	vst v4;
	v6 =	vadd.s32 v0, v7  }
0x6a: {  	v7 =	vadd.s32 v0, v8;
	v4 =	vld [tilespmem:s7+$0x14050];
	[tilespmem:s20+$0x14070] =	vst v6;
	s20 =	smov.u32 s7  }
0x6b: {  	s4 =	sadd.s32 $0x200, s4;
	[tilespmem:s20+$0x14000] =	vst v7;
	v7 =	vadd.s32 v0, v9;
	v6 =	vld [tilespmem:s20+$0x14060]  }
0x6c: {  	[tilespmem:s20+$0x14010] =	vst v7;
	v5 =	vadd.s32 v0, v5;
	v63 =	vld [tilespmem:s20+$0x14070]  }
0x6d: {  	[tilespmem:s20+$0x14020] =	vst v5;
	v3 =	vadd.s32 v0, v3  }
0x6e: {  	[tilespmem:s20+$0x14030] =	vst v3;
	v2 =	vadd.s32 v0, v2  }
0x6f: {  	[tilespmem:s20+$0x14040] =	vst v2;
	v2 =	vadd.s32 v0, v4  }
0x70: {  	[tilespmem:s20+$0x14050] =	vst v2;
	v2 =	vadd.s32 v0, v6  }
0x71: {  	[tilespmem:s20+$0x14060] =	vst v2;
	v2 =	vadd.s32 v0, v63  }
0x72: {  	s4 =	sadd.s32 s17, s18;
	s17 =	simm.s32 $0x0;
	[tilespmem:s20+$0x14070] =	vst v2  }
0x73: {  	[tilespmem:s29], [sflag:$0x9] =	stream.linear.gather [hbm4b:s4+s17], $0x1400, $0x200038;
	[tilespmem:$0x1F000] =	vst v63  }
0x74: {  	_ =	swait.ge [sflag:s26], $0x1400  }
0x75: {  	[sflag:s26] =	ssyncset.done $0x0  }
0x76: {  	[sflag:s26] =	ssyncadd.s32 $0xFFFFEC00  }
0x77: {  	[tilespmem:s25], [sflag:$0x1] =	stream.indirect.gather [hbm4b:s5+s30], $0x40, s28, s30, $0x2000b8;
	[tilespmem:$0x1F000] =	vst v63  }
0x78: {  	s1 =	simm.s32 $0x14080  }
0x79: {  	[tilespmem:s0], [sflag:$0x2] =	stream.indirect.gather [hbm4b:s5+s30], $0x40, s1, s30, $0x2000b8;
	[tilespmem:$0x1F000] =	vst v63  }
0x7a: {  	s4 =	simm.s32 $0x14100  }
0x7b: {  	[tilespmem:s10], [sflag:$0x3] =	stream.indirect.gather [hbm4b:s5+s30], $0x40, s4, s30, $0x2000b8;
	[tilespmem:$0x1F000] =	vst v63  }
0x7c: {  	_ =	swait.ge [sflag:s11], $0x2000  }
0x7d: {  	[sflag:s11] =	ssyncset.done $0x0  }
0x7e: {  	[sflag:s11] =	ssyncadd.s32 $0xFFFFE000  }
0x7f: {  	[spmem:s2] =	stream.indirect.scatter.add.f32 [tilespmem:s25], [sflag:$0x5], $0x40, s29, s30, $0x2000b8;
	[tilespmem:$0x1F000] =	vst v63  }
0x80: {  	s7 =	simm.s32 $0x14180  }
0x81: {  	[tilespmem:s13], [sflag:$0x4] =	stream.indirect.gather [hbm4b:s5+s30], $0x40, s7, s30, $0x2000b8;
	[tilespmem:$0x1F000] =	vst v63  }
0x82: {  	_ =	swait.ge [sflag:s14], $0x2000  }
0x83: {  	[sflag:s14] =	ssyncset.done $0x0  }
0x84: {  	s20 =	simm.s32 $0x15480;
	[sflag:s14] =	ssyncadd.s32 $0xFFFFE000  }
0x85: {  	[spmem:s2] =	stream.indirect.scatter.add.f32 [tilespmem:s0], [sflag:$0x6], $0x40, s20, s30, $0x2000b8;
	[tilespmem:$0x1F000] =	vst v63  }
0x86: {  	_ =	swait.ge [sflag:s16], $0x2000  }
0x87: {  	[sflag:s16] =	ssyncset.done $0x0  }
0x88: {  	s23 =	simm.s32 $0x14200;
	[sflag:s16] =	ssyncadd.s32 $0xFFFFE000  }
0x89: {  	[tilespmem:s25], [sflag:$0x1] =	stream.indirect.gather [hbm4b:s5+s30], $0x40, s23, s30, $0x2000b8;
	[tilespmem:$0x1F000] =	vst v63  }
0x8a: {  	_ =	swait.ge [sflag:s19], $0x2000  }
0x8b: {  	[sflag:s19] =	ssyncset.done $0x0  }
0x8c: {  	s4 =	simm.s32 $0x15500;
	[sflag:s19] =	ssyncadd.s32 $0xFFFFE000  }
0x8d: {  	[spmem:s2] =	stream.indirect.scatter.add.f32 [tilespmem:s10], [sflag:$0x7], $0x40, s4, s30, $0x2000b8;
	[tilespmem:$0x1F000] =	vst v63  }
0x8e: {  	_ =	swait.ge [sflag:s24], $0x2000  }
0x8f: {  	[sflag:s24] =	ssyncset.done $0x0  }
0x90: {  	s7 =	simm.s32 $0x14280;
	[sflag:s24] =	ssyncadd.s32 $0xFFFFE000  }
0x91: {  	[tilespmem:s0], [sflag:$0x2] =	stream.indirect.gather [hbm4b:s5+s30], $0x40, s7, s30, $0x2000b8;
	[tilespmem:$0x1F000] =	vst v63  }
0x92: {  	_ =	swait.ge [sflag:s6], $0x2000  }
0x93: {  	[sflag:s6] =	ssyncset.done $0x0  }
0x94: {  	s20 =	simm.s32 $0x15580;
	[sflag:s6] =	ssyncadd.s32 $0xFFFFE000  }
0x95: {  	[spmem:s2] =	stream.indirect.scatter.add.f32 [tilespmem:s13], [sflag:$0x8], $0x40, s20, s30, $0x2000b8;
	[tilespmem:$0x1F000] =	vst v63  }
0x96: {  	_ =	swait.ge [sflag:s22], $0x2000  }
0x97: {  	[sflag:s22] =	ssyncset.done $0x0  }
0x98: {  	s23 =	simm.s32 $0x14300;
	[sflag:s22] =	ssyncadd.s32 $0xFFFFE000  }
0x99: {  	[tilespmem:s10], [sflag:$0x3] =	stream.indirect.gather [hbm4b:s5+s30], $0x40, s23, s30, $0x2000b8;
	[tilespmem:$0x1F000] =	vst v63  }
.LBB2_7:
0x9a: {  	_ =	swait.ge [sflag:s11], $0x2000  }
0x9b: {  	s20 =	sshra.s32 s17, $0x2;
	[sflag:s11] =	ssyncset.done $0x0  }
0x9c: {  	s4 =	sadd.s32 $0x15600, s20;
	[sflag:s11] =	ssyncadd.s32 $0xFFFFE000  }
0x9d: {  	[spmem:s2] =	stream.indirect.scatter.add.f32 [tilespmem:s25], [sflag:$0x5], $0x40, s4, s30, $0x2000b8;
	[tilespmem:$0x1F000] =	vst v63  }
0x9e: {  	_ =	swait.ge [sflag:s31], $0x2000  }
0x9f: {  	[sflag:s31] =	ssyncset.done $0x0  }
0xa0: {  	s1 =	sadd.s32 $0x14380, s20;
	[sflag:s31] =	ssyncadd.s32 $0xFFFFE000  }
0xa1: {  	[tilespmem:s13], [sflag:$0x4] =	stream.indirect.gather [hbm4b:s5+s30], $0x40, s1, s30, $0x2000b8;
	[tilespmem:$0x1F000] =	vst v63  }
0xa2: {  	_ =	swait.ge [sflag:s14], $0x2000  }
0xa3: {  	[sflag:s14] =	ssyncset.done $0x0  }
0xa4: {  	s7 =	sadd.s32 $0x15680, s20;
	[sflag:s14] =	ssyncadd.s32 $0xFFFFE000  }
0xa5: {  	[spmem:s2] =	stream.indirect.scatter.add.f32 [tilespmem:s0], [sflag:$0x6], $0x40, s7, s30, $0x2000b8;
	[tilespmem:$0x1F000] =	vst v63  }
0xa6: {  	_ =	swait.ge [sflag:s16], $0x2000  }
0xa7: {  	p0 =	seq.s32 s17, $0x4000;
	[sflag:s16] =	ssyncset.done $0x0  }
0xa8: {  	s4 =	simm.s32 @p0 $0x3;
	[sflag:s16] =	ssyncadd.s32 $0xFFFFE000  }
0xa9: {  	_ =	swait.ge @p0 [sflag:s4], $0x2000  }
0xaa: {  	[sflag:s4] =	ssyncset.done @p0 $0x0  }
0xab: {  	[sflag:s4] =	ssyncadd.s32 @p0 $0xFFFFE000;
	s4 =	sshra.s32 @p0 s17, $0x2  }
0xac: {  	s23 =	simm.s32 @p0 $0x1A800;
	s7 =	simm.s32 @p0 $0x80;
	s4 =	sadd.s32 @p0 $0x15700, s4  }
0xad: {  	[spmem:s2] =	stream.indirect.scatter.add.f32 @p0 [tilespmem:s23], [sflag:$0x7], $0x40, s4, s7, $0x2000b8;
	[tilespmem:$0x1F000] =	vst v63  }
0xae: {  	s4 =	simm.s32 @p0 $0x6  }
0xaf: {  	_ =	swait.ge @p0 [sflag:s4], $0x2000  }
0xb0: {  	[sflag:s4] =	ssyncset.done @p0 $0x0  }
0xb1: {  	[sflag:s4] =	ssyncadd.s32 @p0 $0xFFFFE000;
	s4 =	sshra.s32 @!p0 s17, $0x2  }
0xb2: {  	s1 =	simm.s32 @!p0 $0x16800;
	s23 =	simm.s32 @!p0 $0x80;
	s7 =	sadd.s32 @!p0 $0x14400, s4  }
0xb3: {  	[tilespmem:s1], [sflag:$0x1] =	stream.indirect.gather @!p0 [hbm4b:s5+s23], $0x40, s7, s23, $0x2000b8;
	[tilespmem:$0x1F000] =	vst v63  }
0xb4: {  	s1 =	simm.s32 @!p0 $0x3  }
0xb5: {  	_ =	swait.ge @!p0 [sflag:s1], $0x2000  }
0xb6: {  	[sflag:s1] =	ssyncset.done @!p0 $0x0  }
0xb7: {  	s7 =	simm.s32 @!p0 $0x1A800;
	[sflag:s1] =	ssyncadd.s32 @!p0 $0xFFFFE000;
	s1 =	sadd.s32 @!p0 $0x15700, s4  }
0xb8: {  	[spmem:s2] =	stream.indirect.scatter.add.f32 @!p0 [tilespmem:s7], [sflag:$0x7], $0x40, s1, s23, $0x2000b8;
	[tilespmem:$0x1F000] =	vst v63  }
0xb9: {  	s1 =	simm.s32 @!p0 $0x6  }
0xba: {  	_ =	swait.ge @!p0 [sflag:s1], $0x2000  }
0xbb: {  	[sflag:s1] =	ssyncset.done @!p0 $0x0  }
0xbc: {  	[sflag:s1] =	ssyncadd.s32 @!p0 $0xFFFFE000;
	s1 =	sadd.s32 @!p0 $0x14480, s4;
	s4 =	simm.s32 @!p0 $0x18800  }
0xbd: {  	[tilespmem:s4], [sflag:$0x2] =	stream.indirect.gather @!p0 [hbm4b:s5+s23], $0x40, s1, s23, $0x2000b8;
	[tilespmem:$0x1F000] =	vst v63  }
0xbe: {  	_ =	swait.ge [sflag:s6], $0x2000  }
0xbf: {  	[sflag:s6] =	ssyncset.done $0x0  }
.Ltmp4:
0xc0: {  	s23 =	sadd.s32 $0x15780, s20;
	[sflag:s6] =	ssyncadd.s32 $0xFFFFE000;
	(pc) =	sbr.rel @p0 .LBB2_9-.Ltmp4, $4  }
0xc1: {  	[spmem:s2] =	stream.indirect.scatter.add.f32 [tilespmem:s13], [sflag:$0x8], $0x40, s23, s30, $0x2000b8;
	[tilespmem:$0x1F000] =	vst v63  }
0xc2: {  	_ =	swait.ge [sflag:s22], $0x2000  }
0xc3: {  	[sflag:s22] =	ssyncset.done $0x0  }
0xc4: {  	[sflag:s22] =	ssyncadd.s32 $0xFFFFE000  }
.Ltmp5:
0xc5: {  	(pc) =	sbr.rel .LBB2_7-.Ltmp5, $3  }
0xc6: {  	_ =	sdelay $0x1  }
0xc7: {  	s1 =	sadd.s32 $0x14500, s20;
	s17 =	sadd.s32 $0x800, s17  }
0xc8: {  	[tilespmem:s10], [sflag:$0x3] =	stream.indirect.gather [hbm4b:s5+s30], $0x40, s1, s30, $0x2000b8;
	[tilespmem:$0x1F000] =	vst v63  }
.LBB2_10:
0xc9: {  	_ =	strace $0x9000004B  }
0xca: {  	[bflag:$0x0] =	sbarrier.arrive $0xFFFF  }
0xcb: {  	s12 =	simm.s32 $0x0;
	s15 =	simm.s32 $0x0;
	_ =	strace $0x8000004C  }
.LBB2_11:
0xcc: {  	s1 =	sshll.u32 s15, $0x7  }
0xcd: {  	s17 =	sadd.s32 s9, s1  }
0xce: {  	s4 =	rddreg [dreg:$0x5];
	s1 =	sshll.u32 s17, $0x1  }
0xcf: {  	s7 =	simm.s32 $0x1E800;
	s1 =	sadd.s32 s4, s1  }
0xd0: {  	[tilespmem:s7], [sflag:$0x9] =	stream.linear.gather [hbm4b:s1+s12], $0x800, $0x200038;
	[tilespmem:$0x1F000] =	vst v63  }
0xd1: {  	s20 =	sshll.u32 s17, $0x6;
	_ =	swait.ge [sflag:s26], $0x800  }
0xd2: {  	s1 =	sand.u32 $0x3FFFFFC0, s20;
	[sflag:s26] =	ssyncset.done $0x0  }
0xd3: {  	s1 =	sadd.s32 s1, s2;
	[sflag:s26] =	ssyncadd.s32 $0xFFFFF800  }
0xd4: {  	[tilespmem:s25], [sflag:$0x9] =	stream.linear.gather [spmem:s1], $0x2000, $0x200038;
	[tilespmem:$0x1F000] =	vst v63  }
0xd5: {  	_ =	swait.ge [sflag:s26], $0x2000  }
0xd6: {  	[sflag:s26] =	ssyncset.done $0x0  }
0xd7: {  	s20 =	simm.s32 $0x16820;
	[sflag:s26] =	ssyncadd.s32 $0xFFFFE000  }
0xd8: {  	v2 =	vld [tilespmem:s20+$0xFFFFFFF0]  }
0xd9: {  	v4 =	vld [tilespmem:s20+$0x10]  }
0xda: {  	s23 =	simm.s32 $0x0;
	v3 =	vld [tilespmem:s20+$0xFFFFFFE0]  }
0xdb: {  	v6 =	vld [tilespmem:s23+$0x1E800]  }
0xdc: {  	v7 =	vld [tilespmem:s20+$0x0];
	_ =	sdelay $0x3  }
0xdd: {  	v3 =	vmul.f32 v3, v6;
	v5 =	vmul.f32 v4, v6  }
0xde: {  	s4 =	simm.s32 $0x40;
	s7 =	simm.s32 $0x16820;
	v4 =	vmul.f32 v2, v6;
	v2 =	vmul.f32 v7, v6  }
.LBB2_12:
0xdf: {  	p0 =	sne.s32 s4, $0x1FC0  }
0xe0: {  	[tilespmem:s20+$0x10] =	vst v5;
	s7 =	sadd.s32 $0x40, s7;
	s1 =	smov.u32 s4;
	s4 =	sadd.s32 $0x40, s4  }
0xe1: {  	v6 =	vld [tilespmem:s7+$0xFFFFFFF0];
	[tilespmem:s20+$0xFFFFFFE0] =	vst v3  }
0xe2: {  	v5 =	vld [tilespmem:s7+$0x10];
	[tilespmem:s20+$0xFFFFFFF0] =	vst v4  }
0xe3: {  	s1 =	sshra.s32 s1, $0x2;
	v3 =	vld [tilespmem:s7+$0xFFFFFFE0];
	[tilespmem:s20+$0x0] =	vst v2;
	s20 =	smov.u32 s7  }
0xe4: {  	v2 =	vld [tilespmem:s1+$0x1E800]  }
0xe5: {  	v7 =	vld [tilespmem:s7+$0x0]  }
.Ltmp6:
0xe6: {  	(pc) =	sbr.rel @p0 .LBB2_12-.Ltmp6, $3  }
0xe7: {  	_ =	sdelay $0x1  }
0xe8: {  	v3 =	vmul.f32 v3, v2;
	v5 =	vmul.f32 v5, v2  }
0xe9: {  	v4 =	vmul.f32 v6, v2;
	v2 =	vmul.f32 v7, v2  }
0xea: {  	[tilespmem:s20+$0x10] =	vst v5  }
0xeb: {  	[tilespmem:s20+$0xFFFFFFE0] =	vst v3;
	s15 =	sadd.s32 $0x1, s15  }
0xec: {  	s1 =	sshll.u32 s17, $0x3;
	s4 =	rddreg [dreg:$0x11];
	[tilespmem:s20+$0xFFFFFFF0] =	vst v4;
	p0 =	sne.s32 s15, $0x5  }
.Ltmp7:
0xed: {  	s23 =	simm.s32 $0x0;
	[tilespmem:s20+$0x0] =	vst v2;
	s1 =	sadd.s32 s1, s4;
	(pc) =	sbr.rel @p0 .LBB2_11-.Ltmp7, $4  }
0xee: {  	[hbm4b:s1+s23] =	stream.linear.scatter [tilespmem:s25], [sflag:$0x9], $0x2000, $0x200038;
	[tilespmem:$0x1F000] =	vst v63  }
0xef: {  	_ =	swait.ge [sflag:s26], $0x2000  }
0xf0: {  	[sflag:s26] =	ssyncset.done $0x0  }
0xf1: {  	[sflag:s26] =	ssyncadd.s32 $0xFFFFE000  }
.Ltmp8:
0xf2: {  	(pc) =	sbr.rel .LBB2_15-.Ltmp8, $4  }
0xf3: {  	_ = 	snop  }
0xf4: {  	_ =	strace $0x9000004C  }
0xf5: {  	[bflag:$0x0] =	sbarrier.arrive $0xFFFF  }
0xf6: {  	s12 =	simm.s32 $0x0;
	s15 =	simm.s32 $0x0;
	_ =	strace $0x8000004D  }
.LBB2_20:
0xf7: {  	s15 =	sadd.s32 $0x1, s15  }
0xf8: {  	p0 =	sne.s32 s15, $0x4  }
.Ltmp9:
0xf9: {  	_ = 	snop;
	(pc) =	sbr.rel @!p0 .LBB2_21-.Ltmp9, $4  }
0xfa: {  	_ = 	snop  }
0xfb: {  	_ =	swait.ge [sflag:s31], $0x2000  }
0xfc: {  	[sflag:s31] =	ssyncset.done $0x0  }
0xfd: {  	[sflag:s31] =	ssyncadd.s32 $0xFFFFE000  }
.LBB2_15:
0xfe: {  	s17 =	smul.u32 $0x280, s15;
	_ =	sdelay $0x1  }
0xff: {  	s1 =	sadd.s32 s17, s18  }
0x100: {  	[tilespmem:s28], [sflag:$0x9] =	stream.linear.gather [hbm4b:s1+s12], $0x1400, $0x200038;
	[tilespmem:$0x1F000] =	vst v63  }
0x101: {  	_ =	swait.ge [sflag:s26], $0x1400  }
0x102: {  	[sflag:s26] =	ssyncset.done $0x0  }
0x103: {  	s20 =	simm.s32 $0x0;
	[sflag:s26] =	ssyncadd.s32 $0xFFFFEC00  }
0x104: {  	v4 =	vld [tilespmem:s20+$0x14000]  }
0x105: {  	v6 =	vld [tilespmem:s20+$0x14010]  }
0x106: {  	v5 =	vld [tilespmem:s20+$0x14020]  }
0x107: {  	v3 =	vld [tilespmem:s20+$0x14030]  }
0x108: {  	v2 =	vld [tilespmem:s20+$0x14040]  }
0x109: {  	v7 =	vadd.s32 v0, v4;
	v4 =	vld [tilespmem:s20+$0x14050]  }
0x10a: {  	s4 =	simm.s32 $0x200;
	[tilespmem:s20+$0x14000] =	vst v7;
	v7 =	vadd.s32 v0, v6;
	v6 =	vld [tilespmem:s20+$0x14060]  }
.LBB2_16:
0x10b: {  	s1 =	sshra.s32 s4, $0x2;
	p0 =	sne.s32 s4, $0x4E00;
	[tilespmem:s20+$0x14010] =	vst v7;
	v5 =	vadd.s32 v0, v5;
	v7 =	vld [tilespmem:s20+$0x14070]  }
0x10c: {  	v8 =	vld [tilespmem:s1+$0x14000];
	[tilespmem:s20+$0x14020] =	vst v5;
	v3 =	vadd.s32 v0, v3  }
0x10d: {  	v9 =	vld [tilespmem:s1+$0x14010];
	[tilespmem:s20+$0x14030] =	vst v3;
	v2 =	vadd.s32 v0, v2  }
.Ltmp10:
0x10e: {  	v5 =	vld [tilespmem:s1+$0x14020];
	[tilespmem:s20+$0x14040] =	vst v2;
	v2 =	vadd.s32 v0, v4;
	(pc) =	sbr.rel @p0 .LBB2_16-.Ltmp10, $4  }
0x10f: {  	v3 =	vld [tilespmem:s1+$0x14030];
	[tilespmem:s20+$0x14050] =	vst v2;
	v4 =	vadd.s32 v0, v6  }
0x110: {  	v2 =	vld [tilespmem:s1+$0x14040];
	[tilespmem:s20+$0x14060] =	vst v4;
	v6 =	vadd.s32 v0, v7  }
0x111: {  	v7 =	vadd.s32 v0, v8;
	v4 =	vld [tilespmem:s1+$0x14050];
	[tilespmem:s20+$0x14070] =	vst v6;
	s20 =	smov.u32 s1  }
0x112: {  	s4 =	sadd.s32 $0x200, s4;
	[tilespmem:s20+$0x14000] =	vst v7;
	v7 =	vadd.s32 v0, v9;
	v6 =	vld [tilespmem:s20+$0x14060]  }
0x113: {  	[tilespmem:s20+$0x14010] =	vst v7;
	v5 =	vadd.s32 v0, v5;
	v63 =	vld [tilespmem:s20+$0x14070]  }
0x114: {  	[tilespmem:s20+$0x14020] =	vst v5;
	v3 =	vadd.s32 v0, v3  }
0x115: {  	[tilespmem:s20+$0x14030] =	vst v3;
	v2 =	vadd.s32 v0, v2  }
0x116: {  	[tilespmem:s20+$0x14040] =	vst v2;
	v2 =	vadd.s32 v0, v4  }
0x117: {  	[tilespmem:s20+$0x14050] =	vst v2;
	v2 =	vadd.s32 v0, v6  }
0x118: {  	[tilespmem:s20+$0x14060] =	vst v2;
	v2 =	vadd.s32 v0, v63  }
0x119: {  	s1 =	sadd.s32 s17, s21;
	s17 =	simm.s32 $0x0;
	[tilespmem:s20+$0x14070] =	vst v2  }
0x11a: {  	[tilespmem:s29], [sflag:$0x9] =	stream.linear.gather [hbm4b:s1+s17], $0x1400, $0x200038;
	[tilespmem:$0x1F000] =	vst v63  }
0x11b: {  	_ =	swait.ge [sflag:s26], $0x1400  }
0x11c: {  	[sflag:s26] =	ssyncset.done $0x0  }
0x11d: {  	[sflag:s26] =	ssyncadd.s32 $0xFFFFEC00  }
0x11e: {  	[tilespmem:s25], [sflag:$0x1] =	stream.indirect.gather [hbm4b:s8+s30], $0x40, s28, s30, $0x2000b8;
	[tilespmem:$0x1F000] =	vst v63  }
0x11f: {  	s23 =	simm.s32 $0x14080  }
0x120: {  	[tilespmem:s0], [sflag:$0x2] =	stream.indirect.gather [hbm4b:s8+s30], $0x40, s23, s30, $0x2000b8;
	[tilespmem:$0x1F000] =	vst v63  }
0x121: {  	s4 =	simm.s32 $0x14100  }
0x122: {  	[tilespmem:s10], [sflag:$0x3] =	stream.indirect.gather [hbm4b:s8+s30], $0x40, s4, s30, $0x2000b8;
	[tilespmem:$0x1F000] =	vst v63  }
0x123: {  	_ =	swait.ge [sflag:s11], $0x2000  }
0x124: {  	[sflag:s11] =	ssyncset.done $0x0  }
0x125: {  	[sflag:s11] =	ssyncadd.s32 $0xFFFFE000  }
0x126: {  	[spmem:s3] =	stream.indirect.scatter.add.f32 [tilespmem:s25], [sflag:$0x5], $0x40, s29, s30, $0x2000b8;
	[tilespmem:$0x1F000] =	vst v63  }
0x127: {  	s7 =	simm.s32 $0x14180  }
0x128: {  	[tilespmem:s13], [sflag:$0x4] =	stream.indirect.gather [hbm4b:s8+s30], $0x40, s7, s30, $0x2000b8;
	[tilespmem:$0x1F000] =	vst v63  }
0x129: {  	_ =	swait.ge [sflag:s14], $0x2000  }
0x12a: {  	[sflag:s14] =	ssyncset.done $0x0  }
0x12b: {  	s20 =	simm.s32 $0x15480;
	[sflag:s14] =	ssyncadd.s32 $0xFFFFE000  }
0x12c: {  	[spmem:s3] =	stream.indirect.scatter.add.f32 [tilespmem:s0], [sflag:$0x6], $0x40, s20, s30, $0x2000b8;
	[tilespmem:$0x1F000] =	vst v63  }
0x12d: {  	_ =	swait.ge [sflag:s16], $0x2000  }
0x12e: {  	[sflag:s16] =	ssyncset.done $0x0  }
0x12f: {  	s23 =	simm.s32 $0x14200;
	[sflag:s16] =	ssyncadd.s32 $0xFFFFE000  }
0x130: {  	[tilespmem:s25], [sflag:$0x1] =	stream.indirect.gather [hbm4b:s8+s30], $0x40, s23, s30, $0x2000b8;
	[tilespmem:$0x1F000] =	vst v63  }
0x131: {  	_ =	swait.ge [sflag:s19], $0x2000  }
0x132: {  	[sflag:s19] =	ssyncset.done $0x0  }
0x133: {  	s4 =	simm.s32 $0x15500;
	[sflag:s19] =	ssyncadd.s32 $0xFFFFE000  }
0x134: {  	[spmem:s3] =	stream.indirect.scatter.add.f32 [tilespmem:s10], [sflag:$0x7], $0x40, s4, s30, $0x2000b8;
	[tilespmem:$0x1F000] =	vst v63  }
0x135: {  	_ =	swait.ge [sflag:s24], $0x2000  }
0x136: {  	[sflag:s24] =	ssyncset.done $0x0  }
0x137: {  	s7 =	simm.s32 $0x14280;
	[sflag:s24] =	ssyncadd.s32 $0xFFFFE000  }
0x138: {  	[tilespmem:s0], [sflag:$0x2] =	stream.indirect.gather [hbm4b:s8+s30], $0x40, s7, s30, $0x2000b8;
	[tilespmem:$0x1F000] =	vst v63  }
0x139: {  	_ =	swait.ge [sflag:s6], $0x2000  }
0x13a: {  	[sflag:s6] =	ssyncset.done $0x0  }
0x13b: {  	s20 =	simm.s32 $0x15580;
	[sflag:s6] =	ssyncadd.s32 $0xFFFFE000  }
0x13c: {  	[spmem:s3] =	stream.indirect.scatter.add.f32 [tilespmem:s13], [sflag:$0x8], $0x40, s20, s30, $0x2000b8;
	[tilespmem:$0x1F000] =	vst v63  }
0x13d: {  	_ =	swait.ge [sflag:s22], $0x2000  }
0x13e: {  	[sflag:s22] =	ssyncset.done $0x0  }
0x13f: {  	s23 =	simm.s32 $0x14300;
	[sflag:s22] =	ssyncadd.s32 $0xFFFFE000  }
0x140: {  	[tilespmem:s10], [sflag:$0x3] =	stream.indirect.gather [hbm4b:s8+s30], $0x40, s23, s30, $0x2000b8;
	[tilespmem:$0x1F000] =	vst v63  }
.LBB2_18:
0x141: {  	_ =	swait.ge [sflag:s11], $0x2000  }
0x142: {  	s20 =	sshra.s32 s17, $0x2;
	[sflag:s11] =	ssyncset.done $0x0  }
0x143: {  	s1 =	sadd.s32 $0x15600, s20;
	[sflag:s11] =	ssyncadd.s32 $0xFFFFE000  }
0x144: {  	[spmem:s3] =	stream.indirect.scatter.add.f32 [tilespmem:s25], [sflag:$0x5], $0x40, s1, s30, $0x2000b8;
	[tilespmem:$0x1F000] =	vst v63  }
0x145: {  	_ =	swait.ge [sflag:s31], $0x2000  }
0x146: {  	[sflag:s31] =	ssyncset.done $0x0  }
0x147: {  	s4 =	sadd.s32 $0x14380, s20;
	[sflag:s31] =	ssyncadd.s32 $0xFFFFE000  }
0x148: {  	[tilespmem:s13], [sflag:$0x4] =	stream.indirect.gather [hbm4b:s8+s30], $0x40, s4, s30, $0x2000b8;
	[tilespmem:$0x1F000] =	vst v63  }
0x149: {  	_ =	swait.ge [sflag:s14], $0x2000  }
0x14a: {  	[sflag:s14] =	ssyncset.done $0x0  }
0x14b: {  	s7 =	sadd.s32 $0x15680, s20;
	[sflag:s14] =	ssyncadd.s32 $0xFFFFE000  }
0x14c: {  	[spmem:s3] =	stream.indirect.scatter.add.f32 [tilespmem:s0], [sflag:$0x6], $0x40, s7, s30, $0x2000b8;
	[tilespmem:$0x1F000] =	vst v63  }
0x14d: {  	_ =	swait.ge [sflag:s16], $0x2000  }
0x14e: {  	p0 =	seq.s32 s17, $0x4000;
	[sflag:s16] =	ssyncset.done $0x0  }
0x14f: {  	s1 =	simm.s32 @p0 $0x3;
	[sflag:s16] =	ssyncadd.s32 $0xFFFFE000  }
0x150: {  	_ =	swait.ge @p0 [sflag:s1], $0x2000  }
0x151: {  	[sflag:s1] =	ssyncset.done @p0 $0x0  }
0x152: {  	[sflag:s1] =	ssyncadd.s32 @p0 $0xFFFFE000;
	s1 =	sshra.s32 @p0 s17, $0x2  }
0x153: {  	s4 =	simm.s32 @p0 $0x80;
	s7 =	simm.s32 @p0 $0x1A800;
	s1 =	sadd.s32 @p0 $0x15700, s1  }
0x154: {  	[spmem:s3] =	stream.indirect.scatter.add.f32 @p0 [tilespmem:s7], [sflag:$0x7], $0x40, s1, s4, $0x2000b8;
	[tilespmem:$0x1F000] =	vst v63  }
0x155: {  	s1 =	simm.s32 @p0 $0x6  }
0x156: {  	_ =	swait.ge @p0 [sflag:s1], $0x2000  }
0x157: {  	[sflag:s1] =	ssyncset.done @p0 $0x0  }
0x158: {  	[sflag:s1] =	ssyncadd.s32 @p0 $0xFFFFE000;
	s1 =	sshra.s32 @!p0 s17, $0x2  }
0x159: {  	s23 =	simm.s32 @!p0 $0x16800;
	s7 =	simm.s32 @!p0 $0x80;
	s4 =	sadd.s32 @!p0 $0x14400, s1  }
0x15a: {  	[tilespmem:s23], [sflag:$0x1] =	stream.indirect.gather @!p0 [hbm4b:s8+s7], $0x40, s4, s7, $0x2000b8;
	[tilespmem:$0x1F000] =	vst v63  }
0x15b: {  	s4 =	simm.s32 @!p0 $0x3  }
0x15c: {  	_ =	swait.ge @!p0 [sflag:s4], $0x2000  }
0x15d: {  	[sflag:s4] =	ssyncset.done @!p0 $0x0  }
0x15e: {  	s23 =	simm.s32 @!p0 $0x1A800;
	[sflag:s4] =	ssyncadd.s32 @!p0 $0xFFFFE000;
	s4 =	sadd.s32 @!p0 $0x15700, s1  }
0x15f: {  	[spmem:s3] =	stream.indirect.scatter.add.f32 @!p0 [tilespmem:s23], [sflag:$0x7], $0x40, s4, s7, $0x2000b8;
	[tilespmem:$0x1F000] =	vst v63  }
0x160: {  	s4 =	simm.s32 @!p0 $0x6  }
0x161: {  	_ =	swait.ge @!p0 [sflag:s4], $0x2000  }
0x162: {  	[sflag:s4] =	ssyncset.done @!p0 $0x0  }
0x163: {  	s1 =	sadd.s32 @!p0 $0x14480, s1;
	[sflag:s4] =	ssyncadd.s32 @!p0 $0xFFFFE000;
	s4 =	simm.s32 @!p0 $0x18800  }
0x164: {  	[tilespmem:s4], [sflag:$0x2] =	stream.indirect.gather @!p0 [hbm4b:s8+s7], $0x40, s1, s7, $0x2000b8;
	[tilespmem:$0x1F000] =	vst v63  }
0x165: {  	_ =	swait.ge [sflag:s6], $0x2000  }
0x166: {  	[sflag:s6] =	ssyncset.done $0x0  }
.Ltmp11:
0x167: {  	s23 =	sadd.s32 $0x15780, s20;
	[sflag:s6] =	ssyncadd.s32 $0xFFFFE000;
	(pc) =	sbr.rel @p0 .LBB2_20-.Ltmp11, $4  }
0x168: {  	[spmem:s3] =	stream.indirect.scatter.add.f32 [tilespmem:s13], [sflag:$0x8], $0x40, s23, s30, $0x2000b8;
	[tilespmem:$0x1F000] =	vst v63  }
0x169: {  	_ =	swait.ge [sflag:s22], $0x2000  }
0x16a: {  	[sflag:s22] =	ssyncset.done $0x0  }
0x16b: {  	[sflag:s22] =	ssyncadd.s32 $0xFFFFE000  }
.Ltmp12:
0x16c: {  	(pc) =	sbr.rel .LBB2_18-.Ltmp12, $3  }
0x16d: {  	_ =	sdelay $0x1  }
0x16e: {  	s1 =	sadd.s32 $0x14500, s20;
	s17 =	sadd.s32 $0x800, s17  }
0x16f: {  	[tilespmem:s10], [sflag:$0x3] =	stream.indirect.gather [hbm4b:s8+s30], $0x40, s1, s30, $0x2000b8;
	[tilespmem:$0x1F000] =	vst v63  }
.LBB2_21:
0x170: {  	_ =	strace $0x9000004D  }
0x171: {  	[bflag:$0x0] =	sbarrier.arrive $0xFFFF  }
0x172: {  	s12 =	simm.s32 $0x0;
	s15 =	simm.s32 $0x0;
	_ =	strace $0x8000004E  }
.LBB2_22:
0x173: {  	s1 =	sshll.u32 s15, $0x7  }
0x174: {  	s17 =	sadd.s32 s9, s1  }
0x175: {  	s4 =	rddreg [dreg:$0x6];
	s1 =	sshll.u32 s17, $0x1  }
0x176: {  	s7 =	simm.s32 $0x1E800;
	s1 =	sadd.s32 s4, s1  }
0x177: {  	[tilespmem:s7], [sflag:$0x9] =	stream.linear.gather [hbm4b:s1+s12], $0x800, $0x200038;
	[tilespmem:$0x1F000] =	vst v63  }
0x178: {  	s20 =	sshll.u32 s17, $0x6;
	_ =	swait.ge [sflag:s26], $0x800  }
0x179: {  	s1 =	sand.u32 $0x3FFFFFC0, s20;
	[sflag:s26] =	ssyncset.done $0x0  }
0x17a: {  	s1 =	sadd.s32 s1, s3;
	[sflag:s26] =	ssyncadd.s32 $0xFFFFF800  }
0x17b: {  	[tilespmem:s25], [sflag:$0x9] =	stream.linear.gather [spmem:s1], $0x2000, $0x200038;
	[tilespmem:$0x1F000] =	vst v63  }
0x17c: {  	_ =	swait.ge [sflag:s26], $0x2000  }
0x17d: {  	[sflag:s26] =	ssyncset.done $0x0  }
0x17e: {  	s20 =	simm.s32 $0x16820;
	[sflag:s26] =	ssyncadd.s32 $0xFFFFE000  }
0x17f: {  	v2 =	vld [tilespmem:s20+$0x10]  }
0x180: {  	s23 =	simm.s32 $0x0;
	v3 =	vld [tilespmem:s20+$0xFFFFFFE0]  }
0x181: {  	v4 =	vld [tilespmem:s23+$0x1E800]  }
0x182: {  	v5 =	vld [tilespmem:s20+$0xFFFFFFF0]  }
0x183: {  	v6 =	vld [tilespmem:s20+$0x0];
	_ =	sdelay $0x2  }
0x184: {  	v7 =	vmul.f32 v3, v4;
	v8 =	vmul.f32 v2, v4  }
0x185: {  	v3 =	vmul.f32 v5, v4  }
0x186: {  	s4 =	simm.s32 $0x40;
	s7 =	simm.s32 $0x16820;
	v4 =	vmul.f32 v6, v4;
	v2 =	vmax.f32 v7, $0.0e+00;
	v5 =	vmax.f32 v8, $0.0e+00  }
.LBB2_23:
0x187: {  	p0 =	sne.s32 s4, $0x1FC0  }
0x188: {  	v3 =	vmax.f32 v3, $0.0e+00;
	v4 =	vmax.f32 v4, $0.0e+00;
	[tilespmem:s20+$0x10] =	vst v5;
	s7 =	sadd.s32 $0x40, s7;
	s1 =	smov.u32 s4;
	s4 =	sadd.s32 $0x40, s4  }
0x189: {  	v5 =	vld [tilespmem:s7+$0xFFFFFFF0];
	[tilespmem:s20+$0xFFFFFFE0] =	vst v2  }
0x18a: {  	v2 =	vld [tilespmem:s7+$0x10];
	[tilespmem:s20+$0xFFFFFFF0] =	vst v3  }
0x18b: {  	s1 =	sshra.s32 s1, $0x2;
	v3 =	vld [tilespmem:s7+$0xFFFFFFE0];
	[tilespmem:s20+$0x0] =	vst v4;
	s20 =	smov.u32 s7  }
0x18c: {  	v4 =	vld [tilespmem:s1+$0x1E800]  }
0x18d: {  	v6 =	vld [tilespmem:s7+$0x0];
	_ =	sdelay $0x1  }
.Ltmp13:
0x18e: {  	(pc) =	sbr.rel @p0 .LBB2_23-.Ltmp13, $4  }
0x18f: {  	_ = 	snop  }
0x190: {  	v7 =	vmul.f32 v3, v4;
	v8 =	vmul.f32 v2, v4  }
0x191: {  	v3 =	vmul.f32 v5, v4;
	v4 =	vmul.f32 v6, v4  }
0x192: {  	v2 =	vmax.f32 v7, $0.0e+00;
	v5 =	vmax.f32 v8, $0.0e+00  }
0x193: {  	[tilespmem:s20+$0x10] =	vst v5  }
0x194: {  	v3 =	vmax.f32 v3, $0.0e+00;
	[tilespmem:s20+$0xFFFFFFE0] =	vst v2;
	s15 =	sadd.s32 $0x1, s15  }
0x195: {  	v2 =	vmax.f32 v4, $0.0e+00;
	s1 =	sshll.u32 s17, $0x3;
	s4 =	rddreg [dreg:$0x12];
	[tilespmem:s20+$0xFFFFFFF0] =	vst v3;
	p0 =	sne.s32 s15, $0x5  }
.Ltmp14:
0x196: {  	s23 =	simm.s32 $0x0;
	[tilespmem:s20+$0x0] =	vst v2;
	s1 =	sadd.s32 s1, s4;
	(pc) =	sbr.rel @p0 .LBB2_22-.Ltmp14, $4  }
0x197: {  	[hbm4b:s1+s23] =	stream.linear.scatter [tilespmem:s25], [sflag:$0x9], $0x2000, $0x200038;
	[tilespmem:$0x1F000] =	vst v63  }
0x198: {  	_ =	swait.ge [sflag:s26], $0x2000  }
0x199: {  	[sflag:s26] =	ssyncset.done $0x0  }
0x19a: {  	[sflag:s26] =	ssyncadd.s32 $0xFFFFE000  }
0x19b: {  	s4 =	rddreg [dreg:$0x14]  }
0x19c: {  	s1 =	rddreg [dreg:$0x13];
	s4 =	sadd.s32 $0x1, s4  }
0x19d: {  	p0 =	sne.s32 s4, s1  }
.Ltmp15:
0x19e: {  	_ = 	snop;
	(pc) =	sbr.rel @p0 .LBB2_1-.Ltmp15, $2  }
0x19f: {  	_ =	sdelay $0x2  }
0x1a0: {  	_ =	strace $0x9000004E  }
0x1a1: {  	_ =	sfence.sel $0x180000  }
0x1a2: {  	[bflag:$0x0] =	sbarrier.arrive $0xFFFF  }
0x1a3: {  	_ =	strace $0x9000004A  }
0x1a4: {  	s0 =	stileid.u32;
	[bflag:$0x2] =	sbarrier.arrive $0xFFFF  }
0x1a5: {  	p0 =	sne.s32 s0, $0x0;
	s0 =	rddreg [dreg:$0x4]  }
0x1a6: {  	s0 =	sadd.s32 @!p0 $0x100000, s0  }
0x1a7: {  	[sflag:s0] =	ssyncadd.tile.s32 @!p0 $0x1;
	_ =	shalt  }
.Lfunc_end2:
_tile_overlayer_lowered:
.L_overlay_start_2:
0x1a8: {  	(tag) =	ssettag $0x2  }
0x1a9: {  	s0 =	rddreg [dreg:$0x0];
	s2 =	stileid.u32  }
0x1aa: {  	s1 =	rddreg [dreg:$0x1];
	p0 =	sne.s32 s2, $0x0  }
0x1ab: {  	s3 =	rddreg [dreg:$0x2];
	[bflag:$0x3] =	sbarrier.arrive $0xFFFF;
	s2 =	simm.s32 @!p0 $0x1C09  }
0x1ac: {  	[timem:s3], [sflag:s2] =	dma.local @!p0 [hbm:s0], s1  }
0x1ad: {  	s0 =	simm.s32 @!p0 $0x9  }
0x1ae: {  	_ =	swait.ge @!p0 [sflag:s0], s1  }
0x1af: {  	s1 =	ssub.s32 @!p0 $0x0, s1;
	[sflag:s0] =	ssyncset.done @!p0 $0x0  }
0x1b0: {  	[sflag:s0] =	ssyncadd.s32 @!p0 s1  }
0x1b1: {  	[bflag:$0x3] =	sbarrier.arrive $0xFFFF  }
0x1b2: {  	_ =	shalt  }

// kernel: kernel.13.cloned.1.call-start
scs
__scs_entry_jumppad:
0x0: {  	(pc) =	sbr.rel $0x88, $3  }
0x1: {  	(tag) =	ssettag $0x0;
	lr =	simm.s32 $0x1  }
0x2: {  	[smem:$0x3F9B] =	sst lr;
	_ =	strace $0xD0000000  }
0x3: {  	_ = 	snop  }
0x4: {  	_ = 	snop  }
0x5: {  	_ = 	snop  }
0x6: {  	_ = 	snop  }
0x7: {  	_ = 	snop  }
__scs_overlays_trampoline_lowered:
0x8: {  	[smem:$0x3FAA] =	sst s0  }
0x9: {  	[smem:$0x3FAB] =	sst s1  }
0xa: {  	[smem:$0x3FAC] =	sst s2  }
0xb: {  	[smem:$0x3FAD] =	sst s3  }
0xc: {  	[smem:$0x3FAE] =	sst s4  }
0xd: {  	[smem:$0x3FAF] =	sst s5  }
0xe: {  	[smem:$0x3FB0] =	sst s6  }
0xf: {  	[smem:$0x3FB1] =	sst s7  }
0x10: {  	[smem:$0x3FB2] =	sst s8  }
0x11: {  	[smem:$0x3FB3] =	sst s9;
	s0 =	simm.s32 @!p0 $0x0  }
0x12: {  	s1 =	sld [smem:$0x3F99];
	s0 =	simm.s32 @p0 $0x1  }
0x13: {  	[smem:$0x3FB4] =	sst s0;
	s0 =	simm.s32 @!p1 $0x0  }
0x14: {  	s2 =	sld [smem:$0x3F98];
	s0 =	simm.s32 @p1 $0x1  }
0x15: {  	[smem:$0x3FB5] =	sst s0;
	s0 =	simm.s32 @!p2 $0x0  }
0x16: {  	s3 =	sld [smem:$0x3FDB];
	s0 =	simm.s32 @p2 $0x1  }
0x17: {  	s4 =	simm.s32 $0x1BF5;
	[smem:$0x3FB7] =	sst s0  }
0x18: {  	s0 =	sld [smem:$0x3F9A];
	_ =	swait.ge [sflag:s4], $0x0  }
0x19: {  	s7 =	sld [smem:$0x3F9B]  }
0x1a: {  	s8 =	sadd.s32 $0xFFFFE003, lr  }
0x1b: {  	s9 =	sadd.s32 $0xFFFFFEF7, lr;
	s5 =	simm.s32 $0xFFFFFFFF;
	p2 =	slt.u32 s8, $0xFFFFF086  }
0x1c: {  	p1 =	slt.u32 s9, $0xF7A;
	s5 =	simm.s32 @!p2 $0x0  }
0x1d: {  	s5 =	simm.s32 @p1 $0x1;
	p0 =	seq.s32 s7, s2  }
0x1e: {  	s7 =	smul.u32 @!p0 $0xF7A, s2;
	p2 =	seq.s32 @!p0 s5, $0x0  }
0x1f: {  	s9 =	smul.u32 $0xF7A, s1;
	s8 =	simm.s32 @!p0 $0x1BF5;
	p2 =	por !p2, p0  }
0x20: {  	[sflag:s8] =	ssyncset.s32 @!p0 $0xFFFFF086;
	s6 =	sadd.s32 @!p0 s3, s7;
	s7 =	simm.s32 @!p0 $0x108  }
0x21: {  	s3 =	sadd.s32 s3, s9;
	s6 =	sadd.s32 @!p0 $0x88, s6;
	s7 =	simm.s32 @p2 $0x1082  }
0x22: {  	[simem:s7], [sflag:s8] =	dma.local @!p0 [hbm:s6], $0xF7A  }
0x23: {  	s9 =	sor.u32 $0xD0000000, s2;
	s6 =	simm.s32 $0x108;
	_ =	swait.ge @!p0 [sflag:s8], $0x0  }
0x24: {  	s3 =	sadd.s32 $0x88, s3;
	s6 =	simm.s32 @!p1 $0x1082;
	[sflag:s4] =	ssyncset.s32 $0xFFFFF086  }
0x25: {  	[simem:s6], [sflag:s4] =	dma.local [hbm:s3], $0xF7A  }
0x26: {  	[smem:$0x3F9B] =	sst s1;
	(tag) =	ssettag s2;
	_ =	strace s9  }
0x27: {  	s1 =	sld [smem:$0x3FAB]  }
0x28: {  	s2 =	sld [smem:$0x3FAC]  }
0x29: {  	s4 =	sld [smem:$0x3FAE]  }
0x2a: {  	p0 =	seq.s32 s5, $0x0;
	s5 =	sld [smem:$0x3FAF]  }
0x2b: {  	s6 =	sld [smem:$0x3FB0]  }
0x2c: {  	s7 =	sld [smem:$0x3FB1]  }
0x2d: {  	s3 =	simm.s32 $0x108;
	s8 =	sld [smem:$0x3FB2]  }
0x2e: {  	s3 =	simm.s32 @!p0 $0x1082;
	s9 =	sld [smem:$0x3FB3]  }
0x2f: {  	lr =	sadd.s32 s0, s3;
	s0 =	sld [smem:$0x3FAA]  }
0x30: {  	s3 =	sld [smem:$0x3FAD]  }
0x31: {  	[smem:$0x3FB6] =	sst s10  }
0x32: {  	s10 =	sld [smem:$0x3FB4];
	_ =	sdelay $0x3  }
0x33: {  	p0 =	seq.s32 s10, $0x1;
	s10 =	sld [smem:$0x3FB6];
	_ =	sdelay $0x3  }
0x34: {  	[smem:$0x3FB6] =	sst s10  }
0x35: {  	s10 =	sld [smem:$0x3FB5];
	_ =	sdelay $0x3  }
0x36: {  	p1 =	seq.s32 s10, $0x1;
	s10 =	sld [smem:$0x3FB6];
	_ =	sdelay $0x3  }
0x37: {  	[smem:$0x3FB6] =	sst s10  }
0x38: {  	s10 =	sld [smem:$0x3FB7]  }
0x39: {  	_ = 	snop;
	(pc) =	sbr.ind lr, $3  }
0x3a: {  	_ = 	snop  }
0x3b: {  	_ = 	snop  }
0x3c: {  	p2 =	seq.s32 s10, $0x1;
	s10 =	sld [smem:$0x3FB6]  }
0x3d: {  	_ =	shalt  }
0x3e: {  	_ =	shalt  }
0x3f: {  	_ =	shalt  }
0x40: {  	_ =	shalt  }
0x41: {  	_ =	shalt  }
0x42: {  	_ =	shalt  }
0x43: {  	_ =	shalt  }
0x44: {  	_ =	shalt  }
0x45: {  	_ =	shalt  }
0x46: {  	_ =	shalt  }
0x47: {  	_ =	shalt  }
0x48: {  	_ =	shalt  }
0x49: {  	_ =	shalt  }
0x4a: {  	_ =	shalt  }
0x4b: {  	_ =	shalt  }
0x4c: {  	_ =	shalt  }
0x4d: {  	_ =	shalt  }
0x4e: {  	_ =	shalt  }
0x4f: {  	_ =	shalt  }
0x50: {  	_ =	shalt  }
0x51: {  	_ =	shalt  }
0x52: {  	_ =	shalt  }
0x53: {  	_ =	shalt  }
0x54: {  	_ =	shalt  }
0x55: {  	_ =	shalt  }
0x56: {  	_ =	shalt  }
0x57: {  	_ =	shalt  }
0x58: {  	_ =	shalt  }
0x59: {  	_ =	shalt  }
0x5a: {  	_ =	shalt  }
0x5b: {  	_ =	shalt  }
0x5c: {  	_ =	shalt  }
0x5d: {  	_ =	shalt  }
0x5e: {  	_ =	shalt  }
0x5f: {  	_ =	shalt  }
0x60: {  	_ =	shalt  }
0x61: {  	_ =	shalt  }
0x62: {  	_ =	shalt  }
0x63: {  	_ =	shalt  }
0x64: {  	_ =	shalt  }
0x65: {  	_ =	shalt  }
0x66: {  	_ =	shalt  }
0x67: {  	_ =	shalt  }
0x68: {  	_ =	shalt  }
0x69: {  	_ =	shalt  }
0x6a: {  	_ =	shalt  }
0x6b: {  	_ =	shalt  }
0x6c: {  	_ =	shalt  }
0x6d: {  	_ =	shalt  }
0x6e: {  	_ =	shalt  }
0x6f: {  	_ =	shalt  }
0x70: {  	_ =	shalt  }
0x71: {  	_ =	shalt  }
0x72: {  	_ =	shalt  }
0x73: {  	_ =	shalt  }
0x74: {  	_ =	shalt  }
0x75: {  	_ =	shalt  }
0x76: {  	_ =	shalt  }
0x77: {  	_ =	shalt  }
0x78: {  	_ =	shalt  }
0x79: {  	_ =	shalt  }
0x7a: {  	_ =	shalt  }
0x7b: {  	_ =	shalt  }
0x7c: {  	_ =	shalt  }
0x7d: {  	_ =	shalt  }
0x7e: {  	_ =	shalt  }
0x7f: {  	_ =	shalt  }
0x80: {  	_ =	shalt  }
0x81: {  	_ =	shalt  }
0x82: {  	_ =	shalt  }
0x83: {  	_ =	shalt  }
0x84: {  	_ =	shalt  }
0x85: {  	_ =	shalt  }
0x86: {  	_ =	shalt  }
0x87: {  	_ =	shalt  }
.Lfunc_end0:
.L_simem_size_0:
called_computation.2_lowered:
.L_overlay_start_0:
0x88: {  	s2 =	sld [smem:$0x3FD9]  }
0x89: {  	s3 =	sld [smem:$0x3FFE];
	_ =	sdelay $0x1  }
0x8a: {  	s1 =	srdreg.scid  }
0x8b: {  	s0 =	sand.u32 $0x1, s1  }
0x8c: {  	s17 =	sshll.u32 s0, $0xA;
	s2 =	sadd.s32 s3, s2  }
0x8d: {  	s2 =	sadd.s32 s2, s17  }
0x8e: {  	[smem:$0x3FC2] =	sst s2  }
0x8f: {  	_ = 	snop  }
0x90: {  	s2 =	sld [smem:$0x3FD0];
	(tm) =	ssettm $0x1  }
0x91: {  	s18 =	sld [smem:$0x3FFB];
	_ =	sdelay $0x3  }
0x92: {  	_ =	strace s18  }
0x93: {  	s3 =	sld [smem:$0x3FFC];
	_ =	sdelay $0x3  }
0x94: {  	_ =	strace s3  }
0x95: {  	s3 =	sld [smem:$0x3FFD];
	_ =	sdelay $0x3  }
0x96: {  	_ =	strace s3  }
0x97: {  	_ =	strace $0x8FFFFFFF  }
0x98: {  	s19 =	sld [smem:$0x3FDB];
	_ =	sdelay $0x1  }
0x99: {  	s4 =	simm.s32 $_scs_section_size  }
0x9a: {  	s5 =	simm.s32 $_size__tile_overlayer_lowered;
	s6 =	simm.s32 $_tile_overlayer_lowered  }
0x9b: {  	s22 =	simm.s32 $0x1BFF;
	s21 =	sshll.u32 s6, $0x1;
	s3 =	sadd.s32 s4, s19  }
0x9c: {  	s7 =	simm.s32 $0x0;
	s20 =	sshll.u32 s5, $0x1;
	s5 =	sadd.s32 s21, s3  }
0x9d: {  	[timem:s7], [sflag:s22] =	dma.local [hbm:s5], s20  }
0x9e: {  	_ =	swait.ge [sflag:s22], s20  }
0x9f: {  	s4 =	ssub.s32 $0x0, s20;
	[sflag:s22] =	ssyncset.done $0x0  }
0xa0: {  	[sflag:s22] =	ssyncadd.s32 s4;
	_ =	sdelay $0x1  }
0xa1: {  	s23 =	simm.s32 $0x1B8B  }
0xa2: {  	_ =	swait.ge [sflag:s23], $0x1  }
0xa3: {  	[sflag:s23] =	ssyncset.done $0x0  }
0xa4: {  	s25 =	simm.s32 $0x1B8E;
	s24 =	sld [smem:$0x3FFE];
	[sflag:s23] =	ssyncadd.s32 $0xFFFFFFFF  }
0xa5: {  	s26 =	simm.s32 $execute0_lowered;
	[smem:$0x3FD2] =	sst s25  }
0xa6: {  	s5 =	sshll.u32 s26, $0x1;
	_ =	strace $0x80000050;
	[dreg:$0x1] =	wrdreg $0xFFFFFFFF  }
0xa7: {  	s28 =	simm.s32 $_size_execute0_lowered;
	s3 =	sadd.s32 s3, s5;
	[dreg:$0x0] =	wrdreg $0x0  }
0xa8: {  	s5 =	sshll.u32 s28, $0x1;
	[dreg:$0x2] =	wrdreg s3  }
0xa9: {  	[dreg:$0x3] =	wrdreg s5  }
0xaa: {  	[dreg:$0x4] =	wrdreg $0xC0  }
0xab: {  	_ =	task [dreg:s7], $0x5FFFF  }
0xac: {  	[dreg:$0x1] =	wrdreg $0xFFFFFFFF  }
0xad: {  	[dreg:$0x0] =	wrdreg $0x60  }
0xae: {  	[dreg:$0x2] =	wrdreg s24  }
0xaf: {  	[dreg:$0x3] =	wrdreg s2  }
0xb0: {  	[dreg:$0x4] =	wrdreg $0x0  }
0xb1: {  	[dreg:$0x5] =	wrdreg $0x50000  }
0xb2: {  	[dreg:$0x6] =	wrdreg $0x9  }
0xb3: {  	_ =	task.clear_ibuf [dreg:s7], $0x7FFFF;
	_ =	strace $0x90000050  }
0xb4: {  	s29 =	simm.s32 $0x9;
	_ =	strace $0x80000056  }
0xb5: {  	_ =	swait.ge [sflag:s29], $0x1  }
0xb6: {  	[sflag:s29] =	ssyncadd.s32 $0xFFFFFFFF  }
0xb7: {  	_ =	strace $0x90000056  }
0xb8: {  	_ =	sfence  }
0xb9: {  	s30 =	sld [smem:$0x0];
	_ =	sdelay $0x2  }
0xba: {  	s31 =	sshll.u32 s1, $0xD;
	s1 =	sshrl.u32 s1, $0x2  }
0xbb: {  	s3 =	sand.u32 $0x4000, s31;
	s1 =	sadd.s32 s1, s30  }
0xbc: {  	s0 =	sor.u32 s3, s0;
	s1 =	sshll.u32 s1, $0x11  }
0xbd: {  	s0 =	sor.u32 s1, s0  }
0xbe: {  	s0 =	sadd.s32 $0x8F2B, s0  }
0xbf: {  	[sflag:s0] =	ssyncadd.remote.s32 $0x1  }
0xc0: {  	_ =	sfence.sel $0xFFFF  }
0xc1: {  	[dreg:$0x0] =	wrdreg $0xFFFFFFFF;
	(pc) =	sbr.abs _section_cstart, $3  }
0xc2: {  	[dreg:$0x1] =	wrdreg $0xFFFFFFFF  }
0xc3: {  	_ =	task.clear_ibuf [dreg:s7], $0x2FFFF;
	_ =	strace $0x9FFFFFFF  }
0xc4: {  	(tm) =	ssettm $0x7FFFFFFF  }
0xc5: {  	_ =	shalt  }
tec
execute0_lowered:
.L_overlay_start_1:
0x0: {  	(tag) =	ssettag $0x1  }
0x1: {  	s0 =	rddreg [dreg:$0x0]  }
0x2: {  	s1 =	rddreg [dreg:$0x1]  }
0x3: {  	s2 =	rddreg [dreg:$0x2]  }
0x4: {  	s3 =	rddreg [dreg:$0x3];
	s5 =	simm.s32 $0x0;
	s9 =	stileid.u32  }
0x5: {  	s4 =	srdreg.scid;
	s28 =	simm.s32 $0xA000;
	s29 =	simm.s32 $0xB400  }
0x6: {  	s30 =	simm.s32 $0x80;
	s31 =	simm.s32 $0x8;
	[smem:$0x7FF] =	sst s5  }
0x7: {  	s6 =	smul.u32 $0xA00, s9;
	s4 =	sand.u32 $0x1, s4;
	s5 =	sadd.s32 $0x16400, s0  }
0x8: {  	s8 =	sadd.s32 $0xC400, s0;
	s13 =	sadd.s32 $0x11400, s0;
	s7 =	smul.u32 $0xA000, s4  }
0x9: {  	_ =	strace $0x80000051;
	[dreg:$0x6] =	wrdreg s13;
	s13 =	smul.u32 $0x5000, s9  }
0xa: {  	[dreg:$0x5] =	wrdreg s8;
	s12 =	ssub.s32 $0x2, s4;
	s9 =	smul.u32 $0x280, s9  }
0xb: {  	s8 =	sadd.s32 $0x2A400, s0;
	s4 =	smul.u32 $0x2800, s4;
	s14 =	sshrl.u32 s12, $0x1  }
0xc: {  	s10 =	sadd.s32 s6, s0;
	s11 =	sadd.s32 s7, s0;
	s0 =	ssub.s32 s12, s14  }
0xd: {  	s15 =	sadd.s32 $0x1000, s13;
	s14 =	sadd.s32 s13, s2;
	s16 =	sadd.s32 s13, s3  }
0xe: {  	s18 =	sadd.s32 $0x2000, s13;
	s19 =	sadd.s32 $0x3000, s13;
	[dreg:$0x7] =	wrdreg s14  }
0xf: {  	s22 =	sadd.s32 $0x4000, s13;
	s25 =	sadd.s32 s8, s7;
	[dreg:$0x8] =	wrdreg s16  }
0x10: {  	s13 =	simm.s32 $0xF800;
	s17 =	sadd.s32 s15, s2;
	[dreg:$0x11] =	wrdreg s25  }
0x11: {  	v0 =	vmov s4;
	s4 =	simm.s32 $0x0;
	s12 =	sadd.s32 s15, s3;
	[dreg:$0x9] =	wrdreg s17  }
0x12: {  	s15 =	sadd.s32 s18, s2;
	s20 =	sadd.s32 s19, s2;
	[dreg:$0xa] =	wrdreg s12  }
0x13: {  	s21 =	sadd.s32 s19, s3;
	s23 =	sadd.s32 s22, s2;
	[dreg:$0xb] =	wrdreg s15  }
0x14: {  	s24 =	sadd.s32 s22, s3;
	s26 =	sadd.s32 $0x3E400, s11;
	[dreg:$0xd] =	wrdreg s20  }
0x15: {  	s0 =	smax.u32 s0, $0x1;
	s25 =	simm.s32 $0xC800;
	[dreg:$0xe] =	wrdreg s21  }
0x16: {  	s11 =	simm.s32 $0x1;
	s14 =	simm.s32 $0x2;
	[dreg:$0xf] =	wrdreg s23  }
0x17: {  	s16 =	simm.s32 $0x5;
	s19 =	simm.s32 $0x3;
	[dreg:$0x10] =	wrdreg s24  }
0x18: {  	s22 =	simm.s32 $0x7;
	s12 =	sadd.s32 s18, s3;
	[dreg:$0x12] =	wrdreg s26  }
0x19: {  	s18 =	sadd.s32 s1, s6;
	s21 =	sadd.s32 $0x2400, s10;
	[dreg:$0x13] =	wrdreg s0  }
0x1a: {  	s26 =	simm.s32 $0x9;
	s0 =	simm.s32 $0xD800;
	s10 =	simm.s32 $0xE800  }
0x1b: {  	v1 =	vimm.f32 $0.0e+00;
	s24 =	simm.s32 $0x6;
	s6 =	simm.s32 $0x4;
	[dreg:$0xc] =	wrdreg s12  }
.LBB2_1:
0x1c: {  	[dreg:$0x14] =	wrdreg s4;
	s4 =	simm.s32 $0x80;
	s7 =	simm.s32 $0x0  }
.LBB2_2:
0x1d: {  	p0 =	sne.s32 s4, $0x3F80;
	[tilespmem:s7+$0xC800] =	vst v1;
	s12 =	smov.u32 s4;
	s4 =	sadd.s32 $0x80, s4  }
.Ltmp0:
0x1e: {  	[tilespmem:s7+$0xC810] =	vst v1;
	(pc) =	sbr.rel @p0 .LBB2_2-.Ltmp0, $2  }
0x1f: {  	_ =	sdelay $0x2  }
0x20: {  	s7 =	sshra.s32 s12, $0x2  }
0x21: {  	[tilespmem:s7+$0xC800] =	vst v1  }
0x22: {  	[tilespmem:s7+$0xC810] =	vst v1;
	s1 =	rddreg [dreg:$0x7]  }
0x23: {  	[spmem:s1] =	stream.linear.scatter [tilespmem:s25], [sflag:$0x9], $0x1000, $0x38;
	[tilespmem:$0x11000] =	vst v63  }
0x24: {  	_ =	swait.ge [sflag:s26], $0x1000  }
0x25: {  	[sflag:s26] =	ssyncset.done $0x0  }
0x26: {  	s20 =	rddreg [dreg:$0x8];
	[sflag:s26] =	ssyncadd.s32 $0xFFFFF000  }
0x27: {  	[spmem:s20] =	stream.linear.scatter [tilespmem:s25], [sflag:$0x9], $0x1000, $0x38;
	[tilespmem:$0x11000] =	vst v63  }
0x28: {  	_ =	swait.ge [sflag:s26], $0x1000  }
0x29: {  	[sflag:s26] =	ssyncset.done $0x0  }
0x2a: {  	s23 =	rddreg [dreg:$0x9];
	[sflag:s26] =	ssyncadd.s32 $0xFFFFF000  }
0x2b: {  	[spmem:s23] =	stream.linear.scatter [tilespmem:s25], [sflag:$0x9], $0x1000, $0x38;
	[tilespmem:$0x11000] =	vst v63  }
0x2c: {  	_ =	swait.ge [sflag:s26], $0x1000  }
0x2d: {  	[sflag:s26] =	ssyncset.done $0x0  }
0x2e: {  	s4 =	rddreg [dreg:$0xa];
	[sflag:s26] =	ssyncadd.s32 $0xFFFFF000  }
0x2f: {  	[spmem:s4] =	stream.linear.scatter [tilespmem:s25], [sflag:$0x9], $0x1000, $0x38;
	[tilespmem:$0x11000] =	vst v63  }
0x30: {  	_ =	swait.ge [sflag:s26], $0x1000  }
0x31: {  	[sflag:s26] =	ssyncset.done $0x0  }
0x32: {  	s7 =	rddreg [dreg:$0xb];
	[sflag:s26] =	ssyncadd.s32 $0xFFFFF000  }
0x33: {  	[spmem:s7] =	stream.linear.scatter [tilespmem:s25], [sflag:$0x9], $0x1000, $0x38;
	[tilespmem:$0x11000] =	vst v63  }
0x34: {  	_ =	swait.ge [sflag:s26], $0x1000  }
0x35: {  	[sflag:s26] =	ssyncset.done $0x0  }
0x36: {  	s12 =	rddreg [dreg:$0xc];
	[sflag:s26] =	ssyncadd.s32 $0xFFFFF000  }
0x37: {  	[spmem:s12] =	stream.linear.scatter [tilespmem:s25], [sflag:$0x9], $0x1000, $0x38;
	[tilespmem:$0x11000] =	vst v63  }
0x38: {  	_ =	swait.ge [sflag:s26], $0x1000  }
0x39: {  	[sflag:s26] =	ssyncset.done $0x0  }
0x3a: {  	s15 =	rddreg [dreg:$0xd];
	[sflag:s26] =	ssyncadd.s32 $0xFFFFF000  }
0x3b: {  	[spmem:s15] =	stream.linear.scatter [tilespmem:s25], [sflag:$0x9], $0x1000, $0x38;
	[tilespmem:$0x11000] =	vst v63  }
0x3c: {  	_ =	swait.ge [sflag:s26], $0x1000  }
0x3d: {  	[sflag:s26] =	ssyncset.done $0x0  }
0x3e: {  	s17 =	rddreg [dreg:$0xe];
	[sflag:s26] =	ssyncadd.s32 $0xFFFFF000  }
0x3f: {  	[spmem:s17] =	stream.linear.scatter [tilespmem:s25], [sflag:$0x9], $0x1000, $0x38;
	[tilespmem:$0x11000] =	vst v63  }
0x40: {  	_ =	swait.ge [sflag:s26], $0x1000  }
0x41: {  	[sflag:s26] =	ssyncset.done $0x0  }
0x42: {  	s20 =	rddreg [dreg:$0xf];
	[sflag:s26] =	ssyncadd.s32 $0xFFFFF000  }
0x43: {  	[spmem:s20] =	stream.linear.scatter [tilespmem:s25], [sflag:$0x9], $0x1000, $0x38;
	[tilespmem:$0x11000] =	vst v63  }
0x44: {  	_ =	swait.ge [sflag:s26], $0x1000  }
0x45: {  	[sflag:s26] =	ssyncset.done $0x0  }
0x46: {  	s23 =	rddreg [dreg:$0x10];
	[sflag:s26] =	ssyncadd.s32 $0xFFFFF000  }
0x47: {  	[spmem:s23] =	stream.linear.scatter [tilespmem:s25], [sflag:$0x9], $0x1000, $0x38;
	[tilespmem:$0x11000] =	vst v63  }
.Ltmp1:
0x48: {  	_ =	swait.ge [sflag:s26], $0x1000;
	(pc) =	sbr.rel .LBB2_4-.Ltmp1, $4  }
0x49: {  	[sflag:s26] =	ssyncset.done $0x0  }
0x4a: {  	[sflag:s26] =	ssyncadd.s32 $0xFFFFF000  }
0x4b: {  	[bflag:$0x0] =	sbarrier.arrive $0xFFFF  }
0x4c: {  	s12 =	simm.s32 $0x0;
	s15 =	simm.s32 $0x0;
	_ =	strace $0x80000052  }
.LBB2_9:
0x4d: {  	s15 =	sadd.s32 $0x1, s15  }
0x4e: {  	p0 =	sne.s32 s15, $0x4  }
.Ltmp2:
0x4f: {  	_ = 	snop;
	(pc) =	sbr.rel @!p0 .LBB2_10-.Ltmp2, $4  }
0x50: {  	_ = 	snop  }
0x51: {  	_ =	swait.ge [sflag:s31], $0x1000  }
0x52: {  	[sflag:s31] =	ssyncset.done $0x0  }
0x53: {  	[sflag:s31] =	ssyncadd.s32 $0xFFFFF000  }
.LBB2_4:
0x54: {  	s17 =	smul.u32 $0x280, s15;
	_ =	sdelay $0x1  }
0x55: {  	s4 =	sadd.s32 s17, s21  }
0x56: {  	[tilespmem:s28], [sflag:$0x9] =	stream.linear.gather [hbm4b:s4+s12], $0x1400, $0x200038;
	[tilespmem:$0x11000] =	vst v63  }
0x57: {  	_ =	swait.ge [sflag:s26], $0x1400  }
0x58: {  	[sflag:s26] =	ssyncset.done $0x0  }
0x59: {  	s20 =	simm.s32 $0x0;
	[sflag:s26] =	ssyncadd.s32 $0xFFFFEC00  }
0x5a: {  	v4 =	vld [tilespmem:s20+$0xA000]  }
0x5b: {  	v6 =	vld [tilespmem:s20+$0xA010]  }
0x5c: {  	v5 =	vld [tilespmem:s20+$0xA020]  }
0x5d: {  	v3 =	vld [tilespmem:s20+$0xA030]  }
0x5e: {  	v2 =	vld [tilespmem:s20+$0xA040]  }
0x5f: {  	v7 =	vadd.s32 v0, v4;
	v4 =	vld [tilespmem:s20+$0xA050]  }
0x60: {  	s4 =	simm.s32 $0x200;
	[tilespmem:s20+$0xA000] =	vst v7;
	v7 =	vadd.s32 v0, v6;
	v6 =	vld [tilespmem:s20+$0xA060]  }
.LBB2_5:
0x61: {  	s7 =	sshra.s32 s4, $0x2;
	p0 =	sne.s32 s4, $0x4E00;
	[tilespmem:s20+$0xA010] =	vst v7;
	v5 =	vadd.s32 v0, v5;
	v7 =	vld [tilespmem:s20+$0xA070]  }
0x62: {  	v8 =	vld [tilespmem:s7+$0xA000];
	[tilespmem:s20+$0xA020] =	vst v5;
	v3 =	vadd.s32 v0, v3  }
0x63: {  	v9 =	vld [tilespmem:s7+$0xA010];
	[tilespmem:s20+$0xA030] =	vst v3;
	v2 =	vadd.s32 v0, v2  }
.Ltmp3:
0x64: {  	v5 =	vld [tilespmem:s7+$0xA020];
	[tilespmem:s20+$0xA040] =	vst v2;
	v2 =	vadd.s32 v0, v4;
	(pc) =	sbr.rel @p0 .LBB2_5-.Ltmp3, $4  }
0x65: {  	v3 =	vld [tilespmem:s7+$0xA030];
	[tilespmem:s20+$0xA050] =	vst v2;
	v4 =	vadd.s32 v0, v6  }
0x66: {  	v2 =	vld [tilespmem:s7+$0xA040];
	[tilespmem:s20+$0xA060] =	vst v4;
	v6 =	vadd.s32 v0, v7  }
0x67: {  	v7 =	vadd.s32 v0, v8;
	v4 =	vld [tilespmem:s7+$0xA050];
	[tilespmem:s20+$0xA070] =	vst v6;
	s20 =	smov.u32 s7  }
0x68: {  	s4 =	sadd.s32 $0x200, s4;
	[tilespmem:s20+$0xA000] =	vst v7;
	v7 =	vadd.s32 v0, v9;
	v6 =	vld [tilespmem:s20+$0xA060]  }
0x69: {  	[tilespmem:s20+$0xA010] =	vst v7;
	v5 =	vadd.s32 v0, v5;
	v63 =	vld [tilespmem:s20+$0xA070]  }
0x6a: {  	[tilespmem:s20+$0xA020] =	vst v5;
	v3 =	vadd.s32 v0, v3  }
0x6b: {  	[tilespmem:s20+$0xA030] =	vst v3;
	v2 =	vadd.s32 v0, v2  }
0x6c: {  	[tilespmem:s20+$0xA040] =	vst v2;
	v2 =	vadd.s32 v0, v4  }
0x6d: {  	[tilespmem:s20+$0xA050] =	vst v2;
	v2 =	vadd.s32 v0, v6  }
0x6e: {  	[tilespmem:s20+$0xA060] =	vst v2;
	v2 =	vadd.s32 v0, v63  }
0x6f: {  	s4 =	sadd.s32 s17, s18;
	s17 =	simm.s32 $0x0;
	[tilespmem:s20+$0xA070] =	vst v2  }
0x70: {  	[tilespmem:s29], [sflag:$0x9] =	stream.linear.gather [hbm4b:s4+s17], $0x1400, $0x200038;
	[tilespmem:$0x11000] =	vst v63  }
0x71: {  	_ =	swait.ge [sflag:s26], $0x1400  }
0x72: {  	[sflag:s26] =	ssyncset.done $0x0  }
0x73: {  	[sflag:s26] =	ssyncadd.s32 $0xFFFFEC00  }
0x74: {  	[tilespmem:s25], [sflag:$0x1] =	stream.indirect.gather [hbm4b:s5+s30], $0x20, s28, s30, $0x2000b8;
	[tilespmem:$0x11000] =	vst v63  }
0x75: {  	s1 =	simm.s32 $0xA080  }
0x76: {  	[tilespmem:s0], [sflag:$0x2] =	stream.indirect.gather [hbm4b:s5+s30], $0x20, s1, s30, $0x2000b8;
	[tilespmem:$0x11000] =	vst v63  }
0x77: {  	s4 =	simm.s32 $0xA100  }
0x78: {  	[tilespmem:s10], [sflag:$0x3] =	stream.indirect.gather [hbm4b:s5+s30], $0x20, s4, s30, $0x2000b8;
	[tilespmem:$0x11000] =	vst v63  }
0x79: {  	_ =	swait.ge [sflag:s11], $0x1000  }
0x7a: {  	[sflag:s11] =	ssyncset.done $0x0  }
0x7b: {  	[sflag:s11] =	ssyncadd.s32 $0xFFFFF000  }
0x7c: {  	[spmem:s2] =	stream.indirect.scatter.add.f32 [tilespmem:s25], [sflag:$0x5], $0x20, s29, s30, $0x2000b8;
	[tilespmem:$0x11000] =	vst v63  }
0x7d: {  	s7 =	simm.s32 $0xA180  }
0x7e: {  	[tilespmem:s13], [sflag:$0x4] =	stream.indirect.gather [hbm4b:s5+s30], $0x20, s7, s30, $0x2000b8;
	[tilespmem:$0x11000] =	vst v63  }
0x7f: {  	_ =	swait.ge [sflag:s14], $0x1000  }
0x80: {  	[sflag:s14] =	ssyncset.done $0x0  }
0x81: {  	s20 =	simm.s32 $0xB480;
	[sflag:s14] =	ssyncadd.s32 $0xFFFFF000  }
0x82: {  	[spmem:s2] =	stream.indirect.scatter.add.f32 [tilespmem:s0], [sflag:$0x6], $0x20, s20, s30, $0x2000b8;
	[tilespmem:$0x11000] =	vst v63  }
0x83: {  	_ =	swait.ge [sflag:s16], $0x1000  }
0x84: {  	[sflag:s16] =	ssyncset.done $0x0  }
0x85: {  	s23 =	simm.s32 $0xA200;
	[sflag:s16] =	ssyncadd.s32 $0xFFFFF000  }
0x86: {  	[tilespmem:s25], [sflag:$0x1] =	stream.indirect.gather [hbm4b:s5+s30], $0x20, s23, s30, $0x2000b8;
	[tilespmem:$0x11000] =	vst v63  }
0x87: {  	_ =	swait.ge [sflag:s19], $0x1000  }
0x88: {  	[sflag:s19] =	ssyncset.done $0x0  }
0x89: {  	s4 =	simm.s32 $0xB500;
	[sflag:s19] =	ssyncadd.s32 $0xFFFFF000  }
0x8a: {  	[spmem:s2] =	stream.indirect.scatter.add.f32 [tilespmem:s10], [sflag:$0x7], $0x20, s4, s30, $0x2000b8;
	[tilespmem:$0x11000] =	vst v63  }
0x8b: {  	_ =	swait.ge [sflag:s24], $0x1000  }
0x8c: {  	[sflag:s24] =	ssyncset.done $0x0  }
0x8d: {  	s7 =	simm.s32 $0xA280;
	[sflag:s24] =	ssyncadd.s32 $0xFFFFF000  }
0x8e: {  	[tilespmem:s0], [sflag:$0x2] =	stream.indirect.gather [hbm4b:s5+s30], $0x20, s7, s30, $0x2000b8;
	[tilespmem:$0x11000] =	vst v63  }
0x8f: {  	_ =	swait.ge [sflag:s6], $0x1000  }
0x90: {  	[sflag:s6] =	ssyncset.done $0x0  }
0x91: {  	s20 =	simm.s32 $0xB580;
	[sflag:s6] =	ssyncadd.s32 $0xFFFFF000  }
0x92: {  	[spmem:s2] =	stream.indirect.scatter.add.f32 [tilespmem:s13], [sflag:$0x8], $0x20, s20, s30, $0x2000b8;
	[tilespmem:$0x11000] =	vst v63  }
0x93: {  	_ =	swait.ge [sflag:s22], $0x1000  }
0x94: {  	[sflag:s22] =	ssyncset.done $0x0  }
0x95: {  	s23 =	simm.s32 $0xA300;
	[sflag:s22] =	ssyncadd.s32 $0xFFFFF000  }
0x96: {  	[tilespmem:s10], [sflag:$0x3] =	stream.indirect.gather [hbm4b:s5+s30], $0x20, s23, s30, $0x2000b8;
	[tilespmem:$0x11000] =	vst v63  }
.LBB2_7:
0x97: {  	_ =	swait.ge [sflag:s11], $0x1000  }
0x98: {  	s20 =	sshra.s32 s17, $0x2;
	[sflag:s11] =	ssyncset.done $0x0  }
0x99: {  	s4 =	sadd.s32 $0xB600, s20;
	[sflag:s11] =	ssyncadd.s32 $0xFFFFF000  }
0x9a: {  	[spmem:s2] =	stream.indirect.scatter.add.f32 [tilespmem:s25], [sflag:$0x5], $0x20, s4, s30, $0x2000b8;
	[tilespmem:$0x11000] =	vst v63  }
0x9b: {  	_ =	swait.ge [sflag:s31], $0x1000  }
0x9c: {  	[sflag:s31] =	ssyncset.done $0x0  }
0x9d: {  	s1 =	sadd.s32 $0xA380, s20;
	[sflag:s31] =	ssyncadd.s32 $0xFFFFF000  }
0x9e: {  	[tilespmem:s13], [sflag:$0x4] =	stream.indirect.gather [hbm4b:s5+s30], $0x20, s1, s30, $0x2000b8;
	[tilespmem:$0x11000] =	vst v63  }
0x9f: {  	_ =	swait.ge [sflag:s14], $0x1000  }
0xa0: {  	[sflag:s14] =	ssyncset.done $0x0  }
0xa1: {  	s7 =	sadd.s32 $0xB680, s20;
	[sflag:s14] =	ssyncadd.s32 $0xFFFFF000  }
0xa2: {  	[spmem:s2] =	stream.indirect.scatter.add.f32 [tilespmem:s0], [sflag:$0x6], $0x20, s7, s30, $0x2000b8;
	[tilespmem:$0x11000] =	vst v63  }
0xa3: {  	_ =	swait.ge [sflag:s16], $0x1000  }
0xa4: {  	p0 =	seq.s32 s17, $0x4000;
	[sflag:s16] =	ssyncset.done $0x0  }
0xa5: {  	s4 =	simm.s32 @p0 $0x3;
	[sflag:s16] =	ssyncadd.s32 $0xFFFFF000  }
0xa6: {  	_ =	swait.ge @p0 [sflag:s4], $0x1000  }
0xa7: {  	[sflag:s4] =	ssyncset.done @p0 $0x0  }
0xa8: {  	[sflag:s4] =	ssyncadd.s32 @p0 $0xFFFFF000;
	s4 =	sshra.s32 @p0 s17, $0x2  }
0xa9: {  	s23 =	simm.s32 @p0 $0xE800;
	s7 =	simm.s32 @p0 $0x80;
	s4 =	sadd.s32 @p0 $0xB700, s4  }
0xaa: {  	[spmem:s2] =	stream.indirect.scatter.add.f32 @p0 [tilespmem:s23], [sflag:$0x7], $0x20, s4, s7, $0x2000b8;
	[tilespmem:$0x11000] =	vst v63  }
0xab: {  	s4 =	simm.s32 @p0 $0x6  }
0xac: {  	_ =	swait.ge @p0 [sflag:s4], $0x1000  }
0xad: {  	[sflag:s4] =	ssyncset.done @p0 $0x0  }
0xae: {  	[sflag:s4] =	ssyncadd.s32 @p0 $0xFFFFF000;
	s4 =	sshra.s32 @!p0 s17, $0x2  }
0xaf: {  	s1 =	simm.s32 @!p0 $0xC800;
	s23 =	simm.s32 @!p0 $0x80;
	s7 =	sadd.s32 @!p0 $0xA400, s4  }
0xb0: {  	[tilespmem:s1], [sflag:$0x1] =	stream.indirect.gather @!p0 [hbm4b:s5+s23], $0x20, s7, s23, $0x2000b8;
	[tilespmem:$0x11000] =	vst v63  }
0xb1: {  	s1 =	simm.s32 @!p0 $0x3  }
0xb2: {  	_ =	swait.ge @!p0 [sflag:s1], $0x1000  }
0xb3: {  	[sflag:s1] =	ssyncset.done @!p0 $0x0  }
0xb4: {  	s7 =	simm.s32 @!p0 $0xE800;
	[sflag:s1] =	ssyncadd.s32 @!p0 $0xFFFFF000;
	s1 =	sadd.s32 @!p0 $0xB700, s4  }
0xb5: {  	[spmem:s2] =	stream.indirect.scatter.add.f32 @!p0 [tilespmem:s7], [sflag:$0x7], $0x20, s1, s23, $0x2000b8;
	[tilespmem:$0x11000] =	vst v63  }
0xb6: {  	s1 =	simm.s32 @!p0 $0x6  }
0xb7: {  	_ =	swait.ge @!p0 [sflag:s1], $0x1000  }
0xb8: {  	[sflag:s1] =	ssyncset.done @!p0 $0x0  }
0xb9: {  	[sflag:s1] =	ssyncadd.s32 @!p0 $0xFFFFF000;
	s1 =	sadd.s32 @!p0 $0xA480, s4;
	s4 =	simm.s32 @!p0 $0xD800  }
0xba: {  	[tilespmem:s4], [sflag:$0x2] =	stream.indirect.gather @!p0 [hbm4b:s5+s23], $0x20, s1, s23, $0x2000b8;
	[tilespmem:$0x11000] =	vst v63  }
0xbb: {  	_ =	swait.ge [sflag:s6], $0x1000  }
0xbc: {  	[sflag:s6] =	ssyncset.done $0x0  }
.Ltmp4:
0xbd: {  	s23 =	sadd.s32 $0xB780, s20;
	[sflag:s6] =	ssyncadd.s32 $0xFFFFF000;
	(pc) =	sbr.rel @p0 .LBB2_9-.Ltmp4, $4  }
0xbe: {  	[spmem:s2] =	stream.indirect.scatter.add.f32 [tilespmem:s13], [sflag:$0x8], $0x20, s23, s30, $0x2000b8;
	[tilespmem:$0x11000] =	vst v63  }
0xbf: {  	_ =	swait.ge [sflag:s22], $0x1000  }
0xc0: {  	[sflag:s22] =	ssyncset.done $0x0  }
0xc1: {  	[sflag:s22] =	ssyncadd.s32 $0xFFFFF000  }
.Ltmp5:
0xc2: {  	(pc) =	sbr.rel .LBB2_7-.Ltmp5, $3  }
0xc3: {  	_ =	sdelay $0x1  }
0xc4: {  	s1 =	sadd.s32 $0xA500, s20;
	s17 =	sadd.s32 $0x800, s17  }
0xc5: {  	[tilespmem:s10], [sflag:$0x3] =	stream.indirect.gather [hbm4b:s5+s30], $0x20, s1, s30, $0x2000b8;
	[tilespmem:$0x11000] =	vst v63  }
.LBB2_10:
0xc6: {  	_ =	strace $0x90000052  }
0xc7: {  	[bflag:$0x0] =	sbarrier.arrive $0xFFFF  }
0xc8: {  	s12 =	simm.s32 $0x0;
	s15 =	simm.s32 $0x0;
	_ =	strace $0x80000053  }
.LBB2_11:
0xc9: {  	s1 =	sshll.u32 s15, $0x7  }
0xca: {  	s17 =	sadd.s32 s9, s1  }
0xcb: {  	s4 =	rddreg [dreg:$0x5];
	s1 =	sshll.u32 s17, $0x1  }
0xcc: {  	s7 =	simm.s32 $0x10800;
	s1 =	sadd.s32 s4, s1  }
0xcd: {  	[tilespmem:s7], [sflag:$0x9] =	stream.linear.gather [hbm4b:s1+s12], $0x800, $0x200038;
	[tilespmem:$0x11000] =	vst v63  }
0xce: {  	s20 =	sshll.u32 s17, $0x5;
	_ =	swait.ge [sflag:s26], $0x800  }
0xcf: {  	s1 =	sand.u32 $0x3FFFFFE0, s20;
	[sflag:s26] =	ssyncset.done $0x0  }
0xd0: {  	s1 =	sadd.s32 s1, s2;
	[sflag:s26] =	ssyncadd.s32 $0xFFFFF800  }
0xd1: {  	[tilespmem:s25], [sflag:$0x9] =	stream.linear.gather [spmem:s1], $0x1000, $0x200038;
	[tilespmem:$0x11000] =	vst v63  }
0xd2: {  	_ =	swait.ge [sflag:s26], $0x1000  }
0xd3: {  	[sflag:s26] =	ssyncset.done $0x0  }
0xd4: {  	s4 =	simm.s32 $0xC810;
	[sflag:s26] =	ssyncadd.s32 $0xFFFFF000  }
0xd5: {  	s23 =	simm.s32 $0x0;
	v2 =	vld [tilespmem:s4+$0xFFFFFFF0]  }
0xd6: {  	v4 =	vld [tilespmem:s23+$0x10800]  }
0xd7: {  	v5 =	vld [tilespmem:s4+$0x0];
	_ =	sdelay $0x4  }
0xd8: {  	s20 =	simm.s32 $0x40;
	s7 =	simm.s32 $0xC810;
	v3 =	vmul.f32 v2, v4;
	v2 =	vmul.f32 v5, v4  }
.LBB2_12:
0xd9: {  	p0 =	sne.s32 s20, $0x1FC0  }
0xda: {  	[tilespmem:s4+$0xFFFFFFF0] =	vst v3;
	s7 =	sadd.s32 $0x20, s7;
	s1 =	smov.u32 s20;
	s20 =	sadd.s32 $0x40, s20  }
0xdb: {  	s1 =	sshra.s32 s1, $0x2;
	v3 =	vld [tilespmem:s7+$0xFFFFFFF0];
	[tilespmem:s4+$0x0] =	vst v2;
	s4 =	smov.u32 s7  }
0xdc: {  	v2 =	vld [tilespmem:s1+$0x10800]  }
0xdd: {  	v4 =	vld [tilespmem:s7+$0x0]  }
.Ltmp6:
0xde: {  	(pc) =	sbr.rel @p0 .LBB2_12-.Ltmp6, $3  }
0xdf: {  	_ =	sdelay $0x1  }
0xe0: {  	v3 =	vmul.f32 v3, v2  }
0xe1: {  	v2 =	vmul.f32 v4, v2  }
0xe2: {  	s15 =	sadd.s32 $0x1, s15  }
0xe3: {  	[tilespmem:s4+$0xFFFFFFF0] =	vst v3;
	s1 =	sshll.u32 s17, $0x2;
	s20 =	rddreg [dreg:$0x11];
	p0 =	sne.s32 s15, $0x5  }
.Ltmp7:
0xe4: {  	s23 =	simm.s32 $0x0;
	[tilespmem:s4+$0x0] =	vst v2;
	s1 =	sadd.s32 s1, s20;
	(pc) =	sbr.rel @p0 .LBB2_11-.Ltmp7, $4  }
0xe5: {  	[hbm4b:s1+s23] =	stream.linear.scatter [tilespmem:s25], [sflag:$0x9], $0x1000, $0x200038;
	[tilespmem:$0x11000] =	vst v63  }
0xe6: {  	_ =	swait.ge [sflag:s26], $0x1000  }
0xe7: {  	[sflag:s26] =	ssyncset.done $0x0  }
0xe8: {  	[sflag:s26] =	ssyncadd.s32 $0xFFFFF000  }
.Ltmp8:
0xe9: {  	(pc) =	sbr.rel .LBB2_15-.Ltmp8, $4  }
0xea: {  	_ = 	snop  }
0xeb: {  	_ =	strace $0x90000053  }
0xec: {  	[bflag:$0x0] =	sbarrier.arrive $0xFFFF  }
0xed: {  	s12 =	simm.s32 $0x0;
	s15 =	simm.s32 $0x0;
	_ =	strace $0x80000054  }
.LBB2_20:
0xee: {  	s15 =	sadd.s32 $0x1, s15  }
0xef: {  	p0 =	sne.s32 s15, $0x4  }
.Ltmp9:
0xf0: {  	_ = 	snop;
	(pc) =	sbr.rel @!p0 .LBB2_21-.Ltmp9, $4  }
0xf1: {  	_ = 	snop  }
0xf2: {  	_ =	swait.ge [sflag:s31], $0x1000  }
0xf3: {  	[sflag:s31] =	ssyncset.done $0x0  }
0xf4: {  	[sflag:s31] =	ssyncadd.s32 $0xFFFFF000  }
.LBB2_15:
0xf5: {  	s17 =	smul.u32 $0x280, s15;
	_ =	sdelay $0x1  }
0xf6: {  	s1 =	sadd.s32 s17, s18  }
0xf7: {  	[tilespmem:s28], [sflag:$0x9] =	stream.linear.gather [hbm4b:s1+s12], $0x1400, $0x200038;
	[tilespmem:$0x11000] =	vst v63  }
0xf8: {  	_ =	swait.ge [sflag:s26], $0x1400  }
0xf9: {  	[sflag:s26] =	ssyncset.done $0x0  }
0xfa: {  	s20 =	simm.s32 $0x0;
	[sflag:s26] =	ssyncadd.s32 $0xFFFFEC00  }
0xfb: {  	v4 =	vld [tilespmem:s20+$0xA000]  }
0xfc: {  	v6 =	vld [tilespmem:s20+$0xA010]  }
0xfd: {  	v5 =	vld [tilespmem:s20+$0xA020]  }
0xfe: {  	v3 =	vld [tilespmem:s20+$0xA030]  }
0xff: {  	v2 =	vld [tilespmem:s20+$0xA040]  }
0x100: {  	v7 =	vadd.s32 v0, v4;
	v4 =	vld [tilespmem:s20+$0xA050]  }
0x101: {  	s4 =	simm.s32 $0x200;
	[tilespmem:s20+$0xA000] =	vst v7;
	v7 =	vadd.s32 v0, v6;
	v6 =	vld [tilespmem:s20+$0xA060]  }
.LBB2_16:
0x102: {  	s1 =	sshra.s32 s4, $0x2;
	p0 =	sne.s32 s4, $0x4E00;
	[tilespmem:s20+$0xA010] =	vst v7;
	v5 =	vadd.s32 v0, v5;
	v7 =	vld [tilespmem:s20+$0xA070]  }
0x103: {  	v8 =	vld [tilespmem:s1+$0xA000];
	[tilespmem:s20+$0xA020] =	vst v5;
	v3 =	vadd.s32 v0, v3  }
0x104: {  	v9 =	vld [tilespmem:s1+$0xA010];
	[tilespmem:s20+$0xA030] =	vst v3;
	v2 =	vadd.s32 v0, v2  }
.Ltmp10:
0x105: {  	v5 =	vld [tilespmem:s1+$0xA020];
	[tilespmem:s20+$0xA040] =	vst v2;
	v2 =	vadd.s32 v0, v4;
	(pc) =	sbr.rel @p0 .LBB2_16-.Ltmp10, $4  }
0x106: {  	v3 =	vld [tilespmem:s1+$0xA030];
	[tilespmem:s20+$0xA050] =	vst v2;
	v4 =	vadd.s32 v0, v6  }
0x107: {  	v2 =	vld [tilespmem:s1+$0xA040];
	[tilespmem:s20+$0xA060] =	vst v4;
	v6 =	vadd.s32 v0, v7  }
0x108: {  	v7 =	vadd.s32 v0, v8;
	v4 =	vld [tilespmem:s1+$0xA050];
	[tilespmem:s20+$0xA070] =	vst v6;
	s20 =	smov.u32 s1  }
0x109: {  	s4 =	sadd.s32 $0x200, s4;
	[tilespmem:s20+$0xA000] =	vst v7;
	v7 =	vadd.s32 v0, v9;
	v6 =	vld [tilespmem:s20+$0xA060]  }
0x10a: {  	[tilespmem:s20+$0xA010] =	vst v7;
	v5 =	vadd.s32 v0, v5;
	v63 =	vld [tilespmem:s20+$0xA070]  }
0x10b: {  	[tilespmem:s20+$0xA020] =	vst v5;
	v3 =	vadd.s32 v0, v3  }
0x10c: {  	[tilespmem:s20+$0xA030] =	vst v3;
	v2 =	vadd.s32 v0, v2  }
0x10d: {  	[tilespmem:s20+$0xA040] =	vst v2;
	v2 =	vadd.s32 v0, v4  }
0x10e: {  	[tilespmem:s20+$0xA050] =	vst v2;
	v2 =	vadd.s32 v0, v6  }
0x10f: {  	[tilespmem:s20+$0xA060] =	vst v2;
	v2 =	vadd.s32 v0, v63  }
0x110: {  	s1 =	sadd.s32 s17, s21;
	s17 =	simm.s32 $0x0;
	[tilespmem:s20+$0xA070] =	vst v2  }
0x111: {  	[tilespmem:s29], [sflag:$0x9] =	stream.linear.gather [hbm4b:s1+s17], $0x1400, $0x200038;
	[tilespmem:$0x11000] =	vst v63  }
0x112: {  	_ =	swait.ge [sflag:s26], $0x1400  }
0x113: {  	[sflag:s26] =	ssyncset.done $0x0  }
0x114: {  	[sflag:s26] =	ssyncadd.s32 $0xFFFFEC00  }
0x115: {  	[tilespmem:s25], [sflag:$0x1] =	stream.indirect.gather [hbm4b:s8+s30], $0x20, s28, s30, $0x2000b8;
	[tilespmem:$0x11000] =	vst v63  }
0x116: {  	s23 =	simm.s32 $0xA080  }
0x117: {  	[tilespmem:s0], [sflag:$0x2] =	stream.indirect.gather [hbm4b:s8+s30], $0x20, s23, s30, $0x2000b8;
	[tilespmem:$0x11000] =	vst v63  }
0x118: {  	s4 =	simm.s32 $0xA100  }
0x119: {  	[tilespmem:s10], [sflag:$0x3] =	stream.indirect.gather [hbm4b:s8+s30], $0x20, s4, s30, $0x2000b8;
	[tilespmem:$0x11000] =	vst v63  }
0x11a: {  	_ =	swait.ge [sflag:s11], $0x1000  }
0x11b: {  	[sflag:s11] =	ssyncset.done $0x0  }
0x11c: {  	[sflag:s11] =	ssyncadd.s32 $0xFFFFF000  }
0x11d: {  	[spmem:s3] =	stream.indirect.scatter.add.f32 [tilespmem:s25], [sflag:$0x5], $0x20, s29, s30, $0x2000b8;
	[tilespmem:$0x11000] =	vst v63  }
0x11e: {  	s7 =	simm.s32 $0xA180  }
0x11f: {  	[tilespmem:s13], [sflag:$0x4] =	stream.indirect.gather [hbm4b:s8+s30], $0x20, s7, s30, $0x2000b8;
	[tilespmem:$0x11000] =	vst v63  }
0x120: {  	_ =	swait.ge [sflag:s14], $0x1000  }
0x121: {  	[sflag:s14] =	ssyncset.done $0x0  }
0x122: {  	s20 =	simm.s32 $0xB480;
	[sflag:s14] =	ssyncadd.s32 $0xFFFFF000  }
0x123: {  	[spmem:s3] =	stream.indirect.scatter.add.f32 [tilespmem:s0], [sflag:$0x6], $0x20, s20, s30, $0x2000b8;
	[tilespmem:$0x11000] =	vst v63  }
0x124: {  	_ =	swait.ge [sflag:s16], $0x1000  }
0x125: {  	[sflag:s16] =	ssyncset.done $0x0  }
0x126: {  	s23 =	simm.s32 $0xA200;
	[sflag:s16] =	ssyncadd.s32 $0xFFFFF000  }
0x127: {  	[tilespmem:s25], [sflag:$0x1] =	stream.indirect.gather [hbm4b:s8+s30], $0x20, s23, s30, $0x2000b8;
	[tilespmem:$0x11000] =	vst v63  }
0x128: {  	_ =	swait.ge [sflag:s19], $0x1000  }
0x129: {  	[sflag:s19] =	ssyncset.done $0x0  }
0x12a: {  	s4 =	simm.s32 $0xB500;
	[sflag:s19] =	ssyncadd.s32 $0xFFFFF000  }
0x12b: {  	[spmem:s3] =	stream.indirect.scatter.add.f32 [tilespmem:s10], [sflag:$0x7], $0x20, s4, s30, $0x2000b8;
	[tilespmem:$0x11000] =	vst v63  }
0x12c: {  	_ =	swait.ge [sflag:s24], $0x1000  }
0x12d: {  	[sflag:s24] =	ssyncset.done $0x0  }
0x12e: {  	s7 =	simm.s32 $0xA280;
	[sflag:s24] =	ssyncadd.s32 $0xFFFFF000  }
0x12f: {  	[tilespmem:s0], [sflag:$0x2] =	stream.indirect.gather [hbm4b:s8+s30], $0x20, s7, s30, $0x2000b8;
	[tilespmem:$0x11000] =	vst v63  }
0x130: {  	_ =	swait.ge [sflag:s6], $0x1000  }
0x131: {  	[sflag:s6] =	ssyncset.done $0x0  }
0x132: {  	s20 =	simm.s32 $0xB580;
	[sflag:s6] =	ssyncadd.s32 $0xFFFFF000  }
0x133: {  	[spmem:s3] =	stream.indirect.scatter.add.f32 [tilespmem:s13], [sflag:$0x8], $0x20, s20, s30, $0x2000b8;
	[tilespmem:$0x11000] =	vst v63  }
0x134: {  	_ =	swait.ge [sflag:s22], $0x1000  }
0x135: {  	[sflag:s22] =	ssyncset.done $0x0  }
0x136: {  	s23 =	simm.s32 $0xA300;
	[sflag:s22] =	ssyncadd.s32 $0xFFFFF000  }
0x137: {  	[tilespmem:s10], [sflag:$0x3] =	stream.indirect.gather [hbm4b:s8+s30], $0x20, s23, s30, $0x2000b8;
	[tilespmem:$0x11000] =	vst v63  }
.LBB2_18:
0x138: {  	_ =	swait.ge [sflag:s11], $0x1000  }
0x139: {  	s20 =	sshra.s32 s17, $0x2;
	[sflag:s11] =	ssyncset.done $0x0  }
0x13a: {  	s1 =	sadd.s32 $0xB600, s20;
	[sflag:s11] =	ssyncadd.s32 $0xFFFFF000  }
0x13b: {  	[spmem:s3] =	stream.indirect.scatter.add.f32 [tilespmem:s25], [sflag:$0x5], $0x20, s1, s30, $0x2000b8;
	[tilespmem:$0x11000] =	vst v63  }
0x13c: {  	_ =	swait.ge [sflag:s31], $0x1000  }
0x13d: {  	[sflag:s31] =	ssyncset.done $0x0  }
0x13e: {  	s4 =	sadd.s32 $0xA380, s20;
	[sflag:s31] =	ssyncadd.s32 $0xFFFFF000  }
0x13f: {  	[tilespmem:s13], [sflag:$0x4] =	stream.indirect.gather [hbm4b:s8+s30], $0x20, s4, s30, $0x2000b8;
	[tilespmem:$0x11000] =	vst v63  }
0x140: {  	_ =	swait.ge [sflag:s14], $0x1000  }
0x141: {  	[sflag:s14] =	ssyncset.done $0x0  }
0x142: {  	s7 =	sadd.s32 $0xB680, s20;
	[sflag:s14] =	ssyncadd.s32 $0xFFFFF000  }
0x143: {  	[spmem:s3] =	stream.indirect.scatter.add.f32 [tilespmem:s0], [sflag:$0x6], $0x20, s7, s30, $0x2000b8;
	[tilespmem:$0x11000] =	vst v63  }
0x144: {  	_ =	swait.ge [sflag:s16], $0x1000  }
0x145: {  	p0 =	seq.s32 s17, $0x4000;
	[sflag:s16] =	ssyncset.done $0x0  }
0x146: {  	s1 =	simm.s32 @p0 $0x3;
	[sflag:s16] =	ssyncadd.s32 $0xFFFFF000  }
0x147: {  	_ =	swait.ge @p0 [sflag:s1], $0x1000  }
0x148: {  	[sflag:s1] =	ssyncset.done @p0 $0x0  }
0x149: {  	[sflag:s1] =	ssyncadd.s32 @p0 $0xFFFFF000;
	s1 =	sshra.s32 @p0 s17, $0x2  }
0x14a: {  	s4 =	simm.s32 @p0 $0x80;
	s7 =	simm.s32 @p0 $0xE800;
	s1 =	sadd.s32 @p0 $0xB700, s1  }
0x14b: {  	[spmem:s3] =	stream.indirect.scatter.add.f32 @p0 [tilespmem:s7], [sflag:$0x7], $0x20, s1, s4, $0x2000b8;
	[tilespmem:$0x11000] =	vst v63  }
0x14c: {  	s1 =	simm.s32 @p0 $0x6  }
0x14d: {  	_ =	swait.ge @p0 [sflag:s1], $0x1000  }
0x14e: {  	[sflag:s1] =	ssyncset.done @p0 $0x0  }
0x14f: {  	[sflag:s1] =	ssyncadd.s32 @p0 $0xFFFFF000;
	s1 =	sshra.s32 @!p0 s17, $0x2  }
0x150: {  	s23 =	simm.s32 @!p0 $0xC800;
	s7 =	simm.s32 @!p0 $0x80;
	s4 =	sadd.s32 @!p0 $0xA400, s1  }
0x151: {  	[tilespmem:s23], [sflag:$0x1] =	stream.indirect.gather @!p0 [hbm4b:s8+s7], $0x20, s4, s7, $0x2000b8;
	[tilespmem:$0x11000] =	vst v63  }
0x152: {  	s4 =	simm.s32 @!p0 $0x3  }
0x153: {  	_ =	swait.ge @!p0 [sflag:s4], $0x1000  }
0x154: {  	[sflag:s4] =	ssyncset.done @!p0 $0x0  }
0x155: {  	s23 =	simm.s32 @!p0 $0xE800;
	[sflag:s4] =	ssyncadd.s32 @!p0 $0xFFFFF000;
	s4 =	sadd.s32 @!p0 $0xB700, s1  }
0x156: {  	[spmem:s3] =	stream.indirect.scatter.add.f32 @!p0 [tilespmem:s23], [sflag:$0x7], $0x20, s4, s7, $0x2000b8;
	[tilespmem:$0x11000] =	vst v63  }
0x157: {  	s4 =	simm.s32 @!p0 $0x6  }
0x158: {  	_ =	swait.ge @!p0 [sflag:s4], $0x1000  }
0x159: {  	[sflag:s4] =	ssyncset.done @!p0 $0x0  }
0x15a: {  	s1 =	sadd.s32 @!p0 $0xA480, s1;
	[sflag:s4] =	ssyncadd.s32 @!p0 $0xFFFFF000;
	s4 =	simm.s32 @!p0 $0xD800  }
0x15b: {  	[tilespmem:s4], [sflag:$0x2] =	stream.indirect.gather @!p0 [hbm4b:s8+s7], $0x20, s1, s7, $0x2000b8;
	[tilespmem:$0x11000] =	vst v63  }
0x15c: {  	_ =	swait.ge [sflag:s6], $0x1000  }
0x15d: {  	[sflag:s6] =	ssyncset.done $0x0  }
.Ltmp11:
0x15e: {  	s23 =	sadd.s32 $0xB780, s20;
	[sflag:s6] =	ssyncadd.s32 $0xFFFFF000;
	(pc) =	sbr.rel @p0 .LBB2_20-.Ltmp11, $4  }
0x15f: {  	[spmem:s3] =	stream.indirect.scatter.add.f32 [tilespmem:s13], [sflag:$0x8], $0x20, s23, s30, $0x2000b8;
	[tilespmem:$0x11000] =	vst v63  }
0x160: {  	_ =	swait.ge [sflag:s22], $0x1000  }
0x161: {  	[sflag:s22] =	ssyncset.done $0x0  }
0x162: {  	[sflag:s22] =	ssyncadd.s32 $0xFFFFF000  }
.Ltmp12:
0x163: {  	(pc) =	sbr.rel .LBB2_18-.Ltmp12, $3  }
0x164: {  	_ =	sdelay $0x1  }
0x165: {  	s1 =	sadd.s32 $0xA500, s20;
	s17 =	sadd.s32 $0x800, s17  }
0x166: {  	[tilespmem:s10], [sflag:$0x3] =	stream.indirect.gather [hbm4b:s8+s30], $0x20, s1, s30, $0x2000b8;
	[tilespmem:$0x11000] =	vst v63  }
.LBB2_21:
0x167: {  	_ =	strace $0x90000054  }
0x168: {  	[bflag:$0x0] =	sbarrier.arrive $0xFFFF  }
0x169: {  	s12 =	simm.s32 $0x0;
	s15 =	simm.s32 $0x0;
	_ =	strace $0x80000055  }
.LBB2_22:
0x16a: {  	s1 =	sshll.u32 s15, $0x7  }
0x16b: {  	s17 =	sadd.s32 s9, s1  }
0x16c: {  	s4 =	rddreg [dreg:$0x6];
	s1 =	sshll.u32 s17, $0x1  }
0x16d: {  	s7 =	simm.s32 $0x10800;
	s1 =	sadd.s32 s4, s1  }
0x16e: {  	[tilespmem:s7], [sflag:$0x9] =	stream.linear.gather [hbm4b:s1+s12], $0x800, $0x200038;
	[tilespmem:$0x11000] =	vst v63  }
0x16f: {  	s20 =	sshll.u32 s17, $0x5;
	_ =	swait.ge [sflag:s26], $0x800  }
0x170: {  	s1 =	sand.u32 $0x3FFFFFE0, s20;
	[sflag:s26] =	ssyncset.done $0x0  }
0x171: {  	s1 =	sadd.s32 s1, s3;
	[sflag:s26] =	ssyncadd.s32 $0xFFFFF800  }
0x172: {  	[tilespmem:s25], [sflag:$0x9] =	stream.linear.gather [spmem:s1], $0x1000, $0x200038;
	[tilespmem:$0x11000] =	vst v63  }
0x173: {  	_ =	swait.ge [sflag:s26], $0x1000  }
0x174: {  	[sflag:s26] =	ssyncset.done $0x0  }
0x175: {  	s4 =	simm.s32 $0xC810;
	[sflag:s26] =	ssyncadd.s32 $0xFFFFF000  }
0x176: {  	s23 =	simm.s32 $0x0;
	v2 =	vld [tilespmem:s4+$0xFFFFFFF0]  }
0x177: {  	v4 =	vld [tilespmem:s23+$0x10800]  }
0x178: {  	v5 =	vld [tilespmem:s4+$0x0];
	_ =	sdelay $0x4  }
0x179: {  	s20 =	simm.s32 $0x40;
	s7 =	simm.s32 $0xC810;
	v3 =	vmul.f32 v2, v4;
	v2 =	vmul.f32 v5, v4  }
.LBB2_23:
0x17a: {  	p0 =	sne.s32 s20, $0x1FC0  }
0x17b: {  	[tilespmem:s4+$0xFFFFFFF0] =	vst v3;
	s7 =	sadd.s32 $0x20, s7;
	s1 =	smov.u32 s20;
	s20 =	sadd.s32 $0x40, s20  }
0x17c: {  	s1 =	sshra.s32 s1, $0x2;
	v3 =	vld [tilespmem:s7+$0xFFFFFFF0];
	[tilespmem:s4+$0x0] =	vst v2;
	s4 =	smov.u32 s7  }
0x17d: {  	v2 =	vld [tilespmem:s1+$0x10800]  }
0x17e: {  	v4 =	vld [tilespmem:s7+$0x0]  }
.Ltmp13:
0x17f: {  	(pc) =	sbr.rel @p0 .LBB2_23-.Ltmp13, $3  }
0x180: {  	_ =	sdelay $0x1  }
0x181: {  	v3 =	vmul.f32 v3, v2  }
0x182: {  	v2 =	vmul.f32 v4, v2  }
0x183: {  	s15 =	sadd.s32 $0x1, s15  }
0x184: {  	[tilespmem:s4+$0xFFFFFFF0] =	vst v3;
	s1 =	sshll.u32 s17, $0x2;
	s20 =	rddreg [dreg:$0x12];
	p0 =	sne.s32 s15, $0x5  }
.Ltmp14:
0x185: {  	s23 =	simm.s32 $0x0;
	[tilespmem:s4+$0x0] =	vst v2;
	s1 =	sadd.s32 s1, s20;
	(pc) =	sbr.rel @p0 .LBB2_22-.Ltmp14, $4  }
0x186: {  	[hbm4b:s1+s23] =	stream.linear.scatter [tilespmem:s25], [sflag:$0x9], $0x1000, $0x200038;
	[tilespmem:$0x11000] =	vst v63  }
0x187: {  	_ =	swait.ge [sflag:s26], $0x1000  }
0x188: {  	[sflag:s26] =	ssyncset.done $0x0  }
0x189: {  	[sflag:s26] =	ssyncadd.s32 $0xFFFFF000  }
0x18a: {  	s4 =	rddreg [dreg:$0x14]  }
0x18b: {  	s1 =	rddreg [dreg:$0x13];
	s4 =	sadd.s32 $0x1, s4  }
0x18c: {  	p0 =	sne.s32 s4, s1  }
.Ltmp15:
0x18d: {  	_ = 	snop;
	(pc) =	sbr.rel @p0 .LBB2_1-.Ltmp15, $2  }
0x18e: {  	_ =	sdelay $0x2  }
0x18f: {  	_ =	strace $0x90000055  }
0x190: {  	_ =	sfence.sel $0x180000  }
0x191: {  	[bflag:$0x0] =	sbarrier.arrive $0xFFFF  }
0x192: {  	_ =	strace $0x90000051  }
0x193: {  	s0 =	stileid.u32;
	[bflag:$0x2] =	sbarrier.arrive $0xFFFF  }
0x194: {  	p0 =	sne.s32 s0, $0x0;
	s0 =	rddreg [dreg:$0x4]  }
0x195: {  	s0 =	sadd.s32 @!p0 $0x100000, s0  }
0x196: {  	[sflag:s0] =	ssyncadd.tile.s32 @!p0 $0x1;
	_ =	shalt  }
.Lfunc_end2:
_tile_overlayer_lowered:
.L_overlay_start_2:
0x197: {  	(tag) =	ssettag $0x2  }
0x198: {  	s0 =	rddreg [dreg:$0x0];
	s2 =	stileid.u32  }
0x199: {  	s1 =	rddreg [dreg:$0x1];
	p0 =	sne.s32 s2, $0x0  }
0x19a: {  	s3 =	rddreg [dreg:$0x2];
	[bflag:$0x3] =	sbarrier.arrive $0xFFFF;
	s2 =	simm.s32 @!p0 $0x1C09  }
0x19b: {  	[timem:s3], [sflag:s2] =	dma.local @!p0 [hbm:s0], s1  }
0x19c: {  	s0 =	simm.s32 @!p0 $0x9  }
0x19d: {  	_ =	swait.ge @!p0 [sflag:s0], s1  }
0x19e: {  	s1 =	ssub.s32 @!p0 $0x0, s1;
	[sflag:s0] =	ssyncset.done @!p0 $0x0  }
0x19f: {  	[sflag:s0] =	ssyncadd.s32 @!p0 s1  }
0x1a0: {  	[bflag:$0x3] =	sbarrier.arrive $0xFFFF  }
0x1a1: {  	_ =	shalt  }

// kernel: kernel.7.cloned.1.call-start
scs
__scs_entry_jumppad:
0x0: {  	(pc) =	sbr.rel $0x88, $3  }
0x1: {  	(tag) =	ssettag $0x0;
	lr =	simm.s32 $0x1  }
0x2: {  	[smem:$0x3F9B] =	sst lr;
	_ =	strace $0xD0000000  }
0x3: {  	_ = 	snop  }
0x4: {  	_ = 	snop  }
0x5: {  	_ = 	snop  }
0x6: {  	_ = 	snop  }
0x7: {  	_ = 	snop  }
__scs_overlays_trampoline_lowered:
0x8: {  	[smem:$0x3FAA] =	sst s0  }
0x9: {  	[smem:$0x3FAB] =	sst s1  }
0xa: {  	[smem:$0x3FAC] =	sst s2  }
0xb: {  	[smem:$0x3FAD] =	sst s3  }
0xc: {  	[smem:$0x3FAE] =	sst s4  }
0xd: {  	[smem:$0x3FAF] =	sst s5  }
0xe: {  	[smem:$0x3FB0] =	sst s6  }
0xf: {  	[smem:$0x3FB1] =	sst s7  }
0x10: {  	[smem:$0x3FB2] =	sst s8  }
0x11: {  	[smem:$0x3FB3] =	sst s9;
	s0 =	simm.s32 @!p0 $0x0  }
0x12: {  	s1 =	sld [smem:$0x3F99];
	s0 =	simm.s32 @p0 $0x1  }
0x13: {  	[smem:$0x3FB4] =	sst s0;
	s0 =	simm.s32 @!p1 $0x0  }
0x14: {  	s2 =	sld [smem:$0x3F98];
	s0 =	simm.s32 @p1 $0x1  }
0x15: {  	[smem:$0x3FB5] =	sst s0;
	s0 =	simm.s32 @!p2 $0x0  }
0x16: {  	s3 =	sld [smem:$0x3FDB];
	s0 =	simm.s32 @p2 $0x1  }
0x17: {  	s4 =	simm.s32 $0x1BF5;
	[smem:$0x3FB7] =	sst s0  }
0x18: {  	s0 =	sld [smem:$0x3F9A];
	_ =	swait.ge [sflag:s4], $0x0  }
0x19: {  	s7 =	sld [smem:$0x3F9B]  }
0x1a: {  	s8 =	sadd.s32 $0xFFFFE003, lr  }
0x1b: {  	s9 =	sadd.s32 $0xFFFFFEF7, lr;
	s5 =	simm.s32 $0xFFFFFFFF;
	p2 =	slt.u32 s8, $0xFFFFF086  }
0x1c: {  	p1 =	slt.u32 s9, $0xF7A;
	s5 =	simm.s32 @!p2 $0x0  }
0x1d: {  	s5 =	simm.s32 @p1 $0x1;
	p0 =	seq.s32 s7, s2  }
0x1e: {  	s7 =	smul.u32 @!p0 $0xF7A, s2;
	p2 =	seq.s32 @!p0 s5, $0x0  }
0x1f: {  	s9 =	smul.u32 $0xF7A, s1;
	s8 =	simm.s32 @!p0 $0x1BF5;
	p2 =	por !p2, p0  }
0x20: {  	[sflag:s8] =	ssyncset.s32 @!p0 $0xFFFFF086;
	s6 =	sadd.s32 @!p0 s3, s7;
	s7 =	simm.s32 @!p0 $0x108  }
0x21: {  	s3 =	sadd.s32 s3, s9;
	s6 =	sadd.s32 @!p0 $0x88, s6;
	s7 =	simm.s32 @p2 $0x1082  }
0x22: {  	[simem:s7], [sflag:s8] =	dma.local @!p0 [hbm:s6], $0xF7A  }
0x23: {  	s9 =	sor.u32 $0xD0000000, s2;
	s6 =	simm.s32 $0x108;
	_ =	swait.ge @!p0 [sflag:s8], $0x0  }
0x24: {  	s3 =	sadd.s32 $0x88, s3;
	s6 =	simm.s32 @!p1 $0x1082;
	[sflag:s4] =	ssyncset.s32 $0xFFFFF086  }
0x25: {  	[simem:s6], [sflag:s4] =	dma.local [hbm:s3], $0xF7A  }
0x26: {  	[smem:$0x3F9B] =	sst s1;
	(tag) =	ssettag s2;
	_ =	strace s9  }
0x27: {  	s1 =	sld [smem:$0x3FAB]  }
0x28: {  	s2 =	sld [smem:$0x3FAC]  }
0x29: {  	s4 =	sld [smem:$0x3FAE]  }
0x2a: {  	p0 =	seq.s32 s5, $0x0;
	s5 =	sld [smem:$0x3FAF]  }
0x2b: {  	s6 =	sld [smem:$0x3FB0]  }
0x2c: {  	s7 =	sld [smem:$0x3FB1]  }
0x2d: {  	s3 =	simm.s32 $0x108;
	s8 =	sld [smem:$0x3FB2]  }
0x2e: {  	s3 =	simm.s32 @!p0 $0x1082;
	s9 =	sld [smem:$0x3FB3]  }
0x2f: {  	lr =	sadd.s32 s0, s3;
	s0 =	sld [smem:$0x3FAA]  }
0x30: {  	s3 =	sld [smem:$0x3FAD]  }
0x31: {  	[smem:$0x3FB6] =	sst s10  }
0x32: {  	s10 =	sld [smem:$0x3FB4];
	_ =	sdelay $0x3  }
0x33: {  	p0 =	seq.s32 s10, $0x1;
	s10 =	sld [smem:$0x3FB6];
	_ =	sdelay $0x3  }
0x34: {  	[smem:$0x3FB6] =	sst s10  }
0x35: {  	s10 =	sld [smem:$0x3FB5];
	_ =	sdelay $0x3  }
0x36: {  	p1 =	seq.s32 s10, $0x1;
	s10 =	sld [smem:$0x3FB6];
	_ =	sdelay $0x3  }
0x37: {  	[smem:$0x3FB6] =	sst s10  }
0x38: {  	s10 =	sld [smem:$0x3FB7]  }
0x39: {  	_ = 	snop;
	(pc) =	sbr.ind lr, $3  }
0x3a: {  	_ = 	snop  }
0x3b: {  	_ = 	snop  }
0x3c: {  	p2 =	seq.s32 s10, $0x1;
	s10 =	sld [smem:$0x3FB6]  }
0x3d: {  	_ =	shalt  }
0x3e: {  	_ =	shalt  }
0x3f: {  	_ =	shalt  }
0x40: {  	_ =	shalt  }
0x41: {  	_ =	shalt  }
0x42: {  	_ =	shalt  }
0x43: {  	_ =	shalt  }
0x44: {  	_ =	shalt  }
0x45: {  	_ =	shalt  }
0x46: {  	_ =	shalt  }
0x47: {  	_ =	shalt  }
0x48: {  	_ =	shalt  }
0x49: {  	_ =	shalt  }
0x4a: {  	_ =	shalt  }
0x4b: {  	_ =	shalt  }
0x4c: {  	_ =	shalt  }
0x4d: {  	_ =	shalt  }
0x4e: {  	_ =	shalt  }
0x4f: {  	_ =	shalt  }
0x50: {  	_ =	shalt  }
0x51: {  	_ =	shalt  }
0x52: {  	_ =	shalt  }
0x53: {  	_ =	shalt  }
0x54: {  	_ =	shalt  }
0x55: {  	_ =	shalt  }
0x56: {  	_ =	shalt  }
0x57: {  	_ =	shalt  }
0x58: {  	_ =	shalt  }
0x59: {  	_ =	shalt  }
0x5a: {  	_ =	shalt  }
0x5b: {  	_ =	shalt  }
0x5c: {  	_ =	shalt  }
0x5d: {  	_ =	shalt  }
0x5e: {  	_ =	shalt  }
0x5f: {  	_ =	shalt  }
0x60: {  	_ =	shalt  }
0x61: {  	_ =	shalt  }
0x62: {  	_ =	shalt  }
0x63: {  	_ =	shalt  }
0x64: {  	_ =	shalt  }
0x65: {  	_ =	shalt  }
0x66: {  	_ =	shalt  }
0x67: {  	_ =	shalt  }
0x68: {  	_ =	shalt  }
0x69: {  	_ =	shalt  }
0x6a: {  	_ =	shalt  }
0x6b: {  	_ =	shalt  }
0x6c: {  	_ =	shalt  }
0x6d: {  	_ =	shalt  }
0x6e: {  	_ =	shalt  }
0x6f: {  	_ =	shalt  }
0x70: {  	_ =	shalt  }
0x71: {  	_ =	shalt  }
0x72: {  	_ =	shalt  }
0x73: {  	_ =	shalt  }
0x74: {  	_ =	shalt  }
0x75: {  	_ =	shalt  }
0x76: {  	_ =	shalt  }
0x77: {  	_ =	shalt  }
0x78: {  	_ =	shalt  }
0x79: {  	_ =	shalt  }
0x7a: {  	_ =	shalt  }
0x7b: {  	_ =	shalt  }
0x7c: {  	_ =	shalt  }
0x7d: {  	_ =	shalt  }
0x7e: {  	_ =	shalt  }
0x7f: {  	_ =	shalt  }
0x80: {  	_ =	shalt  }
0x81: {  	_ =	shalt  }
0x82: {  	_ =	shalt  }
0x83: {  	_ =	shalt  }
0x84: {  	_ =	shalt  }
0x85: {  	_ =	shalt  }
0x86: {  	_ =	shalt  }
0x87: {  	_ =	shalt  }
.Lfunc_end0:
.L_simem_size_0:
called_computation_lowered:
.L_overlay_start_0:
0x88: {  	s2 =	sld [smem:$0x3FD9]  }
0x89: {  	s3 =	sld [smem:$0x3FFE];
	_ =	sdelay $0x1  }
0x8a: {  	s1 =	srdreg.scid  }
0x8b: {  	s0 =	sand.u32 $0x1, s1  }
0x8c: {  	s17 =	sshll.u32 s0, $0xA;
	s2 =	sadd.s32 s3, s2  }
0x8d: {  	s2 =	sadd.s32 s2, s17  }
0x8e: {  	[smem:$0x3FC2] =	sst s2  }
0x8f: {  	_ = 	snop  }
0x90: {  	s2 =	sld [smem:$0x3FD0];
	(tm) =	ssettm $0x1  }
0x91: {  	s18 =	sld [smem:$0x3FFB];
	_ =	sdelay $0x3  }
0x92: {  	_ =	strace s18  }
0x93: {  	s3 =	sld [smem:$0x3FFC];
	_ =	sdelay $0x3  }
0x94: {  	_ =	strace s3  }
0x95: {  	s3 =	sld [smem:$0x3FFD];
	_ =	sdelay $0x3  }
0x96: {  	_ =	strace s3  }
0x97: {  	_ =	strace $0x8FFFFFFF  }
0x98: {  	s19 =	sld [smem:$0x3FDB];
	_ =	sdelay $0x1  }
0x99: {  	s4 =	simm.s32 $_scs_section_size  }
0x9a: {  	s5 =	simm.s32 $_size__tile_overlayer_lowered;
	s6 =	simm.s32 $_tile_overlayer_lowered  }
0x9b: {  	s22 =	simm.s32 $0x1BFF;
	s21 =	sshll.u32 s6, $0x1;
	s3 =	sadd.s32 s4, s19  }
0x9c: {  	s7 =	simm.s32 $0x0;
	s20 =	sshll.u32 s5, $0x1;
	s5 =	sadd.s32 s21, s3  }
0x9d: {  	[timem:s7], [sflag:s22] =	dma.local [hbm:s5], s20  }
0x9e: {  	_ =	swait.ge [sflag:s22], s20  }
0x9f: {  	s4 =	ssub.s32 $0x0, s20;
	[sflag:s22] =	ssyncset.done $0x0  }
0xa0: {  	[sflag:s22] =	ssyncadd.s32 s4;
	_ =	sdelay $0x1  }
0xa1: {  	s23 =	simm.s32 $0x1B8B  }
0xa2: {  	_ =	swait.ge [sflag:s23], $0x1  }
0xa3: {  	[sflag:s23] =	ssyncset.done $0x0  }
0xa4: {  	s25 =	simm.s32 $0x1B8E;
	s24 =	sld [smem:$0x3FFE];
	[sflag:s23] =	ssyncadd.s32 $0xFFFFFFFF  }
0xa5: {  	s26 =	simm.s32 $execute0_lowered;
	[smem:$0x3FD2] =	sst s25  }
0xa6: {  	s5 =	sshll.u32 s26, $0x1;
	_ =	strace $0x80000046;
	[dreg:$0x1] =	wrdreg $0xFFFFFFFF  }
0xa7: {  	s28 =	simm.s32 $_size_execute0_lowered;
	s3 =	sadd.s32 s3, s5;
	[dreg:$0x0] =	wrdreg $0x0  }
0xa8: {  	s5 =	sshll.u32 s28, $0x1;
	[dreg:$0x2] =	wrdreg s3  }
0xa9: {  	[dreg:$0x3] =	wrdreg s5  }
0xaa: {  	[dreg:$0x4] =	wrdreg $0xC0  }
0xab: {  	_ =	task [dreg:s7], $0x5FFFF  }
0xac: {  	[dreg:$0x1] =	wrdreg $0xFFFFFFFF  }
0xad: {  	[dreg:$0x0] =	wrdreg $0x60  }
0xae: {  	[dreg:$0x2] =	wrdreg s24  }
0xaf: {  	[dreg:$0x3] =	wrdreg s2  }
0xb0: {  	[dreg:$0x4] =	wrdreg $0x0  }
0xb1: {  	[dreg:$0x5] =	wrdreg $0x9  }
0xb2: {  	_ =	task.clear_ibuf [dreg:s7], $0x6FFFF;
	_ =	strace $0x90000046  }
0xb3: {  	s29 =	simm.s32 $0x9;
	_ =	strace $0x80000048  }
0xb4: {  	_ =	swait.ge [sflag:s29], $0x1  }
0xb5: {  	[sflag:s29] =	ssyncadd.s32 $0xFFFFFFFF  }
0xb6: {  	_ =	strace $0x90000048  }
0xb7: {  	_ =	sfence  }
0xb8: {  	s30 =	sld [smem:$0x0];
	_ =	sdelay $0x2  }
0xb9: {  	s31 =	sshll.u32 s1, $0xD;
	s1 =	sshrl.u32 s1, $0x2  }
0xba: {  	s3 =	sand.u32 $0x4000, s31;
	s1 =	sadd.s32 s1, s30  }
0xbb: {  	s0 =	sor.u32 s3, s0;
	s1 =	sshll.u32 s1, $0x11  }
0xbc: {  	s0 =	sor.u32 s1, s0  }
0xbd: {  	s0 =	sadd.s32 $0x8F2B, s0  }
0xbe: {  	[sflag:s0] =	ssyncadd.remote.s32 $0x1  }
0xbf: {  	_ =	sfence.sel $0xFFFF  }
0xc0: {  	[dreg:$0x0] =	wrdreg $0xFFFFFFFF;
	(pc) =	sbr.abs _section_cstart, $3  }
0xc1: {  	[dreg:$0x1] =	wrdreg $0xFFFFFFFF  }
0xc2: {  	_ =	task.clear_ibuf [dreg:s7], $0x2FFFF;
	_ =	strace $0x9FFFFFFF  }
0xc3: {  	(tm) =	ssettm $0x7FFFFFFF  }
tec
execute0_lowered:
.L_overlay_start_1:
0x0: {  	(tag) =	ssettag $0x1  }
0x1: {  	s4 =	rddreg [dreg:$0x0]  }
0x2: {  	s11 =	rddreg [dreg:$0x1]  }
0x3: {  	s1 =	rddreg [dreg:$0x2]  }
0x4: {  	s0 =	rddreg [dreg:$0x3];
	s2 =	simm.s32 $0x0  }
0x5: {  	s5 =	srdreg.scid;
	s3 =	stileid.u32;
	s16 =	simm.s32 $0x7800  }
0x6: {  	s17 =	simm.s32 $0x2880;
	s18 =	simm.s32 $0x2900;
	s19 =	simm.s32 $0x2980  }
0x7: {  	s20 =	simm.s32 $0x1;
	s21 =	simm.s32 $0x2;
	s22 =	simm.s32 $0x3  }
0x8: {  	s23 =	simm.s32 $0x4;
	s24 =	simm.s32 $0x8800;
	s25 =	simm.s32 $0x0  }
0x9: {  	[smem:$0x7FF] =	sst s2;
	s12 =	sadd.s32 $0x2400, s4;
	s7 =	smul.u32 $0xA000, s3  }
0xa: {  	s5 =	sand.u32 $0x1, s5;
	s9 =	sadd.s32 $0xC400, s4;
	s13 =	smul.u32 $0x2800, s3  }
0xb: {  	s10 =	sadd.s32 $0x11400, s4;
	s15 =	smul.u32 $0xA00, s3;
	s6 =	ssub.s32 $0x2, s5  }
0xc: {  	_ =	strace $0x80000047;
	p0 =	seq.s32 s5, $0x0;
	s30 =	sshrl.u32 s6, $0x1  }
0xd: {  	s31 =	sshrl.u32 s7, $0x2;
	s4 =	sadd.s32 s13, s1;
	s13 =	sshrl.u32 s13, $0x3  }
0xe: {  	s10 =	smov.u32 @p0 s9;
	s12 =	smov.u32 @p0 s11;
	s14 =	ssub.s32 s6, s30  }
0xf: {  	s8 =	sadd.s32 s31, s1;
	s10 =	sadd.s32 s10, s13;
	s11 =	sadd.s32 s12, s15  }
0x10: {  	s12 =	simm.s32 $0x2800;
	s13 =	simm.s32 $0x5;
	s15 =	simm.s32 $0x80  }
0x11: {  	s5 =	sadd.s32 $0x800, s8;
	s6 =	sadd.s32 $0x1000, s8;
	s7 =	sadd.s32 $0x1800, s8  }
0x12: {  	v0 =	vimm.f32 $1.000000000e+00;
	v1 =	vimm.f32 $0.0e+00;
	s8 =	sadd.s32 $0x2000, s8;
	s9 =	smax.u32 s14, $0x1;
	s14 =	simm.s32 $0x8000  }
.LBB2_1:
0x13: {  	s26 =	simm.s32 $0x0  }
.LBB2_2:
0x14: {  	p0 =	sne.s32 s26, $0x1FC0  }
.Ltmp0:
0x15: {  	_ = 	snop;
	(pc) =	sbr.rel @p0 .LBB2_2-.Ltmp0, $3  }
0x16: {  	_ =	sdelay $0x1  }
0x17: {  	s28 =	sshra.s32 s26, $0x2  }
0x18: {  	s26 =	sadd.s32 $0x40, s26;
	[tilespmem:s28+$0x7800] =	vst v0  }
0x19: {  	s26 =	simm.s32 $0x40;
	s28 =	simm.s32 $0x0  }
.LBB2_4:
0x1a: {  	p0 =	sne.s32 s26, $0x1FC0;
	[tilespmem:s28+$0x8000] =	vst v1;
	s28 =	smov.u32 s26;
	s26 =	sadd.s32 $0x40, s26  }
.Ltmp1:
0x1b: {  	(pc) =	sbr.rel @p0 .LBB2_4-.Ltmp1, $2  }
0x1c: {  	_ =	sdelay $0x2  }
0x1d: {  	s28 =	sshra.s32 s28, $0x2  }
0x1e: {  	[tilespmem:s28+$0x8000] =	vst v1  }
0x1f: {  	[tilespmem:s12], [sflag:$0x5] =	stream.linear.gather [hbm4b:s11+s2], $0x5000, $0x38;
	[tilespmem:$0xB000] =	vst v63  }
0x20: {  	_ =	swait.ge [sflag:s13], $0x5000  }
0x21: {  	[sflag:s13] =	ssyncset.done $0x0  }
0x22: {  	[sflag:s13] =	ssyncadd.s32 $0xFFFFB000  }
0x23: {  	[spmem:s4] =	stream.linear.scatter [tilespmem:s14], [sflag:$0x5], $0x800, $0x38;
	[tilespmem:$0xB000] =	vst v63  }
0x24: {  	_ =	swait.ge [sflag:s13], $0x800  }
0x25: {  	[sflag:s13] =	ssyncset.done $0x0  }
0x26: {  	[sflag:s13] =	ssyncadd.s32 $0xFFFFF800  }
0x27: {  	[spmem:s5] =	stream.linear.scatter [tilespmem:s14], [sflag:$0x5], $0x800, $0x38;
	[tilespmem:$0xB000] =	vst v63  }
0x28: {  	_ =	swait.ge [sflag:s13], $0x800  }
0x29: {  	[sflag:s13] =	ssyncset.done $0x0  }
0x2a: {  	[sflag:s13] =	ssyncadd.s32 $0xFFFFF800  }
0x2b: {  	[spmem:s6] =	stream.linear.scatter [tilespmem:s14], [sflag:$0x5], $0x800, $0x38;
	[tilespmem:$0xB000] =	vst v63  }
0x2c: {  	_ =	swait.ge [sflag:s13], $0x800  }
0x2d: {  	[sflag:s13] =	ssyncset.done $0x0  }
0x2e: {  	[sflag:s13] =	ssyncadd.s32 $0xFFFFF800  }
0x2f: {  	[spmem:s7] =	stream.linear.scatter [tilespmem:s14], [sflag:$0x5], $0x800, $0x38;
	[tilespmem:$0xB000] =	vst v63  }
0x30: {  	_ =	swait.ge [sflag:s13], $0x800  }
0x31: {  	[sflag:s13] =	ssyncset.done $0x0  }
0x32: {  	[sflag:s13] =	ssyncadd.s32 $0xFFFFF800  }
0x33: {  	[spmem:s8] =	stream.linear.scatter [tilespmem:s14], [sflag:$0x5], $0x800, $0x38;
	[tilespmem:$0xB000] =	vst v63  }
0x34: {  	_ =	swait.ge [sflag:s13], $0x800  }
0x35: {  	[sflag:s13] =	ssyncset.done $0x0  }
0x36: {  	[sflag:s13] =	ssyncadd.s32 $0xFFFFF800  }
0x37: {  	[bflag:$0x0] =	sbarrier.arrive $0xFFFF  }
0x38: {  	[spmem:s1] =	stream.indirect.scatter.add.f32 [tilespmem:s16], [sflag:$0x1], $0x10, s12, s15, $0xb8;
	[tilespmem:$0xB000] =	vst v63  }
0x39: {  	_ = 	snop  }
0x3a: {  	[spmem:s1] =	stream.indirect.scatter.add.f32 [tilespmem:s16], [sflag:$0x2], $0x10, s17, s15, $0xb8;
	[tilespmem:$0xB000] =	vst v63  }
0x3b: {  	_ = 	snop  }
0x3c: {  	[spmem:s1] =	stream.indirect.scatter.add.f32 [tilespmem:s16], [sflag:$0x3], $0x10, s18, s15, $0xb8;
	[tilespmem:$0xB000] =	vst v63  }
0x3d: {  	_ = 	snop  }
0x3e: {  	[spmem:s1] =	stream.indirect.scatter.add.f32 [tilespmem:s16], [sflag:$0x4], $0x10, s19, s15, $0xb8;
	[tilespmem:$0xB000] =	vst v63  }
0x3f: {  	_ =	swait.ge [sflag:s20], $0x800  }
0x40: {  	[sflag:s20] =	ssyncset.done $0x0  }
0x41: {  	s26 =	simm.s32 $0x2A00;
	[sflag:s20] =	ssyncadd.s32 $0xFFFFF800  }
0x42: {  	[spmem:s1] =	stream.indirect.scatter.add.f32 [tilespmem:s16], [sflag:$0x1], $0x10, s26, s15, $0xb8;
	[tilespmem:$0xB000] =	vst v63  }
0x43: {  	_ =	swait.ge [sflag:s21], $0x800  }
0x44: {  	[sflag:s21] =	ssyncset.done $0x0  }
0x45: {  	s30 =	simm.s32 $0x2A80;
	[sflag:s21] =	ssyncadd.s32 $0xFFFFF800  }
0x46: {  	[spmem:s1] =	stream.indirect.scatter.add.f32 [tilespmem:s16], [sflag:$0x2], $0x10, s30, s15, $0xb8;
	[tilespmem:$0xB000] =	vst v63  }
0x47: {  	_ =	swait.ge [sflag:s22], $0x800  }
0x48: {  	[sflag:s22] =	ssyncset.done $0x0  }
0x49: {  	s31 =	simm.s32 $0x2B00;
	[sflag:s22] =	ssyncadd.s32 $0xFFFFF800  }
0x4a: {  	[spmem:s1] =	stream.indirect.scatter.add.f32 [tilespmem:s16], [sflag:$0x3], $0x10, s31, s15, $0xb8;
	[tilespmem:$0xB000] =	vst v63  }
0x4b: {  	_ =	swait.ge [sflag:s23], $0x800  }
0x4c: {  	[sflag:s23] =	ssyncset.done $0x0  }
0x4d: {  	s28 =	simm.s32 $0x2B80;
	s26 =	simm.s32 $0xFFFED000;
	[sflag:s23] =	ssyncadd.s32 $0xFFFFF800  }
.LBB2_6:
0x4e: {  	[spmem:s1] =	stream.indirect.scatter.add.f32 [tilespmem:s16], [sflag:$0x4], $0x10, s28, s15, $0xb8;
	[tilespmem:$0xB000] =	vst v63  }
0x4f: {  	s28 =	smov.u32 s26  }
0x50: {  	p0 =	sne.s32 s26, $0xFFFFF800;
	s26 =	sadd.s32 $0x800, s26;
	_ =	swait.ge [sflag:s20], $0x800  }
0x51: {  	s28 =	sshra.s32 s28, $0x2;
	[sflag:s20] =	ssyncset.done $0x0  }
0x52: {  	s29 =	sadd.s32 $0x7800, s28;
	[sflag:s20] =	ssyncadd.s32 $0xFFFFF800  }
0x53: {  	[spmem:s1] =	stream.indirect.scatter.add.f32 [tilespmem:s16], [sflag:$0x1], $0x10, s29, s15, $0xb8;
	[tilespmem:$0xB000] =	vst v63  }
0x54: {  	_ =	swait.ge [sflag:s21], $0x800  }
0x55: {  	[sflag:s21] =	ssyncset.done $0x0  }
0x56: {  	s29 =	sadd.s32 $0x7880, s28;
	[sflag:s21] =	ssyncadd.s32 $0xFFFFF800  }
0x57: {  	[spmem:s1] =	stream.indirect.scatter.add.f32 [tilespmem:s16], [sflag:$0x2], $0x10, s29, s15, $0xb8;
	[tilespmem:$0xB000] =	vst v63  }
0x58: {  	_ =	swait.ge [sflag:s22], $0x800  }
0x59: {  	[sflag:s22] =	ssyncset.done $0x0  }
.Ltmp2:
0x5a: {  	s29 =	sadd.s32 $0x7900, s28;
	[sflag:s22] =	ssyncadd.s32 $0xFFFFF800;
	(pc) =	sbr.rel @p0 .LBB2_6-.Ltmp2, $4  }
0x5b: {  	[spmem:s1] =	stream.indirect.scatter.add.f32 [tilespmem:s16], [sflag:$0x3], $0x10, s29, s15, $0xb8;
	[tilespmem:$0xB000] =	vst v63  }
0x5c: {  	_ =	swait.ge [sflag:s23], $0x800  }
0x5d: {  	[sflag:s23] =	ssyncset.done $0x0  }
0x5e: {  	s28 =	sadd.s32 $0x7980, s28;
	[sflag:s23] =	ssyncadd.s32 $0xFFFFF800  }
0x5f: {  	[spmem:s1] =	stream.indirect.scatter.add.f32 [tilespmem:s16], [sflag:$0x4], $0x10, s28, s15, $0xb8;
	[tilespmem:$0xB000] =	vst v63  }
0x60: {  	_ =	swait.ge [sflag:s20], $0x800  }
0x61: {  	[sflag:s20] =	ssyncset.done $0x0  }
0x62: {  	[sflag:s20] =	ssyncadd.s32 $0xFFFFF800  }
0x63: {  	_ =	swait.ge [sflag:s21], $0x800  }
0x64: {  	[sflag:s21] =	ssyncset.done $0x0  }
0x65: {  	[sflag:s21] =	ssyncadd.s32 $0xFFFFF800  }
0x66: {  	_ =	swait.ge [sflag:s22], $0x800  }
0x67: {  	[sflag:s22] =	ssyncset.done $0x0  }
0x68: {  	[sflag:s22] =	ssyncadd.s32 $0xFFFFF800  }
0x69: {  	_ =	swait.ge [sflag:s23], $0x800  }
0x6a: {  	[sflag:s23] =	ssyncset.done $0x0  }
0x6b: {  	[sflag:s23] =	ssyncadd.s32 $0xFFFFF800  }
0x6c: {  	[bflag:$0x0] =	sbarrier.arrive $0xFFFF  }
0x6d: {  	[tilespmem:s24], [sflag:$0x5] =	stream.linear.gather [spmem:s4], $0x2800, $0x38;
	[tilespmem:$0xB000] =	vst v63  }
0x6e: {  	_ =	swait.ge [sflag:s13], $0x2800  }
0x6f: {  	[sflag:s13] =	ssyncset.done $0x0  }
0x70: {  	s26 =	simm.s32 $0x0;
	s28 =	simm.s32 $0x40;
	[sflag:s13] =	ssyncadd.s32 $0xFFFFD800  }
.LBB2_8:
0x71: {  	p0 =	sne.s32 s28, $0x9FC0;
	v2 =	vld [tilespmem:s26+$0x8800];
	_ =	sdelay $0x4  }
0x72: {  	v2 =	vmax.f32 v2, $1.000000000e+00  }
0x73: {  	(erf) = vrcp.f32 v2;
	_ =	sdelay $0x5  }
.Ltmp3:
0x74: {  	(pc) =	sbr.rel @p0 .LBB2_8-.Ltmp3, $3  }
0x75: {  	_ =	sdelay $0x1  }
0x76: {  	v2 =	vpop (erf)  }
0x77: {  	[tilespmem:s26+$0x8800] =	vst v2;
	s26 =	sshra.s32 s28, $0x2;
	s28 =	sadd.s32 $0x40, s28  }
0x78: {  	v2 =	vld [tilespmem:s26+$0x8800];
	_ =	sdelay $0x4  }
0x79: {  	v2 =	vmax.f32 v2, $1.000000000e+00  }
0x7a: {  	(erf) = vrcp.f32 v2;
	_ =	sdelay $0x7  }
0x7b: {  	s25 =	sadd.s32 $0x1, s25  }
0x7c: {  	p0 =	sne.s32 s25, s9;
	v2 =	vpop (erf)  }
.Ltmp4:
0x7d: {  	[tilespmem:s26+$0x8800] =	vst v2;
	(pc) =	sbr.rel @p0 .LBB2_1-.Ltmp4, $4  }
0x7e: {  	[hbm4b:s10+s2] =	stream.linear.scatter [tilespmem:s24], [sflag:$0x5], $0x2800, $0x38;
	[tilespmem:$0xB000] =	vst v63  }
0x7f: {  	_ =	swait.ge [sflag:s13], $0x2800  }
0x80: {  	[sflag:s13] =	ssyncset.done $0x0  }
0x81: {  	[sflag:s13] =	ssyncadd.s32 $0xFFFFD800  }
0x82: {  	_ =	sfence.sel $0x180000  }
0x83: {  	[bflag:$0x0] =	sbarrier.arrive $0xFFFF  }
0x84: {  	p0 =	sne.s32 s3, $0x0;
	_ =	strace $0x90000047  }
0x85: {  	s0 =	sadd.s32 @!p0 $0x100000, s0;
	[bflag:$0x2] =	sbarrier.arrive $0xFFFF  }
0x86: {  	[sflag:s0] =	ssyncadd.tile.s32 @!p0 $0x1;
	_ =	shalt  }
.Lfunc_end2:
_tile_overlayer_lowered:
.L_overlay_start_2:
0x87: {  	(tag) =	ssettag $0x2  }
0x88: {  	s0 =	rddreg [dreg:$0x0];
	s2 =	stileid.u32  }
0x89: {  	s1 =	rddreg [dreg:$0x1];
	p0 =	sne.s32 s2, $0x0  }
0x8a: {  	s3 =	rddreg [dreg:$0x2];
	[bflag:$0x3] =	sbarrier.arrive $0xFFFF;
	s2 =	simm.s32 @!p0 $0x1C05  }
0x8b: {  	[timem:s3], [sflag:s2] =	dma.local @!p0 [hbm:s0], s1  }
0x8c: {  	s0 =	simm.s32 @!p0 $0x5  }
0x8d: {  	_ =	swait.ge @!p0 [sflag:s0], s1  }
0x8e: {  	s1 =	ssub.s32 @!p0 $0x0, s1;
	[sflag:s0] =	ssyncset.done @!p0 $0x0  }
0x8f: {  	[sflag:s0] =	ssyncadd.s32 @!p0 s1  }
0x90: {  	[bflag:$0x3] =	sbarrier.arrive $0xFFFF  }
0x91: {  	_ =	shalt  }

</sc_bundles>
